<compile_context>
chip_gen: v7x
topology: tpu7x:2x2x1
jax: 0.10.2.dev20260603
libtpu: 0.0.44.dev20260713+nightly
codegen_flags: <defaults>
</compile_context>

<pallas_src>
import functools

import jax
import jax.numpy as jnp
from jax import lax
from jax.experimental import pallas as pl
from jax.experimental.pallas import tpu as pltpu
from jax.experimental.pallas import tpu_sc as plsc

N = 10000
E = 320000
D = 128
BN_EPS = 1e-5

NC = 2
NS = 16
NW = NC * NS
EPW = E // NW
C = 48
EPP = 10080
NCHUNK = EPP // C
NPAD = 10240
RPT = NPAD // NS


G = 5


def _agg_body(h_hbm, src_hbm, dst_hbm, out_hbm, src_i, dst_i, ring_v, agg_sh,
              *sems):
    sem_i = sems[0:G]
    sem_g = sems[G:2 * G]
    sem_s = sems[2 * G:3 * G]
    c = lax.axis_index("c")
    s = lax.axis_index("s")
    w = c * NS + s
    base_e = w * EPP

    def zbody(i, _):
        r = i // 8
        col = (i % 8) * 16
        ring_v[0, r, pl.ds(col, 16)] = jnp.zeros((16,), jnp.float32)
        return 0
    lax.fori_loop(0, C * 8, zbody, 0)
    base_r = s * RPT

    ZC = 32
    sem_z = sems[3 * G]

    def zissue(j, _):
        pltpu.async_copy(ring_v.at[0, pl.ds(0, ZC)],
                         agg_sh.at[pl.ds(base_r + j * ZC, ZC)], sem_z)
        return 0
    lax.fori_loop(0, RPT // ZC, zissue, 0)

    def zdrain(j, _):
        pltpu.make_async_copy(ring_v.at[0, pl.ds(0, ZC)],
                              agg_sh.at[pl.ds(base_r + j * ZC, ZC)], sem_z).wait()
        return 0

    def idx_issue(t, b):
        off = base_e + t * C
        pltpu.async_copy(src_hbm.at[pl.ds(off, C)], src_i.at[b], sem_i[b])
        pltpu.async_copy(dst_hbm.at[pl.ds(off, C)], dst_i.at[b], sem_i[b])

    def idx_wait(t, b):
        off = base_e + t * C
        pltpu.make_async_copy(src_hbm.at[pl.ds(off, C)], src_i.at[b], sem_i[b]).wait()
        pltpu.make_async_copy(dst_hbm.at[pl.ds(off, C)], dst_i.at[b], sem_i[b]).wait()

    def gather_issue(b):
        pltpu.async_copy(h_hbm.at[src_i.at[b]], ring_v.at[b], sem_g[b])

    def gather_wait(b):
        pltpu.make_async_copy(h_hbm.at[src_i.at[b]], ring_v.at[b], sem_g[b]).wait()

    def scat_issue(b):
        pltpu.async_copy(ring_v.at[b], agg_sh.at[dst_i.at[b]], sem_s[b], add=True)

    def scat_wait(b):
        pltpu.make_async_copy(ring_v.at[b], agg_sh.at[dst_i.at[b]], sem_s[b]).wait()

    for t in range(4):
        idx_issue(t, t)
    lax.fori_loop(0, RPT // ZC, zdrain, 0)
    for t in range(2):
        idx_wait(t, t)
        gather_issue(t)
    plsc.subcore_barrier()

    def body(j, _):
        for b in range(G):
            t = j * G + b

            @pl.when(t + 4 < NCHUNK)
            def _():
                idx_issue(t + 4, (b + 4) % G)

            @pl.when(t >= 3)
            def _():
                scat_wait((b + 2) % G)

            @pl.when(t + 2 < NCHUNK)
            def _():
                idx_wait(t + 2, (b + 2) % G)
                gather_issue((b + 2) % G)
            gather_wait(b)
            scat_issue(b)
        return 0
    lax.fori_loop(0, NCHUNK // G, body, 0)
    scat_wait((NCHUNK - 3) % G)
    scat_wait((NCHUNK - 2) % G)
    scat_wait((NCHUNK - 1) % G)
    plsc.subcore_barrier()

    out_base = c * NPAD + s * RPT
    pltpu.sync_copy(agg_sh.at[pl.ds(base_r, RPT)], out_hbm.at[pl.ds(out_base, RPT)])


_agg_call_cache = []


def _get_agg_call():
    if not _agg_call_cache:
        _agg_call_cache.append(functools.partial(
            pl.kernel,
            mesh=plsc.VectorSubcoreMesh(core_axis_name="c", subcore_axis_name="s"),
            out_type=jax.ShapeDtypeStruct((2 * NPAD, D), jnp.float32),
            scratch_types=[
                pltpu.VMEM((G, C), jnp.int32),
                pltpu.VMEM((G, C), jnp.int32),
                pltpu.VMEM((G, C, D), jnp.float32),
                pltpu.VMEM_SHARED((NPAD, D), jnp.float32),
            ] + [pltpu.SemaphoreType.DMA] * (3 * G + 1),
        )(_agg_body))
    return _agg_call_cache[0]


_BLK = 2000
_GRID = N // _BLK


def _mlpbn_body(h_ref, agg_ref, w1_ref, b1_ref, w2_ref, b2_ref, g_ref, bt_ref,
                out_ref, o_scr, sums_scr):
    i = pl.program_id(0)

    @pl.when(i < _GRID)
    def _():
        x = h_ref[...] + agg_ref[0] + agg_ref[1]
        t = jnp.maximum(
            jnp.dot(x.astype(jnp.bfloat16), w1_ref[...].astype(jnp.bfloat16),
                    preferred_element_type=jnp.float32) + b1_ref[...], 0.0)
        o = jnp.dot(t.astype(jnp.bfloat16), w2_ref[...].astype(jnp.bfloat16),
                    preferred_element_type=jnp.float32) + b2_ref[...]
        o_scr[pl.ds(i * _BLK, _BLK), :] = o
        st = jnp.concatenate([jnp.sum(o, 0, keepdims=True),
                              jnp.sum(o * o, 0, keepdims=True)], axis=0)

        @pl.when(i == 0)
        def _():
            sums_scr[...] = st

        @pl.when(i > 0)
        def _():
            sums_scr[...] += st

    @pl.when(i >= _GRID)
    def _():
        j = i - _GRID
        inv_n = 1.0 / N
        mean = sums_scr[pl.ds(0, 1), :] * inv_n
        ex2 = sums_scr[pl.ds(1, 1), :] * inv_n
        var = ex2 - mean * mean
        scale = g_ref[...] * lax.rsqrt(var + BN_EPS)
        o = o_scr[pl.ds(j * _BLK, _BLK), :]
        out_ref[...] = jnp.maximum((o - mean) * scale + bt_ref[...], 0.0)


_mlpbn_call = pl.pallas_call(
    _mlpbn_body,
    grid=(2 * _GRID,),
    in_specs=[
        pl.BlockSpec((_BLK, D), lambda i: (jnp.minimum(i, _GRID - 1), 0)),
        pl.BlockSpec((2, _BLK, D), lambda i: (0, jnp.minimum(i, _GRID - 1), 0)),
        pl.BlockSpec((D, D), lambda i: (0, 0)),
        pl.BlockSpec((1, D), lambda i: (0, 0)),
        pl.BlockSpec((D, D), lambda i: (0, 0)),
        pl.BlockSpec((1, D), lambda i: (0, 0)),
        pl.BlockSpec((1, D), lambda i: (0, 0)),
        pl.BlockSpec((1, D), lambda i: (0, 0)),
    ],
    out_specs=pl.BlockSpec((_BLK, D), lambda i: (jnp.maximum(i - _GRID, 0), 0)),
    out_shape=jax.ShapeDtypeStruct((N, D), jnp.float32),
    scratch_shapes=[
        pltpu.VMEM((N, D), jnp.float32),
        pltpu.VMEM((2, D), jnp.float32),
    ],
)


def kernel(x, edge_index,
           W1_0, b1_0, W2_0, b2_0, gamma_0, beta_0,
           W1_1, b1_1, W2_1, b2_1, gamma_1, beta_1,
           W1_2, b1_2, W2_2, b2_2, gamma_2, beta_2):
    npad_e = EPP - EPW
    pad_src = (jnp.arange(NW * npad_e, dtype=jnp.int32) % N).reshape(NW, npad_e)
    pad_dst = N + (jnp.arange(NW * npad_e, dtype=jnp.int32)
                   % (NPAD - N)).reshape(NW, npad_e)
    src = jnp.concatenate([edge_index[0].reshape(NW, EPW), pad_src],
                          axis=1).reshape(-1)
    dst = jnp.concatenate([edge_index[1].reshape(NW, EPW), pad_dst],
                          axis=1).reshape(-1)
    layer_params = [
        (W1_0, b1_0, W2_0, b2_0, gamma_0, beta_0),
        (W1_1, b1_1, W2_1, b2_1, gamma_1, beta_1),
        (W1_2, b1_2, W2_2, b2_2, gamma_2, beta_2),
    ]
    h = x
    outs = []
    for (W1, b1, W2, b2, g, bt) in layer_params:
        aggf = _get_agg_call()(h, src, dst)
        agg2 = aggf.reshape(2, NPAD, D)
        h = _mlpbn_call(h, agg2, W1, b1.reshape(1, D), W2, b2.reshape(1, D),
                        g.reshape(1, D), bt.reshape(1, D))
        outs.append(h)
    return tuple(outs)

# --- scband reference (transcript-rebuilt; emitter-appended) ---
"""Pipeline reference for scband-com-gnn-13365938225807 (READ-ONLY COPY).

The authoritative reference and input builder live on the scoring server;
editing this copy changes nothing except your own understanding.
"""

import jax, jax.numpy as jnp
import numpy as np

N = 10000
E = 320000
D_IN = 128
EMB = 128
L = 3
BN_EPS = 1e-5


def _init_params(key):
    params = {}
    in_dim = D_IN
    for i in range(L):
        k1, k2, k3, k4, key = jax.random.split(key, 5)
        s1 = 1.0 / np.sqrt(in_dim)
        params[f"W1_{i}"] = jax.random.uniform(k1, (in_dim, EMB), jnp.float32, -s1, s1)
        params[f"b1_{i}"] = jax.random.uniform(k2, (EMB,), jnp.float32, -s1, s1)
        s2 = 1.0 / np.sqrt(EMB)
        params[f"W2_{i}"] = jax.random.uniform(k3, (EMB, EMB), jnp.float32, -s2, s2)
        params[f"b2_{i}"] = jax.random.uniform(k4, (EMB,), jnp.float32, -s2, s2)
        params[f"gamma_{i}"] = jnp.ones((EMB,), jnp.float32)
        params[f"beta_{i}"] = jnp.zeros((EMB,), jnp.float32)
        in_dim = EMB
    return params


def setup_inputs(seed: int = 0):
    key = jax.random.key(seed)
    kx, ke, kp = jax.random.split(key, 3)
    inp = {}
    inp["x"] = jax.random.normal(kx, (N, D_IN), dtype=jnp.float32)
    inp["edge_index"] = jax.random.randint(ke, (2, E), 0, N, dtype=jnp.int32)
    inp.update(_init_params(kp))
    return inp


def _gin_layer(h, edge_index, W1, b1, W2, b2, gamma, beta):
    # GINConv: out = MLP((1 + eps) * x + sum_{j in N(i)} x_j); eps = 0 (train_eps=False)
    src = edge_index[0]
    dst = edge_index[1]
    agg = jax.ops.segment_sum(h[src], dst, num_segments=N)
    out = (1.0 + 0.0) * h + agg
    out = jnp.maximum(out @ W1 + b1, 0.0) @ W2 + b2
    # BatchNorm1d (training-mode batch statistics), then ReLU; dropout p=0 is identity
    mean = jnp.mean(out, axis=0)
    var = jnp.var(out, axis=0)
    out = (out - mean) / jnp.sqrt(var + BN_EPS) * gamma + beta
    return jnp.maximum(out, 0.0)


def reference(x, edge_index,
              W1_0, b1_0, W2_0, b2_0, gamma_0, beta_0,
              W1_1, b1_1, W2_1, b2_1, gamma_1, beta_1,
              W1_2, b1_2, W2_2, b2_2, gamma_2, beta_2):
    layer_params = [
        (W1_0, b1_0, W2_0, b2_0, gamma_0, beta_0),
        (W1_1, b1_1, W2_1, b2_1, gamma_1, beta_1),
        (W1_2, b1_2, W2_2, b2_2, gamma_2, beta_2),
    ]
    h = x
    hs = []
    for p in layer_params:
        h = _gin_layer(h, edge_index, *p)
        hs.append(h)
    return tuple(hs)

if __name__ == "__main__":
    import jax
    _d = setup_inputs()
    print(jax.jit(kernel)(*tuple(_d.values())))

</pallas_src>

<mosaic_0001>
#map = affine_map<(d0, d1) -> (0, 0)>
#map1 = affine_map<(d0, d1) -> (0)>
module attributes {stable_mosaic.version = 14 : i64} {
  func.func @_agg_body(%arg0: i32, %arg1: i32, %arg2: memref<10000x128xf32, #tpu.memory_space<hbm>>, %arg3: memref<322560xi32, #tpu.memory_space<hbm>>, %arg4: memref<322560xi32, #tpu.memory_space<hbm>>, %arg5: memref<20480x128xf32, #tpu.memory_space<hbm>>, %arg6: memref<5x48xi32, #tpu.memory_space<vmem>>, %arg7: memref<5x48xi32, #tpu.memory_space<vmem>>, %arg8: memref<5x48x128xf32, #tpu.memory_space<vmem>>, %arg9: memref<10240x128xf32, #tpu.memory_space<vmem_shared>>, %arg10: memref<!tpu.dma_semaphore, #tpu.memory_space<semaphore_mem>>, %arg11: memref<!tpu.dma_semaphore, #tpu.memory_space<semaphore_mem>>, %arg12: memref<!tpu.dma_semaphore, #tpu.memory_space<semaphore_mem>>, %arg13: memref<!tpu.dma_semaphore, #tpu.memory_space<semaphore_mem>>, %arg14: memref<!tpu.dma_semaphore, #tpu.memory_space<semaphore_mem>>, %arg15: memref<!tpu.dma_semaphore, #tpu.memory_space<semaphore_mem>>, %arg16: memref<!tpu.dma_semaphore, #tpu.memory_space<semaphore_mem>>, %arg17: memref<!tpu.dma_semaphore, #tpu.memory_space<semaphore_mem>>, %arg18: memref<!tpu.dma_semaphore, #tpu.memory_space<semaphore_mem>>, %arg19: memref<!tpu.dma_semaphore, #tpu.memory_space<semaphore_mem>>, %arg20: memref<!tpu.dma_semaphore, #tpu.memory_space<semaphore_mem>>, %arg21: memref<!tpu.dma_semaphore, #tpu.memory_space<semaphore_mem>>, %arg22: memref<!tpu.dma_semaphore, #tpu.memory_space<semaphore_mem>>, %arg23: memref<!tpu.dma_semaphore, #tpu.memory_space<semaphore_mem>>, %arg24: memref<!tpu.dma_semaphore, #tpu.memory_space<semaphore_mem>>, %arg25: memref<!tpu.dma_semaphore, #tpu.memory_space<semaphore_mem>>) attributes {dimension_semantics = [#tpu.dimension_semantics<core_parallel>, #tpu.dimension_semantics<subcore_parallel>], iteration_bounds = array<i64: 2, 16>, scalar_prefetch = 0 : i64, scratch_operands = 20 : i64, tpu.core_type = #tpu.core_type<sc_vector_subcore>, window_params = [{transform_indices = #map}, {transform_indices = #map1}, {transform_indices = #map1}, {transform_indices = #map}]} {
    %mul3A = arith.constant 16 : i32
    %mul3A_0 = arith.muli %arg0, %mul3A : i32
    %add3A = arith.addi %mul3A_0, %arg1 : i32
    %mul3A_1 = arith.constant 10080 : i32
    %mul3A_2 = arith.muli %add3A, %mul3A_1 : i32
    %scan3A = arith.constant 0 : i32
    %scan3A_3 = arith.constant 0 : i32
    %scan3A_4 = arith.constant 384 : i32
    %scan3A_5 = arith.addi %scan3A_3, %scan3A_4 : i32
    %scan3A_6 = arith.constant 1 : i32
    %scan3A_7 = scf.for %scan3A_216 = %scan3A_3 to %scan3A_5 step %scan3A_6 iter_args(%scan3A_217 = %scan3A) -> (i32)  : i32 {
      %jit3A = arith.constant 8 : i32
      %div3A = arith.divsi %scan3A_216, %jit3A : i32
      %sign3A = arith.constant 0 : i32
      %sign3A_218 = arith.cmpi sgt, %scan3A_216, %sign3A : i32
      %sign3A_219 = arith.extui %sign3A_218 : i1 to i32
      %sign3A_220 = arith.constant 0 : i32
      %sign3A_221 = arith.cmpi slt, %scan3A_216, %sign3A_220 : i32
      %sign3A_222 = arith.extui %sign3A_221 : i1 to i32
      %sign3A_223 = arith.subi %sign3A_219, %sign3A_222 : i32
      %sign3A_224 = arith.constant 0 : i32
      %sign3A_225 = arith.cmpi sgt, %jit3A, %sign3A_224 : i32
      %sign3A_226 = arith.extui %sign3A_225 : i1 to i32
      %sign3A_227 = arith.constant 0 : i32
      %sign3A_228 = arith.cmpi slt, %jit3A, %sign3A_227 : i32
      %sign3A_229 = arith.extui %sign3A_228 : i1 to i32
      %sign3A_230 = arith.subi %sign3A_226, %sign3A_229 : i32
      %ne3A = arith.cmpi ne, %sign3A_223, %sign3A_230 : i32
      %rem3A = arith.remsi %scan3A_216, %jit3A : i32
      %ne3A_231 = arith.constant 0 : i32
      %ne3A_232 = arith.cmpi ne, %rem3A, %ne3A_231 : i32
      %and3A = arith.andi %ne3A, %ne3A_232 : i1
      %sub3A = arith.constant 1 : i32
      %sub3A_233 = arith.subi %div3A, %sub3A : i32
      %select_n3A = arith.select %and3A, %sub3A_233, %div3A : i32
      %jit3A_234 = arith.constant 8 : i32
      %eq3A = arith.constant 0 : i32
      %eq3A_235 = arith.cmpi eq, %jit3A_234, %eq3A : i32
      %jit3A_236 = arith.constant 1 : i32
      %select_n3A_237 = arith.select %eq3A_235, %jit3A_236, %jit3A_234 : i32
      %rem3A_238 = arith.remsi %scan3A_216, %select_n3A_237 : i32
      %ne3A_239 = arith.constant 0 : i32
      %ne3A_240 = arith.cmpi ne, %rem3A_238, %ne3A_239 : i32
      %lt3A = arith.constant 0 : i32
      %lt3A_241 = arith.cmpi slt, %rem3A_238, %lt3A : i32
      %lt3A_242 = arith.constant 0 : i32
      %lt3A_243 = arith.cmpi slt, %select_n3A_237, %lt3A_242 : i32
      %ne3A_244 = arith.xori %lt3A_241, %lt3A_243 : i1
      %and3A_245 = arith.andi %ne3A_244, %ne3A_240 : i1
      %add3A_246 = arith.addi %rem3A_238, %select_n3A_237 : i32
      %select_n3A_247 = arith.select %and3A_245, %add3A_246, %rem3A_238 : i32
      %mul3A_248 = arith.constant 16 : i32
      %mul3A_249 = arith.muli %select_n3A_247, %mul3A_248 : i32
      %broadcast_in_dim3A = arith.constant 0.000000e+00 : f32
      %broadcast_in_dim3A_250 = vector.broadcast %broadcast_in_dim3A : f32 to vector<16xf32>
      %swap3A = arith.constant 0 : i32
      %swap3A_251 = arith.index_cast %swap3A : i32 to index
      %swap3A_252 = arith.index_cast %select_n3A : i32 to index
      %swap3A_253 = arith.index_cast %mul3A_249 : i32 to index
      %swap3A_254 = tpu.vector_load %arg8[%swap3A_251, %swap3A_252, %swap3A_253] {strides = array<i32>} : memref<5x48x128xf32, #tpu.memory_space<vmem>>, vector<1x1x16xf32>,
      %swap3A_255 = vector.shape_cast %swap3A_254 : vector<1x1x16xf32> to vector<16xf32>
      %swap3A_256 = vector.shape_cast %broadcast_in_dim3A_250 : vector<16xf32> to vector<1x1x16xf32>
      tpu.vector_store %arg8[%swap3A_251, %swap3A_252, %swap3A_253], %swap3A_256 {strides = array<i32>} : memref<5x48x128xf32, #tpu.memory_space<vmem>>, vector<1x1x16xf32>,
      %scan3A_257 = arith.constant 0 : i32
      scf.yield %scan3A_257 : i32
    }
    %scan3A_8 = arith.constant 384 : i32
    %mul3A_9 = arith.constant 640 : i32
    %mul3A_10 = arith.muli %arg1, %mul3A_9 : i32
    %scan3A_11 = arith.constant 0 : i32
    %scan3A_12 = arith.constant 0 : i32
    %scan3A_13 = arith.constant 20 : i32
    %scan3A_14 = arith.addi %scan3A_12, %scan3A_13 : i32
    %scan3A_15 = arith.constant 1 : i32
    %scan3A_16 = scf.for %scan3A_216 = %scan3A_12 to %scan3A_14 step %scan3A_15 iter_args(%scan3A_217 = %scan3A_11) -> (i32)  : i32 {
      %mul3A_218 = arith.constant 32 : i32
      %mul3A_219 = arith.muli %scan3A_216, %mul3A_218 : i32
      %add3A_220 = arith.addi %mul3A_10, %mul3A_219 : i32
      %dma_start3A_221 = arith.constant 0 : i32
      %dma_start3A_222 = arith.constant 0 : i32
      %dma_start3A_223 = arith.constant 0 : i32
      %dma_start3A_224 = tpu.memref_slice %arg8[%dma_start3A_221, %dma_start3A_222, %dma_start3A_223] : memref<5x48x128xf32, #tpu.memory_space<vmem>> -> memref<1x32x128xf32, #tpu.memory_space<vmem>>
      %dma_start3A_225 = tpu.memref_squeeze %dma_start3A_224 : memref<1x32x128xf32, #tpu.memory_space<vmem>> -> memref<32x128xf32, #tpu.memory_space<vmem>>
      %dma_start3A_226 = arith.constant 0 : i32
      %dma_start3A_227 = tpu.memref_slice %arg9[%add3A_220, %dma_start3A_226] : memref<10240x128xf32, #tpu.memory_space<vmem_shared>> -> memref<32x128xf32, #tpu.memory_space<vmem_shared>>
      %dma_start3A_228 = arith.constant 0 : i32
      %dma_start3A_229 = tpu.memref_slice %arg9[%add3A_220, %dma_start3A_228] : memref<10240x128xf32, #tpu.memory_space<vmem_shared>> -> memref<32x128xf32, #tpu.memory_space<vmem_shared>>
      %dma_start3A_230 = arith.constant 0 : i32
      %dma_start3A_231 = arith.constant 0 : i32
      %dma_start3A_232 = tpu.memref_slice %arg8[%dma_start3A_221, %dma_start3A_230, %dma_start3A_231] : memref<5x48x128xf32, #tpu.memory_space<vmem>> -> memref<1x32x128xf32, #tpu.memory_space<vmem>>
      %dma_start3A_233 = tpu.memref_squeeze %dma_start3A_232 : memref<1x32x128xf32, #tpu.memory_space<vmem>> -> memref<32x128xf32, #tpu.memory_space<vmem>>
      tpu.enqueue_dma source(%dma_start3A_233 : memref<32x128xf32, #tpu.memory_space<vmem>>) target(%dma_start3A_229 : memref<32x128xf32, #tpu.memory_space<vmem_shared>>) target_semaphore(%arg25 : memref<!tpu.dma_semaphore, #tpu.memory_space<semaphore_mem>>)
      %scan3A_234 = arith.constant 0 : i32
      scf.yield %scan3A_234 : i32
    }
    %scan3A_17 = arith.constant 20 : i32
    %add3A_18 = arith.constant 0 : i32
    %add3A_19 = arith.addi %mul3A_2, %add3A_18 : i32
    %dma_start3A = arith.constant 0 : i32
    %dma_start3A_20 = arith.constant 0 : i32
    %dma_start3A_21 = tpu.memref_slice %arg6[%dma_start3A, %dma_start3A_20] : memref<5x48xi32, #tpu.memory_space<vmem>> -> memref<1x48xi32, #tpu.memory_space<vmem>>
    %dma_start3A_22 = tpu.memref_squeeze %dma_start3A_21 : memref<1x48xi32, #tpu.memory_space<vmem>> -> memref<48xi32, #tpu.memory_space<vmem>>
    %dma_start3A_23 = tpu.memref_slice %arg3[%add3A_19] : memref<322560xi32, #tpu.memory_space<hbm>> -> memref<48xi32, #tpu.memory_space<hbm>>
    %dma_start3A_24 = arith.constant 0 : i32
    %dma_start3A_25 = tpu.memref_slice %arg6[%dma_start3A, %dma_start3A_24] : memref<5x48xi32, #tpu.memory_space<vmem>> -> memref<1x48xi32, #tpu.memory_space<vmem>>
    %dma_start3A_26 = tpu.memref_squeeze %dma_start3A_25 : memref<1x48xi32, #tpu.memory_space<vmem>> -> memref<48xi32, #tpu.memory_space<vmem>>
    %dma_start3A_27 = tpu.memref_slice %arg3[%add3A_19] : memref<322560xi32, #tpu.memory_space<hbm>> -> memref<48xi32, #tpu.memory_space<hbm>>
    tpu.enqueue_dma source(%dma_start3A_27 : memref<48xi32, #tpu.memory_space<hbm>>) target(%dma_start3A_26 : memref<48xi32, #tpu.memory_space<vmem>>) target_semaphore(%arg10 : memref<!tpu.dma_semaphore, #tpu.memory_space<semaphore_mem>>)
    %dma_start3A_28 = arith.constant 0 : i32
    %dma_start3A_29 = arith.constant 0 : i32
    %dma_start3A_30 = tpu.memref_slice %arg7[%dma_start3A_28, %dma_start3A_29] : memref<5x48xi32, #tpu.memory_space<vmem>> -> memref<1x48xi32, #tpu.memory_space<vmem>>
    %dma_start3A_31 = tpu.memref_squeeze %dma_start3A_30 : memref<1x48xi32, #tpu.memory_space<vmem>> -> memref<48xi32, #tpu.memory_space<vmem>>
    %dma_start3A_32 = tpu.memref_slice %arg4[%add3A_19] : memref<322560xi32, #tpu.memory_space<hbm>> -> memref<48xi32, #tpu.memory_space<hbm>>
    %dma_start3A_33 = arith.constant 0 : i32
    %dma_start3A_34 = tpu.memref_slice %arg7[%dma_start3A_28, %dma_start3A_33] : memref<5x48xi32, #tpu.memory_space<vmem>> -> memref<1x48xi32, #tpu.memory_space<vmem>>
    %dma_start3A_35 = tpu.memref_squeeze %dma_start3A_34 : memref<1x48xi32, #tpu.memory_space<vmem>> -> memref<48xi32, #tpu.memory_space<vmem>>
    %dma_start3A_36 = tpu.memref_slice %arg4[%add3A_19] : memref<322560xi32, #tpu.memory_space<hbm>> -> memref<48xi32, #tpu.memory_space<hbm>>
    tpu.enqueue_dma source(%dma_start3A_36 : memref<48xi32, #tpu.memory_space<hbm>>) target(%dma_start3A_35 : memref<48xi32, #tpu.memory_space<vmem>>) target_semaphore(%arg10 : memref<!tpu.dma_semaphore, #tpu.memory_space<semaphore_mem>>)
    %add3A_37 = arith.constant 48 : i32
    %add3A_38 = arith.addi %mul3A_2, %add3A_37 : i32
    %dma_start3A_39 = arith.constant 1 : i32
    %dma_start3A_40 = arith.constant 0 : i32
    %dma_start3A_41 = tpu.memref_slice %arg6[%dma_start3A_39, %dma_start3A_40] : memref<5x48xi32, #tpu.memory_space<vmem>> -> memref<1x48xi32, #tpu.memory_space<vmem>>
    %dma_start3A_42 = tpu.memref_squeeze %dma_start3A_41 : memref<1x48xi32, #tpu.memory_space<vmem>> -> memref<48xi32, #tpu.memory_space<vmem>>
    %dma_start3A_43 = tpu.memref_slice %arg3[%add3A_38] : memref<322560xi32, #tpu.memory_space<hbm>> -> memref<48xi32, #tpu.memory_space<hbm>>
    %dma_start3A_44 = arith.constant 0 : i32
    %dma_start3A_45 = tpu.memref_slice %arg6[%dma_start3A_39, %dma_start3A_44] : memref<5x48xi32, #tpu.memory_space<vmem>> -> memref<1x48xi32, #tpu.memory_space<vmem>>
    %dma_start3A_46 = tpu.memref_squeeze %dma_start3A_45 : memref<1x48xi32, #tpu.memory_space<vmem>> -> memref<48xi32, #tpu.memory_space<vmem>>
    %dma_start3A_47 = tpu.memref_slice %arg3[%add3A_38] : memref<322560xi32, #tpu.memory_space<hbm>> -> memref<48xi32, #tpu.memory_space<hbm>>
    tpu.enqueue_dma source(%dma_start3A_47 : memref<48xi32, #tpu.memory_space<hbm>>) target(%dma_start3A_46 : memref<48xi32, #tpu.memory_space<vmem>>) target_semaphore(%arg11 : memref<!tpu.dma_semaphore, #tpu.memory_space<semaphore_mem>>)
    %dma_start3A_48 = arith.constant 1 : i32
    %dma_start3A_49 = arith.constant 0 : i32
    %dma_start3A_50 = tpu.memref_slice %arg7[%dma_start3A_48, %dma_start3A_49] : memref<5x48xi32, #tpu.memory_space<vmem>> -> memref<1x48xi32, #tpu.memory_space<vmem>>
    %dma_start3A_51 = tpu.memref_squeeze %dma_start3A_50 : memref<1x48xi32, #tpu.memory_space<vmem>> -> memref<48xi32, #tpu.memory_space<vmem>>
    %dma_start3A_52 = tpu.memref_slice %arg4[%add3A_38] : memref<322560xi32, #tpu.memory_space<hbm>> -> memref<48xi32, #tpu.memory_space<hbm>>
    %dma_start3A_53 = arith.constant 0 : i32
    %dma_start3A_54 = tpu.memref_slice %arg7[%dma_start3A_48, %dma_start3A_53] : memref<5x48xi32, #tpu.memory_space<vmem>> -> memref<1x48xi32, #tpu.memory_space<vmem>>
    %dma_start3A_55 = tpu.memref_squeeze %dma_start3A_54 : memref<1x48xi32, #tpu.memory_space<vmem>> -> memref<48xi32, #tpu.memory_space<vmem>>
    %dma_start3A_56 = tpu.memref_slice %arg4[%add3A_38] : memref<322560xi32, #tpu.memory_space<hbm>> -> memref<48xi32, #tpu.memory_space<hbm>>
    tpu.enqueue_dma source(%dma_start3A_56 : memref<48xi32, #tpu.memory_space<hbm>>) target(%dma_start3A_55 : memref<48xi32, #tpu.memory_space<vmem>>) target_semaphore(%arg11 : memref<!tpu.dma_semaphore, #tpu.memory_space<semaphore_mem>>)
    %add3A_57 = arith.constant 96 : i32
    %add3A_58 = arith.addi %mul3A_2, %add3A_57 : i32
    %dma_start3A_59 = arith.constant 2 : i32
    %dma_start3A_60 = arith.constant 0 : i32
    %dma_start3A_61 = tpu.memref_slice %arg6[%dma_start3A_59, %dma_start3A_60] : memref<5x48xi32, #tpu.memory_space<vmem>> -> memref<1x48xi32, #tpu.memory_space<vmem>>
    %dma_start3A_62 = tpu.memref_squeeze %dma_start3A_61 : memref<1x48xi32, #tpu.memory_space<vmem>> -> memref<48xi32, #tpu.memory_space<vmem>>
    %dma_start3A_63 = tpu.memref_slice %arg3[%add3A_58] : memref<322560xi32, #tpu.memory_space<hbm>> -> memref<48xi32, #tpu.memory_space<hbm>>
    %dma_start3A_64 = arith.constant 0 : i32
    %dma_start3A_65 = tpu.memref_slice %arg6[%dma_start3A_59, %dma_start3A_64] : memref<5x48xi32, #tpu.memory_space<vmem>> -> memref<1x48xi32, #tpu.memory_space<vmem>>
    %dma_start3A_66 = tpu.memref_squeeze %dma_start3A_65 : memref<1x48xi32, #tpu.memory_space<vmem>> -> memref<48xi32, #tpu.memory_space<vmem>>
    %dma_start3A_67 = tpu.memref_slice %arg3[%add3A_58] : memref<322560xi32, #tpu.memory_space<hbm>> -> memref<48xi32, #tpu.memory_space<hbm>>
    tpu.enqueue_dma source(%dma_start3A_67 : memref<48xi32, #tpu.memory_space<hbm>>) target(%dma_start3A_66 : memref<48xi32, #tpu.memory_space<vmem>>) target_semaphore(%arg12 : memref<!tpu.dma_semaphore, #tpu.memory_space<semaphore_mem>>)
    %dma_start3A_68 = arith.constant 2 : i32
    %dma_start3A_69 = arith.constant 0 : i32
    %dma_start3A_70 = tpu.memref_slice %arg7[%dma_start3A_68, %dma_start3A_69] : memref<5x48xi32, #tpu.memory_space<vmem>> -> memref<1x48xi32, #tpu.memory_space<vmem>>
    %dma_start3A_71 = tpu.memref_squeeze %dma_start3A_70 : memref<1x48xi32, #tpu.memory_space<vmem>> -> memref<48xi32, #tpu.memory_space<vmem>>
    %dma_start3A_72 = tpu.memref_slice %arg4[%add3A_58] : memref<322560xi32, #tpu.memory_space<hbm>> -> memref<48xi32, #tpu.memory_space<hbm>>
    %dma_start3A_73 = arith.constant 0 : i32
    %dma_start3A_74 = tpu.memref_slice %arg7[%dma_start3A_68, %dma_start3A_73] : memref<5x48xi32, #tpu.memory_space<vmem>> -> memref<1x48xi32, #tpu.memory_space<vmem>>
    %dma_start3A_75 = tpu.memref_squeeze %dma_start3A_74 : memref<1x48xi32, #tpu.memory_space<vmem>> -> memref<48xi32, #tpu.memory_space<vmem>>
    %dma_start3A_76 = tpu.memref_slice %arg4[%add3A_58] : memref<322560xi32, #tpu.memory_space<hbm>> -> memref<48xi32, #tpu.memory_space<hbm>>
    tpu.enqueue_dma source(%dma_start3A_76 : memref<48xi32, #tpu.memory_space<hbm>>) target(%dma_start3A_75 : memref<48xi32, #tpu.memory_space<vmem>>) target_semaphore(%arg12 : memref<!tpu.dma_semaphore, #tpu.memory_space<semaphore_mem>>)
    %add3A_77 = arith.constant 144 : i32
    %add3A_78 = arith.addi %mul3A_2, %add3A_77 : i32
    %dma_start3A_79 = arith.constant 3 : i32
    %dma_start3A_80 = arith.constant 0 : i32
    %dma_start3A_81 = tpu.memref_slice %arg6[%dma_start3A_79, %dma_start3A_80] : memref<5x48xi32, #tpu.memory_space<vmem>> -> memref<1x48xi32, #tpu.memory_space<vmem>>
    %dma_start3A_82 = tpu.memref_squeeze %dma_start3A_81 : memref<1x48xi32, #tpu.memory_space<vmem>> -> memref<48xi32, #tpu.memory_space<vmem>>
    %dma_start3A_83 = tpu.memref_slice %arg3[%add3A_78] : memref<322560xi32, #tpu.memory_space<hbm>> -> memref<48xi32, #tpu.memory_space<hbm>>
    %dma_start3A_84 = arith.constant 0 : i32
    %dma_start3A_85 = tpu.memref_slice %arg6[%dma_start3A_79, %dma_start3A_84] : memref<5x48xi32, #tpu.memory_space<vmem>> -> memref<1x48xi32, #tpu.memory_space<vmem>>
    %dma_start3A_86 = tpu.memref_squeeze %dma_start3A_85 : memref<1x48xi32, #tpu.memory_space<vmem>> -> memref<48xi32, #tpu.memory_space<vmem>>
    %dma_start3A_87 = tpu.memref_slice %arg3[%add3A_78] : memref<322560xi32, #tpu.memory_space<hbm>> -> memref<48xi32, #tpu.memory_space<hbm>>
    tpu.enqueue_dma source(%dma_start3A_87 : memref<48xi32, #tpu.memory_space<hbm>>) target(%dma_start3A_86 : memref<48xi32, #tpu.memory_space<vmem>>) target_semaphore(%arg13 : memref<!tpu.dma_semaphore, #tpu.memory_space<semaphore_mem>>)
    %dma_start3A_88 = arith.constant 3 : i32
    %dma_start3A_89 = arith.constant 0 : i32
    %dma_start3A_90 = tpu.memref_slice %arg7[%dma_start3A_88, %dma_start3A_89] : memref<5x48xi32, #tpu.memory_space<vmem>> -> memref<1x48xi32, #tpu.memory_space<vmem>>
    %dma_start3A_91 = tpu.memref_squeeze %dma_start3A_90 : memref<1x48xi32, #tpu.memory_space<vmem>> -> memref<48xi32, #tpu.memory_space<vmem>>
    %dma_start3A_92 = tpu.memref_slice %arg4[%add3A_78] : memref<322560xi32, #tpu.memory_space<hbm>> -> memref<48xi32, #tpu.memory_space<hbm>>
    %dma_start3A_93 = arith.constant 0 : i32
    %dma_start3A_94 = tpu.memref_slice %arg7[%dma_start3A_88, %dma_start3A_93] : memref<5x48xi32, #tpu.memory_space<vmem>> -> memref<1x48xi32, #tpu.memory_space<vmem>>
    %dma_start3A_95 = tpu.memref_squeeze %dma_start3A_94 : memref<1x48xi32, #tpu.memory_space<vmem>> -> memref<48xi32, #tpu.memory_space<vmem>>
    %dma_start3A_96 = tpu.memref_slice %arg4[%add3A_78] : memref<322560xi32, #tpu.memory_space<hbm>> -> memref<48xi32, #tpu.memory_space<hbm>>
    tpu.enqueue_dma source(%dma_start3A_96 : memref<48xi32, #tpu.memory_space<hbm>>) target(%dma_start3A_95 : memref<48xi32, #tpu.memory_space<vmem>>) target_semaphore(%arg13 : memref<!tpu.dma_semaphore, #tpu.memory_space<semaphore_mem>>)
    %scan3A_97 = arith.constant 0 : i32
    %scan3A_98 = arith.constant 0 : i32
    %scan3A_99 = arith.constant 20 : i32
    %scan3A_100 = arith.addi %scan3A_98, %scan3A_99 : i32
    %scan3A_101 = arith.constant 1 : i32
    %scan3A_102 = scf.for %scan3A_216 = %scan3A_98 to %scan3A_100 step %scan3A_101 iter_args(%scan3A_217 = %scan3A_97) -> (i32)  : i32 {
      %mul3A_218 = arith.constant 32 : i32
      %mul3A_219 = arith.muli %scan3A_216, %mul3A_218 : i32
      %add3A_220 = arith.addi %mul3A_10, %mul3A_219 : i32
      %dma_wait3A_221 = arith.constant 0 : i32
      %dma_wait3A_222 = arith.constant 0 : i32
      %dma_wait3A_223 = arith.constant 0 : i32
      %dma_wait3A_224 = tpu.memref_slice %arg8[%dma_wait3A_221, %dma_wait3A_222, %dma_wait3A_223] : memref<5x48x128xf32, #tpu.memory_space<vmem>> -> memref<1x32x128xf32, #tpu.memory_space<vmem>>
      %dma_wait3A_225 = tpu.memref_squeeze %dma_wait3A_224 : memref<1x32x128xf32, #tpu.memory_space<vmem>> -> memref<32x128xf32, #tpu.memory_space<vmem>>
      %dma_wait3A_226 = arith.constant 0 : i32
      %dma_wait3A_227 = tpu.memref_slice %arg9[%add3A_220, %dma_wait3A_226] : memref<10240x128xf32, #tpu.memory_space<vmem_shared>> -> memref<32x128xf32, #tpu.memory_space<vmem_shared>>
      %dma_wait3A_228 = arith.constant 0 : i32
      %dma_wait3A_229 = tpu.memref_slice %arg9[%add3A_220, %dma_wait3A_228] : memref<10240x128xf32, #tpu.memory_space<vmem_shared>> -> memref<32x128xf32, #tpu.memory_space<vmem_shared>>
      %dma_wait3A_230 = arith.constant 0 : i32
      %dma_wait3A_231 = arith.constant 0 : i32
      %dma_wait3A_232 = tpu.memref_slice %arg8[%dma_wait3A_221, %dma_wait3A_230, %dma_wait3A_231] : memref<5x48x128xf32, #tpu.memory_space<vmem>> -> memref<1x32x128xf32, #tpu.memory_space<vmem>>
      %dma_wait3A_233 = tpu.memref_squeeze %dma_wait3A_232 : memref<1x32x128xf32, #tpu.memory_space<vmem>> -> memref<32x128xf32, #tpu.memory_space<vmem>>
      tpu.wait_dma2 semaphore(%arg25 : memref<!tpu.dma_semaphore, #tpu.memory_space<semaphore_mem>>) src(%dma_wait3A_233 : memref<32x128xf32, #tpu.memory_space<vmem>>) dst(%dma_wait3A_229 : memref<32x128xf32, #tpu.memory_space<vmem_shared>>)
      %scan3A_234 = arith.constant 0 : i32
      scf.yield %scan3A_234 : i32
    }
    %scan3A_103 = arith.constant 20 : i32
    %add3A_104 = arith.constant 0 : i32
    %add3A_105 = arith.addi %mul3A_2, %add3A_104 : i32
    %dma_wait3A = arith.constant 0 : i32
    %dma_wait3A_106 = arith.constant 0 : i32
    %dma_wait3A_107 = tpu.memref_slice %arg6[%dma_wait3A, %dma_wait3A_106] : memref<5x48xi32, #tpu.memory_space<vmem>> -> memref<1x48xi32, #tpu.memory_space<vmem>>
    %dma_wait3A_108 = tpu.memref_squeeze %dma_wait3A_107 : memref<1x48xi32, #tpu.memory_space<vmem>> -> memref<48xi32, #tpu.memory_space<vmem>>
    %dma_wait3A_109 = tpu.memref_slice %arg3[%add3A_105] : memref<322560xi32, #tpu.memory_space<hbm>> -> memref<48xi32, #tpu.memory_space<hbm>>
    %dma_wait3A_110 = arith.constant 0 : i32
    %dma_wait3A_111 = tpu.memref_slice %arg6[%dma_wait3A, %dma_wait3A_110] : memref<5x48xi32, #tpu.memory_space<vmem>> -> memref<1x48xi32, #tpu.memory_space<vmem>>
    %dma_wait3A_112 = tpu.memref_squeeze %dma_wait3A_111 : memref<1x48xi32, #tpu.memory_space<vmem>> -> memref<48xi32, #tpu.memory_space<vmem>>
    %dma_wait3A_113 = tpu.memref_slice %arg3[%add3A_105] : memref<322560xi32, #tpu.memory_space<hbm>> -> memref<48xi32, #tpu.memory_space<hbm>>
    tpu.wait_dma2 semaphore(%arg10 : memref<!tpu.dma_semaphore, #tpu.memory_space<semaphore_mem>>) src(%dma_wait3A_113 : memref<48xi32, #tpu.memory_space<hbm>>) dst(%dma_wait3A_112 : memref<48xi32, #tpu.memory_space<vmem>>)
    %dma_wait3A_114 = arith.constant 0 : i32
    %dma_wait3A_115 = arith.constant 0 : i32
    %dma_wait3A_116 = tpu.memref_slice %arg7[%dma_wait3A_114, %dma_wait3A_115] : memref<5x48xi32, #tpu.memory_space<vmem>> -> memref<1x48xi32, #tpu.memory_space<vmem>>
    %dma_wait3A_117 = tpu.memref_squeeze %dma_wait3A_116 : memref<1x48xi32, #tpu.memory_space<vmem>> -> memref<48xi32, #tpu.memory_space<vmem>>
    %dma_wait3A_118 = tpu.memref_slice %arg4[%add3A_105] : memref<322560xi32, #tpu.memory_space<hbm>> -> memref<48xi32, #tpu.memory_space<hbm>>
    %dma_wait3A_119 = arith.constant 0 : i32
    %dma_wait3A_120 = tpu.memref_slice %arg7[%dma_wait3A_114, %dma_wait3A_119] : memref<5x48xi32, #tpu.memory_space<vmem>> -> memref<1x48xi32, #tpu.memory_space<vmem>>
    %dma_wait3A_121 = tpu.memref_squeeze %dma_wait3A_120 : memref<1x48xi32, #tpu.memory_space<vmem>> -> memref<48xi32, #tpu.memory_space<vmem>>
    %dma_wait3A_122 = tpu.memref_slice %arg4[%add3A_105] : memref<322560xi32, #tpu.memory_space<hbm>> -> memref<48xi32, #tpu.memory_space<hbm>>
    tpu.wait_dma2 semaphore(%arg10 : memref<!tpu.dma_semaphore, #tpu.memory_space<semaphore_mem>>) src(%dma_wait3A_122 : memref<48xi32, #tpu.memory_space<hbm>>) dst(%dma_wait3A_121 : memref<48xi32, #tpu.memory_space<vmem>>)
    %dma_start3A_123 = arith.constant 0 : i32
    %dma_start3A_124 = arith.constant 0 : i32
    %dma_start3A_125 = arith.constant 0 : i32
    %dma_start3A_126 = arith.constant 0 : i32
    %dma_start3A_127 = tpu.memref_slice %arg8[%dma_start3A_124, %dma_start3A_125, %dma_start3A_126] : memref<5x48x128xf32, #tpu.memory_space<vmem>> -> memref<1x48x128xf32, #tpu.memory_space<vmem>>
    %dma_start3A_128 = tpu.memref_squeeze %dma_start3A_127 : memref<1x48x128xf32, #tpu.memory_space<vmem>> -> memref<48x128xf32, #tpu.memory_space<vmem>>
    %dma_start3A_129 = arith.constant 0 : i32
    %dma_start3A_130 = tpu.memref_slice %arg6[%dma_start3A_123, %dma_start3A_129] : memref<5x48xi32, #tpu.memory_space<vmem>> -> memref<1x48xi32, #tpu.memory_space<vmem>>
    %dma_start3A_131 = tpu.memref_squeeze %dma_start3A_130 : memref<1x48xi32, #tpu.memory_space<vmem>> -> memref<48xi32, #tpu.memory_space<vmem>>
    %dma_start3A_132 = arith.constant 0 : i32
    %dma_start3A_133 = arith.constant 0 : i32
    %dma_start3A_134 = tpu.memref_slice %arg2[%dma_start3A_132, %dma_start3A_133] : memref<10000x128xf32, #tpu.memory_space<hbm>> -> memref<10000x128xf32, #tpu.memory_space<hbm>>
    tpu.enqueue_indirect_dma source(%dma_start3A_134 : memref<10000x128xf32, #tpu.memory_space<hbm>>) target(%dma_start3A_128 : memref<48x128xf32, #tpu.memory_space<vmem>>) offsets(%dma_start3A_131 : memref<48xi32, #tpu.memory_space<vmem>>) semaphore(%arg15 : memref<!tpu.dma_semaphore, #tpu.memory_space<semaphore_mem>>)
    %add3A_135 = arith.constant 48 : i32
    %add3A_136 = arith.addi %mul3A_2, %add3A_135 : i32
    %dma_wait3A_137 = arith.constant 1 : i32
    %dma_wait3A_138 = arith.constant 0 : i32
    %dma_wait3A_139 = tpu.memref_slice %arg6[%dma_wait3A_137, %dma_wait3A_138] : memref<5x48xi32, #tpu.memory_space<vmem>> -> memref<1x48xi32, #tpu.memory_space<vmem>>
    %dma_wait3A_140 = tpu.memref_squeeze %dma_wait3A_139 : memref<1x48xi32, #tpu.memory_space<vmem>> -> memref<48xi32, #tpu.memory_space<vmem>>
    %dma_wait3A_141 = tpu.memref_slice %arg3[%add3A_136] : memref<322560xi32, #tpu.memory_space<hbm>> -> memref<48xi32, #tpu.memory_space<hbm>>
    %dma_wait3A_142 = arith.constant 0 : i32
    %dma_wait3A_143 = tpu.memref_slice %arg6[%dma_wait3A_137, %dma_wait3A_142] : memref<5x48xi32, #tpu.memory_space<vmem>> -> memref<1x48xi32, #tpu.memory_space<vmem>>
    %dma_wait3A_144 = tpu.memref_squeeze %dma_wait3A_143 : memref<1x48xi32, #tpu.memory_space<vmem>> -> memref<48xi32, #tpu.memory_space<vmem>>
    %dma_wait3A_145 = tpu.memref_slice %arg3[%add3A_136] : memref<322560xi32, #tpu.memory_space<hbm>> -> memref<48xi32, #tpu.memory_space<hbm>>
    tpu.wait_dma2 semaphore(%arg11 : memref<!tpu.dma_semaphore, #tpu.memory_space<semaphore_mem>>) src(%dma_wait3A_145 : memref<48xi32, #tpu.memory_space<hbm>>) dst(%dma_wait3A_144 : memref<48xi32, #tpu.memory_space<vmem>>)
    %dma_wait3A_146 = arith.constant 1 : i32
    %dma_wait3A_147 = arith.constant 0 : i32
    %dma_wait3A_148 = tpu.memref_slice %arg7[%dma_wait3A_146, %dma_wait3A_147] : memref<5x48xi32, #tpu.memory_space<vmem>> -> memref<1x48xi32, #tpu.memory_space<vmem>>
    %dma_wait3A_149 = tpu.memref_squeeze %dma_wait3A_148 : memref<1x48xi32, #tpu.memory_space<vmem>> -> memref<48xi32, #tpu.memory_space<vmem>>
    %dma_wait3A_150 = tpu.memref_slice %arg4[%add3A_136] : memref<322560xi32, #tpu.memory_space<hbm>> -> memref<48xi32, #tpu.memory_space<hbm>>
    %dma_wait3A_151 = arith.constant 0 : i32
    %dma_wait3A_152 = tpu.memref_slice %arg7[%dma_wait3A_146, %dma_wait3A_151] : memref<5x48xi32, #tpu.memory_space<vmem>> -> memref<1x48xi32, #tpu.memory_space<vmem>>
    %dma_wait3A_153 = tpu.memref_squeeze %dma_wait3A_152 : memref<1x48xi32, #tpu.memory_space<vmem>> -> memref<48xi32, #tpu.memory_space<vmem>>
    %dma_wait3A_154 = tpu.memref_slice %arg4[%add3A_136] : memref<322560xi32, #tpu.memory_space<hbm>> -> memref<48xi32, #tpu.memory_space<hbm>>
    tpu.wait_dma2 semaphore(%arg11 : memref<!tpu.dma_semaphore, #tpu.memory_space<semaphore_mem>>) src(%dma_wait3A_154 : memref<48xi32, #tpu.memory_space<hbm>>) dst(%dma_wait3A_153 : memref<48xi32, #tpu.memory_space<vmem>>)
    %dma_start3A_155 = arith.constant 1 : i32
    %dma_start3A_156 = arith.constant 1 : i32
    %dma_start3A_157 = arith.constant 0 : i32
    %dma_start3A_158 = arith.constant 0 : i32
    %dma_start3A_159 = tpu.memref_slice %arg8[%dma_start3A_156, %dma_start3A_157, %dma_start3A_158] : memref<5x48x128xf32, #tpu.memory_space<vmem>> -> memref<1x48x128xf32, #tpu.memory_space<vmem>>
    %dma_start3A_160 = tpu.memref_squeeze %dma_start3A_159 : memref<1x48x128xf32, #tpu.memory_space<vmem>> -> memref<48x128xf32, #tpu.memory_space<vmem>>
    %dma_start3A_161 = arith.constant 0 : i32
    %dma_start3A_162 = tpu.memref_slice %arg6[%dma_start3A_155, %dma_start3A_161] : memref<5x48xi32, #tpu.memory_space<vmem>> -> memref<1x48xi32, #tpu.memory_space<vmem>>
    %dma_start3A_163 = tpu.memref_squeeze %dma_start3A_162 : memref<1x48xi32, #tpu.memory_space<vmem>> -> memref<48xi32, #tpu.memory_space<vmem>>
    %dma_start3A_164 = arith.constant 0 : i32
    %dma_start3A_165 = arith.constant 0 : i32
    %dma_start3A_166 = tpu.memref_slice %arg2[%dma_start3A_164, %dma_start3A_165] : memref<10000x128xf32, #tpu.memory_space<hbm>> -> memref<10000x128xf32, #tpu.memory_space<hbm>>
    tpu.enqueue_indirect_dma source(%dma_start3A_166 : memref<10000x128xf32, #tpu.memory_space<hbm>>) target(%dma_start3A_160 : memref<48x128xf32, #tpu.memory_space<vmem>>) offsets(%dma_start3A_163 : memref<48xi32, #tpu.memory_space<vmem>>) semaphore(%arg16 : memref<!tpu.dma_semaphore, #tpu.memory_space<semaphore_mem>>)
    %barrier3A = arith.constant 0 : index
    tpu.barrier barrier_id(%barrier3A)
    %scan3A_167 = arith.constant 0 : i32
    %scan3A_168 = arith.constant 0 : i32
    %scan3A_169 = arith.constant 42 : i32
    %scan3A_170 = arith.addi %scan3A_168, %scan3A_169 : i32
    %scan3A_171 = arith.constant 1 : i32
    %scan3A_172 = scf.for %scan3A_216 = %scan3A_168 to %scan3A_170 step %scan3A_171 iter_args(%scan3A_217 = %scan3A_167) -> (i32)  : i32 {
      %mul3A_218 = arith.constant 5 : i32
      %mul3A_219 = arith.muli %scan3A_216, %mul3A_218 : i32
      %add3A_220 = arith.constant 0 : i32
      %add3A_221 = arith.addi %mul3A_219, %add3A_220 : i32
      %add3A_222 = arith.constant 4 : i32
      %add3A_223 = arith.addi %add3A_221, %add3A_222 : i32
      %lt3A = arith.constant 210 : i32
      %lt3A_224 = arith.cmpi slt, %add3A_223, %lt3A : i32
      %convert_element_type3A = arith.extui %lt3A_224 : i1 to i32
      %cond3A = arith.constant 0 : i32
      %cond3A_225 = arith.cmpi ne, %convert_element_type3A, %cond3A : i32
      scf.if %cond3A_225 {
        %add3A_450 = arith.constant 4 : i32
        %add3A_451 = arith.addi %add3A_221, %add3A_450 : i32
        %mul3A_452 = arith.constant 48 : i32
        %mul3A_453 = arith.muli %add3A_451, %mul3A_452 : i32
        %add3A_454 = arith.addi %mul3A_2, %mul3A_453 : i32
        %dma_start3A_455 = arith.constant 4 : i32
        %dma_start3A_456 = arith.constant 0 : i32
        %dma_start3A_457 = tpu.memref_slice %arg6[%dma_start3A_455, %dma_start3A_456] : memref<5x48xi32, #tpu.memory_space<vmem>> -> memref<1x48xi32, #tpu.memory_space<vmem>>
        %dma_start3A_458 = tpu.memref_squeeze %dma_start3A_457 : memref<1x48xi32, #tpu.memory_space<vmem>> -> memref<48xi32, #tpu.memory_space<vmem>>
        %dma_start3A_459 = tpu.memref_slice %arg3[%add3A_454] : memref<322560xi32, #tpu.memory_space<hbm>> -> memref<48xi32, #tpu.memory_space<hbm>>
        %dma_start3A_460 = arith.constant 0 : i32
        %dma_start3A_461 = tpu.memref_slice %arg6[%dma_start3A_455, %dma_start3A_460] : memref<5x48xi32, #tpu.memory_space<vmem>> -> memref<1x48xi32, #tpu.memory_space<vmem>>
        %dma_start3A_462 = tpu.memref_squeeze %dma_start3A_461 : memref<1x48xi32, #tpu.memory_space<vmem>> -> memref<48xi32, #tpu.memory_space<vmem>>
        %dma_start3A_463 = tpu.memref_slice %arg3[%add3A_454] : memref<322560xi32, #tpu.memory_space<hbm>> -> memref<48xi32, #tpu.memory_space<hbm>>
        tpu.enqueue_dma source(%dma_start3A_463 : memref<48xi32, #tpu.memory_space<hbm>>) target(%dma_start3A_462 : memref<48xi32, #tpu.memory_space<vmem>>) target_semaphore(%arg14 : memref<!tpu.dma_semaphore, #tpu.memory_space<semaphore_mem>>)
        %dma_start3A_464 = arith.constant 4 : i32
        %dma_start3A_465 = arith.constant 0 : i32
        %dma_start3A_466 = tpu.memref_slice %arg7[%dma_start3A_464, %dma_start3A_465] : memref<5x48xi32, #tpu.memory_space<vmem>> -> memref<1x48xi32, #tpu.memory_space<vmem>>
        %dma_start3A_467 = tpu.memref_squeeze %dma_start3A_466 : memref<1x48xi32, #tpu.memory_space<vmem>> -> memref<48xi32, #tpu.memory_space<vmem>>
        %dma_start3A_468 = tpu.memref_slice %arg4[%add3A_454] : memref<322560xi32, #tpu.memory_space<hbm>> -> memref<48xi32, #tpu.memory_space<hbm>>
        %dma_start3A_469 = arith.constant 0 : i32
        %dma_start3A_470 = tpu.memref_slice %arg7[%dma_start3A_464, %dma_start3A_469] : memref<5x48xi32, #tpu.memory_space<vmem>> -> memref<1x48xi32, #tpu.memory_space<vmem>>
        %dma_start3A_471 = tpu.memref_squeeze %dma_start3A_470 : memref<1x48xi32, #tpu.memory_space<vmem>> -> memref<48xi32, #tpu.memory_space<vmem>>
        %dma_start3A_472 = tpu.memref_slice %arg4[%add3A_454] : memref<322560xi32, #tpu.memory_space<hbm>> -> memref<48xi32, #tpu.memory_space<hbm>>
        tpu.enqueue_dma source(%dma_start3A_472 : memref<48xi32, #tpu.memory_space<hbm>>) target(%dma_start3A_471 : memref<48xi32, #tpu.memory_space<vmem>>) target_semaphore(%arg14 : memref<!tpu.dma_semaphore, #tpu.memory_space<semaphore_mem>>)
      } else {
      }
      %ge3A = arith.constant 3 : i32
      %ge3A_226 = arith.cmpi sge, %add3A_221, %ge3A : i32
      %convert_element_type3A_227 = arith.extui %ge3A_226 : i1 to i32
      %cond3A_228 = arith.constant 0 : i32
      %cond3A_229 = arith.cmpi ne, %convert_element_type3A_227, %cond3A_228 : i32
      scf.if %cond3A_229 {
        %dma_wait3A_450 = arith.constant 2 : i32
        %dma_wait3A_451 = arith.constant 2 : i32
        %dma_wait3A_452 = arith.constant 0 : i32
        %dma_wait3A_453 = arith.constant 0 : i32
        %dma_wait3A_454 = tpu.memref_slice %arg8[%dma_wait3A_450, %dma_wait3A_452, %dma_wait3A_453] : memref<5x48x128xf32, #tpu.memory_space<vmem>> -> memref<1x48x128xf32, #tpu.memory_space<vmem>>
        %dma_wait3A_455 = tpu.memref_squeeze %dma_wait3A_454 : memref<1x48x128xf32, #tpu.memory_space<vmem>> -> memref<48x128xf32, #tpu.memory_space<vmem>>
        %dma_wait3A_456 = arith.constant 0 : i32
        %dma_wait3A_457 = tpu.memref_slice %arg7[%dma_wait3A_451, %dma_wait3A_456] : memref<5x48xi32, #tpu.memory_space<vmem>> -> memref<1x48xi32, #tpu.memory_space<vmem>>
        %dma_wait3A_458 = tpu.memref_squeeze %dma_wait3A_457 : memref<1x48xi32, #tpu.memory_space<vmem>> -> memref<48xi32, #tpu.memory_space<vmem>>
        %dma_wait3A_459 = arith.constant 0 : i32
        %dma_wait3A_460 = arith.constant 0 : i32
        %dma_wait3A_461 = tpu.memref_slice %arg9[%dma_wait3A_459, %dma_wait3A_460] : memref<10240x128xf32, #tpu.memory_space<vmem_shared>> -> memref<10240x128xf32, #tpu.memory_space<vmem_shared>>
        tpu.wait_indirect_dma semaphore(%arg22 : memref<!tpu.dma_semaphore, #tpu.memory_space<semaphore_mem>>) src(%dma_wait3A_455 : memref<48x128xf32, #tpu.memory_space<vmem>>) dst(%dma_wait3A_461 : memref<10240x128xf32, #tpu.memory_space<vmem_shared>>)
      } else {
      }
      %add3A_230 = arith.constant 2 : i32
      %add3A_231 = arith.addi %add3A_221, %add3A_230 : i32
      %lt3A_232 = arith.constant 210 : i32
      %lt3A_233 = arith.cmpi slt, %add3A_231, %lt3A_232 : i32
      %convert_element_type3A_234 = arith.extui %lt3A_233 : i1 to i32
      %cond3A_235 = arith.constant 0 : i32
      %cond3A_236 = arith.cmpi ne, %convert_element_type3A_234, %cond3A_235 : i32
      scf.if %cond3A_236 {
        %add3A_450 = arith.constant 2 : i32
        %add3A_451 = arith.addi %add3A_221, %add3A_450 : i32
        %mul3A_452 = arith.constant 48 : i32
        %mul3A_453 = arith.muli %add3A_451, %mul3A_452 : i32
        %add3A_454 = arith.addi %mul3A_2, %mul3A_453 : i32
        %dma_wait3A_455 = arith.constant 2 : i32
        %dma_wait3A_456 = arith.constant 0 : i32
        %dma_wait3A_457 = tpu.memref_slice %arg6[%dma_wait3A_455, %dma_wait3A_456] : memref<5x48xi32, #tpu.memory_space<vmem>> -> memref<1x48xi32, #tpu.memory_space<vmem>>
        %dma_wait3A_458 = tpu.memref_squeeze %dma_wait3A_457 : memref<1x48xi32, #tpu.memory_space<vmem>> -> memref<48xi32, #tpu.memory_space<vmem>>
        %dma_wait3A_459 = tpu.memref_slice %arg3[%add3A_454] : memref<322560xi32, #tpu.memory_space<hbm>> -> memref<48xi32, #tpu.memory_space<hbm>>
        %dma_wait3A_460 = arith.constant 0 : i32
        %dma_wait3A_461 = tpu.memref_slice %arg6[%dma_wait3A_455, %dma_wait3A_460] : memref<5x48xi32, #tpu.memory_space<vmem>> -> memref<1x48xi32, #tpu.memory_space<vmem>>
        %dma_wait3A_462 = tpu.memref_squeeze %dma_wait3A_461 : memref<1x48xi32, #tpu.memory_space<vmem>> -> memref<48xi32, #tpu.memory_space<vmem>>
        %dma_wait3A_463 = tpu.memref_slice %arg3[%add3A_454] : memref<322560xi32, #tpu.memory_space<hbm>> -> memref<48xi32, #tpu.memory_space<hbm>>
        tpu.wait_dma2 semaphore(%arg12 : memref<!tpu.dma_semaphore, #tpu.memory_space<semaphore_mem>>) src(%dma_wait3A_463 : memref<48xi32, #tpu.memory_space<hbm>>) dst(%dma_wait3A_462 : memref<48xi32, #tpu.memory_space<vmem>>)
        %dma_wait3A_464 = arith.constant 2 : i32
        %dma_wait3A_465 = arith.constant 0 : i32
        %dma_wait3A_466 = tpu.memref_slice %arg7[%dma_wait3A_464, %dma_wait3A_465] : memref<5x48xi32, #tpu.memory_space<vmem>> -> memref<1x48xi32, #tpu.memory_space<vmem>>
        %dma_wait3A_467 = tpu.memref_squeeze %dma_wait3A_466 : memref<1x48xi32, #tpu.memory_space<vmem>> -> memref<48xi32, #tpu.memory_space<vmem>>
        %dma_wait3A_468 = tpu.memref_slice %arg4[%add3A_454] : memref<322560xi32, #tpu.memory_space<hbm>> -> memref<48xi32, #tpu.memory_space<hbm>>
        %dma_wait3A_469 = arith.constant 0 : i32
        %dma_wait3A_470 = tpu.memref_slice %arg7[%dma_wait3A_464, %dma_wait3A_469] : memref<5x48xi32, #tpu.memory_space<vmem>> -> memref<1x48xi32, #tpu.memory_space<vmem>>
        %dma_wait3A_471 = tpu.memref_squeeze %dma_wait3A_470 : memref<1x48xi32, #tpu.memory_space<vmem>> -> memref<48xi32, #tpu.memory_space<vmem>>
        %dma_wait3A_472 = tpu.memref_slice %arg4[%add3A_454] : memref<322560xi32, #tpu.memory_space<hbm>> -> memref<48xi32, #tpu.memory_space<hbm>>
        tpu.wait_dma2 semaphore(%arg12 : memref<!tpu.dma_semaphore, #tpu.memory_space<semaphore_mem>>) src(%dma_wait3A_472 : memref<48xi32, #tpu.memory_space<hbm>>) dst(%dma_wait3A_471 : memref<48xi32, #tpu.memory_space<vmem>>)
        %dma_start3A_473 = arith.constant 2 : i32
        %dma_start3A_474 = arith.constant 2 : i32
        %dma_start3A_475 = arith.constant 0 : i32
        %dma_start3A_476 = arith.constant 0 : i32
        %dma_start3A_477 = tpu.memref_slice %arg8[%dma_start3A_474, %dma_start3A_475, %dma_start3A_476] : memref<5x48x128xf32, #tpu.memory_space<vmem>> -> memref<1x48x128xf32, #tpu.memory_space<vmem>>
        %dma_start3A_478 = tpu.memref_squeeze %dma_start3A_477 : memref<1x48x128xf32, #tpu.memory_space<vmem>> -> memref<48x128xf32, #tpu.memory_space<vmem>>
        %dma_start3A_479 = arith.constant 0 : i32
        %dma_start3A_480 = tpu.memref_slice %arg6[%dma_start3A_473, %dma_start3A_479] : memref<5x48xi32, #tpu.memory_space<vmem>> -> memref<1x48xi32, #tpu.memory_space<vmem>>
        %dma_start3A_481 = tpu.memref_squeeze %dma_start3A_480 : memref<1x48xi32, #tpu.memory_space<vmem>> -> memref<48xi32, #tpu.memory_space<vmem>>
        %dma_start3A_482 = arith.constant 0 : i32
        %dma_start3A_483 = arith.constant 0 : i32
        %dma_start3A_484 = tpu.memref_slice %arg2[%dma_start3A_482, %dma_start3A_483] : memref<10000x128xf32, #tpu.memory_space<hbm>> -> memref<10000x128xf32, #tpu.memory_space<hbm>>
        tpu.enqueue_indirect_dma source(%dma_start3A_484 : memref<10000x128xf32, #tpu.memory_space<hbm>>) target(%dma_start3A_478 : memref<48x128xf32, #tpu.memory_space<vmem>>) offsets(%dma_start3A_481 : memref<48xi32, #tpu.memory_space<vmem>>) semaphore(%arg17 : memref<!tpu.dma_semaphore, #tpu.memory_space<semaphore_mem>>)
      } else {
      }
      %dma_wait3A_237 = arith.constant 0 : i32
      %dma_wait3A_238 = arith.constant 0 : i32
      %dma_wait3A_239 = arith.constant 0 : i32
      %dma_wait3A_240 = arith.constant 0 : i32
      %dma_wait3A_241 = tpu.memref_slice %arg8[%dma_wait3A_238, %dma_wait3A_239, %dma_wait3A_240] : memref<5x48x128xf32, #tpu.memory_space<vmem>> -> memref<1x48x128xf32, #tpu.memory_space<vmem>>
      %dma_wait3A_242 = tpu.memref_squeeze %dma_wait3A_241 : memref<1x48x128xf32, #tpu.memory_space<vmem>> -> memref<48x128xf32, #tpu.memory_space<vmem>>
      %dma_wait3A_243 = arith.constant 0 : i32
      %dma_wait3A_244 = tpu.memref_slice %arg6[%dma_wait3A_237, %dma_wait3A_243] : memref<5x48xi32, #tpu.memory_space<vmem>> -> memref<1x48xi32, #tpu.memory_space<vmem>>
      %dma_wait3A_245 = tpu.memref_squeeze %dma_wait3A_244 : memref<1x48xi32, #tpu.memory_space<vmem>> -> memref<48xi32, #tpu.memory_space<vmem>>
      %dma_wait3A_246 = arith.constant 0 : i32
      %dma_wait3A_247 = arith.constant 0 : i32
      %dma_wait3A_248 = tpu.memref_slice %arg2[%dma_wait3A_246, %dma_wait3A_247] : memref<10000x128xf32, #tpu.memory_space<hbm>> -> memref<10000x128xf32, #tpu.memory_space<hbm>>
      tpu.wait_indirect_dma semaphore(%arg15 : memref<!tpu.dma_semaphore, #tpu.memory_space<semaphore_mem>>) src(%dma_wait3A_248 : memref<10000x128xf32, #tpu.memory_space<hbm>>) dst(%dma_wait3A_242 : memref<48x128xf32, #tpu.memory_space<vmem>>)
      %dma_start3A_249 = arith.constant 0 : i32
      %dma_start3A_250 = arith.constant 0 : i32
      %dma_start3A_251 = arith.constant 0 : i32
      %dma_start3A_252 = arith.constant 0 : i32
      %dma_start3A_253 = tpu.memref_slice %arg8[%dma_start3A_249, %dma_start3A_251, %dma_start3A_252] : memref<5x48x128xf32, #tpu.memory_space<vmem>> -> memref<1x48x128xf32, #tpu.memory_space<vmem>>
      %dma_start3A_254 = tpu.memref_squeeze %dma_start3A_253 : memref<1x48x128xf32, #tpu.memory_space<vmem>> -> memref<48x128xf32, #tpu.memory_space<vmem>>
      %dma_start3A_255 = arith.constant 0 : i32
      %dma_start3A_256 = tpu.memref_slice %arg7[%dma_start3A_250, %dma_start3A_255] : memref<5x48xi32, #tpu.memory_space<vmem>> -> memref<1x48xi32, #tpu.memory_space<vmem>>
      %dma_start3A_257 = tpu.memref_squeeze %dma_start3A_256 : memref<1x48xi32, #tpu.memory_space<vmem>> -> memref<48xi32, #tpu.memory_space<vmem>>
      %dma_start3A_258 = arith.constant 0 : i32
      %dma_start3A_259 = arith.constant 0 : i32
      %dma_start3A_260 = tpu.memref_slice %arg9[%dma_start3A_258, %dma_start3A_259] : memref<10240x128xf32, #tpu.memory_space<vmem_shared>> -> memref<10240x128xf32, #tpu.memory_space<vmem_shared>>
      tpu.enqueue_indirect_dma source(%dma_start3A_254 : memref<48x128xf32, #tpu.memory_space<vmem>>) target(%dma_start3A_260 : memref<10240x128xf32, #tpu.memory_space<vmem_shared>>) offsets(%dma_start3A_257 : memref<48xi32, #tpu.memory_space<vmem>>) semaphore(%arg20 : memref<!tpu.dma_semaphore, #tpu.memory_space<semaphore_mem>>) {add = true}
      %mul3A_261 = arith.constant 5 : i32
      %mul3A_262 = arith.muli %scan3A_216, %mul3A_261 : i32
      %add3A_263 = arith.constant 1 : i32
      %add3A_264 = arith.addi %mul3A_262, %add3A_263 : i32
      %add3A_265 = arith.constant 4 : i32
      %add3A_266 = arith.addi %add3A_264, %add3A_265 : i32
      %lt3A_267 = arith.constant 210 : i32
      %lt3A_268 = arith.cmpi slt, %add3A_266, %lt3A_267 : i32
      %convert_element_type3A_269 = arith.extui %lt3A_268 : i1 to i32
      %cond3A_270 = arith.constant 0 : i32
      %cond3A_271 = arith.cmpi ne, %convert_element_type3A_269, %cond3A_270 : i32
      scf.if %cond3A_271 {
        %add3A_450 = arith.constant 4 : i32
        %add3A_451 = arith.addi %add3A_264, %add3A_450 : i32
        %mul3A_452 = arith.constant 48 : i32
        %mul3A_453 = arith.muli %add3A_451, %mul3A_452 : i32
        %add3A_454 = arith.addi %mul3A_2, %mul3A_453 : i32
        %dma_start3A_455 = arith.constant 0 : i32
        %dma_start3A_456 = arith.constant 0 : i32
        %dma_start3A_457 = tpu.memref_slice %arg6[%dma_start3A_455, %dma_start3A_456] : memref<5x48xi32, #tpu.memory_space<vmem>> -> memref<1x48xi32, #tpu.memory_space<vmem>>
        %dma_start3A_458 = tpu.memref_squeeze %dma_start3A_457 : memref<1x48xi32, #tpu.memory_space<vmem>> -> memref<48xi32, #tpu.memory_space<vmem>>
        %dma_start3A_459 = tpu.memref_slice %arg3[%add3A_454] : memref<322560xi32, #tpu.memory_space<hbm>> -> memref<48xi32, #tpu.memory_space<hbm>>
        %dma_start3A_460 = arith.constant 0 : i32
        %dma_start3A_461 = tpu.memref_slice %arg6[%dma_start3A_455, %dma_start3A_460] : memref<5x48xi32, #tpu.memory_space<vmem>> -> memref<1x48xi32, #tpu.memory_space<vmem>>
        %dma_start3A_462 = tpu.memref_squeeze %dma_start3A_461 : memref<1x48xi32, #tpu.memory_space<vmem>> -> memref<48xi32, #tpu.memory_space<vmem>>
        %dma_start3A_463 = tpu.memref_slice %arg3[%add3A_454] : memref<322560xi32, #tpu.memory_space<hbm>> -> memref<48xi32, #tpu.memory_space<hbm>>
        tpu.enqueue_dma source(%dma_start3A_463 : memref<48xi32, #tpu.memory_space<hbm>>) target(%dma_start3A_462 : memref<48xi32, #tpu.memory_space<vmem>>) target_semaphore(%arg10 : memref<!tpu.dma_semaphore, #tpu.memory_space<semaphore_mem>>)
        %dma_start3A_464 = arith.constant 0 : i32
        %dma_start3A_465 = arith.constant 0 : i32
        %dma_start3A_466 = tpu.memref_slice %arg7[%dma_start3A_464, %dma_start3A_465] : memref<5x48xi32, #tpu.memory_space<vmem>> -> memref<1x48xi32, #tpu.memory_space<vmem>>
        %dma_start3A_467 = tpu.memref_squeeze %dma_start3A_466 : memref<1x48xi32, #tpu.memory_space<vmem>> -> memref<48xi32, #tpu.memory_space<vmem>>
        %dma_start3A_468 = tpu.memref_slice %arg4[%add3A_454] : memref<322560xi32, #tpu.memory_space<hbm>> -> memref<48xi32, #tpu.memory_space<hbm>>
        %dma_start3A_469 = arith.constant 0 : i32
        %dma_start3A_470 = tpu.memref_slice %arg7[%dma_start3A_464, %dma_start3A_469] : memref<5x48xi32, #tpu.memory_space<vmem>> -> memref<1x48xi32, #tpu.memory_space<vmem>>
        %dma_start3A_471 = tpu.memref_squeeze %dma_start3A_470 : memref<1x48xi32, #tpu.memory_space<vmem>> -> memref<48xi32, #tpu.memory_space<vmem>>
        %dma_start3A_472 = tpu.memref_slice %arg4[%add3A_454] : memref<322560xi32, #tpu.memory_space<hbm>> -> memref<48xi32, #tpu.memory_space<hbm>>
        tpu.enqueue_dma source(%dma_start3A_472 : memref<48xi32, #tpu.memory_space<hbm>>) target(%dma_start3A_471 : memref<48xi32, #tpu.memory_space<vmem>>) target_semaphore(%arg10 : memref<!tpu.dma_semaphore, #tpu.memory_space<semaphore_mem>>)
      } else {
      }
      %ge3A_272 = arith.constant 3 : i32
      %ge3A_273 = arith.cmpi sge, %add3A_264, %ge3A_272 : i32
      %convert_element_type3A_274 = arith.extui %ge3A_273 : i1 to i32
      %cond3A_275 = arith.constant 0 : i32
      %cond3A_276 = arith.cmpi ne, %convert_element_type3A_274, %cond3A_275 : i32
      scf.if %cond3A_276 {
        %dma_wait3A_450 = arith.constant 3 : i32
        %dma_wait3A_451 = arith.constant 3 : i32
        %dma_wait3A_452 = arith.constant 0 : i32
        %dma_wait3A_453 = arith.constant 0 : i32
        %dma_wait3A_454 = tpu.memref_slice %arg8[%dma_wait3A_450, %dma_wait3A_452, %dma_wait3A_453] : memref<5x48x128xf32, #tpu.memory_space<vmem>> -> memref<1x48x128xf32, #tpu.memory_space<vmem>>
        %dma_wait3A_455 = tpu.memref_squeeze %dma_wait3A_454 : memref<1x48x128xf32, #tpu.memory_space<vmem>> -> memref<48x128xf32, #tpu.memory_space<vmem>>
        %dma_wait3A_456 = arith.constant 0 : i32
        %dma_wait3A_457 = tpu.memref_slice %arg7[%dma_wait3A_451, %dma_wait3A_456] : memref<5x48xi32, #tpu.memory_space<vmem>> -> memref<1x48xi32, #tpu.memory_space<vmem>>
        %dma_wait3A_458 = tpu.memref_squeeze %dma_wait3A_457 : memref<1x48xi32, #tpu.memory_space<vmem>> -> memref<48xi32, #tpu.memory_space<vmem>>
        %dma_wait3A_459 = arith.constant 0 : i32
        %dma_wait3A_460 = arith.constant 0 : i32
        %dma_wait3A_461 = tpu.memref_slice %arg9[%dma_wait3A_459, %dma_wait3A_460] : memref<10240x128xf32, #tpu.memory_space<vmem_shared>> -> memref<10240x128xf32, #tpu.memory_space<vmem_shared>>
        tpu.wait_indirect_dma semaphore(%arg23 : memref<!tpu.dma_semaphore, #tpu.memory_space<semaphore_mem>>) src(%dma_wait3A_455 : memref<48x128xf32, #tpu.memory_space<vmem>>) dst(%dma_wait3A_461 : memref<10240x128xf32, #tpu.memory_space<vmem_shared>>)
      } else {
      }
      %add3A_277 = arith.constant 2 : i32
      %add3A_278 = arith.addi %add3A_264, %add3A_277 : i32
      %lt3A_279 = arith.constant 210 : i32
      %lt3A_280 = arith.cmpi slt, %add3A_278, %lt3A_279 : i32
      %convert_element_type3A_281 = arith.extui %lt3A_280 : i1 to i32
      %cond3A_282 = arith.constant 0 : i32
      %cond3A_283 = arith.cmpi ne, %convert_element_type3A_281, %cond3A_282 : i32
      scf.if %cond3A_283 {
        %add3A_450 = arith.constant 2 : i32
        %add3A_451 = arith.addi %add3A_264, %add3A_450 : i32
        %mul3A_452 = arith.constant 48 : i32
        %mul3A_453 = arith.muli %add3A_451, %mul3A_452 : i32
        %add3A_454 = arith.addi %mul3A_2, %mul3A_453 : i32
        %dma_wait3A_455 = arith.constant 3 : i32
        %dma_wait3A_456 = arith.constant 0 : i32
        %dma_wait3A_457 = tpu.memref_slice %arg6[%dma_wait3A_455, %dma_wait3A_456] : memref<5x48xi32, #tpu.memory_space<vmem>> -> memref<1x48xi32, #tpu.memory_space<vmem>>
        %dma_wait3A_458 = tpu.memref_squeeze %dma_wait3A_457 : memref<1x48xi32, #tpu.memory_space<vmem>> -> memref<48xi32, #tpu.memory_space<vmem>>
        %dma_wait3A_459 = tpu.memref_slice %arg3[%add3A_454] : memref<322560xi32, #tpu.memory_space<hbm>> -> memref<48xi32, #tpu.memory_space<hbm>>
        %dma_wait3A_460 = arith.constant 0 : i32
        %dma_wait3A_461 = tpu.memref_slice %arg6[%dma_wait3A_455, %dma_wait3A_460] : memref<5x48xi32, #tpu.memory_space<vmem>> -> memref<1x48xi32, #tpu.memory_space<vmem>>
        %dma_wait3A_462 = tpu.memref_squeeze %dma_wait3A_461 : memref<1x48xi32, #tpu.memory_space<vmem>> -> memref<48xi32, #tpu.memory_space<vmem>>
        %dma_wait3A_463 = tpu.memref_slice %arg3[%add3A_454] : memref<322560xi32, #tpu.memory_space<hbm>> -> memref<48xi32, #tpu.memory_space<hbm>>
        tpu.wait_dma2 semaphore(%arg13 : memref<!tpu.dma_semaphore, #tpu.memory_space<semaphore_mem>>) src(%dma_wait3A_463 : memref<48xi32, #tpu.memory_space<hbm>>) dst(%dma_wait3A_462 : memref<48xi32, #tpu.memory_space<vmem>>)
        %dma_wait3A_464 = arith.constant 3 : i32
        %dma_wait3A_465 = arith.constant 0 : i32
        %dma_wait3A_466 = tpu.memref_slice %arg7[%dma_wait3A_464, %dma_wait3A_465] : memref<5x48xi32, #tpu.memory_space<vmem>> -> memref<1x48xi32, #tpu.memory_space<vmem>>
        %dma_wait3A_467 = tpu.memref_squeeze %dma_wait3A_466 : memref<1x48xi32, #tpu.memory_space<vmem>> -> memref<48xi32, #tpu.memory_space<vmem>>
        %dma_wait3A_468 = tpu.memref_slice %arg4[%add3A_454] : memref<322560xi32, #tpu.memory_space<hbm>> -> memref<48xi32, #tpu.memory_space<hbm>>
        %dma_wait3A_469 = arith.constant 0 : i32
        %dma_wait3A_470 = tpu.memref_slice %arg7[%dma_wait3A_464, %dma_wait3A_469] : memref<5x48xi32, #tpu.memory_space<vmem>> -> memref<1x48xi32, #tpu.memory_space<vmem>>
        %dma_wait3A_471 = tpu.memref_squeeze %dma_wait3A_470 : memref<1x48xi32, #tpu.memory_space<vmem>> -> memref<48xi32, #tpu.memory_space<vmem>>
        %dma_wait3A_472 = tpu.memref_slice %arg4[%add3A_454] : memref<322560xi32, #tpu.memory_space<hbm>> -> memref<48xi32, #tpu.memory_space<hbm>>
        tpu.wait_dma2 semaphore(%arg13 : memref<!tpu.dma_semaphore, #tpu.memory_space<semaphore_mem>>) src(%dma_wait3A_472 : memref<48xi32, #tpu.memory_space<hbm>>) dst(%dma_wait3A_471 : memref<48xi32, #tpu.memory_space<vmem>>)
        %dma_start3A_473 = arith.constant 3 : i32
        %dma_start3A_474 = arith.constant 3 : i32
        %dma_start3A_475 = arith.constant 0 : i32
        %dma_start3A_476 = arith.constant 0 : i32
        %dma_start3A_477 = tpu.memref_slice %arg8[%dma_start3A_474, %dma_start3A_475, %dma_start3A_476] : memref<5x48x128xf32, #tpu.memory_space<vmem>> -> memref<1x48x128xf32, #tpu.memory_space<vmem>>
        %dma_start3A_478 = tpu.memref_squeeze %dma_start3A_477 : memref<1x48x128xf32, #tpu.memory_space<vmem>> -> memref<48x128xf32, #tpu.memory_space<vmem>>
        %dma_start3A_479 = arith.constant 0 : i32
        %dma_start3A_480 = tpu.memref_slice %arg6[%dma_start3A_473, %dma_start3A_479] : memref<5x48xi32, #tpu.memory_space<vmem>> -> memref<1x48xi32, #tpu.memory_space<vmem>>
        %dma_start3A_481 = tpu.memref_squeeze %dma_start3A_480 : memref<1x48xi32, #tpu.memory_space<vmem>> -> memref<48xi32, #tpu.memory_space<vmem>>
        %dma_start3A_482 = arith.constant 0 : i32
        %dma_start3A_483 = arith.constant 0 : i32
        %dma_start3A_484 = tpu.memref_slice %arg2[%dma_start3A_482, %dma_start3A_483] : memref<10000x128xf32, #tpu.memory_space<hbm>> -> memref<10000x128xf32, #tpu.memory_space<hbm>>
        tpu.enqueue_indirect_dma source(%dma_start3A_484 : memref<10000x128xf32, #tpu.memory_space<hbm>>) target(%dma_start3A_478 : memref<48x128xf32, #tpu.memory_space<vmem>>) offsets(%dma_start3A_481 : memref<48xi32, #tpu.memory_space<vmem>>) semaphore(%arg18 : memref<!tpu.dma_semaphore, #tpu.memory_space<semaphore_mem>>)
      } else {
      }
      %dma_wait3A_284 = arith.constant 1 : i32
      %dma_wait3A_285 = arith.constant 1 : i32
      %dma_wait3A_286 = arith.constant 0 : i32
      %dma_wait3A_287 = arith.constant 0 : i32
      %dma_wait3A_288 = tpu.memref_slice %arg8[%dma_wait3A_285, %dma_wait3A_286, %dma_wait3A_287] : memref<5x48x128xf32, #tpu.memory_space<vmem>> -> memref<1x48x128xf32, #tpu.memory_space<vmem>>
      %dma_wait3A_289 = tpu.memref_squeeze %dma_wait3A_288 : memref<1x48x128xf32, #tpu.memory_space<vmem>> -> memref<48x128xf32, #tpu.memory_space<vmem>>
      %dma_wait3A_290 = arith.constant 0 : i32
      %dma_wait3A_291 = tpu.memref_slice %arg6[%dma_wait3A_284, %dma_wait3A_290] : memref<5x48xi32, #tpu.memory_space<vmem>> -> memref<1x48xi32, #tpu.memory_space<vmem>>
      %dma_wait3A_292 = tpu.memref_squeeze %dma_wait3A_291 : memref<1x48xi32, #tpu.memory_space<vmem>> -> memref<48xi32, #tpu.memory_space<vmem>>
      %dma_wait3A_293 = arith.constant 0 : i32
      %dma_wait3A_294 = arith.constant 0 : i32
      %dma_wait3A_295 = tpu.memref_slice %arg2[%dma_wait3A_293, %dma_wait3A_294] : memref<10000x128xf32, #tpu.memory_space<hbm>> -> memref<10000x128xf32, #tpu.memory_space<hbm>>
      tpu.wait_indirect_dma semaphore(%arg16 : memref<!tpu.dma_semaphore, #tpu.memory_space<semaphore_mem>>) src(%dma_wait3A_295 : memref<10000x128xf32, #tpu.memory_space<hbm>>) dst(%dma_wait3A_289 : memref<48x128xf32, #tpu.memory_space<vmem>>)
      %dma_start3A_296 = arith.constant 1 : i32
      %dma_start3A_297 = arith.constant 1 : i32
      %dma_start3A_298 = arith.constant 0 : i32
      %dma_start3A_299 = arith.constant 0 : i32
      %dma_start3A_300 = tpu.memref_slice %arg8[%dma_start3A_296, %dma_start3A_298, %dma_start3A_299] : memref<5x48x128xf32, #tpu.memory_space<vmem>> -> memref<1x48x128xf32, #tpu.memory_space<vmem>>
      %dma_start3A_301 = tpu.memref_squeeze %dma_start3A_300 : memref<1x48x128xf32, #tpu.memory_space<vmem>> -> memref<48x128xf32, #tpu.memory_space<vmem>>
      %dma_start3A_302 = arith.constant 0 : i32
      %dma_start3A_303 = tpu.memref_slice %arg7[%dma_start3A_297, %dma_start3A_302] : memref<5x48xi32, #tpu.memory_space<vmem>> -> memref<1x48xi32, #tpu.memory_space<vmem>>
      %dma_start3A_304 = tpu.memref_squeeze %dma_start3A_303 : memref<1x48xi32, #tpu.memory_space<vmem>> -> memref<48xi32, #tpu.memory_space<vmem>>
      %dma_start3A_305 = arith.constant 0 : i32
      %dma_start3A_306 = arith.constant 0 : i32
      %dma_start3A_307 = tpu.memref_slice %arg9[%dma_start3A_305, %dma_start3A_306] : memref<10240x128xf32, #tpu.memory_space<vmem_shared>> -> memref<10240x128xf32, #tpu.memory_space<vmem_shared>>
      tpu.enqueue_indirect_dma source(%dma_start3A_301 : memref<48x128xf32, #tpu.memory_space<vmem>>) target(%dma_start3A_307 : memref<10240x128xf32, #tpu.memory_space<vmem_shared>>) offsets(%dma_start3A_304 : memref<48xi32, #tpu.memory_space<vmem>>) semaphore(%arg21 : memref<!tpu.dma_semaphore, #tpu.memory_space<semaphore_mem>>) {add = true}
      %mul3A_308 = arith.constant 5 : i32
      %mul3A_309 = arith.muli %scan3A_216, %mul3A_308 : i32
      %add3A_310 = arith.constant 2 : i32
      %add3A_311 = arith.addi %mul3A_309, %add3A_310 : i32
      %add3A_312 = arith.constant 4 : i32
      %add3A_313 = arith.addi %add3A_311, %add3A_312 : i32
      %lt3A_314 = arith.constant 210 : i32
      %lt3A_315 = arith.cmpi slt, %add3A_313, %lt3A_314 : i32
      %convert_element_type3A_316 = arith.extui %lt3A_315 : i1 to i32
      %cond3A_317 = arith.constant 0 : i32
      %cond3A_318 = arith.cmpi ne, %convert_element_type3A_316, %cond3A_317 : i32
      scf.if %cond3A_318 {
        %add3A_450 = arith.constant 4 : i32
        %add3A_451 = arith.addi %add3A_311, %add3A_450 : i32
        %mul3A_452 = arith.constant 48 : i32
        %mul3A_453 = arith.muli %add3A_451, %mul3A_452 : i32
        %add3A_454 = arith.addi %mul3A_2, %mul3A_453 : i32
        %dma_start3A_455 = arith.constant 1 : i32
        %dma_start3A_456 = arith.constant 0 : i32
        %dma_start3A_457 = tpu.memref_slice %arg6[%dma_start3A_455, %dma_start3A_456] : memref<5x48xi32, #tpu.memory_space<vmem>> -> memref<1x48xi32, #tpu.memory_space<vmem>>
        %dma_start3A_458 = tpu.memref_squeeze %dma_start3A_457 : memref<1x48xi32, #tpu.memory_space<vmem>> -> memref<48xi32, #tpu.memory_space<vmem>>
        %dma_start3A_459 = tpu.memref_slice %arg3[%add3A_454] : memref<322560xi32, #tpu.memory_space<hbm>> -> memref<48xi32, #tpu.memory_space<hbm>>
        %dma_start3A_460 = arith.constant 0 : i32
        %dma_start3A_461 = tpu.memref_slice %arg6[%dma_start3A_455, %dma_start3A_460] : memref<5x48xi32, #tpu.memory_space<vmem>> -> memref<1x48xi32, #tpu.memory_space<vmem>>
        %dma_start3A_462 = tpu.memref_squeeze %dma_start3A_461 : memref<1x48xi32, #tpu.memory_space<vmem>> -> memref<48xi32, #tpu.memory_space<vmem>>
        %dma_start3A_463 = tpu.memref_slice %arg3[%add3A_454] : memref<322560xi32, #tpu.memory_space<hbm>> -> memref<48xi32, #tpu.memory_space<hbm>>
        tpu.enqueue_dma source(%dma_start3A_463 : memref<48xi32, #tpu.memory_space<hbm>>) target(%dma_start3A_462 : memref<48xi32, #tpu.memory_space<vmem>>) target_semaphore(%arg11 : memref<!tpu.dma_semaphore, #tpu.memory_space<semaphore_mem>>)
        %dma_start3A_464 = arith.constant 1 : i32
        %dma_start3A_465 = arith.constant 0 : i32
        %dma_start3A_466 = tpu.memref_slice %arg7[%dma_start3A_464, %dma_start3A_465] : memref<5x48xi32, #tpu.memory_space<vmem>> -> memref<1x48xi32, #tpu.memory_space<vmem>>
        %dma_start3A_467 = tpu.memref_squeeze %dma_start3A_466 : memref<1x48xi32, #tpu.memory_space<vmem>> -> memref<48xi32, #tpu.memory_space<vmem>>
        %dma_start3A_468 = tpu.memref_slice %arg4[%add3A_454] : memref<322560xi32, #tpu.memory_space<hbm>> -> memref<48xi32, #tpu.memory_space<hbm>>
        %dma_start3A_469 = arith.constant 0 : i32
        %dma_start3A_470 = tpu.memref_slice %arg7[%dma_start3A_464, %dma_start3A_469] : memref<5x48xi32, #tpu.memory_space<vmem>> -> memref<1x48xi32, #tpu.memory_space<vmem>>
        %dma_start3A_471 = tpu.memref_squeeze %dma_start3A_470 : memref<1x48xi32, #tpu.memory_space<vmem>> -> memref<48xi32, #tpu.memory_space<vmem>>
        %dma_start3A_472 = tpu.memref_slice %arg4[%add3A_454] : memref<322560xi32, #tpu.memory_space<hbm>> -> memref<48xi32, #tpu.memory_space<hbm>>
        tpu.enqueue_dma source(%dma_start3A_472 : memref<48xi32, #tpu.memory_space<hbm>>) target(%dma_start3A_471 : memref<48xi32, #tpu.memory_space<vmem>>) target_semaphore(%arg11 : memref<!tpu.dma_semaphore, #tpu.memory_space<semaphore_mem>>)
      } else {
      }
      %ge3A_319 = arith.constant 3 : i32
      %ge3A_320 = arith.cmpi sge, %add3A_311, %ge3A_319 : i32
      %convert_element_type3A_321 = arith.extui %ge3A_320 : i1 to i32
      %cond3A_322 = arith.constant 0 : i32
      %cond3A_323 = arith.cmpi ne, %convert_element_type3A_321, %cond3A_322 : i32
      scf.if %cond3A_323 {
        %dma_wait3A_450 = arith.constant 4 : i32
        %dma_wait3A_451 = arith.constant 4 : i32
        %dma_wait3A_452 = arith.constant 0 : i32
        %dma_wait3A_453 = arith.constant 0 : i32
        %dma_wait3A_454 = tpu.memref_slice %arg8[%dma_wait3A_450, %dma_wait3A_452, %dma_wait3A_453] : memref<5x48x128xf32, #tpu.memory_space<vmem>> -> memref<1x48x128xf32, #tpu.memory_space<vmem>>
        %dma_wait3A_455 = tpu.memref_squeeze %dma_wait3A_454 : memref<1x48x128xf32, #tpu.memory_space<vmem>> -> memref<48x128xf32, #tpu.memory_space<vmem>>
        %dma_wait3A_456 = arith.constant 0 : i32
        %dma_wait3A_457 = tpu.memref_slice %arg7[%dma_wait3A_451, %dma_wait3A_456] : memref<5x48xi32, #tpu.memory_space<vmem>> -> memref<1x48xi32, #tpu.memory_space<vmem>>
        %dma_wait3A_458 = tpu.memref_squeeze %dma_wait3A_457 : memref<1x48xi32, #tpu.memory_space<vmem>> -> memref<48xi32, #tpu.memory_space<vmem>>
        %dma_wait3A_459 = arith.constant 0 : i32
        %dma_wait3A_460 = arith.constant 0 : i32
        %dma_wait3A_461 = tpu.memref_slice %arg9[%dma_wait3A_459, %dma_wait3A_460] : memref<10240x128xf32, #tpu.memory_space<vmem_shared>> -> memref<10240x128xf32, #tpu.memory_space<vmem_shared>>
        tpu.wait_indirect_dma semaphore(%arg24 : memref<!tpu.dma_semaphore, #tpu.memory_space<semaphore_mem>>) src(%dma_wait3A_455 : memref<48x128xf32, #tpu.memory_space<vmem>>) dst(%dma_wait3A_461 : memref<10240x128xf32, #tpu.memory_space<vmem_shared>>)
      } else {
      }
      %add3A_324 = arith.constant 2 : i32
      %add3A_325 = arith.addi %add3A_311, %add3A_324 : i32
      %lt3A_326 = arith.constant 210 : i32
      %lt3A_327 = arith.cmpi slt, %add3A_325, %lt3A_326 : i32
      %convert_element_type3A_328 = arith.extui %lt3A_327 : i1 to i32
      %cond3A_329 = arith.constant 0 : i32
      %cond3A_330 = arith.cmpi ne, %convert_element_type3A_328, %cond3A_329 : i32
      scf.if %cond3A_330 {
        %add3A_450 = arith.constant 2 : i32
        %add3A_451 = arith.addi %add3A_311, %add3A_450 : i32
        %mul3A_452 = arith.constant 48 : i32
        %mul3A_453 = arith.muli %add3A_451, %mul3A_452 : i32
        %add3A_454 = arith.addi %mul3A_2, %mul3A_453 : i32
        %dma_wait3A_455 = arith.constant 4 : i32
        %dma_wait3A_456 = arith.constant 0 : i32
        %dma_wait3A_457 = tpu.memref_slice %arg6[%dma_wait3A_455, %dma_wait3A_456] : memref<5x48xi32, #tpu.memory_space<vmem>> -> memref<1x48xi32, #tpu.memory_space<vmem>>
        %dma_wait3A_458 = tpu.memref_squeeze %dma_wait3A_457 : memref<1x48xi32, #tpu.memory_space<vmem>> -> memref<48xi32, #tpu.memory_space<vmem>>
        %dma_wait3A_459 = tpu.memref_slice %arg3[%add3A_454] : memref<322560xi32, #tpu.memory_space<hbm>> -> memref<48xi32, #tpu.memory_space<hbm>>
        %dma_wait3A_460 = arith.constant 0 : i32
        %dma_wait3A_461 = tpu.memref_slice %arg6[%dma_wait3A_455, %dma_wait3A_460] : memref<5x48xi32, #tpu.memory_space<vmem>> -> memref<1x48xi32, #tpu.memory_space<vmem>>
        %dma_wait3A_462 = tpu.memref_squeeze %dma_wait3A_461 : memref<1x48xi32, #tpu.memory_space<vmem>> -> memref<48xi32, #tpu.memory_space<vmem>>
        %dma_wait3A_463 = tpu.memref_slice %arg3[%add3A_454] : memref<322560xi32, #tpu.memory_space<hbm>> -> memref<48xi32, #tpu.memory_space<hbm>>
        tpu.wait_dma2 semaphore(%arg14 : memref<!tpu.dma_semaphore, #tpu.memory_space<semaphore_mem>>) src(%dma_wait3A_463 : memref<48xi32, #tpu.memory_space<hbm>>) dst(%dma_wait3A_462 : memref<48xi32, #tpu.memory_space<vmem>>)
        %dma_wait3A_464 = arith.constant 4 : i32
        %dma_wait3A_465 = arith.constant 0 : i32
        %dma_wait3A_466 = tpu.memref_slice %arg7[%dma_wait3A_464, %dma_wait3A_465] : memref<5x48xi32, #tpu.memory_space<vmem>> -> memref<1x48xi32, #tpu.memory_space<vmem>>
        %dma_wait3A_467 = tpu.memref_squeeze %dma_wait3A_466 : memref<1x48xi32, #tpu.memory_space<vmem>> -> memref<48xi32, #tpu.memory_space<vmem>>
        %dma_wait3A_468 = tpu.memref_slice %arg4[%add3A_454] : memref<322560xi32, #tpu.memory_space<hbm>> -> memref<48xi32, #tpu.memory_space<hbm>>
        %dma_wait3A_469 = arith.constant 0 : i32
        %dma_wait3A_470 = tpu.memref_slice %arg7[%dma_wait3A_464, %dma_wait3A_469] : memref<5x48xi32, #tpu.memory_space<vmem>> -> memref<1x48xi32, #tpu.memory_space<vmem>>
        %dma_wait3A_471 = tpu.memref_squeeze %dma_wait3A_470 : memref<1x48xi32, #tpu.memory_space<vmem>> -> memref<48xi32, #tpu.memory_space<vmem>>
        %dma_wait3A_472 = tpu.memref_slice %arg4[%add3A_454] : memref<322560xi32, #tpu.memory_space<hbm>> -> memref<48xi32, #tpu.memory_space<hbm>>
        tpu.wait_dma2 semaphore(%arg14 : memref<!tpu.dma_semaphore, #tpu.memory_space<semaphore_mem>>) src(%dma_wait3A_472 : memref<48xi32, #tpu.memory_space<hbm>>) dst(%dma_wait3A_471 : memref<48xi32, #tpu.memory_space<vmem>>)
        %dma_start3A_473 = arith.constant 4 : i32
        %dma_start3A_474 = arith.constant 4 : i32
        %dma_start3A_475 = arith.constant 0 : i32
        %dma_start3A_476 = arith.constant 0 : i32
        %dma_start3A_477 = tpu.memref_slice %arg8[%dma_start3A_474, %dma_start3A_475, %dma_start3A_476] : memref<5x48x128xf32, #tpu.memory_space<vmem>> -> memref<1x48x128xf32, #tpu.memory_space<vmem>>
        %dma_start3A_478 = tpu.memref_squeeze %dma_start3A_477 : memref<1x48x128xf32, #tpu.memory_space<vmem>> -> memref<48x128xf32, #tpu.memory_space<vmem>>
        %dma_start3A_479 = arith.constant 0 : i32
        %dma_start3A_480 = tpu.memref_slice %arg6[%dma_start3A_473, %dma_start3A_479] : memref<5x48xi32, #tpu.memory_space<vmem>> -> memref<1x48xi32, #tpu.memory_space<vmem>>
        %dma_start3A_481 = tpu.memref_squeeze %dma_start3A_480 : memref<1x48xi32, #tpu.memory_space<vmem>> -> memref<48xi32, #tpu.memory_space<vmem>>
        %dma_start3A_482 = arith.constant 0 : i32
        %dma_start3A_483 = arith.constant 0 : i32
        %dma_start3A_484 = tpu.memref_slice %arg2[%dma_start3A_482, %dma_start3A_483] : memref<10000x128xf32, #tpu.memory_space<hbm>> -> memref<10000x128xf32, #tpu.memory_space<hbm>>
        tpu.enqueue_indirect_dma source(%dma_start3A_484 : memref<10000x128xf32, #tpu.memory_space<hbm>>) target(%dma_start3A_478 : memref<48x128xf32, #tpu.memory_space<vmem>>) offsets(%dma_start3A_481 : memref<48xi32, #tpu.memory_space<vmem>>) semaphore(%arg19 : memref<!tpu.dma_semaphore, #tpu.memory_space<semaphore_mem>>)
      } else {
      }
      %dma_wait3A_331 = arith.constant 2 : i32
      %dma_wait3A_332 = arith.constant 2 : i32
      %dma_wait3A_333 = arith.constant 0 : i32
      %dma_wait3A_334 = arith.constant 0 : i32
      %dma_wait3A_335 = tpu.memref_slice %arg8[%dma_wait3A_332, %dma_wait3A_333, %dma_wait3A_334] : memref<5x48x128xf32, #tpu.memory_space<vmem>> -> memref<1x48x128xf32, #tpu.memory_space<vmem>>
      %dma_wait3A_336 = tpu.memref_squeeze %dma_wait3A_335 : memref<1x48x128xf32, #tpu.memory_space<vmem>> -> memref<48x128xf32, #tpu.memory_space<vmem>>
      %dma_wait3A_337 = arith.constant 0 : i32
      %dma_wait3A_338 = tpu.memref_slice %arg6[%dma_wait3A_331, %dma_wait3A_337] : memref<5x48xi32, #tpu.memory_space<vmem>> -> memref<1x48xi32, #tpu.memory_space<vmem>>
      %dma_wait3A_339 = tpu.memref_squeeze %dma_wait3A_338 : memref<1x48xi32, #tpu.memory_space<vmem>> -> memref<48xi32, #tpu.memory_space<vmem>>
      %dma_wait3A_340 = arith.constant 0 : i32
      %dma_wait3A_341 = arith.constant 0 : i32
      %dma_wait3A_342 = tpu.memref_slice %arg2[%dma_wait3A_340, %dma_wait3A_341] : memref<10000x128xf32, #tpu.memory_space<hbm>> -> memref<10000x128xf32, #tpu.memory_space<hbm>>
      tpu.wait_indirect_dma semaphore(%arg17 : memref<!tpu.dma_semaphore, #tpu.memory_space<semaphore_mem>>) src(%dma_wait3A_342 : memref<10000x128xf32, #tpu.memory_space<hbm>>) dst(%dma_wait3A_336 : memref<48x128xf32, #tpu.memory_space<vmem>>)
      %dma_start3A_343 = arith.constant 2 : i32
      %dma_start3A_344 = arith.constant 2 : i32
      %dma_start3A_345 = arith.constant 0 : i32
      %dma_start3A_346 = arith.constant 0 : i32
      %dma_start3A_347 = tpu.memref_slice %arg8[%dma_start3A_343, %dma_start3A_345, %dma_start3A_346] : memref<5x48x128xf32, #tpu.memory_space<vmem>> -> memref<1x48x128xf32, #tpu.memory_space<vmem>>
      %dma_start3A_348 = tpu.memref_squeeze %dma_start3A_347 : memref<1x48x128xf32, #tpu.memory_space<vmem>> -> memref<48x128xf32, #tpu.memory_space<vmem>>
      %dma_start3A_349 = arith.constant 0 : i32
      %dma_start3A_350 = tpu.memref_slice %arg7[%dma_start3A_344, %dma_start3A_349] : memref<5x48xi32, #tpu.memory_space<vmem>> -> memref<1x48xi32, #tpu.memory_space<vmem>>
      %dma_start3A_351 = tpu.memref_squeeze %dma_start3A_350 : memref<1x48xi32, #tpu.memory_space<vmem>> -> memref<48xi32, #tpu.memory_space<vmem>>
      %dma_start3A_352 = arith.constant 0 : i32
      %dma_start3A_353 = arith.constant 0 : i32
      %dma_start3A_354 = tpu.memref_slice %arg9[%dma_start3A_352, %dma_start3A_353] : memref<10240x128xf32, #tpu.memory_space<vmem_shared>> -> memref<10240x128xf32, #tpu.memory_space<vmem_shared>>
      tpu.enqueue_indirect_dma source(%dma_start3A_348 : memref<48x128xf32, #tpu.memory_space<vmem>>) target(%dma_start3A_354 : memref<10240x128xf32, #tpu.memory_space<vmem_shared>>) offsets(%dma_start3A_351 : memref<48xi32, #tpu.memory_space<vmem>>) semaphore(%arg22 : memref<!tpu.dma_semaphore, #tpu.memory_space<semaphore_mem>>) {add = true}
      %mul3A_355 = arith.constant 5 : i32
      %mul3A_356 = arith.muli %scan3A_216, %mul3A_355 : i32
      %add3A_357 = arith.constant 3 : i32
      %add3A_358 = arith.addi %mul3A_356, %add3A_357 : i32
      %add3A_359 = arith.constant 4 : i32
      %add3A_360 = arith.addi %add3A_358, %add3A_359 : i32
      %lt3A_361 = arith.constant 210 : i32
      %lt3A_362 = arith.cmpi slt, %add3A_360, %lt3A_361 : i32
      %convert_element_type3A_363 = arith.extui %lt3A_362 : i1 to i32
      %cond3A_364 = arith.constant 0 : i32
      %cond3A_365 = arith.cmpi ne, %convert_element_type3A_363, %cond3A_364 : i32
      scf.if %cond3A_365 {
        %add3A_450 = arith.constant 4 : i32
        %add3A_451 = arith.addi %add3A_358, %add3A_450 : i32
        %mul3A_452 = arith.constant 48 : i32
        %mul3A_453 = arith.muli %add3A_451, %mul3A_452 : i32
        %add3A_454 = arith.addi %mul3A_2, %mul3A_453 : i32
        %dma_start3A_455 = arith.constant 2 : i32
        %dma_start3A_456 = arith.constant 0 : i32
        %dma_start3A_457 = tpu.memref_slice %arg6[%dma_start3A_455, %dma_start3A_456] : memref<5x48xi32, #tpu.memory_space<vmem>> -> memref<1x48xi32, #tpu.memory_space<vmem>>
        %dma_start3A_458 = tpu.memref_squeeze %dma_start3A_457 : memref<1x48xi32, #tpu.memory_space<vmem>> -> memref<48xi32, #tpu.memory_space<vmem>>
        %dma_start3A_459 = tpu.memref_slice %arg3[%add3A_454] : memref<322560xi32, #tpu.memory_space<hbm>> -> memref<48xi32, #tpu.memory_space<hbm>>
        %dma_start3A_460 = arith.constant 0 : i32
        %dma_start3A_461 = tpu.memref_slice %arg6[%dma_start3A_455, %dma_start3A_460] : memref<5x48xi32, #tpu.memory_space<vmem>> -> memref<1x48xi32, #tpu.memory_space<vmem>>
        %dma_start3A_462 = tpu.memref_squeeze %dma_start3A_461 : memref<1x48xi32, #tpu.memory_space<vmem>> -> memref<48xi32, #tpu.memory_space<vmem>>
        %dma_start3A_463 = tpu.memref_slice %arg3[%add3A_454] : memref<322560xi32, #tpu.memory_space<hbm>> -> memref<48xi32, #tpu.memory_space<hbm>>
        tpu.enqueue_dma source(%dma_start3A_463 : memref<48xi32, #tpu.memory_space<hbm>>) target(%dma_start3A_462 : memref<48xi32, #tpu.memory_space<vmem>>) target_semaphore(%arg12 : memref<!tpu.dma_semaphore, #tpu.memory_space<semaphore_mem>>)
        %dma_start3A_464 = arith.constant 2 : i32
        %dma_start3A_465 = arith.constant 0 : i32
        %dma_start3A_466 = tpu.memref_slice %arg7[%dma_start3A_464, %dma_start3A_465] : memref<5x48xi32, #tpu.memory_space<vmem>> -> memref<1x48xi32, #tpu.memory_space<vmem>>
        %dma_start3A_467 = tpu.memref_squeeze %dma_start3A_466 : memref<1x48xi32, #tpu.memory_space<vmem>> -> memref<48xi32, #tpu.memory_space<vmem>>
        %dma_start3A_468 = tpu.memref_slice %arg4[%add3A_454] : memref<322560xi32, #tpu.memory_space<hbm>> -> memref<48xi32, #tpu.memory_space<hbm>>
        %dma_start3A_469 = arith.constant 0 : i32
        %dma_start3A_470 = tpu.memref_slice %arg7[%dma_start3A_464, %dma_start3A_469] : memref<5x48xi32, #tpu.memory_space<vmem>> -> memref<1x48xi32, #tpu.memory_space<vmem>>
        %dma_start3A_471 = tpu.memref_squeeze %dma_start3A_470 : memref<1x48xi32, #tpu.memory_space<vmem>> -> memref<48xi32, #tpu.memory_space<vmem>>
        %dma_start3A_472 = tpu.memref_slice %arg4[%add3A_454] : memref<322560xi32, #tpu.memory_space<hbm>> -> memref<48xi32, #tpu.memory_space<hbm>>
        tpu.enqueue_dma source(%dma_start3A_472 : memref<48xi32, #tpu.memory_space<hbm>>) target(%dma_start3A_471 : memref<48xi32, #tpu.memory_space<vmem>>) target_semaphore(%arg12 : memref<!tpu.dma_semaphore, #tpu.memory_space<semaphore_mem>>)
      } else {
      }
      %ge3A_366 = arith.constant 3 : i32
      %ge3A_367 = arith.cmpi sge, %add3A_358, %ge3A_366 : i32
      %convert_element_type3A_368 = arith.extui %ge3A_367 : i1 to i32
      %cond3A_369 = arith.constant 0 : i32
      %cond3A_370 = arith.cmpi ne, %convert_element_type3A_368, %cond3A_369 : i32
      scf.if %cond3A_370 {
        %dma_wait3A_450 = arith.constant 0 : i32
        %dma_wait3A_451 = arith.constant 0 : i32
        %dma_wait3A_452 = arith.constant 0 : i32
        %dma_wait3A_453 = arith.constant 0 : i32
        %dma_wait3A_454 = tpu.memref_slice %arg8[%dma_wait3A_450, %dma_wait3A_452, %dma_wait3A_453] : memref<5x48x128xf32, #tpu.memory_space<vmem>> -> memref<1x48x128xf32, #tpu.memory_space<vmem>>
        %dma_wait3A_455 = tpu.memref_squeeze %dma_wait3A_454 : memref<1x48x128xf32, #tpu.memory_space<vmem>> -> memref<48x128xf32, #tpu.memory_space<vmem>>
        %dma_wait3A_456 = arith.constant 0 : i32
        %dma_wait3A_457 = tpu.memref_slice %arg7[%dma_wait3A_451, %dma_wait3A_456] : memref<5x48xi32, #tpu.memory_space<vmem>> -> memref<1x48xi32, #tpu.memory_space<vmem>>
        %dma_wait3A_458 = tpu.memref_squeeze %dma_wait3A_457 : memref<1x48xi32, #tpu.memory_space<vmem>> -> memref<48xi32, #tpu.memory_space<vmem>>
        %dma_wait3A_459 = arith.constant 0 : i32
        %dma_wait3A_460 = arith.constant 0 : i32
        %dma_wait3A_461 = tpu.memref_slice %arg9[%dma_wait3A_459, %dma_wait3A_460] : memref<10240x128xf32, #tpu.memory_space<vmem_shared>> -> memref<10240x128xf32, #tpu.memory_space<vmem_shared>>
        tpu.wait_indirect_dma semaphore(%arg20 : memref<!tpu.dma_semaphore, #tpu.memory_space<semaphore_mem>>) src(%dma_wait3A_455 : memref<48x128xf32, #tpu.memory_space<vmem>>) dst(%dma_wait3A_461 : memref<10240x128xf32, #tpu.memory_space<vmem_shared>>)
      } else {
      }
      %add3A_371 = arith.constant 2 : i32
      %add3A_372 = arith.addi %add3A_358, %add3A_371 : i32
      %lt3A_373 = arith.constant 210 : i32
      %lt3A_374 = arith.cmpi slt, %add3A_372, %lt3A_373 : i32
      %convert_element_type3A_375 = arith.extui %lt3A_374 : i1 to i32
      %cond3A_376 = arith.constant 0 : i32
      %cond3A_377 = arith.cmpi ne, %convert_element_type3A_375, %cond3A_376 : i32
      scf.if %cond3A_377 {
        %add3A_450 = arith.constant 2 : i32
        %add3A_451 = arith.addi %add3A_358, %add3A_450 : i32
        %mul3A_452 = arith.constant 48 : i32
        %mul3A_453 = arith.muli %add3A_451, %mul3A_452 : i32
        %add3A_454 = arith.addi %mul3A_2, %mul3A_453 : i32
        %dma_wait3A_455 = arith.constant 0 : i32
        %dma_wait3A_456 = arith.constant 0 : i32
        %dma_wait3A_457 = tpu.memref_slice %arg6[%dma_wait3A_455, %dma_wait3A_456] : memref<5x48xi32, #tpu.memory_space<vmem>> -> memref<1x48xi32, #tpu.memory_space<vmem>>
        %dma_wait3A_458 = tpu.memref_squeeze %dma_wait3A_457 : memref<1x48xi32, #tpu.memory_space<vmem>> -> memref<48xi32, #tpu.memory_space<vmem>>
        %dma_wait3A_459 = tpu.memref_slice %arg3[%add3A_454] : memref<322560xi32, #tpu.memory_space<hbm>> -> memref<48xi32, #tpu.memory_space<hbm>>
        %dma_wait3A_460 = arith.constant 0 : i32
        %dma_wait3A_461 = tpu.memref_slice %arg6[%dma_wait3A_455, %dma_wait3A_460] : memref<5x48xi32, #tpu.memory_space<vmem>> -> memref<1x48xi32, #tpu.memory_space<vmem>>
        %dma_wait3A_462 = tpu.memref_squeeze %dma_wait3A_461 : memref<1x48xi32, #tpu.memory_space<vmem>> -> memref<48xi32, #tpu.memory_space<vmem>>
        %dma_wait3A_463 = tpu.memref_slice %arg3[%add3A_454] : memref<322560xi32, #tpu.memory_space<hbm>> -> memref<48xi32, #tpu.memory_space<hbm>>
        tpu.wait_dma2 semaphore(%arg10 : memref<!tpu.dma_semaphore, #tpu.memory_space<semaphore_mem>>) src(%dma_wait3A_463 : memref<48xi32, #tpu.memory_space<hbm>>) dst(%dma_wait3A_462 : memref<48xi32, #tpu.memory_space<vmem>>)
        %dma_wait3A_464 = arith.constant 0 : i32
        %dma_wait3A_465 = arith.constant 0 : i32
        %dma_wait3A_466 = tpu.memref_slice %arg7[%dma_wait3A_464, %dma_wait3A_465] : memref<5x48xi32, #tpu.memory_space<vmem>> -> memref<1x48xi32, #tpu.memory_space<vmem>>
        %dma_wait3A_467 = tpu.memref_squeeze %dma_wait3A_466 : memref<1x48xi32, #tpu.memory_space<vmem>> -> memref<48xi32, #tpu.memory_space<vmem>>
        %dma_wait3A_468 = tpu.memref_slice %arg4[%add3A_454] : memref<322560xi32, #tpu.memory_space<hbm>> -> memref<48xi32, #tpu.memory_space<hbm>>
        %dma_wait3A_469 = arith.constant 0 : i32
        %dma_wait3A_470 = tpu.memref_slice %arg7[%dma_wait3A_464, %dma_wait3A_469] : memref<5x48xi32, #tpu.memory_space<vmem>> -> memref<1x48xi32, #tpu.memory_space<vmem>>
        %dma_wait3A_471 = tpu.memref_squeeze %dma_wait3A_470 : memref<1x48xi32, #tpu.memory_space<vmem>> -> memref<48xi32, #tpu.memory_space<vmem>>
        %dma_wait3A_472 = tpu.memref_slice %arg4[%add3A_454] : memref<322560xi32, #tpu.memory_space<hbm>> -> memref<48xi32, #tpu.memory_space<hbm>>
        tpu.wait_dma2 semaphore(%arg10 : memref<!tpu.dma_semaphore, #tpu.memory_space<semaphore_mem>>) src(%dma_wait3A_472 : memref<48xi32, #tpu.memory_space<hbm>>) dst(%dma_wait3A_471 : memref<48xi32, #tpu.memory_space<vmem>>)
        %dma_start3A_473 = arith.constant 0 : i32
        %dma_start3A_474 = arith.constant 0 : i32
        %dma_start3A_475 = arith.constant 0 : i32
        %dma_start3A_476 = arith.constant 0 : i32
        %dma_start3A_477 = tpu.memref_slice %arg8[%dma_start3A_474, %dma_start3A_475, %dma_start3A_476] : memref<5x48x128xf32, #tpu.memory_space<vmem>> -> memref<1x48x128xf32, #tpu.memory_space<vmem>>
        %dma_start3A_478 = tpu.memref_squeeze %dma_start3A_477 : memref<1x48x128xf32, #tpu.memory_space<vmem>> -> memref<48x128xf32, #tpu.memory_space<vmem>>
        %dma_start3A_479 = arith.constant 0 : i32
        %dma_start3A_480 = tpu.memref_slice %arg6[%dma_start3A_473, %dma_start3A_479] : memref<5x48xi32, #tpu.memory_space<vmem>> -> memref<1x48xi32, #tpu.memory_space<vmem>>
        %dma_start3A_481 = tpu.memref_squeeze %dma_start3A_480 : memref<1x48xi32, #tpu.memory_space<vmem>> -> memref<48xi32, #tpu.memory_space<vmem>>
        %dma_start3A_482 = arith.constant 0 : i32
        %dma_start3A_483 = arith.constant 0 : i32
        %dma_start3A_484 = tpu.memref_slice %arg2[%dma_start3A_482, %dma_start3A_483] : memref<10000x128xf32, #tpu.memory_space<hbm>> -> memref<10000x128xf32, #tpu.memory_space<hbm>>
        tpu.enqueue_indirect_dma source(%dma_start3A_484 : memref<10000x128xf32, #tpu.memory_space<hbm>>) target(%dma_start3A_478 : memref<48x128xf32, #tpu.memory_space<vmem>>) offsets(%dma_start3A_481 : memref<48xi32, #tpu.memory_space<vmem>>) semaphore(%arg15 : memref<!tpu.dma_semaphore, #tpu.memory_space<semaphore_mem>>)
      } else {
      }
      %dma_wait3A_378 = arith.constant 3 : i32
      %dma_wait3A_379 = arith.constant 3 : i32
      %dma_wait3A_380 = arith.constant 0 : i32
      %dma_wait3A_381 = arith.constant 0 : i32
      %dma_wait3A_382 = tpu.memref_slice %arg8[%dma_wait3A_379, %dma_wait3A_380, %dma_wait3A_381] : memref<5x48x128xf32, #tpu.memory_space<vmem>> -> memref<1x48x128xf32, #tpu.memory_space<vmem>>
      %dma_wait3A_383 = tpu.memref_squeeze %dma_wait3A_382 : memref<1x48x128xf32, #tpu.memory_space<vmem>> -> memref<48x128xf32, #tpu.memory_space<vmem>>
      %dma_wait3A_384 = arith.constant 0 : i32
      %dma_wait3A_385 = tpu.memref_slice %arg6[%dma_wait3A_378, %dma_wait3A_384] : memref<5x48xi32, #tpu.memory_space<vmem>> -> memref<1x48xi32, #tpu.memory_space<vmem>>
      %dma_wait3A_386 = tpu.memref_squeeze %dma_wait3A_385 : memref<1x48xi32, #tpu.memory_space<vmem>> -> memref<48xi32, #tpu.memory_space<vmem>>
      %dma_wait3A_387 = arith.constant 0 : i32
      %dma_wait3A_388 = arith.constant 0 : i32
      %dma_wait3A_389 = tpu.memref_slice %arg2[%dma_wait3A_387, %dma_wait3A_388] : memref<10000x128xf32, #tpu.memory_space<hbm>> -> memref<10000x128xf32, #tpu.memory_space<hbm>>
      tpu.wait_indirect_dma semaphore(%arg18 : memref<!tpu.dma_semaphore, #tpu.memory_space<semaphore_mem>>) src(%dma_wait3A_389 : memref<10000x128xf32, #tpu.memory_space<hbm>>) dst(%dma_wait3A_383 : memref<48x128xf32, #tpu.memory_space<vmem>>)
      %dma_start3A_390 = arith.constant 3 : i32
      %dma_start3A_391 = arith.constant 3 : i32
      %dma_start3A_392 = arith.constant 0 : i32
      %dma_start3A_393 = arith.constant 0 : i32
      %dma_start3A_394 = tpu.memref_slice %arg8[%dma_start3A_390, %dma_start3A_392, %dma_start3A_393] : memref<5x48x128xf32, #tpu.memory_space<vmem>> -> memref<1x48x128xf32, #tpu.memory_space<vmem>>
      %dma_start3A_395 = tpu.memref_squeeze %dma_start3A_394 : memref<1x48x128xf32, #tpu.memory_space<vmem>> -> memref<48x128xf32, #tpu.memory_space<vmem>>
      %dma_start3A_396 = arith.constant 0 : i32
      %dma_start3A_397 = tpu.memref_slice %arg7[%dma_start3A_391, %dma_start3A_396] : memref<5x48xi32, #tpu.memory_space<vmem>> -> memref<1x48xi32, #tpu.memory_space<vmem>>
      %dma_start3A_398 = tpu.memref_squeeze %dma_start3A_397 : memref<1x48xi32, #tpu.memory_space<vmem>> -> memref<48xi32, #tpu.memory_space<vmem>>
      %dma_start3A_399 = arith.constant 0 : i32
      %dma_start3A_400 = arith.constant 0 : i32
      %dma_start3A_401 = tpu.memref_slice %arg9[%dma_start3A_399, %dma_start3A_400] : memref<10240x128xf32, #tpu.memory_space<vmem_shared>> -> memref<10240x128xf32, #tpu.memory_space<vmem_shared>>
      tpu.enqueue_indirect_dma source(%dma_start3A_395 : memref<48x128xf32, #tpu.memory_space<vmem>>) target(%dma_start3A_401 : memref<10240x128xf32, #tpu.memory_space<vmem_shared>>) offsets(%dma_start3A_398 : memref<48xi32, #tpu.memory_space<vmem>>) semaphore(%arg23 : memref<!tpu.dma_semaphore, #tpu.memory_space<semaphore_mem>>) {add = true}
      %mul3A_402 = arith.constant 5 : i32
      %mul3A_403 = arith.muli %scan3A_216, %mul3A_402 : i32
      %add3A_404 = arith.constant 4 : i32
      %add3A_405 = arith.addi %mul3A_403, %add3A_404 : i32
      %add3A_406 = arith.constant 4 : i32
      %add3A_407 = arith.addi %add3A_405, %add3A_406 : i32
      %lt3A_408 = arith.constant 210 : i32
      %lt3A_409 = arith.cmpi slt, %add3A_407, %lt3A_408 : i32
      %convert_element_type3A_410 = arith.extui %lt3A_409 : i1 to i32
      %cond3A_411 = arith.constant 0 : i32
      %cond3A_412 = arith.cmpi ne, %convert_element_type3A_410, %cond3A_411 : i32
      scf.if %cond3A_412 {
        %add3A_450 = arith.constant 4 : i32
        %add3A_451 = arith.addi %add3A_405, %add3A_450 : i32
        %mul3A_452 = arith.constant 48 : i32
        %mul3A_453 = arith.muli %add3A_451, %mul3A_452 : i32
        %add3A_454 = arith.addi %mul3A_2, %mul3A_453 : i32
        %dma_start3A_455 = arith.constant 3 : i32
        %dma_start3A_456 = arith.constant 0 : i32
        %dma_start3A_457 = tpu.memref_slice %arg6[%dma_start3A_455, %dma_start3A_456] : memref<5x48xi32, #tpu.memory_space<vmem>> -> memref<1x48xi32, #tpu.memory_space<vmem>>
        %dma_start3A_458 = tpu.memref_squeeze %dma_start3A_457 : memref<1x48xi32, #tpu.memory_space<vmem>> -> memref<48xi32, #tpu.memory_space<vmem>>
        %dma_start3A_459 = tpu.memref_slice %arg3[%add3A_454] : memref<322560xi32, #tpu.memory_space<hbm>> -> memref<48xi32, #tpu.memory_space<hbm>>
        %dma_start3A_460 = arith.constant 0 : i32
        %dma_start3A_461 = tpu.memref_slice %arg6[%dma_start3A_455, %dma_start3A_460] : memref<5x48xi32, #tpu.memory_space<vmem>> -> memref<1x48xi32, #tpu.memory_space<vmem>>
        %dma_start3A_462 = tpu.memref_squeeze %dma_start3A_461 : memref<1x48xi32, #tpu.memory_space<vmem>> -> memref<48xi32, #tpu.memory_space<vmem>>
        %dma_start3A_463 = tpu.memref_slice %arg3[%add3A_454] : memref<322560xi32, #tpu.memory_space<hbm>> -> memref<48xi32, #tpu.memory_space<hbm>>
        tpu.enqueue_dma source(%dma_start3A_463 : memref<48xi32, #tpu.memory_space<hbm>>) target(%dma_start3A_462 : memref<48xi32, #tpu.memory_space<vmem>>) target_semaphore(%arg13 : memref<!tpu.dma_semaphore, #tpu.memory_space<semaphore_mem>>)
        %dma_start3A_464 = arith.constant 3 : i32
        %dma_start3A_465 = arith.constant 0 : i32
        %dma_start3A_466 = tpu.memref_slice %arg7[%dma_start3A_464, %dma_start3A_465] : memref<5x48xi32, #tpu.memory_space<vmem>> -> memref<1x48xi32, #tpu.memory_space<vmem>>
        %dma_start3A_467 = tpu.memref_squeeze %dma_start3A_466 : memref<1x48xi32, #tpu.memory_space<vmem>> -> memref<48xi32, #tpu.memory_space<vmem>>
        %dma_start3A_468 = tpu.memref_slice %arg4[%add3A_454] : memref<322560xi32, #tpu.memory_space<hbm>> -> memref<48xi32, #tpu.memory_space<hbm>>
        %dma_start3A_469 = arith.constant 0 : i32
        %dma_start3A_470 = tpu.memref_slice %arg7[%dma_start3A_464, %dma_start3A_469] : memref<5x48xi32, #tpu.memory_space<vmem>> -> memref<1x48xi32, #tpu.memory_space<vmem>>
        %dma_start3A_471 = tpu.memref_squeeze %dma_start3A_470 : memref<1x48xi32, #tpu.memory_space<vmem>> -> memref<48xi32, #tpu.memory_space<vmem>>
        %dma_start3A_472 = tpu.memref_slice %arg4[%add3A_454] : memref<322560xi32, #tpu.memory_space<hbm>> -> memref<48xi32, #tpu.memory_space<hbm>>
        tpu.enqueue_dma source(%dma_start3A_472 : memref<48xi32, #tpu.memory_space<hbm>>) target(%dma_start3A_471 : memref<48xi32, #tpu.memory_space<vmem>>) target_semaphore(%arg13 : memref<!tpu.dma_semaphore, #tpu.memory_space<semaphore_mem>>)
      } else {
      }
      %ge3A_413 = arith.constant 3 : i32
      %ge3A_414 = arith.cmpi sge, %add3A_405, %ge3A_413 : i32
      %convert_element_type3A_415 = arith.extui %ge3A_414 : i1 to i32
      %cond3A_416 = arith.constant 0 : i32
      %cond3A_417 = arith.cmpi ne, %convert_element_type3A_415, %cond3A_416 : i32
      scf.if %cond3A_417 {
        %dma_wait3A_450 = arith.constant 1 : i32
        %dma_wait3A_451 = arith.constant 1 : i32
        %dma_wait3A_452 = arith.constant 0 : i32
        %dma_wait3A_453 = arith.constant 0 : i32
        %dma_wait3A_454 = tpu.memref_slice %arg8[%dma_wait3A_450, %dma_wait3A_452, %dma_wait3A_453] : memref<5x48x128xf32, #tpu.memory_space<vmem>> -> memref<1x48x128xf32, #tpu.memory_space<vmem>>
        %dma_wait3A_455 = tpu.memref_squeeze %dma_wait3A_454 : memref<1x48x128xf32, #tpu.memory_space<vmem>> -> memref<48x128xf32, #tpu.memory_space<vmem>>
        %dma_wait3A_456 = arith.constant 0 : i32
        %dma_wait3A_457 = tpu.memref_slice %arg7[%dma_wait3A_451, %dma_wait3A_456] : memref<5x48xi32, #tpu.memory_space<vmem>> -> memref<1x48xi32, #tpu.memory_space<vmem>>
        %dma_wait3A_458 = tpu.memref_squeeze %dma_wait3A_457 : memref<1x48xi32, #tpu.memory_space<vmem>> -> memref<48xi32, #tpu.memory_space<vmem>>
        %dma_wait3A_459 = arith.constant 0 : i32
        %dma_wait3A_460 = arith.constant 0 : i32
        %dma_wait3A_461 = tpu.memref_slice %arg9[%dma_wait3A_459, %dma_wait3A_460] : memref<10240x128xf32, #tpu.memory_space<vmem_shared>> -> memref<10240x128xf32, #tpu.memory_space<vmem_shared>>
        tpu.wait_indirect_dma semaphore(%arg21 : memref<!tpu.dma_semaphore, #tpu.memory_space<semaphore_mem>>) src(%dma_wait3A_455 : memref<48x128xf32, #tpu.memory_space<vmem>>) dst(%dma_wait3A_461 : memref<10240x128xf32, #tpu.memory_space<vmem_shared>>)
      } else {
      }
      %add3A_418 = arith.constant 2 : i32
      %add3A_419 = arith.addi %add3A_405, %add3A_418 : i32
      %lt3A_420 = arith.constant 210 : i32
      %lt3A_421 = arith.cmpi slt, %add3A_419, %lt3A_420 : i32
      %convert_element_type3A_422 = arith.extui %lt3A_421 : i1 to i32
      %cond3A_423 = arith.constant 0 : i32
      %cond3A_424 = arith.cmpi ne, %convert_element_type3A_422, %cond3A_423 : i32
      scf.if %cond3A_424 {
        %add3A_450 = arith.constant 2 : i32
        %add3A_451 = arith.addi %add3A_405, %add3A_450 : i32
        %mul3A_452 = arith.constant 48 : i32
        %mul3A_453 = arith.muli %add3A_451, %mul3A_452 : i32
        %add3A_454 = arith.addi %mul3A_2, %mul3A_453 : i32
        %dma_wait3A_455 = arith.constant 1 : i32
        %dma_wait3A_456 = arith.constant 0 : i32
        %dma_wait3A_457 = tpu.memref_slice %arg6[%dma_wait3A_455, %dma_wait3A_456] : memref<5x48xi32, #tpu.memory_space<vmem>> -> memref<1x48xi32, #tpu.memory_space<vmem>>
        %dma_wait3A_458 = tpu.memref_squeeze %dma_wait3A_457 : memref<1x48xi32, #tpu.memory_space<vmem>> -> memref<48xi32, #tpu.memory_space<vmem>>
        %dma_wait3A_459 = tpu.memref_slice %arg3[%add3A_454] : memref<322560xi32, #tpu.memory_space<hbm>> -> memref<48xi32, #tpu.memory_space<hbm>>
        %dma_wait3A_460 = arith.constant 0 : i32
        %dma_wait3A_461 = tpu.memref_slice %arg6[%dma_wait3A_455, %dma_wait3A_460] : memref<5x48xi32, #tpu.memory_space<vmem>> -> memref<1x48xi32, #tpu.memory_space<vmem>>
        %dma_wait3A_462 = tpu.memref_squeeze %dma_wait3A_461 : memref<1x48xi32, #tpu.memory_space<vmem>> -> memref<48xi32, #tpu.memory_space<vmem>>
        %dma_wait3A_463 = tpu.memref_slice %arg3[%add3A_454] : memref<322560xi32, #tpu.memory_space<hbm>> -> memref<48xi32, #tpu.memory_space<hbm>>
        tpu.wait_dma2 semaphore(%arg11 : memref<!tpu.dma_semaphore, #tpu.memory_space<semaphore_mem>>) src(%dma_wait3A_463 : memref<48xi32, #tpu.memory_space<hbm>>) dst(%dma_wait3A_462 : memref<48xi32, #tpu.memory_space<vmem>>)
        %dma_wait3A_464 = arith.constant 1 : i32
        %dma_wait3A_465 = arith.constant 0 : i32
        %dma_wait3A_466 = tpu.memref_slice %arg7[%dma_wait3A_464, %dma_wait3A_465] : memref<5x48xi32, #tpu.memory_space<vmem>> -> memref<1x48xi32, #tpu.memory_space<vmem>>
        %dma_wait3A_467 = tpu.memref_squeeze %dma_wait3A_466 : memref<1x48xi32, #tpu.memory_space<vmem>> -> memref<48xi32, #tpu.memory_space<vmem>>
        %dma_wait3A_468 = tpu.memref_slice %arg4[%add3A_454] : memref<322560xi32, #tpu.memory_space<hbm>> -> memref<48xi32, #tpu.memory_space<hbm>>
        %dma_wait3A_469 = arith.constant 0 : i32
        %dma_wait3A_470 = tpu.memref_slice %arg7[%dma_wait3A_464, %dma_wait3A_469] : memref<5x48xi32, #tpu.memory_space<vmem>> -> memref<1x48xi32, #tpu.memory_space<vmem>>
        %dma_wait3A_471 = tpu.memref_squeeze %dma_wait3A_470 : memref<1x48xi32, #tpu.memory_space<vmem>> -> memref<48xi32, #tpu.memory_space<vmem>>
        %dma_wait3A_472 = tpu.memref_slice %arg4[%add3A_454] : memref<322560xi32, #tpu.memory_space<hbm>> -> memref<48xi32, #tpu.memory_space<hbm>>
        tpu.wait_dma2 semaphore(%arg11 : memref<!tpu.dma_semaphore, #tpu.memory_space<semaphore_mem>>) src(%dma_wait3A_472 : memref<48xi32, #tpu.memory_space<hbm>>) dst(%dma_wait3A_471 : memref<48xi32, #tpu.memory_space<vmem>>)
        %dma_start3A_473 = arith.constant 1 : i32
        %dma_start3A_474 = arith.constant 1 : i32
        %dma_start3A_475 = arith.constant 0 : i32
        %dma_start3A_476 = arith.constant 0 : i32
        %dma_start3A_477 = tpu.memref_slice %arg8[%dma_start3A_474, %dma_start3A_475, %dma_start3A_476] : memref<5x48x128xf32, #tpu.memory_space<vmem>> -> memref<1x48x128xf32, #tpu.memory_space<vmem>>
        %dma_start3A_478 = tpu.memref_squeeze %dma_start3A_477 : memref<1x48x128xf32, #tpu.memory_space<vmem>> -> memref<48x128xf32, #tpu.memory_space<vmem>>
        %dma_start3A_479 = arith.constant 0 : i32
        %dma_start3A_480 = tpu.memref_slice %arg6[%dma_start3A_473, %dma_start3A_479] : memref<5x48xi32, #tpu.memory_space<vmem>> -> memref<1x48xi32, #tpu.memory_space<vmem>>
        %dma_start3A_481 = tpu.memref_squeeze %dma_start3A_480 : memref<1x48xi32, #tpu.memory_space<vmem>> -> memref<48xi32, #tpu.memory_space<vmem>>
        %dma_start3A_482 = arith.constant 0 : i32
        %dma_start3A_483 = arith.constant 0 : i32
        %dma_start3A_484 = tpu.memref_slice %arg2[%dma_start3A_482, %dma_start3A_483] : memref<10000x128xf32, #tpu.memory_space<hbm>> -> memref<10000x128xf32, #tpu.memory_space<hbm>>
        tpu.enqueue_indirect_dma source(%dma_start3A_484 : memref<10000x128xf32, #tpu.memory_space<hbm>>) target(%dma_start3A_478 : memref<48x128xf32, #tpu.memory_space<vmem>>) offsets(%dma_start3A_481 : memref<48xi32, #tpu.memory_space<vmem>>) semaphore(%arg16 : memref<!tpu.dma_semaphore, #tpu.memory_space<semaphore_mem>>)
      } else {
      }
      %dma_wait3A_425 = arith.constant 4 : i32
      %dma_wait3A_426 = arith.constant 4 : i32
      %dma_wait3A_427 = arith.constant 0 : i32
      %dma_wait3A_428 = arith.constant 0 : i32
      %dma_wait3A_429 = tpu.memref_slice %arg8[%dma_wait3A_426, %dma_wait3A_427, %dma_wait3A_428] : memref<5x48x128xf32, #tpu.memory_space<vmem>> -> memref<1x48x128xf32, #tpu.memory_space<vmem>>
      %dma_wait3A_430 = tpu.memref_squeeze %dma_wait3A_429 : memref<1x48x128xf32, #tpu.memory_space<vmem>> -> memref<48x128xf32, #tpu.memory_space<vmem>>
      %dma_wait3A_431 = arith.constant 0 : i32
      %dma_wait3A_432 = tpu.memref_slice %arg6[%dma_wait3A_425, %dma_wait3A_431] : memref<5x48xi32, #tpu.memory_space<vmem>> -> memref<1x48xi32, #tpu.memory_space<vmem>>
      %dma_wait3A_433 = tpu.memref_squeeze %dma_wait3A_432 : memref<1x48xi32, #tpu.memory_space<vmem>> -> memref<48xi32, #tpu.memory_space<vmem>>
      %dma_wait3A_434 = arith.constant 0 : i32
      %dma_wait3A_435 = arith.constant 0 : i32
      %dma_wait3A_436 = tpu.memref_slice %arg2[%dma_wait3A_434, %dma_wait3A_435] : memref<10000x128xf32, #tpu.memory_space<hbm>> -> memref<10000x128xf32, #tpu.memory_space<hbm>>
      tpu.wait_indirect_dma semaphore(%arg19 : memref<!tpu.dma_semaphore, #tpu.memory_space<semaphore_mem>>) src(%dma_wait3A_436 : memref<10000x128xf32, #tpu.memory_space<hbm>>) dst(%dma_wait3A_430 : memref<48x128xf32, #tpu.memory_space<vmem>>)
      %dma_start3A_437 = arith.constant 4 : i32
      %dma_start3A_438 = arith.constant 4 : i32
      %dma_start3A_439 = arith.constant 0 : i32
      %dma_start3A_440 = arith.constant 0 : i32
      %dma_start3A_441 = tpu.memref_slice %arg8[%dma_start3A_437, %dma_start3A_439, %dma_start3A_440] : memref<5x48x128xf32, #tpu.memory_space<vmem>> -> memref<1x48x128xf32, #tpu.memory_space<vmem>>
      %dma_start3A_442 = tpu.memref_squeeze %dma_start3A_441 : memref<1x48x128xf32, #tpu.memory_space<vmem>> -> memref<48x128xf32, #tpu.memory_space<vmem>>
      %dma_start3A_443 = arith.constant 0 : i32
      %dma_start3A_444 = tpu.memref_slice %arg7[%dma_start3A_438, %dma_start3A_443] : memref<5x48xi32, #tpu.memory_space<vmem>> -> memref<1x48xi32, #tpu.memory_space<vmem>>
      %dma_start3A_445 = tpu.memref_squeeze %dma_start3A_444 : memref<1x48xi32, #tpu.memory_space<vmem>> -> memref<48xi32, #tpu.memory_space<vmem>>
      %dma_start3A_446 = arith.constant 0 : i32
      %dma_start3A_447 = arith.constant 0 : i32
      %dma_start3A_448 = tpu.memref_slice %arg9[%dma_start3A_446, %dma_start3A_447] : memref<10240x128xf32, #tpu.memory_space<vmem_shared>> -> memref<10240x128xf32, #tpu.memory_space<vmem_shared>>
      tpu.enqueue_indirect_dma source(%dma_start3A_442 : memref<48x128xf32, #tpu.memory_space<vmem>>) target(%dma_start3A_448 : memref<10240x128xf32, #tpu.memory_space<vmem_shared>>) offsets(%dma_start3A_445 : memref<48xi32, #tpu.memory_space<vmem>>) semaphore(%arg24 : memref<!tpu.dma_semaphore, #tpu.memory_space<semaphore_mem>>) {add = true}
      %scan3A_449 = arith.constant 0 : i32
      scf.yield %scan3A_449 : i32
    }
    %scan3A_173 = arith.constant 42 : i32
    %dma_wait3A_174 = arith.constant 2 : i32
    %dma_wait3A_175 = arith.constant 2 : i32
    %dma_wait3A_176 = arith.constant 0 : i32
    %dma_wait3A_177 = arith.constant 0 : i32
    %dma_wait3A_178 = tpu.memref_slice %arg8[%dma_wait3A_174, %dma_wait3A_176, %dma_wait3A_177] : memref<5x48x128xf32, #tpu.memory_space<vmem>> -> memref<1x48x128xf32, #tpu.memory_space<vmem>>
    %dma_wait3A_179 = tpu.memref_squeeze %dma_wait3A_178 : memref<1x48x128xf32, #tpu.memory_space<vmem>> -> memref<48x128xf32, #tpu.memory_space<vmem>>
    %dma_wait3A_180 = arith.constant 0 : i32
    %dma_wait3A_181 = tpu.memref_slice %arg7[%dma_wait3A_175, %dma_wait3A_180] : memref<5x48xi32, #tpu.memory_space<vmem>> -> memref<1x48xi32, #tpu.memory_space<vmem>>
    %dma_wait3A_182 = tpu.memref_squeeze %dma_wait3A_181 : memref<1x48xi32, #tpu.memory_space<vmem>> -> memref<48xi32, #tpu.memory_space<vmem>>
    %dma_wait3A_183 = arith.constant 0 : i32
    %dma_wait3A_184 = arith.constant 0 : i32
    %dma_wait3A_185 = tpu.memref_slice %arg9[%dma_wait3A_183, %dma_wait3A_184] : memref<10240x128xf32, #tpu.memory_space<vmem_shared>> -> memref<10240x128xf32, #tpu.memory_space<vmem_shared>>
    tpu.wait_indirect_dma semaphore(%arg22 : memref<!tpu.dma_semaphore, #tpu.memory_space<semaphore_mem>>) src(%dma_wait3A_179 : memref<48x128xf32, #tpu.memory_space<vmem>>) dst(%dma_wait3A_185 : memref<10240x128xf32, #tpu.memory_space<vmem_shared>>)
    %dma_wait3A_186 = arith.constant 3 : i32
    %dma_wait3A_187 = arith.constant 3 : i32
    %dma_wait3A_188 = arith.constant 0 : i32
    %dma_wait3A_189 = arith.constant 0 : i32
    %dma_wait3A_190 = tpu.memref_slice %arg8[%dma_wait3A_186, %dma_wait3A_188, %dma_wait3A_189] : memref<5x48x128xf32, #tpu.memory_space<vmem>> -> memref<1x48x128xf32, #tpu.memory_space<vmem>>
    %dma_wait3A_191 = tpu.memref_squeeze %dma_wait3A_190 : memref<1x48x128xf32, #tpu.memory_space<vmem>> -> memref<48x128xf32, #tpu.memory_space<vmem>>
    %dma_wait3A_192 = arith.constant 0 : i32
    %dma_wait3A_193 = tpu.memref_slice %arg7[%dma_wait3A_187, %dma_wait3A_192] : memref<5x48xi32, #tpu.memory_space<vmem>> -> memref<1x48xi32, #tpu.memory_space<vmem>>
    %dma_wait3A_194 = tpu.memref_squeeze %dma_wait3A_193 : memref<1x48xi32, #tpu.memory_space<vmem>> -> memref<48xi32, #tpu.memory_space<vmem>>
    %dma_wait3A_195 = arith.constant 0 : i32
    %dma_wait3A_196 = arith.constant 0 : i32
    %dma_wait3A_197 = tpu.memref_slice %arg9[%dma_wait3A_195, %dma_wait3A_196] : memref<10240x128xf32, #tpu.memory_space<vmem_shared>> -> memref<10240x128xf32, #tpu.memory_space<vmem_shared>>
    tpu.wait_indirect_dma semaphore(%arg23 : memref<!tpu.dma_semaphore, #tpu.memory_space<semaphore_mem>>) src(%dma_wait3A_191 : memref<48x128xf32, #tpu.memory_space<vmem>>) dst(%dma_wait3A_197 : memref<10240x128xf32, #tpu.memory_space<vmem_shared>>)
    %dma_wait3A_198 = arith.constant 4 : i32
    %dma_wait3A_199 = arith.constant 4 : i32
    %dma_wait3A_200 = arith.constant 0 : i32
    %dma_wait3A_201 = arith.constant 0 : i32
    %dma_wait3A_202 = tpu.memref_slice %arg8[%dma_wait3A_198, %dma_wait3A_200, %dma_wait3A_201] : memref<5x48x128xf32, #tpu.memory_space<vmem>> -> memref<1x48x128xf32, #tpu.memory_space<vmem>>
    %dma_wait3A_203 = tpu.memref_squeeze %dma_wait3A_202 : memref<1x48x128xf32, #tpu.memory_space<vmem>> -> memref<48x128xf32, #tpu.memory_space<vmem>>
    %dma_wait3A_204 = arith.constant 0 : i32
    %dma_wait3A_205 = tpu.memref_slice %arg7[%dma_wait3A_199, %dma_wait3A_204] : memref<5x48xi32, #tpu.memory_space<vmem>> -> memref<1x48xi32, #tpu.memory_space<vmem>>
    %dma_wait3A_206 = tpu.memref_squeeze %dma_wait3A_205 : memref<1x48xi32, #tpu.memory_space<vmem>> -> memref<48xi32, #tpu.memory_space<vmem>>
    %dma_wait3A_207 = arith.constant 0 : i32
    %dma_wait3A_208 = arith.constant 0 : i32
    %dma_wait3A_209 = tpu.memref_slice %arg9[%dma_wait3A_207, %dma_wait3A_208] : memref<10240x128xf32, #tpu.memory_space<vmem_shared>> -> memref<10240x128xf32, #tpu.memory_space<vmem_shared>>
    tpu.wait_indirect_dma semaphore(%arg24 : memref<!tpu.dma_semaphore, #tpu.memory_space<semaphore_mem>>) src(%dma_wait3A_203 : memref<48x128xf32, #tpu.memory_space<vmem>>) dst(%dma_wait3A_209 : memref<10240x128xf32, #tpu.memory_space<vmem_shared>>)
    %barrier3A_210 = arith.constant 0 : index
    tpu.barrier barrier_id(%barrier3A_210)
    %mul3A_211 = arith.constant 10240 : i32
    %mul3A_212 = arith.muli %arg0, %mul3A_211 : i32
    %mul3A_213 = arith.constant 640 : i32
    %mul3A_214 = arith.muli %arg1, %mul3A_213 : i32
    %add3A_215 = arith.addi %mul3A_212, %mul3A_214 : i32
    "tpu.region"() ({
      %run_scoped3A = tpu.sem_alloc : memref<!tpu.dma_semaphore, #tpu.memory_space<semaphore_mem>>
      %dma_start3A_216 = arith.constant 0 : i32
      %dma_start3A_217 = tpu.memref_slice %arg5[%add3A_215, %dma_start3A_216] : memref<20480x128xf32, #tpu.memory_space<hbm>> -> memref<640x128xf32, #tpu.memory_space<hbm>>
      %dma_start3A_218 = arith.constant 0 : i32
      %dma_start3A_219 = tpu.memref_slice %arg9[%mul3A_10, %dma_start3A_218] : memref<10240x128xf32, #tpu.memory_space<vmem_shared>> -> memref<640x128xf32, #tpu.memory_space<vmem_shared>>
      tpu.enqueue_dma source(%dma_start3A_219 : memref<640x128xf32, #tpu.memory_space<vmem_shared>>) target(%dma_start3A_217 : memref<640x128xf32, #tpu.memory_space<hbm>>) target_semaphore(%run_scoped3A : memref<!tpu.dma_semaphore, #tpu.memory_space<semaphore_mem>>)
      %dma_wait3A_220 = arith.constant 0 : i32
      %dma_wait3A_221 = tpu.memref_slice %arg5[%add3A_215, %dma_wait3A_220] : memref<20480x128xf32, #tpu.memory_space<hbm>> -> memref<640x128xf32, #tpu.memory_space<hbm>>
      %dma_wait3A_222 = arith.constant 0 : i32
      %dma_wait3A_223 = tpu.memref_slice %arg9[%mul3A_10, %dma_wait3A_222] : memref<10240x128xf32, #tpu.memory_space<vmem_shared>> -> memref<640x128xf32, #tpu.memory_space<vmem_shared>>
      tpu.wait_dma2 semaphore(%run_scoped3A : memref<!tpu.dma_semaphore, #tpu.memory_space<semaphore_mem>>) src(%dma_wait3A_223 : memref<640x128xf32, #tpu.memory_space<vmem_shared>>) dst(%dma_wait3A_221 : memref<640x128xf32, #tpu.memory_space<hbm>>)
      tpu.yield
    }) : () -> ()
    return
  }
}

#map = affine_map<(d0, d1) -> (0, 0)>
#map1 = affine_map<(d0, d1) -> (0)>
module attributes {stable_mosaic.version = 14 : i64} {
  func.func @_agg_body(%arg0: i32, %arg1: i32, %arg2: memref<10000x128xf32, #tpu.memory_space<hbm>>, %arg3: memref<322560xi32, #tpu.memory_space<hbm>>, %arg4: memref<322560xi32, #tpu.memory_space<hbm>>, %arg5: memref<20480x128xf32, #tpu.memory_space<hbm>>, %arg6: memref<5x48xi32, #tpu.memory_space<vmem>>, %arg7: memref<5x48xi32, #tpu.memory_space<vmem>>, %arg8: memref<5x48x128xf32, #tpu.memory_space<vmem>>, %arg9: memref<10240x128xf32, #tpu.memory_space<vmem_shared>>, %arg10: memref<!tpu.dma_semaphore, #tpu.memory_space<semaphore_mem>>, %arg11: memref<!tpu.dma_semaphore, #tpu.memory_space<semaphore_mem>>, %arg12: memref<!tpu.dma_semaphore, #tpu.memory_space<semaphore_mem>>, %arg13: memref<!tpu.dma_semaphore, #tpu.memory_space<semaphore_mem>>, %arg14: memref<!tpu.dma_semaphore, #tpu.memory_space<semaphore_mem>>, %arg15: memref<!tpu.dma_semaphore, #tpu.memory_space<semaphore_mem>>, %arg16: memref<!tpu.dma_semaphore, #tpu.memory_space<semaphore_mem>>, %arg17: memref<!tpu.dma_semaphore, #tpu.memory_space<semaphore_mem>>, %arg18: memref<!tpu.dma_semaphore, #tpu.memory_space<semaphore_mem>>, %arg19: memref<!tpu.dma_semaphore, #tpu.memory_space<semaphore_mem>>, %arg20: memref<!tpu.dma_semaphore, #tpu.memory_space<semaphore_mem>>, %arg21: memref<!tpu.dma_semaphore, #tpu.memory_space<semaphore_mem>>, %arg22: memref<!tpu.dma_semaphore, #tpu.memory_space<semaphore_mem>>, %arg23: memref<!tpu.dma_semaphore, #tpu.memory_space<semaphore_mem>>, %arg24: memref<!tpu.dma_semaphore, #tpu.memory_space<semaphore_mem>>, %arg25: memref<!tpu.dma_semaphore, #tpu.memory_space<semaphore_mem>>) attributes {dimension_semantics = [#tpu.dimension_semantics<core_parallel>, #tpu.dimension_semantics<subcore_parallel>], iteration_bounds = array<i64: 2, 16>, scalar_prefetch = 0 : i64, scratch_operands = 20 : i64, tpu.core_type = #tpu.core_type<sc_vector_subcore>, window_params = [{transform_indices = #map}, {transform_indices = #map1}, {transform_indices = #map1}, {transform_indices = #map}]} {
    %mul3A = arith.constant 16 : i32
    %mul3A_0 = arith.muli %arg0, %mul3A : i32
    %add3A = arith.addi %mul3A_0, %arg1 : i32
    %mul3A_1 = arith.constant 10080 : i32
    %mul3A_2 = arith.muli %add3A, %mul3A_1 : i32
    %scan3A = arith.constant 0 : i32
    %scan3A_3 = arith.constant 0 : i32
    %scan3A_4 = arith.constant 384 : i32
    %scan3A_5 = arith.addi %scan3A_3, %scan3A_4 : i32
    %scan3A_6 = arith.constant 1 : i32
    %scan3A_7 = scf.for %scan3A_216 = %scan3A_3 to %scan3A_5 step %scan3A_6 iter_args(%scan3A_217 = %scan3A) -> (i32)  : i32 {
      %jit3A = arith.constant 8 : i32
      %div3A = arith.divsi %scan3A_216, %jit3A : i32
      %sign3A = arith.constant 0 : i32
      %sign3A_218 = arith.cmpi sgt, %scan3A_216, %sign3A : i32
      %sign3A_219 = arith.extui %sign3A_218 : i1 to i32
      %sign3A_220 = arith.constant 0 : i32
      %sign3A_221 = arith.cmpi slt, %scan3A_216, %sign3A_220 : i32
      %sign3A_222 = arith.extui %sign3A_221 : i1 to i32
      %sign3A_223 = arith.subi %sign3A_219, %sign3A_222 : i32
      %sign3A_224 = arith.constant 0 : i32
      %sign3A_225 = arith.cmpi sgt, %jit3A, %sign3A_224 : i32
      %sign3A_226 = arith.extui %sign3A_225 : i1 to i32
      %sign3A_227 = arith.constant 0 : i32
      %sign3A_228 = arith.cmpi slt, %jit3A, %sign3A_227 : i32
      %sign3A_229 = arith.extui %sign3A_228 : i1 to i32
      %sign3A_230 = arith.subi %sign3A_226, %sign3A_229 : i32
      %ne3A = arith.cmpi ne, %sign3A_223, %sign3A_230 : i32
      %rem3A = arith.remsi %scan3A_216, %jit3A : i32
      %ne3A_231 = arith.constant 0 : i32
      %ne3A_232 = arith.cmpi ne, %rem3A, %ne3A_231 : i32
      %and3A = arith.andi %ne3A, %ne3A_232 : i1
      %sub3A = arith.constant 1 : i32
      %sub3A_233 = arith.subi %div3A, %sub3A : i32
      %select_n3A = arith.select %and3A, %sub3A_233, %div3A : i32
      %jit3A_234 = arith.constant 8 : i32
      %eq3A = arith.constant 0 : i32
      %eq3A_235 = arith.cmpi eq, %jit3A_234, %eq3A : i32
      %jit3A_236 = arith.constant 1 : i32
      %select_n3A_237 = arith.select %eq3A_235, %jit3A_236, %jit3A_234 : i32
      %rem3A_238 = arith.remsi %scan3A_216, %select_n3A_237 : i32
      %ne3A_239 = arith.constant 0 : i32
      %ne3A_240 = arith.cmpi ne, %rem3A_238, %ne3A_239 : i32
      %lt3A = arith.constant 0 : i32
      %lt3A_241 = arith.cmpi slt, %rem3A_238, %lt3A : i32
      %lt3A_242 = arith.constant 0 : i32
      %lt3A_243 = arith.cmpi slt, %select_n3A_237, %lt3A_242 : i32
      %ne3A_244 = arith.xori %lt3A_241, %lt3A_243 : i1
      %and3A_245 = arith.andi %ne3A_244, %ne3A_240 : i1
      %add3A_246 = arith.addi %rem3A_238, %select_n3A_237 : i32
      %select_n3A_247 = arith.select %and3A_245, %add3A_246, %rem3A_238 : i32
      %mul3A_248 = arith.constant 16 : i32
      %mul3A_249 = arith.muli %select_n3A_247, %mul3A_248 : i32
      %broadcast_in_dim3A = arith.constant 0.000000e+00 : f32
      %broadcast_in_dim3A_250 = vector.broadcast %broadcast_in_dim3A : f32 to vector<16xf32>
      %swap3A = arith.constant 0 : i32
      %swap3A_251 = arith.index_cast %swap3A : i32 to index
      %swap3A_252 = arith.index_cast %select_n3A : i32 to index
      %swap3A_253 = arith.index_cast %mul3A_249 : i32 to index
      %swap3A_254 = tpu.vector_load %arg8[%swap3A_251, %swap3A_252, %swap3A_253] {strides = array<i32>} : memref<5x48x128xf32, #tpu.memory_space<vmem>>, vector<1x1x16xf32>,
      %swap3A_255 = vector.shape_cast %swap3A_254 : vector<1x1x16xf32> to vector<16xf32>
      %swap3A_256 = vector.shape_cast %broadcast_in_dim3A_250 : vector<16xf32> to vector<1x1x16xf32>
      tpu.vector_store %arg8[%swap3A_251, %swap3A_252, %swap3A_253], %swap3A_256 {strides = array<i32>} : memref<5x48x128xf32, #tpu.memory_space<vmem>>, vector<1x1x16xf32>,
      %scan3A_257 = arith.constant 0 : i32
      scf.yield %scan3A_257 : i32
    }
    %scan3A_8 = arith.constant 384 : i32
    %mul3A_9 = arith.constant 640 : i32
    %mul3A_10 = arith.muli %arg1, %mul3A_9 : i32
    %scan3A_11 = arith.constant 0 : i32
    %scan3A_12 = arith.constant 0 : i32
    %scan3A_13 = arith.constant 20 : i32
    %scan3A_14 = arith.addi %scan3A_12, %scan3A_13 : i32
    %scan3A_15 = arith.constant 1 : i32
    %scan3A_16 = scf.for %scan3A_216 = %scan3A_12 to %scan3A_14 step %scan3A_15 iter_args(%scan3A_217 = %scan3A_11) -> (i32)  : i32 {
      %mul3A_218 = arith.constant 32 : i32
      %mul3A_219 = arith.muli %scan3A_216, %mul3A_218 : i32
      %add3A_220 = arith.addi %mul3A_10, %mul3A_219 : i32
      %dma_start3A_221 = arith.constant 0 : i32
      %dma_start3A_222 = arith.constant 0 : i32
      %dma_start3A_223 = arith.constant 0 : i32
      %dma_start3A_224 = tpu.memref_slice %arg8[%dma_start3A_221, %dma_start3A_222, %dma_start3A_223] : memref<5x48x128xf32, #tpu.memory_space<vmem>> -> memref<1x32x128xf32, #tpu.memory_space<vmem>>
      %dma_start3A_225 = tpu.memref_squeeze %dma_start3A_224 : memref<1x32x128xf32, #tpu.memory_space<vmem>> -> memref<32x128xf32, #tpu.memory_space<vmem>>
      %dma_start3A_226 = arith.constant 0 : i32
      %dma_start3A_227 = tpu.memref_slice %arg9[%add3A_220, %dma_start3A_226] : memref<10240x128xf32, #tpu.memory_space<vmem_shared>> -> memref<32x128xf32, #tpu.memory_space<vmem_shared>>
      %dma_start3A_228 = arith.constant 0 : i32
      %dma_start3A_229 = tpu.memref_slice %arg9[%add3A_220, %dma_start3A_228] : memref<10240x128xf32, #tpu.memory_space<vmem_shared>> -> memref<32x128xf32, #tpu.memory_space<vmem_shared>>
      %dma_start3A_230 = arith.constant 0 : i32
      %dma_start3A_231 = arith.constant 0 : i32
      %dma_start3A_232 = tpu.memref_slice %arg8[%dma_start3A_221, %dma_start3A_230, %dma_start3A_231] : memref<5x48x128xf32, #tpu.memory_space<vmem>> -> memref<1x32x128xf32, #tpu.memory_space<vmem>>
      %dma_start3A_233 = tpu.memref_squeeze %dma_start3A_232 : memref<1x32x128xf32, #tpu.memory_space<vmem>> -> memref<32x128xf32, #tpu.memory_space<vmem>>
      tpu.enqueue_dma source(%dma_start3A_233 : memref<32x128xf32, #tpu.memory_space<vmem>>) target(%dma_start3A_229 : memref<32x128xf32, #tpu.memory_space<vmem_shared>>) target_semaphore(%arg25 : memref<!tpu.dma_semaphore, #tpu.memory_space<semaphore_mem>>)
      %scan3A_234 = arith.constant 0 : i32
      scf.yield %scan3A_234 : i32
    }
    %scan3A_17 = arith.constant 20 : i32
    %add3A_18 = arith.constant 0 : i32
    %add3A_19 = arith.addi %mul3A_2, %add3A_18 : i32
    %dma_start3A = arith.constant 0 : i32
    %dma_start3A_20 = arith.constant 0 : i32
    %dma_start3A_21 = tpu.memref_slice %arg6[%dma_start3A, %dma_start3A_20] : memref<5x48xi32, #tpu.memory_space<vmem>> -> memref<1x48xi32, #tpu.memory_space<vmem>>
    %dma_start3A_22 = tpu.memref_squeeze %dma_start3A_21 : memref<1x48xi32, #tpu.memory_space<vmem>> -> memref<48xi32, #tpu.memory_space<vmem>>
    %dma_start3A_23 = tpu.memref_slice %arg3[%add3A_19] : memref<322560xi32, #tpu.memory_space<hbm>> -> memref<48xi32, #tpu.memory_space<hbm>>
    %dma_start3A_24 = arith.constant 0 : i32
    %dma_start3A_25 = tpu.memref_slice %arg6[%dma_start3A, %dma_start3A_24] : memref<5x48xi32, #tpu.memory_space<vmem>> -> memref<1x48xi32, #tpu.memory_space<vmem>>
    %dma_start3A_26 = tpu.memref_squeeze %dma_start3A_25 : memref<1x48xi32, #tpu.memory_space<vmem>> -> memref<48xi32, #tpu.memory_space<vmem>>
    %dma_start3A_27 = tpu.memref_slice %arg3[%add3A_19] : memref<322560xi32, #tpu.memory_space<hbm>> -> memref<48xi32, #tpu.memory_space<hbm>>
    tpu.enqueue_dma source(%dma_start3A_27 : memref<48xi32, #tpu.memory_space<hbm>>) target(%dma_start3A_26 : memref<48xi32, #tpu.memory_space<vmem>>) target_semaphore(%arg10 : memref<!tpu.dma_semaphore, #tpu.memory_space<semaphore_mem>>)
    %dma_start3A_28 = arith.constant 0 : i32
    %dma_start3A_29 = arith.constant 0 : i32
    %dma_start3A_30 = tpu.memref_slice %arg7[%dma_start3A_28, %dma_start3A_29] : memref<5x48xi32, #tpu.memory_space<vmem>> -> memref<1x48xi32, #tpu.memory_space<vmem>>
    %dma_start3A_31 = tpu.memref_squeeze %dma_start3A_30 : memref<1x48xi32, #tpu.memory_space<vmem>> -> memref<48xi32, #tpu.memory_space<vmem>>
    %dma_start3A_32 = tpu.memref_slice %arg4[%add3A_19] : memref<322560xi32, #tpu.memory_space<hbm>> -> memref<48xi32, #tpu.memory_space<hbm>>
    %dma_start3A_33 = arith.constant 0 : i32
    %dma_start3A_34 = tpu.memref_slice %arg7[%dma_start3A_28, %dma_start3A_33] : memref<5x48xi32, #tpu.memory_space<vmem>> -> memref<1x48xi32, #tpu.memory_space<vmem>>
    %dma_start3A_35 = tpu.memref_squeeze %dma_start3A_34 : memref<1x48xi32, #tpu.memory_space<vmem>> -> memref<48xi32, #tpu.memory_space<vmem>>
    %dma_start3A_36 = tpu.memref_slice %arg4[%add3A_19] : memref<322560xi32, #tpu.memory_space<hbm>> -> memref<48xi32, #tpu.memory_space<hbm>>
    tpu.enqueue_dma source(%dma_start3A_36 : memref<48xi32, #tpu.memory_space<hbm>>) target(%dma_start3A_35 : memref<48xi32, #tpu.memory_space<vmem>>) target_semaphore(%arg10 : memref<!tpu.dma_semaphore, #tpu.memory_space<semaphore_mem>>)
    %add3A_37 = arith.constant 48 : i32
    %add3A_38 = arith.addi %mul3A_2, %add3A_37 : i32
    %dma_start3A_39 = arith.constant 1 : i32
    %dma_start3A_40 = arith.constant 0 : i32
    %dma_start3A_41 = tpu.memref_slice %arg6[%dma_start3A_39, %dma_start3A_40] : memref<5x48xi32, #tpu.memory_space<vmem>> -> memref<1x48xi32, #tpu.memory_space<vmem>>
    %dma_start3A_42 = tpu.memref_squeeze %dma_start3A_41 : memref<1x48xi32, #tpu.memory_space<vmem>> -> memref<48xi32, #tpu.memory_space<vmem>>
    %dma_start3A_43 = tpu.memref_slice %arg3[%add3A_38] : memref<322560xi32, #tpu.memory_space<hbm>> -> memref<48xi32, #tpu.memory_space<hbm>>
    %dma_start3A_44 = arith.constant 0 : i32
    %dma_start3A_45 = tpu.memref_slice %arg6[%dma_start3A_39, %dma_start3A_44] : memref<5x48xi32, #tpu.memory_space<vmem>> -> memref<1x48xi32, #tpu.memory_space<vmem>>
    %dma_start3A_46 = tpu.memref_squeeze %dma_start3A_45 : memref<1x48xi32, #tpu.memory_space<vmem>> -> memref<48xi32, #tpu.memory_space<vmem>>
    %dma_start3A_47 = tpu.memref_slice %arg3[%add3A_38] : memref<322560xi32, #tpu.memory_space<hbm>> -> memref<48xi32, #tpu.memory_space<hbm>>
    tpu.enqueue_dma source(%dma_start3A_47 : memref<48xi32, #tpu.memory_space<hbm>>) target(%dma_start3A_46 : memref<48xi32, #tpu.memory_space<vmem>>) target_semaphore(%arg11 : memref<!tpu.dma_semaphore, #tpu.memory_space<semaphore_mem>>)
    %dma_start3A_48 = arith.constant 1 : i32
    %dma_start3A_49 = arith.constant 0 : i32
    %dma_start3A_50 = tpu.memref_slice %arg7[%dma_start3A_48, %dma_start3A_49] : memref<5x48xi32, #tpu.memory_space<vmem>> -> memref<1x48xi32, #tpu.memory_space<vmem>>
    %dma_start3A_51 = tpu.memref_squeeze %dma_start3A_50 : memref<1x48xi32, #tpu.memory_space<vmem>> -> memref<48xi32, #tpu.memory_space<vmem>>
    %dma_start3A_52 = tpu.memref_slice %arg4[%add3A_38] : memref<322560xi32, #tpu.memory_space<hbm>> -> memref<48xi32, #tpu.memory_space<hbm>>
    %dma_start3A_53 = arith.constant 0 : i32
    %dma_start3A_54 = tpu.memref_slice %arg7[%dma_start3A_48, %dma_start3A_53] : memref<5x48xi32, #tpu.memory_space<vmem>> -> memref<1x48xi32, #tpu.memory_space<vmem>>
    %dma_start3A_55 = tpu.memref_squeeze %dma_start3A_54 : memref<1x48xi32, #tpu.memory_space<vmem>> -> memref<48xi32, #tpu.memory_space<vmem>>
    %dma_start3A_56 = tpu.memref_slice %arg4[%add3A_38] : memref<322560xi32, #tpu.memory_space<hbm>> -> memref<48xi32, #tpu.memory_space<hbm>>
    tpu.enqueue_dma source(%dma_start3A_56 : memref<48xi32, #tpu.memory_space<hbm>>) target(%dma_start3A_55 : memref<48xi32, #tpu.memory_space<vmem>>) target_semaphore(%arg11 : memref<!tpu.dma_semaphore, #tpu.memory_space<semaphore_mem>>)
    %add3A_57 = arith.constant 96 : i32
    %add3A_58 = arith.addi %mul3A_2, %add3A_57 : i32
    %dma_start3A_59 = arith.constant 2 : i32
    %dma_start3A_60 = arith.constant 0 : i32
    %dma_start3A_61 = tpu.memref_slice %arg6[%dma_start3A_59, %dma_start3A_60] : memref<5x48xi32, #tpu.memory_space<vmem>> -> memref<1x48xi32, #tpu.memory_space<vmem>>
    %dma_start3A_62 = tpu.memref_squeeze %dma_start3A_61 : memref<1x48xi32, #tpu.memory_space<vmem>> -> memref<48xi32, #tpu.memory_space<vmem>>
    %dma_start3A_63 = tpu.memref_slice %arg3[%add3A_58] : memref<322560xi32, #tpu.memory_space<hbm>> -> memref<48xi32, #tpu.memory_space<hbm>>
    %dma_start3A_64 = arith.constant 0 : i32
    %dma_start3A_65 = tpu.memref_slice %arg6[%dma_start3A_59, %dma_start3A_64] : memref<5x48xi32, #tpu.memory_space<vmem>> -> memref<1x48xi32, #tpu.memory_space<vmem>>
    %dma_start3A_66 = tpu.memref_squeeze %dma_start3A_65 : memref<1x48xi32, #tpu.memory_space<vmem>> -> memref<48xi32, #tpu.memory_space<vmem>>
    %dma_start3A_67 = tpu.memref_slice %arg3[%add3A_58] : memref<322560xi32, #tpu.memory_space<hbm>> -> memref<48xi32, #tpu.memory_space<hbm>>
    tpu.enqueue_dma source(%dma_start3A_67 : memref<48xi32, #tpu.memory_space<hbm>>) target(%dma_start3A_66 : memref<48xi32, #tpu.memory_space<vmem>>) target_semaphore(%arg12 : memref<!tpu.dma_semaphore, #tpu.memory_space<semaphore_mem>>)
    %dma_start3A_68 = arith.constant 2 : i32
    %dma_start3A_69 = arith.constant 0 : i32
    %dma_start3A_70 = tpu.memref_slice %arg7[%dma_start3A_68, %dma_start3A_69] : memref<5x48xi32, #tpu.memory_space<vmem>> -> memref<1x48xi32, #tpu.memory_space<vmem>>
    %dma_start3A_71 = tpu.memref_squeeze %dma_start3A_70 : memref<1x48xi32, #tpu.memory_space<vmem>> -> memref<48xi32, #tpu.memory_space<vmem>>
    %dma_start3A_72 = tpu.memref_slice %arg4[%add3A_58] : memref<322560xi32, #tpu.memory_space<hbm>> -> memref<48xi32, #tpu.memory_space<hbm>>
    %dma_start3A_73 = arith.constant 0 : i32
    %dma_start3A_74 = tpu.memref_slice %arg7[%dma_start3A_68, %dma_start3A_73] : memref<5x48xi32, #tpu.memory_space<vmem>> -> memref<1x48xi32, #tpu.memory_space<vmem>>
    %dma_start3A_75 = tpu.memref_squeeze %dma_start3A_74 : memref<1x48xi32, #tpu.memory_space<vmem>> -> memref<48xi32, #tpu.memory_space<vmem>>
    %dma_start3A_76 = tpu.memref_slice %arg4[%add3A_58] : memref<322560xi32, #tpu.memory_space<hbm>> -> memref<48xi32, #tpu.memory_space<hbm>>
    tpu.enqueue_dma source(%dma_start3A_76 : memref<48xi32, #tpu.memory_space<hbm>>) target(%dma_start3A_75 : memref<48xi32, #tpu.memory_space<vmem>>) target_semaphore(%arg12 : memref<!tpu.dma_semaphore, #tpu.memory_space<semaphore_mem>>)
    %add3A_77 = arith.constant 144 : i32
    %add3A_78 = arith.addi %mul3A_2, %add3A_77 : i32
    %dma_start3A_79 = arith.constant 3 : i32
    %dma_start3A_80 = arith.constant 0 : i32
    %dma_start3A_81 = tpu.memref_slice %arg6[%dma_start3A_79, %dma_start3A_80] : memref<5x48xi32, #tpu.memory_space<vmem>> -> memref<1x48xi32, #tpu.memory_space<vmem>>
    %dma_start3A_82 = tpu.memref_squeeze %dma_start3A_81 : memref<1x48xi32, #tpu.memory_space<vmem>> -> memref<48xi32, #tpu.memory_space<vmem>>
    %dma_start3A_83 = tpu.memref_slice %arg3[%add3A_78] : memref<322560xi32, #tpu.memory_space<hbm>> -> memref<48xi32, #tpu.memory_space<hbm>>
    %dma_start3A_84 = arith.constant 0 : i32
    %dma_start3A_85 = tpu.memref_slice %arg6[%dma_start3A_79, %dma_start3A_84] : memref<5x48xi32, #tpu.memory_space<vmem>> -> memref<1x48xi32, #tpu.memory_space<vmem>>
    %dma_start3A_86 = tpu.memref_squeeze %dma_start3A_85 : memref<1x48xi32, #tpu.memory_space<vmem>> -> memref<48xi32, #tpu.memory_space<vmem>>
    %dma_start3A_87 = tpu.memref_slice %arg3[%add3A_78] : memref<322560xi32, #tpu.memory_space<hbm>> -> memref<48xi32, #tpu.memory_space<hbm>>
    tpu.enqueue_dma source(%dma_start3A_87 : memref<48xi32, #tpu.memory_space<hbm>>) target(%dma_start3A_86 : memref<48xi32, #tpu.memory_space<vmem>>) target_semaphore(%arg13 : memref<!tpu.dma_semaphore, #tpu.memory_space<semaphore_mem>>)
    %dma_start3A_88 = arith.constant 3 : i32
    %dma_start3A_89 = arith.constant 0 : i32
    %dma_start3A_90 = tpu.memref_slice %arg7[%dma_start3A_88, %dma_start3A_89] : memref<5x48xi32, #tpu.memory_space<vmem>> -> memref<1x48xi32, #tpu.memory_space<vmem>>
    %dma_start3A_91 = tpu.memref_squeeze %dma_start3A_90 : memref<1x48xi32, #tpu.memory_space<vmem>> -> memref<48xi32, #tpu.memory_space<vmem>>
    %dma_start3A_92 = tpu.memref_slice %arg4[%add3A_78] : memref<322560xi32, #tpu.memory_space<hbm>> -> memref<48xi32, #tpu.memory_space<hbm>>
    %dma_start3A_93 = arith.constant 0 : i32
    %dma_start3A_94 = tpu.memref_slice %arg7[%dma_start3A_88, %dma_start3A_93] : memref<5x48xi32, #tpu.memory_space<vmem>> -> memref<1x48xi32, #tpu.memory_space<vmem>>
    %dma_start3A_95 = tpu.memref_squeeze %dma_start3A_94 : memref<1x48xi32, #tpu.memory_space<vmem>> -> memref<48xi32, #tpu.memory_space<vmem>>
    %dma_start3A_96 = tpu.memref_slice %arg4[%add3A_78] : memref<322560xi32, #tpu.memory_space<hbm>> -> memref<48xi32, #tpu.memory_space<hbm>>
    tpu.enqueue_dma source(%dma_start3A_96 : memref<48xi32, #tpu.memory_space<hbm>>) target(%dma_start3A_95 : memref<48xi32, #tpu.memory_space<vmem>>) target_semaphore(%arg13 : memref<!tpu.dma_semaphore, #tpu.memory_space<semaphore_mem>>)
    %scan3A_97 = arith.constant 0 : i32
    %scan3A_98 = arith.constant 0 : i32
    %scan3A_99 = arith.constant 20 : i32
    %scan3A_100 = arith.addi %scan3A_98, %scan3A_99 : i32
    %scan3A_101 = arith.constant 1 : i32
    %scan3A_102 = scf.for %scan3A_216 = %scan3A_98 to %scan3A_100 step %scan3A_101 iter_args(%scan3A_217 = %scan3A_97) -> (i32)  : i32 {
      %mul3A_218 = arith.constant 32 : i32
      %mul3A_219 = arith.muli %scan3A_216, %mul3A_218 : i32
      %add3A_220 = arith.addi %mul3A_10, %mul3A_219 : i32
      %dma_wait3A_221 = arith.constant 0 : i32
      %dma_wait3A_222 = arith.constant 0 : i32
      %dma_wait3A_223 = arith.constant 0 : i32
      %dma_wait3A_224 = tpu.memref_slice %arg8[%dma_wait3A_221, %dma_wait3A_222, %dma_wait3A_223] : memref<5x48x128xf32, #tpu.memory_space<vmem>> -> memref<1x32x128xf32, #tpu.memory_space<vmem>>
      %dma_wait3A_225 = tpu.memref_squeeze %dma_wait3A_224 : memref<1x32x128xf32, #tpu.memory_space<vmem>> -> memref<32x128xf32, #tpu.memory_space<vmem>>
      %dma_wait3A_226 = arith.constant 0 : i32
      %dma_wait3A_227 = tpu.memref_slice %arg9[%add3A_220, %dma_wait3A_226] : memref<10240x128xf32, #tpu.memory_space<vmem_shared>> -> memref<32x128xf32, #tpu.memory_space<vmem_shared>>
      %dma_wait3A_228 = arith.constant 0 : i32
      %dma_wait3A_229 = tpu.memref_slice %arg9[%add3A_220, %dma_wait3A_228] : memref<10240x128xf32, #tpu.memory_space<vmem_shared>> -> memref<32x128xf32, #tpu.memory_space<vmem_shared>>
      %dma_wait3A_230 = arith.constant 0 : i32
      %dma_wait3A_231 = arith.constant 0 : i32
      %dma_wait3A_232 = tpu.memref_slice %arg8[%dma_wait3A_221, %dma_wait3A_230, %dma_wait3A_231] : memref<5x48x128xf32, #tpu.memory_space<vmem>> -> memref<1x32x128xf32, #tpu.memory_space<vmem>>
      %dma_wait3A_233 = tpu.memref_squeeze %dma_wait3A_232 : memref<1x32x128xf32, #tpu.memory_space<vmem>> -> memref<32x128xf32, #tpu.memory_space<vmem>>
      tpu.wait_dma2 semaphore(%arg25 : memref<!tpu.dma_semaphore, #tpu.memory_space<semaphore_mem>>) src(%dma_wait3A_233 : memref<32x128xf32, #tpu.memory_space<vmem>>) dst(%dma_wait3A_229 : memref<32x128xf32, #tpu.memory_space<vmem_shared>>)
      %scan3A_234 = arith.constant 0 : i32
      scf.yield %scan3A_234 : i32
    }
    %scan3A_103 = arith.constant 20 : i32
    %add3A_104 = arith.constant 0 : i32
    %add3A_105 = arith.addi %mul3A_2, %add3A_104 : i32
    %dma_wait3A = arith.constant 0 : i32
    %dma_wait3A_106 = arith.constant 0 : i32
    %dma_wait3A_107 = tpu.memref_slice %arg6[%dma_wait3A, %dma_wait3A_106] : memref<5x48xi32, #tpu.memory_space<vmem>> -> memref<1x48xi32, #tpu.memory_space<vmem>>
    %dma_wait3A_108 = tpu.memref_squeeze %dma_wait3A_107 : memref<1x48xi32, #tpu.memory_space<vmem>> -> memref<48xi32, #tpu.memory_space<vmem>>
    %dma_wait3A_109 = tpu.memref_slice %arg3[%add3A_105] : memref<322560xi32, #tpu.memory_space<hbm>> -> memref<48xi32, #tpu.memory_space<hbm>>
    %dma_wait3A_110 = arith.constant 0 : i32
    %dma_wait3A_111 = tpu.memref_slice %arg6[%dma_wait3A, %dma_wait3A_110] : memref<5x48xi32, #tpu.memory_space<vmem>> -> memref<1x48xi32, #tpu.memory_space<vmem>>
    %dma_wait3A_112 = tpu.memref_squeeze %dma_wait3A_111 : memref<1x48xi32, #tpu.memory_space<vmem>> -> memref<48xi32, #tpu.memory_space<vmem>>
    %dma_wait3A_113 = tpu.memref_slice %arg3[%add3A_105] : memref<322560xi32, #tpu.memory_space<hbm>> -> memref<48xi32, #tpu.memory_space<hbm>>
    tpu.wait_dma2 semaphore(%arg10 : memref<!tpu.dma_semaphore, #tpu.memory_space<semaphore_mem>>) src(%dma_wait3A_113 : memref<48xi32, #tpu.memory_space<hbm>>) dst(%dma_wait3A_112 : memref<48xi32, #tpu.memory_space<vmem>>)
    %dma_wait3A_114 = arith.constant 0 : i32
    %dma_wait3A_115 = arith.constant 0 : i32
    %dma_wait3A_116 = tpu.memref_slice %arg7[%dma_wait3A_114, %dma_wait3A_115] : memref<5x48xi32, #tpu.memory_space<vmem>> -> memref<1x48xi32, #tpu.memory_space<vmem>>
    %dma_wait3A_117 = tpu.memref_squeeze %dma_wait3A_116 : memref<1x48xi32, #tpu.memory_space<vmem>> -> memref<48xi32, #tpu.memory_space<vmem>>
    %dma_wait3A_118 = tpu.memref_slice %arg4[%add3A_105] : memref<322560xi32, #tpu.memory_space<hbm>> -> memref<48xi32, #tpu.memory_space<hbm>>
    %dma_wait3A_119 = arith.constant 0 : i32
    %dma_wait3A_120 = tpu.memref_slice %arg7[%dma_wait3A_114, %dma_wait3A_119] : memref<5x48xi32, #tpu.memory_space<vmem>> -> memref<1x48xi32, #tpu.memory_space<vmem>>
    %dma_wait3A_121 = tpu.memref_squeeze %dma_wait3A_120 : memref<1x48xi32, #tpu.memory_space<vmem>> -> memref<48xi32, #tpu.memory_space<vmem>>
    %dma_wait3A_122 = tpu.memref_slice %arg4[%add3A_105] : memref<322560xi32, #tpu.memory_space<hbm>> -> memref<48xi32, #tpu.memory_space<hbm>>
    tpu.wait_dma2 semaphore(%arg10 : memref<!tpu.dma_semaphore, #tpu.memory_space<semaphore_mem>>) src(%dma_wait3A_122 : memref<48xi32, #tpu.memory_space<hbm>>) dst(%dma_wait3A_121 : memref<48xi32, #tpu.memory_space<vmem>>)
    %dma_start3A_123 = arith.constant 0 : i32
    %dma_start3A_124 = arith.constant 0 : i32
    %dma_start3A_125 = arith.constant 0 : i32
    %dma_start3A_126 = arith.constant 0 : i32
    %dma_start3A_127 = tpu.memref_slice %arg8[%dma_start3A_124, %dma_start3A_125, %dma_start3A_126] : memref<5x48x128xf32, #tpu.memory_space<vmem>> -> memref<1x48x128xf32, #tpu.memory_space<vmem>>
    %dma_start3A_128 = tpu.memref_squeeze %dma_start3A_127 : memref<1x48x128xf32, #tpu.memory_space<vmem>> -> memref<48x128xf32, #tpu.memory_space<vmem>>
    %dma_start3A_129 = arith.constant 0 : i32
    %dma_start3A_130 = tpu.memref_slice %arg6[%dma_start3A_123, %dma_start3A_129] : memref<5x48xi32, #tpu.memory_space<vmem>> -> memref<1x48xi32, #tpu.memory_space<vmem>>
    %dma_start3A_131 = tpu.memref_squeeze %dma_start3A_130 : memref<1x48xi32, #tpu.memory_space<vmem>> -> memref<48xi32, #tpu.memory_space<vmem>>
    %dma_start3A_132 = arith.constant 0 : i32
    %dma_start3A_133 = arith.constant 0 : i32
    %dma_start3A_134 = tpu.memref_slice %arg2[%dma_start3A_132, %dma_start3A_133] : memref<10000x128xf32, #tpu.memory_space<hbm>> -> memref<10000x128xf32, #tpu.memory_space<hbm>>
    tpu.enqueue_indirect_dma source(%dma_start3A_134 : memref<10000x128xf32, #tpu.memory_space<hbm>>) target(%dma_start3A_128 : memref<48x128xf32, #tpu.memory_space<vmem>>) offsets(%dma_start3A_131 : memref<48xi32, #tpu.memory_space<vmem>>) semaphore(%arg15 : memref<!tpu.dma_semaphore, #tpu.memory_space<semaphore_mem>>)
    %add3A_135 = arith.constant 48 : i32
    %add3A_136 = arith.addi %mul3A_2, %add3A_135 : i32
    %dma_wait3A_137 = arith.constant 1 : i32
    %dma_wait3A_138 = arith.constant 0 : i32
    %dma_wait3A_139 = tpu.memref_slice %arg6[%dma_wait3A_137, %dma_wait3A_138] : memref<5x48xi32, #tpu.memory_space<vmem>> -> memref<1x48xi32, #tpu.memory_space<vmem>>
    %dma_wait3A_140 = tpu.memref_squeeze %dma_wait3A_139 : memref<1x48xi32, #tpu.memory_space<vmem>> -> memref<48xi32, #tpu.memory_space<vmem>>
    %dma_wait3A_141 = tpu.memref_slice %arg3[%add3A_136] : memref<322560xi32, #tpu.memory_space<hbm>> -> memref<48xi32, #tpu.memory_space<hbm>>
    %dma_wait3A_142 = arith.constant 0 : i32
    %dma_wait3A_143 = tpu.memref_slice %arg6[%dma_wait3A_137, %dma_wait3A_142] : memref<5x48xi32, #tpu.memory_space<vmem>> -> memref<1x48xi32, #tpu.memory_space<vmem>>
    %dma_wait3A_144 = tpu.memref_squeeze %dma_wait3A_143 : memref<1x48xi32, #tpu.memory_space<vmem>> -> memref<48xi32, #tpu.memory_space<vmem>>
    %dma_wait3A_145 = tpu.memref_slice %arg3[%add3A_136] : memref<322560xi32, #tpu.memory_space<hbm>> -> memref<48xi32, #tpu.memory_space<hbm>>
    tpu.wait_dma2 semaphore(%arg11 : memref<!tpu.dma_semaphore, #tpu.memory_space<semaphore_mem>>) src(%dma_wait3A_145 : memref<48xi32, #tpu.memory_space<hbm>>) dst(%dma_wait3A_144 : memref<48xi32, #tpu.memory_space<vmem>>)
    %dma_wait3A_146 = arith.constant 1 : i32
    %dma_wait3A_147 = arith.constant 0 : i32
    %dma_wait3A_148 = tpu.memref_slice %arg7[%dma_wait3A_146, %dma_wait3A_147] : memref<5x48xi32, #tpu.memory_space<vmem>> -> memref<1x48xi32, #tpu.memory_space<vmem>>
    %dma_wait3A_149 = tpu.memref_squeeze %dma_wait3A_148 : memref<1x48xi32, #tpu.memory_space<vmem>> -> memref<48xi32, #tpu.memory_space<vmem>>
    %dma_wait3A_150 = tpu.memref_slice %arg4[%add3A_136] : memref<322560xi32, #tpu.memory_space<hbm>> -> memref<48xi32, #tpu.memory_space<hbm>>
    %dma_wait3A_151 = arith.constant 0 : i32
    %dma_wait3A_152 = tpu.memref_slice %arg7[%dma_wait3A_146, %dma_wait3A_151] : memref<5x48xi32, #tpu.memory_space<vmem>> -> memref<1x48xi32, #tpu.memory_space<vmem>>
    %dma_wait3A_153 = tpu.memref_squeeze %dma_wait3A_152 : memref<1x48xi32, #tpu.memory_space<vmem>> -> memref<48xi32, #tpu.memory_space<vmem>>
    %dma_wait3A_154 = tpu.memref_slice %arg4[%add3A_136] : memref<322560xi32, #tpu.memory_space<hbm>> -> memref<48xi32, #tpu.memory_space<hbm>>
    tpu.wait_dma2 semaphore(%arg11 : memref<!tpu.dma_semaphore, #tpu.memory_space<semaphore_mem>>) src(%dma_wait3A_154 : memref<48xi32, #tpu.memory_space<hbm>>) dst(%dma_wait3A_153 : memref<48xi32, #tpu.memory_space<vmem>>)
    %dma_start3A_155 = arith.constant 1 : i32
    %dma_start3A_156 = arith.constant 1 : i32
    %dma_start3A_157 = arith.constant 0 : i32
    %dma_start3A_158 = arith.constant 0 : i32
    %dma_start3A_159 = tpu.memref_slice %arg8[%dma_start3A_156, %dma_start3A_157, %dma_start3A_158] : memref<5x48x128xf32, #tpu.memory_space<vmem>> -> memref<1x48x128xf32, #tpu.memory_space<vmem>>
    %dma_start3A_160 = tpu.memref_squeeze %dma_start3A_159 : memref<1x48x128xf32, #tpu.memory_space<vmem>> -> memref<48x128xf32, #tpu.memory_space<vmem>>
    %dma_start3A_161 = arith.constant 0 : i32
    %dma_start3A_162 = tpu.memref_slice %arg6[%dma_start3A_155, %dma_start3A_161] : memref<5x48xi32, #tpu.memory_space<vmem>> -> memref<1x48xi32, #tpu.memory_space<vmem>>
    %dma_start3A_163 = tpu.memref_squeeze %dma_start3A_162 : memref<1x48xi32, #tpu.memory_space<vmem>> -> memref<48xi32, #tpu.memory_space<vmem>>
    %dma_start3A_164 = arith.constant 0 : i32
    %dma_start3A_165 = arith.constant 0 : i32
    %dma_start3A_166 = tpu.memref_slice %arg2[%dma_start3A_164, %dma_start3A_165] : memref<10000x128xf32, #tpu.memory_space<hbm>> -> memref<10000x128xf32, #tpu.memory_space<hbm>>
    tpu.enqueue_indirect_dma source(%dma_start3A_166 : memref<10000x128xf32, #tpu.memory_space<hbm>>) target(%dma_start3A_160 : memref<48x128xf32, #tpu.memory_space<vmem>>) offsets(%dma_start3A_163 : memref<48xi32, #tpu.memory_space<vmem>>) semaphore(%arg16 : memref<!tpu.dma_semaphore, #tpu.memory_space<semaphore_mem>>)
    %barrier3A = arith.constant 0 : index
    tpu.barrier barrier_id(%barrier3A)
    %scan3A_167 = arith.constant 0 : i32
    %scan3A_168 = arith.constant 0 : i32
    %scan3A_169 = arith.constant 42 : i32
    %scan3A_170 = arith.addi %scan3A_168, %scan3A_169 : i32
    %scan3A_171 = arith.constant 1 : i32
    %scan3A_172 = scf.for %scan3A_216 = %scan3A_168 to %scan3A_170 step %scan3A_171 iter_args(%scan3A_217 = %scan3A_167) -> (i32)  : i32 {
      %mul3A_218 = arith.constant 5 : i32
      %mul3A_219 = arith.muli %scan3A_216, %mul3A_218 : i32
      %add3A_220 = arith.constant 0 : i32
      %add3A_221 = arith.addi %mul3A_219, %add3A_220 : i32
      %add3A_222 = arith.constant 4 : i32
      %add3A_223 = arith.addi %add3A_221, %add3A_222 : i32
      %lt3A = arith.constant 210 : i32
      %lt3A_224 = arith.cmpi slt, %add3A_223, %lt3A : i32
      %convert_element_type3A = arith.extui %lt3A_224 : i1 to i32
      %cond3A = arith.constant 0 : i32
      %cond3A_225 = arith.cmpi ne, %convert_element_type3A, %cond3A : i32
      scf.if %cond3A_225 {
        %add3A_450 = arith.constant 4 : i32
        %add3A_451 = arith.addi %add3A_221, %add3A_450 : i32
        %mul3A_452 = arith.constant 48 : i32
        %mul3A_453 = arith.muli %add3A_451, %mul3A_452 : i32
        %add3A_454 = arith.addi %mul3A_2, %mul3A_453 : i32
        %dma_start3A_455 = arith.constant 4 : i32
        %dma_start3A_456 = arith.constant 0 : i32
        %dma_start3A_457 = tpu.memref_slice %arg6[%dma_start3A_455, %dma_start3A_456] : memref<5x48xi32, #tpu.memory_space<vmem>> -> memref<1x48xi32, #tpu.memory_space<vmem>>
        %dma_start3A_458 = tpu.memref_squeeze %dma_start3A_457 : memref<1x48xi32, #tpu.memory_space<vmem>> -> memref<48xi32, #tpu.memory_space<vmem>>
        %dma_start3A_459 = tpu.memref_slice %arg3[%add3A_454] : memref<322560xi32, #tpu.memory_space<hbm>> -> memref<48xi32, #tpu.memory_space<hbm>>
        %dma_start3A_460 = arith.constant 0 : i32
        %dma_start3A_461 = tpu.memref_slice %arg6[%dma_start3A_455, %dma_start3A_460] : memref<5x48xi32, #tpu.memory_space<vmem>> -> memref<1x48xi32, #tpu.memory_space<vmem>>
        %dma_start3A_462 = tpu.memref_squeeze %dma_start3A_461 : memref<1x48xi32, #tpu.memory_space<vmem>> -> memref<48xi32, #tpu.memory_space<vmem>>
        %dma_start3A_463 = tpu.memref_slice %arg3[%add3A_454] : memref<322560xi32, #tpu.memory_space<hbm>> -> memref<48xi32, #tpu.memory_space<hbm>>
        tpu.enqueue_dma source(%dma_start3A_463 : memref<48xi32, #tpu.memory_space<hbm>>) target(%dma_start3A_462 : memref<48xi32, #tpu.memory_space<vmem>>) target_semaphore(%arg14 : memref<!tpu.dma_semaphore, #tpu.memory_space<semaphore_mem>>)
        %dma_start3A_464 = arith.constant 4 : i32
        %dma_start3A_465 = arith.constant 0 : i32
        %dma_start3A_466 = tpu.memref_slice %arg7[%dma_start3A_464, %dma_start3A_465] : memref<5x48xi32, #tpu.memory_space<vmem>> -> memref<1x48xi32, #tpu.memory_space<vmem>>
        %dma_start3A_467 = tpu.memref_squeeze %dma_start3A_466 : memref<1x48xi32, #tpu.memory_space<vmem>> -> memref<48xi32, #tpu.memory_space<vmem>>
        %dma_start3A_468 = tpu.memref_slice %arg4[%add3A_454] : memref<322560xi32, #tpu.memory_space<hbm>> -> memref<48xi32, #tpu.memory_space<hbm>>
        %dma_start3A_469 = arith.constant 0 : i32
        %dma_start3A_470 = tpu.memref_slice %arg7[%dma_start3A_464, %dma_start3A_469] : memref<5x48xi32, #tpu.memory_space<vmem>> -> memref<1x48xi32, #tpu.memory_space<vmem>>
        %dma_start3A_471 = tpu.memref_squeeze %dma_start3A_470 : memref<1x48xi32, #tpu.memory_space<vmem>> -> memref<48xi32, #tpu.memory_space<vmem>>
        %dma_start3A_472 = tpu.memref_slice %arg4[%add3A_454] : memref<322560xi32, #tpu.memory_space<hbm>> -> memref<48xi32, #tpu.memory_space<hbm>>
        tpu.enqueue_dma source(%dma_start3A_472 : memref<48xi32, #tpu.memory_space<hbm>>) target(%dma_start3A_471 : memref<48xi32, #tpu.memory_space<vmem>>) target_semaphore(%arg14 : memref<!tpu.dma_semaphore, #tpu.memory_space<semaphore_mem>>)
      } else {
      }
      %ge3A = arith.constant 3 : i32
      %ge3A_226 = arith.cmpi sge, %add3A_221, %ge3A : i32
      %convert_element_type3A_227 = arith.extui %ge3A_226 : i1 to i32
      %cond3A_228 = arith.constant 0 : i32
      %cond3A_229 = arith.cmpi ne, %convert_element_type3A_227, %cond3A_228 : i32
      scf.if %cond3A_229 {
        %dma_wait3A_450 = arith.constant 2 : i32
        %dma_wait3A_451 = arith.constant 2 : i32
        %dma_wait3A_452 = arith.constant 0 : i32
        %dma_wait3A_453 = arith.constant 0 : i32
        %dma_wait3A_454 = tpu.memref_slice %arg8[%dma_wait3A_450, %dma_wait3A_452, %dma_wait3A_453] : memref<5x48x128xf32, #tpu.memory_space<vmem>> -> memref<1x48x128xf32, #tpu.memory_space<vmem>>
        %dma_wait3A_455 = tpu.memref_squeeze %dma_wait3A_454 : memref<1x48x128xf32, #tpu.memory_space<vmem>> -> memref<48x128xf32, #tpu.memory_space<vmem>>
        %dma_wait3A_456 = arith.constant 0 : i32
        %dma_wait3A_457 = tpu.memref_slice %arg7[%dma_wait3A_451, %dma_wait3A_456] : memref<5x48xi32, #tpu.memory_space<vmem>> -> memref<1x48xi32, #tpu.memory_space<vmem>>
        %dma_wait3A_458 = tpu.memref_squeeze %dma_wait3A_457 : memref<1x48xi32, #tpu.memory_space<vmem>> -> memref<48xi32, #tpu.memory_space<vmem>>
        %dma_wait3A_459 = arith.constant 0 : i32
        %dma_wait3A_460 = arith.constant 0 : i32
        %dma_wait3A_461 = tpu.memref_slice %arg9[%dma_wait3A_459, %dma_wait3A_460] : memref<10240x128xf32, #tpu.memory_space<vmem_shared>> -> memref<10240x128xf32, #tpu.memory_space<vmem_shared>>
        tpu.wait_indirect_dma semaphore(%arg22 : memref<!tpu.dma_semaphore, #tpu.memory_space<semaphore_mem>>) src(%dma_wait3A_455 : memref<48x128xf32, #tpu.memory_space<vmem>>) dst(%dma_wait3A_461 : memref<10240x128xf32, #tpu.memory_space<vmem_shared>>)
      } else {
      }
      %add3A_230 = arith.constant 2 : i32
      %add3A_231 = arith.addi %add3A_221, %add3A_230 : i32
      %lt3A_232 = arith.constant 210 : i32
      %lt3A_233 = arith.cmpi slt, %add3A_231, %lt3A_232 : i32
      %convert_element_type3A_234 = arith.extui %lt3A_233 : i1 to i32
      %cond3A_235 = arith.constant 0 : i32
      %cond3A_236 = arith.cmpi ne, %convert_element_type3A_234, %cond3A_235 : i32
      scf.if %cond3A_236 {
        %add3A_450 = arith.constant 2 : i32
        %add3A_451 = arith.addi %add3A_221, %add3A_450 : i32
        %mul3A_452 = arith.constant 48 : i32
        %mul3A_453 = arith.muli %add3A_451, %mul3A_452 : i32
        %add3A_454 = arith.addi %mul3A_2, %mul3A_453 : i32
        %dma_wait3A_455 = arith.constant 2 : i32
        %dma_wait3A_456 = arith.constant 0 : i32
        %dma_wait3A_457 = tpu.memref_slice %arg6[%dma_wait3A_455, %dma_wait3A_456] : memref<5x48xi32, #tpu.memory_space<vmem>> -> memref<1x48xi32, #tpu.memory_space<vmem>>
        %dma_wait3A_458 = tpu.memref_squeeze %dma_wait3A_457 : memref<1x48xi32, #tpu.memory_space<vmem>> -> memref<48xi32, #tpu.memory_space<vmem>>
        %dma_wait3A_459 = tpu.memref_slice %arg3[%add3A_454] : memref<322560xi32, #tpu.memory_space<hbm>> -> memref<48xi32, #tpu.memory_space<hbm>>
        %dma_wait3A_460 = arith.constant 0 : i32
        %dma_wait3A_461 = tpu.memref_slice %arg6[%dma_wait3A_455, %dma_wait3A_460] : memref<5x48xi32, #tpu.memory_space<vmem>> -> memref<1x48xi32, #tpu.memory_space<vmem>>
        %dma_wait3A_462 = tpu.memref_squeeze %dma_wait3A_461 : memref<1x48xi32, #tpu.memory_space<vmem>> -> memref<48xi32, #tpu.memory_space<vmem>>
        %dma_wait3A_463 = tpu.memref_slice %arg3[%add3A_454] : memref<322560xi32, #tpu.memory_space<hbm>> -> memref<48xi32, #tpu.memory_space<hbm>>
        tpu.wait_dma2 semaphore(%arg12 : memref<!tpu.dma_semaphore, #tpu.memory_space<semaphore_mem>>) src(%dma_wait3A_463 : memref<48xi32, #tpu.memory_space<hbm>>) dst(%dma_wait3A_462 : memref<48xi32, #tpu.memory_space<vmem>>)
        %dma_wait3A_464 = arith.constant 2 : i32
        %dma_wait3A_465 = arith.constant 0 : i32
        %dma_wait3A_466 = tpu.memref_slice %arg7[%dma_wait3A_464, %dma_wait3A_465] : memref<5x48xi32, #tpu.memory_space<vmem>> -> memref<1x48xi32, #tpu.memory_space<vmem>>
        %dma_wait3A_467 = tpu.memref_squeeze %dma_wait3A_466 : memref<1x48xi32, #tpu.memory_space<vmem>> -> memref<48xi32, #tpu.memory_space<vmem>>
        %dma_wait3A_468 = tpu.memref_slice %arg4[%add3A_454] : memref<322560xi32, #tpu.memory_space<hbm>> -> memref<48xi32, #tpu.memory_space<hbm>>
        %dma_wait3A_469 = arith.constant 0 : i32
        %dma_wait3A_470 = tpu.memref_slice %arg7[%dma_wait3A_464, %dma_wait3A_469] : memref<5x48xi32, #tpu.memory_space<vmem>> -> memref<1x48xi32, #tpu.memory_space<vmem>>
        %dma_wait3A_471 = tpu.memref_squeeze %dma_wait3A_470 : memref<1x48xi32, #tpu.memory_space<vmem>> -> memref<48xi32, #tpu.memory_space<vmem>>
        %dma_wait3A_472 = tpu.memref_slice %arg4[%add3A_454] : memref<322560xi32, #tpu.memory_space<hbm>> -> memref<48xi32, #tpu.memory_space<hbm>>
        tpu.wait_dma2 semaphore(%arg12 : memref<!tpu.dma_semaphore, #tpu.memory_space<semaphore_mem>>) src(%dma_wait3A_472 : memref<48xi32, #tpu.memory_space<hbm>>) dst(%dma_wait3A_471 : memref<48xi32, #tpu.memory_space<vmem>>)
        %dma_start3A_473 = arith.constant 2 : i32
        %dma_start3A_474 = arith.constant 2 : i32
        %dma_start3A_475 = arith.constant 0 : i32
        %dma_start3A_476 = arith.constant 0 : i32
        %dma_start3A_477 = tpu.memref_slice %arg8[%dma_start3A_474, %dma_start3A_475, %dma_start3A_476] : memref<5x48x128xf32, #tpu.memory_space<vmem>> -> memref<1x48x128xf32, #tpu.memory_space<vmem>>
        %dma_start3A_478 = tpu.memref_squeeze %dma_start3A_477 : memref<1x48x128xf32, #tpu.memory_space<vmem>> -> memref<48x128xf32, #tpu.memory_space<vmem>>
        %dma_start3A_479 = arith.constant 0 : i32
        %dma_start3A_480 = tpu.memref_slice %arg6[%dma_start3A_473, %dma_start3A_479] : memref<5x48xi32, #tpu.memory_space<vmem>> -> memref<1x48xi32, #tpu.memory_space<vmem>>
        %dma_start3A_481 = tpu.memref_squeeze %dma_start3A_480 : memref<1x48xi32, #tpu.memory_space<vmem>> -> memref<48xi32, #tpu.memory_space<vmem>>
        %dma_start3A_482 = arith.constant 0 : i32
        %dma_start3A_483 = arith.constant 0 : i32
        %dma_start3A_484 = tpu.memref_slice %arg2[%dma_start3A_482, %dma_start3A_483] : memref<10000x128xf32, #tpu.memory_space<hbm>> -> memref<10000x128xf32, #tpu.memory_space<hbm>>
        tpu.enqueue_indirect_dma source(%dma_start3A_484 : memref<10000x128xf32, #tpu.memory_space<hbm>>) target(%dma_start3A_478 : memref<48x128xf32, #tpu.memory_space<vmem>>) offsets(%dma_start3A_481 : memref<48xi32, #tpu.memory_space<vmem>>) semaphore(%arg17 : memref<!tpu.dma_semaphore, #tpu.memory_space<semaphore_mem>>)
      } else {
      }
      %dma_wait3A_237 = arith.constant 0 : i32
      %dma_wait3A_238 = arith.constant 0 : i32
      %dma_wait3A_239 = arith.constant 0 : i32
      %dma_wait3A_240 = arith.constant 0 : i32
      %dma_wait3A_241 = tpu.memref_slice %arg8[%dma_wait3A_238, %dma_wait3A_239, %dma_wait3A_240] : memref<5x48x128xf32, #tpu.memory_space<vmem>> -> memref<1x48x128xf32, #tpu.memory_space<vmem>>
      %dma_wait3A_242 = tpu.memref_squeeze %dma_wait3A_241 : memref<1x48x128xf32, #tpu.memory_space<vmem>> -> memref<48x128xf32, #tpu.memory_space<vmem>>
      %dma_wait3A_243 = arith.constant 0 : i32
      %dma_wait3A_244 = tpu.memref_slice %arg6[%dma_wait3A_237, %dma_wait3A_243] : memref<5x48xi32, #tpu.memory_space<vmem>> -> memref<1x48xi32, #tpu.memory_space<vmem>>
      %dma_wait3A_245 = tpu.memref_squeeze %dma_wait3A_244 : memref<1x48xi32, #tpu.memory_space<vmem>> -> memref<48xi32, #tpu.memory_space<vmem>>
      %dma_wait3A_246 = arith.constant 0 : i32
      %dma_wait3A_247 = arith.constant 0 : i32
      %dma_wait3A_248 = tpu.memref_slice %arg2[%dma_wait3A_246, %dma_wait3A_247] : memref<10000x128xf32, #tpu.memory_space<hbm>> -> memref<10000x128xf32, #tpu.memory_space<hbm>>
      tpu.wait_indirect_dma semaphore(%arg15 : memref<!tpu.dma_semaphore, #tpu.memory_space<semaphore_mem>>) src(%dma_wait3A_248 : memref<10000x128xf32, #tpu.memory_space<hbm>>) dst(%dma_wait3A_242 : memref<48x128xf32, #tpu.memory_space<vmem>>)
      %dma_start3A_249 = arith.constant 0 : i32
      %dma_start3A_250 = arith.constant 0 : i32
      %dma_start3A_251 = arith.constant 0 : i32
      %dma_start3A_252 = arith.constant 0 : i32
      %dma_start3A_253 = tpu.memref_slice %arg8[%dma_start3A_249, %dma_start3A_251, %dma_start3A_252] : memref<5x48x128xf32, #tpu.memory_space<vmem>> -> memref<1x48x128xf32, #tpu.memory_space<vmem>>
      %dma_start3A_254 = tpu.memref_squeeze %dma_start3A_253 : memref<1x48x128xf32, #tpu.memory_space<vmem>> -> memref<48x128xf32, #tpu.memory_space<vmem>>
      %dma_start3A_255 = arith.constant 0 : i32
      %dma_start3A_256 = tpu.memref_slice %arg7[%dma_start3A_250, %dma_start3A_255] : memref<5x48xi32, #tpu.memory_space<vmem>> -> memref<1x48xi32, #tpu.memory_space<vmem>>
      %dma_start3A_257 = tpu.memref_squeeze %dma_start3A_256 : memref<1x48xi32, #tpu.memory_space<vmem>> -> memref<48xi32, #tpu.memory_space<vmem>>
      %dma_start3A_258 = arith.constant 0 : i32
      %dma_start3A_259 = arith.constant 0 : i32
      %dma_start3A_260 = tpu.memref_slice %arg9[%dma_start3A_258, %dma_start3A_259] : memref<10240x128xf32, #tpu.memory_space<vmem_shared>> -> memref<10240x128xf32, #tpu.memory_space<vmem_shared>>
      tpu.enqueue_indirect_dma source(%dma_start3A_254 : memref<48x128xf32, #tpu.memory_space<vmem>>) target(%dma_start3A_260 : memref<10240x128xf32, #tpu.memory_space<vmem_shared>>) offsets(%dma_start3A_257 : memref<48xi32, #tpu.memory_space<vmem>>) semaphore(%arg20 : memref<!tpu.dma_semaphore, #tpu.memory_space<semaphore_mem>>) {add = true}
      %mul3A_261 = arith.constant 5 : i32
      %mul3A_262 = arith.muli %scan3A_216, %mul3A_261 : i32
      %add3A_263 = arith.constant 1 : i32
      %add3A_264 = arith.addi %mul3A_262, %add3A_263 : i32
      %add3A_265 = arith.constant 4 : i32
      %add3A_266 = arith.addi %add3A_264, %add3A_265 : i32
      %lt3A_267 = arith.constant 210 : i32
      %lt3A_268 = arith.cmpi slt, %add3A_266, %lt3A_267 : i32
      %convert_element_type3A_269 = arith.extui %lt3A_268 : i1 to i32
      %cond3A_270 = arith.constant 0 : i32
      %cond3A_271 = arith.cmpi ne, %convert_element_type3A_269, %cond3A_270 : i32
      scf.if %cond3A_271 {
        %add3A_450 = arith.constant 4 : i32
        %add3A_451 = arith.addi %add3A_264, %add3A_450 : i32
        %mul3A_452 = arith.constant 48 : i32
        %mul3A_453 = arith.muli %add3A_451, %mul3A_452 : i32
        %add3A_454 = arith.addi %mul3A_2, %mul3A_453 : i32
        %dma_start3A_455 = arith.constant 0 : i32
        %dma_start3A_456 = arith.constant 0 : i32
        %dma_start3A_457 = tpu.memref_slice %arg6[%dma_start3A_455, %dma_start3A_456] : memref<5x48xi32, #tpu.memory_space<vmem>> -> memref<1x48xi32, #tpu.memory_space<vmem>>
        %dma_start3A_458 = tpu.memref_squeeze %dma_start3A_457 : memref<1x48xi32, #tpu.memory_space<vmem>> -> memref<48xi32, #tpu.memory_space<vmem>>
        %dma_start3A_459 = tpu.memref_slice %arg3[%add3A_454] : memref<322560xi32, #tpu.memory_space<hbm>> -> memref<48xi32, #tpu.memory_space<hbm>>
        %dma_start3A_460 = arith.constant 0 : i32
        %dma_start3A_461 = tpu.memref_slice %arg6[%dma_start3A_455, %dma_start3A_460] : memref<5x48xi32, #tpu.memory_space<vmem>> -> memref<1x48xi32, #tpu.memory_space<vmem>>
        %dma_start3A_462 = tpu.memref_squeeze %dma_start3A_461 : memref<1x48xi32, #tpu.memory_space<vmem>> -> memref<48xi32, #tpu.memory_space<vmem>>
        %dma_start3A_463 = tpu.memref_slice %arg3[%add3A_454] : memref<322560xi32, #tpu.memory_space<hbm>> -> memref<48xi32, #tpu.memory_space<hbm>>
        tpu.enqueue_dma source(%dma_start3A_463 : memref<48xi32, #tpu.memory_space<hbm>>) target(%dma_start3A_462 : memref<48xi32, #tpu.memory_space<vmem>>) target_semaphore(%arg10 : memref<!tpu.dma_semaphore, #tpu.memory_space<semaphore_mem>>)
        %dma_start3A_464 = arith.constant 0 : i32
        %dma_start3A_465 = arith.constant 0 : i32
        %dma_start3A_466 = tpu.memref_slice %arg7[%dma_start3A_464, %dma_start3A_465] : memref<5x48xi32, #tpu.memory_space<vmem>> -> memref<1x48xi32, #tpu.memory_space<vmem>>
        %dma_start3A_467 = tpu.memref_squeeze %dma_start3A_466 : memref<1x48xi32, #tpu.memory_space<vmem>> -> memref<48xi32, #tpu.memory_space<vmem>>
        %dma_start3A_468 = tpu.memref_slice %arg4[%add3A_454] : memref<322560xi32, #tpu.memory_space<hbm>> -> memref<48xi32, #tpu.memory_space<hbm>>
        %dma_start3A_469 = arith.constant 0 : i32
        %dma_start3A_470 = tpu.memref_slice %arg7[%dma_start3A_464, %dma_start3A_469] : memref<5x48xi32, #tpu.memory_space<vmem>> -> memref<1x48xi32, #tpu.memory_space<vmem>>
        %dma_start3A_471 = tpu.memref_squeeze %dma_start3A_470 : memref<1x48xi32, #tpu.memory_space<vmem>> -> memref<48xi32, #tpu.memory_space<vmem>>
        %dma_start3A_472 = tpu.memref_slice %arg4[%add3A_454] : memref<322560xi32, #tpu.memory_space<hbm>> -> memref<48xi32, #tpu.memory_space<hbm>>
        tpu.enqueue_dma source(%dma_start3A_472 : memref<48xi32, #tpu.memory_space<hbm>>) target(%dma_start3A_471 : memref<48xi32, #tpu.memory_space<vmem>>) target_semaphore(%arg10 : memref<!tpu.dma_semaphore, #tpu.memory_space<semaphore_mem>>)
      } else {
      }
      %ge3A_272 = arith.constant 3 : i32
      %ge3A_273 = arith.cmpi sge, %add3A_264, %ge3A_272 : i32
      %convert_element_type3A_274 = arith.extui %ge3A_273 : i1 to i32
      %cond3A_275 = arith.constant 0 : i32
      %cond3A_276 = arith.cmpi ne, %convert_element_type3A_274, %cond3A_275 : i32
      scf.if %cond3A_276 {
        %dma_wait3A_450 = arith.constant 3 : i32
        %dma_wait3A_451 = arith.constant 3 : i32
        %dma_wait3A_452 = arith.constant 0 : i32
        %dma_wait3A_453 = arith.constant 0 : i32
        %dma_wait3A_454 = tpu.memref_slice %arg8[%dma_wait3A_450, %dma_wait3A_452, %dma_wait3A_453] : memref<5x48x128xf32, #tpu.memory_space<vmem>> -> memref<1x48x128xf32, #tpu.memory_space<vmem>>
        %dma_wait3A_455 = tpu.memref_squeeze %dma_wait3A_454 : memref<1x48x128xf32, #tpu.memory_space<vmem>> -> memref<48x128xf32, #tpu.memory_space<vmem>>
        %dma_wait3A_456 = arith.constant 0 : i32
        %dma_wait3A_457 = tpu.memref_slice %arg7[%dma_wait3A_451, %dma_wait3A_456] : memref<5x48xi32, #tpu.memory_space<vmem>> -> memref<1x48xi32, #tpu.memory_space<vmem>>
        %dma_wait3A_458 = tpu.memref_squeeze %dma_wait3A_457 : memref<1x48xi32, #tpu.memory_space<vmem>> -> memref<48xi32, #tpu.memory_space<vmem>>
        %dma_wait3A_459 = arith.constant 0 : i32
        %dma_wait3A_460 = arith.constant 0 : i32
        %dma_wait3A_461 = tpu.memref_slice %arg9[%dma_wait3A_459, %dma_wait3A_460] : memref<10240x128xf32, #tpu.memory_space<vmem_shared>> -> memref<10240x128xf32, #tpu.memory_space<vmem_shared>>
        tpu.wait_indirect_dma semaphore(%arg23 : memref<!tpu.dma_semaphore, #tpu.memory_space<semaphore_mem>>) src(%dma_wait3A_455 : memref<48x128xf32, #tpu.memory_space<vmem>>) dst(%dma_wait3A_461 : memref<10240x128xf32, #tpu.memory_space<vmem_shared>>)
      } else {
      }
      %add3A_277 = arith.constant 2 : i32
      %add3A_278 = arith.addi %add3A_264, %add3A_277 : i32
      %lt3A_279 = arith.constant 210 : i32
      %lt3A_280 = arith.cmpi slt, %add3A_278, %lt3A_279 : i32
      %convert_element_type3A_281 = arith.extui %lt3A_280 : i1 to i32
      %cond3A_282 = arith.constant 0 : i32
      %cond3A_283 = arith.cmpi ne, %convert_element_type3A_281, %cond3A_282 : i32
      scf.if %cond3A_283 {
        %add3A_450 = arith.constant 2 : i32
        %add3A_451 = arith.addi %add3A_264, %add3A_450 : i32
        %mul3A_452 = arith.constant 48 : i32
        %mul3A_453 = arith.muli %add3A_451, %mul3A_452 : i32
        %add3A_454 = arith.addi %mul3A_2, %mul3A_453 : i32
        %dma_wait3A_455 = arith.constant 3 : i32
        %dma_wait3A_456 = arith.constant 0 : i32
        %dma_wait3A_457 = tpu.memref_slice %arg6[%dma_wait3A_455, %dma_wait3A_456] : memref<5x48xi32, #tpu.memory_space<vmem>> -> memref<1x48xi32, #tpu.memory_space<vmem>>
        %dma_wait3A_458 = tpu.memref_squeeze %dma_wait3A_457 : memref<1x48xi32, #tpu.memory_space<vmem>> -> memref<48xi32, #tpu.memory_space<vmem>>
        %dma_wait3A_459 = tpu.memref_slice %arg3[%add3A_454] : memref<322560xi32, #tpu.memory_space<hbm>> -> memref<48xi32, #tpu.memory_space<hbm>>
        %dma_wait3A_460 = arith.constant 0 : i32
        %dma_wait3A_461 = tpu.memref_slice %arg6[%dma_wait3A_455, %dma_wait3A_460] : memref<5x48xi32, #tpu.memory_space<vmem>> -> memref<1x48xi32, #tpu.memory_space<vmem>>
        %dma_wait3A_462 = tpu.memref_squeeze %dma_wait3A_461 : memref<1x48xi32, #tpu.memory_space<vmem>> -> memref<48xi32, #tpu.memory_space<vmem>>
        %dma_wait3A_463 = tpu.memref_slice %arg3[%add3A_454] : memref<322560xi32, #tpu.memory_space<hbm>> -> memref<48xi32, #tpu.memory_space<hbm>>
        tpu.wait_dma2 semaphore(%arg13 : memref<!tpu.dma_semaphore, #tpu.memory_space<semaphore_mem>>) src(%dma_wait3A_463 : memref<48xi32, #tpu.memory_space<hbm>>) dst(%dma_wait3A_462 : memref<48xi32, #tpu.memory_space<vmem>>)
        %dma_wait3A_464 = arith.constant 3 : i32
        %dma_wait3A_465 = arith.constant 0 : i32
        %dma_wait3A_466 = tpu.memref_slice %arg7[%dma_wait3A_464, %dma_wait3A_465] : memref<5x48xi32, #tpu.memory_space<vmem>> -> memref<1x48xi32, #tpu.memory_space<vmem>>
        %dma_wait3A_467 = tpu.memref_squeeze %dma_wait3A_466 : memref<1x48xi32, #tpu.memory_space<vmem>> -> memref<48xi32, #tpu.memory_space<vmem>>
        %dma_wait3A_468 = tpu.memref_slice %arg4[%add3A_454] : memref<322560xi32, #tpu.memory_space<hbm>> -> memref<48xi32, #tpu.memory_space<hbm>>
        %dma_wait3A_469 = arith.constant 0 : i32
        %dma_wait3A_470 = tpu.memref_slice %arg7[%dma_wait3A_464, %dma_wait3A_469] : memref<5x48xi32, #tpu.memory_space<vmem>> -> memref<1x48xi32, #tpu.memory_space<vmem>>
        %dma_wait3A_471 = tpu.memref_squeeze %dma_wait3A_470 : memref<1x48xi32, #tpu.memory_space<vmem>> -> memref<48xi32, #tpu.memory_space<vmem>>
        %dma_wait3A_472 = tpu.memref_slice %arg4[%add3A_454] : memref<322560xi32, #tpu.memory_space<hbm>> -> memref<48xi32, #tpu.memory_space<hbm>>
        tpu.wait_dma2 semaphore(%arg13 : memref<!tpu.dma_semaphore, #tpu.memory_space<semaphore_mem>>) src(%dma_wait3A_472 : memref<48xi32, #tpu.memory_space<hbm>>) dst(%dma_wait3A_471 : memref<48xi32, #tpu.memory_space<vmem>>)
        %dma_start3A_473 = arith.constant 3 : i32
        %dma_start3A_474 = arith.constant 3 : i32
        %dma_start3A_475 = arith.constant 0 : i32
        %dma_start3A_476 = arith.constant 0 : i32
        %dma_start3A_477 = tpu.memref_slice %arg8[%dma_start3A_474, %dma_start3A_475, %dma_start3A_476] : memref<5x48x128xf32, #tpu.memory_space<vmem>> -> memref<1x48x128xf32, #tpu.memory_space<vmem>>
        %dma_start3A_478 = tpu.memref_squeeze %dma_start3A_477 : memref<1x48x128xf32, #tpu.memory_space<vmem>> -> memref<48x128xf32, #tpu.memory_space<vmem>>
        %dma_start3A_479 = arith.constant 0 : i32
        %dma_start3A_480 = tpu.memref_slice %arg6[%dma_start3A_473, %dma_start3A_479] : memref<5x48xi32, #tpu.memory_space<vmem>> -> memref<1x48xi32, #tpu.memory_space<vmem>>
        %dma_start3A_481 = tpu.memref_squeeze %dma_start3A_480 : memref<1x48xi32, #tpu.memory_space<vmem>> -> memref<48xi32, #tpu.memory_space<vmem>>
        %dma_start3A_482 = arith.constant 0 : i32
        %dma_start3A_483 = arith.constant 0 : i32
        %dma_start3A_484 = tpu.memref_slice %arg2[%dma_start3A_482, %dma_start3A_483] : memref<10000x128xf32, #tpu.memory_space<hbm>> -> memref<10000x128xf32, #tpu.memory_space<hbm>>
        tpu.enqueue_indirect_dma source(%dma_start3A_484 : memref<10000x128xf32, #tpu.memory_space<hbm>>) target(%dma_start3A_478 : memref<48x128xf32, #tpu.memory_space<vmem>>) offsets(%dma_start3A_481 : memref<48xi32, #tpu.memory_space<vmem>>) semaphore(%arg18 : memref<!tpu.dma_semaphore, #tpu.memory_space<semaphore_mem>>)
      } else {
      }
      %dma_wait3A_284 = arith.constant 1 : i32
      %dma_wait3A_285 = arith.constant 1 : i32
      %dma_wait3A_286 = arith.constant 0 : i32
      %dma_wait3A_287 = arith.constant 0 : i32
      %dma_wait3A_288 = tpu.memref_slice %arg8[%dma_wait3A_285, %dma_wait3A_286, %dma_wait3A_287] : memref<5x48x128xf32, #tpu.memory_space<vmem>> -> memref<1x48x128xf32, #tpu.memory_space<vmem>>
      %dma_wait3A_289 = tpu.memref_squeeze %dma_wait3A_288 : memref<1x48x128xf32, #tpu.memory_space<vmem>> -> memref<48x128xf32, #tpu.memory_space<vmem>>
      %dma_wait3A_290 = arith.constant 0 : i32
      %dma_wait3A_291 = tpu.memref_slice %arg6[%dma_wait3A_284, %dma_wait3A_290] : memref<5x48xi32, #tpu.memory_space<vmem>> -> memref<1x48xi32, #tpu.memory_space<vmem>>
      %dma_wait3A_292 = tpu.memref_squeeze %dma_wait3A_291 : memref<1x48xi32, #tpu.memory_space<vmem>> -> memref<48xi32, #tpu.memory_space<vmem>>
      %dma_wait3A_293 = arith.constant 0 : i32
      %dma_wait3A_294 = arith.constant 0 : i32
      %dma_wait3A_295 = tpu.memref_slice %arg2[%dma_wait3A_293, %dma_wait3A_294] : memref<10000x128xf32, #tpu.memory_space<hbm>> -> memref<10000x128xf32, #tpu.memory_space<hbm>>
      tpu.wait_indirect_dma semaphore(%arg16 : memref<!tpu.dma_semaphore, #tpu.memory_space<semaphore_mem>>) src(%dma_wait3A_295 : memref<10000x128xf32, #tpu.memory_space<hbm>>) dst(%dma_wait3A_289 : memref<48x128xf32, #tpu.memory_space<vmem>>)
      %dma_start3A_296 = arith.constant 1 : i32
      %dma_start3A_297 = arith.constant 1 : i32
      %dma_start3A_298 = arith.constant 0 : i32
      %dma_start3A_299 = arith.constant 0 : i32
      %dma_start3A_300 = tpu.memref_slice %arg8[%dma_start3A_296, %dma_start3A_298, %dma_start3A_299] : memref<5x48x128xf32, #tpu.memory_space<vmem>> -> memref<1x48x128xf32, #tpu.memory_space<vmem>>
      %dma_start3A_301 = tpu.memref_squeeze %dma_start3A_300 : memref<1x48x128xf32, #tpu.memory_space<vmem>> -> memref<48x128xf32, #tpu.memory_space<vmem>>
      %dma_start3A_302 = arith.constant 0 : i32
      %dma_start3A_303 = tpu.memref_slice %arg7[%dma_start3A_297, %dma_start3A_302] : memref<5x48xi32, #tpu.memory_space<vmem>> -> memref<1x48xi32, #tpu.memory_space<vmem>>
      %dma_start3A_304 = tpu.memref_squeeze %dma_start3A_303 : memref<1x48xi32, #tpu.memory_space<vmem>> -> memref<48xi32, #tpu.memory_space<vmem>>
      %dma_start3A_305 = arith.constant 0 : i32
      %dma_start3A_306 = arith.constant 0 : i32
      %dma_start3A_307 = tpu.memref_slice %arg9[%dma_start3A_305, %dma_start3A_306] : memref<10240x128xf32, #tpu.memory_space<vmem_shared>> -> memref<10240x128xf32, #tpu.memory_space<vmem_shared>>
      tpu.enqueue_indirect_dma source(%dma_start3A_301 : memref<48x128xf32, #tpu.memory_space<vmem>>) target(%dma_start3A_307 : memref<10240x128xf32, #tpu.memory_space<vmem_shared>>) offsets(%dma_start3A_304 : memref<48xi32, #tpu.memory_space<vmem>>) semaphore(%arg21 : memref<!tpu.dma_semaphore, #tpu.memory_space<semaphore_mem>>) {add = true}
      %mul3A_308 = arith.constant 5 : i32
      %mul3A_309 = arith.muli %scan3A_216, %mul3A_308 : i32
      %add3A_310 = arith.constant 2 : i32
      %add3A_311 = arith.addi %mul3A_309, %add3A_310 : i32
      %add3A_312 = arith.constant 4 : i32
      %add3A_313 = arith.addi %add3A_311, %add3A_312 : i32
      %lt3A_314 = arith.constant 210 : i32
      %lt3A_315 = arith.cmpi slt, %add3A_313, %lt3A_314 : i32
      %convert_element_type3A_316 = arith.extui %lt3A_315 : i1 to i32
      %cond3A_317 = arith.constant 0 : i32
      %cond3A_318 = arith.cmpi ne, %convert_element_type3A_316, %cond3A_317 : i32
      scf.if %cond3A_318 {
        %add3A_450 = arith.constant 4 : i32
        %add3A_451 = arith.addi %add3A_311, %add3A_450 : i32
        %mul3A_452 = arith.constant 48 : i32
        %mul3A_453 = arith.muli %add3A_451, %mul3A_452 : i32
        %add3A_454 = arith.addi %mul3A_2, %mul3A_453 : i32
        %dma_start3A_455 = arith.constant 1 : i32
        %dma_start3A_456 = arith.constant 0 : i32
        %dma_start3A_457 = tpu.memref_slice %arg6[%dma_start3A_455, %dma_start3A_456] : memref<5x48xi32, #tpu.memory_space<vmem>> -> memref<1x48xi32, #tpu.memory_space<vmem>>
        %dma_start3A_458 = tpu.memref_squeeze %dma_start3A_457 : memref<1x48xi32, #tpu.memory_space<vmem>> -> memref<48xi32, #tpu.memory_space<vmem>>
        %dma_start3A_459 = tpu.memref_slice %arg3[%add3A_454] : memref<322560xi32, #tpu.memory_space<hbm>> -> memref<48xi32, #tpu.memory_space<hbm>>
        %dma_start3A_460 = arith.constant 0 : i32
        %dma_start3A_461 = tpu.memref_slice %arg6[%dma_start3A_455, %dma_start3A_460] : memref<5x48xi32, #tpu.memory_space<vmem>> -> memref<1x48xi32, #tpu.memory_space<vmem>>
        %dma_start3A_462 = tpu.memref_squeeze %dma_start3A_461 : memref<1x48xi32, #tpu.memory_space<vmem>> -> memref<48xi32, #tpu.memory_space<vmem>>
        %dma_start3A_463 = tpu.memref_slice %arg3[%add3A_454] : memref<322560xi32, #tpu.memory_space<hbm>> -> memref<48xi32, #tpu.memory_space<hbm>>
        tpu.enqueue_dma source(%dma_start3A_463 : memref<48xi32, #tpu.memory_space<hbm>>) target(%dma_start3A_462 : memref<48xi32, #tpu.memory_space<vmem>>) target_semaphore(%arg11 : memref<!tpu.dma_semaphore, #tpu.memory_space<semaphore_mem>>)
        %dma_start3A_464 = arith.constant 1 : i32
        %dma_start3A_465 = arith.constant 0 : i32
        %dma_start3A_466 = tpu.memref_slice %arg7[%dma_start3A_464, %dma_start3A_465] : memref<5x48xi32, #tpu.memory_space<vmem>> -> memref<1x48xi32, #tpu.memory_space<vmem>>
        %dma_start3A_467 = tpu.memref_squeeze %dma_start3A_466 : memref<1x48xi32, #tpu.memory_space<vmem>> -> memref<48xi32, #tpu.memory_space<vmem>>
        %dma_start3A_468 = tpu.memref_slice %arg4[%add3A_454] : memref<322560xi32, #tpu.memory_space<hbm>> -> memref<48xi32, #tpu.memory_space<hbm>>
        %dma_start3A_469 = arith.constant 0 : i32
        %dma_start3A_470 = tpu.memref_slice %arg7[%dma_start3A_464, %dma_start3A_469] : memref<5x48xi32, #tpu.memory_space<vmem>> -> memref<1x48xi32, #tpu.memory_space<vmem>>
        %dma_start3A_471 = tpu.memref_squeeze %dma_start3A_470 : memref<1x48xi32, #tpu.memory_space<vmem>> -> memref<48xi32, #tpu.memory_space<vmem>>
        %dma_start3A_472 = tpu.memref_slice %arg4[%add3A_454] : memref<322560xi32, #tpu.memory_space<hbm>> -> memref<48xi32, #tpu.memory_space<hbm>>
        tpu.enqueue_dma source(%dma_start3A_472 : memref<48xi32, #tpu.memory_space<hbm>>) target(%dma_start3A_471 : memref<48xi32, #tpu.memory_space<vmem>>) target_semaphore(%arg11 : memref<!tpu.dma_semaphore, #tpu.memory_space<semaphore_mem>>)
      } else {
      }
      %ge3A_319 = arith.constant 3 : i32
      %ge3A_320 = arith.cmpi sge, %add3A_311, %ge3A_319 : i32
      %convert_element_type3A_321 = arith.extui %ge3A_320 : i1 to i32
      %cond3A_322 = arith.constant 0 : i32
      %cond3A_323 = arith.cmpi ne, %convert_element_type3A_321, %cond3A_322 : i32
      scf.if %cond3A_323 {
        %dma_wait3A_450 = arith.constant 4 : i32
        %dma_wait3A_451 = arith.constant 4 : i32
        %dma_wait3A_452 = arith.constant 0 : i32
        %dma_wait3A_453 = arith.constant 0 : i32
        %dma_wait3A_454 = tpu.memref_slice %arg8[%dma_wait3A_450, %dma_wait3A_452, %dma_wait3A_453] : memref<5x48x128xf32, #tpu.memory_space<vmem>> -> memref<1x48x128xf32, #tpu.memory_space<vmem>>
        %dma_wait3A_455 = tpu.memref_squeeze %dma_wait3A_454 : memref<1x48x128xf32, #tpu.memory_space<vmem>> -> memref<48x128xf32, #tpu.memory_space<vmem>>
        %dma_wait3A_456 = arith.constant 0 : i32
        %dma_wait3A_457 = tpu.memref_slice %arg7[%dma_wait3A_451, %dma_wait3A_456] : memref<5x48xi32, #tpu.memory_space<vmem>> -> memref<1x48xi32, #tpu.memory_space<vmem>>
        %dma_wait3A_458 = tpu.memref_squeeze %dma_wait3A_457 : memref<1x48xi32, #tpu.memory_space<vmem>> -> memref<48xi32, #tpu.memory_space<vmem>>
        %dma_wait3A_459 = arith.constant 0 : i32
        %dma_wait3A_460 = arith.constant 0 : i32
        %dma_wait3A_461 = tpu.memref_slice %arg9[%dma_wait3A_459, %dma_wait3A_460] : memref<10240x128xf32, #tpu.memory_space<vmem_shared>> -> memref<10240x128xf32, #tpu.memory_space<vmem_shared>>
        tpu.wait_indirect_dma semaphore(%arg24 : memref<!tpu.dma_semaphore, #tpu.memory_space<semaphore_mem>>) src(%dma_wait3A_455 : memref<48x128xf32, #tpu.memory_space<vmem>>) dst(%dma_wait3A_461 : memref<10240x128xf32, #tpu.memory_space<vmem_shared>>)
      } else {
      }
      %add3A_324 = arith.constant 2 : i32
      %add3A_325 = arith.addi %add3A_311, %add3A_324 : i32
      %lt3A_326 = arith.constant 210 : i32
      %lt3A_327 = arith.cmpi slt, %add3A_325, %lt3A_326 : i32
      %convert_element_type3A_328 = arith.extui %lt3A_327 : i1 to i32
      %cond3A_329 = arith.constant 0 : i32
      %cond3A_330 = arith.cmpi ne, %convert_element_type3A_328, %cond3A_329 : i32
      scf.if %cond3A_330 {
        %add3A_450 = arith.constant 2 : i32
        %add3A_451 = arith.addi %add3A_311, %add3A_450 : i32
        %mul3A_452 = arith.constant 48 : i32
        %mul3A_453 = arith.muli %add3A_451, %mul3A_452 : i32
        %add3A_454 = arith.addi %mul3A_2, %mul3A_453 : i32
        %dma_wait3A_455 = arith.constant 4 : i32
        %dma_wait3A_456 = arith.constant 0 : i32
        %dma_wait3A_457 = tpu.memref_slice %arg6[%dma_wait3A_455, %dma_wait3A_456] : memref<5x48xi32, #tpu.memory_space<vmem>> -> memref<1x48xi32, #tpu.memory_space<vmem>>
        %dma_wait3A_458 = tpu.memref_squeeze %dma_wait3A_457 : memref<1x48xi32, #tpu.memory_space<vmem>> -> memref<48xi32, #tpu.memory_space<vmem>>
        %dma_wait3A_459 = tpu.memref_slice %arg3[%add3A_454] : memref<322560xi32, #tpu.memory_space<hbm>> -> memref<48xi32, #tpu.memory_space<hbm>>
        %dma_wait3A_460 = arith.constant 0 : i32
        %dma_wait3A_461 = tpu.memref_slice %arg6[%dma_wait3A_455, %dma_wait3A_460] : memref<5x48xi32, #tpu.memory_space<vmem>> -> memref<1x48xi32, #tpu.memory_space<vmem>>
        %dma_wait3A_462 = tpu.memref_squeeze %dma_wait3A_461 : memref<1x48xi32, #tpu.memory_space<vmem>> -> memref<48xi32, #tpu.memory_space<vmem>>
        %dma_wait3A_463 = tpu.memref_slice %arg3[%add3A_454] : memref<322560xi32, #tpu.memory_space<hbm>> -> memref<48xi32, #tpu.memory_space<hbm>>
        tpu.wait_dma2 semaphore(%arg14 : memref<!tpu.dma_semaphore, #tpu.memory_space<semaphore_mem>>) src(%dma_wait3A_463 : memref<48xi32, #tpu.memory_space<hbm>>) dst(%dma_wait3A_462 : memref<48xi32, #tpu.memory_space<vmem>>)
        %dma_wait3A_464 = arith.constant 4 : i32
        %dma_wait3A_465 = arith.constant 0 : i32
        %dma_wait3A_466 = tpu.memref_slice %arg7[%dma_wait3A_464, %dma_wait3A_465] : memref<5x48xi32, #tpu.memory_space<vmem>> -> memref<1x48xi32, #tpu.memory_space<vmem>>
        %dma_wait3A_467 = tpu.memref_squeeze %dma_wait3A_466 : memref<1x48xi32, #tpu.memory_space<vmem>> -> memref<48xi32, #tpu.memory_space<vmem>>
        %dma_wait3A_468 = tpu.memref_slice %arg4[%add3A_454] : memref<322560xi32, #tpu.memory_space<hbm>> -> memref<48xi32, #tpu.memory_space<hbm>>
        %dma_wait3A_469 = arith.constant 0 : i32
        %dma_wait3A_470 = tpu.memref_slice %arg7[%dma_wait3A_464, %dma_wait3A_469] : memref<5x48xi32, #tpu.memory_space<vmem>> -> memref<1x48xi32, #tpu.memory_space<vmem>>
        %dma_wait3A_471 = tpu.memref_squeeze %dma_wait3A_470 : memref<1x48xi32, #tpu.memory_space<vmem>> -> memref<48xi32, #tpu.memory_space<vmem>>
        %dma_wait3A_472 = tpu.memref_slice %arg4[%add3A_454] : memref<322560xi32, #tpu.memory_space<hbm>> -> memref<48xi32, #tpu.memory_space<hbm>>
        tpu.wait_dma2 semaphore(%arg14 : memref<!tpu.dma_semaphore, #tpu.memory_space<semaphore_mem>>) src(%dma_wait3A_472 : memref<48xi32, #tpu.memory_space<hbm>>) dst(%dma_wait3A_471 : memref<48xi32, #tpu.memory_space<vmem>>)
        %dma_start3A_473 = arith.constant 4 : i32
        %dma_start3A_474 = arith.constant 4 : i32
        %dma_start3A_475 = arith.constant 0 : i32
        %dma_start3A_476 = arith.constant 0 : i32
        %dma_start3A_477 = tpu.memref_slice %arg8[%dma_start3A_474, %dma_start3A_475, %dma_start3A_476] : memref<5x48x128xf32, #tpu.memory_space<vmem>> -> memref<1x48x128xf32, #tpu.memory_space<vmem>>
        %dma_start3A_478 = tpu.memref_squeeze %dma_start3A_477 : memref<1x48x128xf32, #tpu.memory_space<vmem>> -> memref<48x128xf32, #tpu.memory_space<vmem>>
        %dma_start3A_479 = arith.constant 0 : i32
        %dma_start3A_480 = tpu.memref_slice %arg6[%dma_start3A_473, %dma_start3A_479] : memref<5x48xi32, #tpu.memory_space<vmem>> -> memref<1x48xi32, #tpu.memory_space<vmem>>
        %dma_start3A_481 = tpu.memref_squeeze %dma_start3A_480 : memref<1x48xi32, #tpu.memory_space<vmem>> -> memref<48xi32, #tpu.memory_space<vmem>>
        %dma_start3A_482 = arith.constant 0 : i32
        %dma_start3A_483 = arith.constant 0 : i32
        %dma_start3A_484 = tpu.memref_slice %arg2[%dma_start3A_482, %dma_start3A_483] : memref<10000x128xf32, #tpu.memory_space<hbm>> -> memref<10000x128xf32, #tpu.memory_space<hbm>>
        tpu.enqueue_indirect_dma source(%dma_start3A_484 : memref<10000x128xf32, #tpu.memory_space<hbm>>) target(%dma_start3A_478 : memref<48x128xf32, #tpu.memory_space<vmem>>) offsets(%dma_start3A_481 : memref<48xi32, #tpu.memory_space<vmem>>) semaphore(%arg19 : memref<!tpu.dma_semaphore, #tpu.memory_space<semaphore_mem>>)
      } else {
      }
      %dma_wait3A_331 = arith.constant 2 : i32
      %dma_wait3A_332 = arith.constant 2 : i32
      %dma_wait3A_333 = arith.constant 0 : i32
      %dma_wait3A_334 = arith.constant 0 : i32
      %dma_wait3A_335 = tpu.memref_slice %arg8[%dma_wait3A_332, %dma_wait3A_333, %dma_wait3A_334] : memref<5x48x128xf32, #tpu.memory_space<vmem>> -> memref<1x48x128xf32, #tpu.memory_space<vmem>>
      %dma_wait3A_336 = tpu.memref_squeeze %dma_wait3A_335 : memref<1x48x128xf32, #tpu.memory_space<vmem>> -> memref<48x128xf32, #tpu.memory_space<vmem>>
      %dma_wait3A_337 = arith.constant 0 : i32
      %dma_wait3A_338 = tpu.memref_slice %arg6[%dma_wait3A_331, %dma_wait3A_337] : memref<5x48xi32, #tpu.memory_space<vmem>> -> memref<1x48xi32, #tpu.memory_space<vmem>>
      %dma_wait3A_339 = tpu.memref_squeeze %dma_wait3A_338 : memref<1x48xi32, #tpu.memory_space<vmem>> -> memref<48xi32, #tpu.memory_space<vmem>>
      %dma_wait3A_340 = arith.constant 0 : i32
      %dma_wait3A_341 = arith.constant 0 : i32
      %dma_wait3A_342 = tpu.memref_slice %arg2[%dma_wait3A_340, %dma_wait3A_341] : memref<10000x128xf32, #tpu.memory_space<hbm>> -> memref<10000x128xf32, #tpu.memory_space<hbm>>
      tpu.wait_indirect_dma semaphore(%arg17 : memref<!tpu.dma_semaphore, #tpu.memory_space<semaphore_mem>>) src(%dma_wait3A_342 : memref<10000x128xf32, #tpu.memory_space<hbm>>) dst(%dma_wait3A_336 : memref<48x128xf32, #tpu.memory_space<vmem>>)
      %dma_start3A_343 = arith.constant 2 : i32
      %dma_start3A_344 = arith.constant 2 : i32
      %dma_start3A_345 = arith.constant 0 : i32
      %dma_start3A_346 = arith.constant 0 : i32
      %dma_start3A_347 = tpu.memref_slice %arg8[%dma_start3A_343, %dma_start3A_345, %dma_start3A_346] : memref<5x48x128xf32, #tpu.memory_space<vmem>> -> memref<1x48x128xf32, #tpu.memory_space<vmem>>
      %dma_start3A_348 = tpu.memref_squeeze %dma_start3A_347 : memref<1x48x128xf32, #tpu.memory_space<vmem>> -> memref<48x128xf32, #tpu.memory_space<vmem>>
      %dma_start3A_349 = arith.constant 0 : i32
      %dma_start3A_350 = tpu.memref_slice %arg7[%dma_start3A_344, %dma_start3A_349] : memref<5x48xi32, #tpu.memory_space<vmem>> -> memref<1x48xi32, #tpu.memory_space<vmem>>
      %dma_start3A_351 = tpu.memref_squeeze %dma_start3A_350 : memref<1x48xi32, #tpu.memory_space<vmem>> -> memref<48xi32, #tpu.memory_space<vmem>>
      %dma_start3A_352 = arith.constant 0 : i32
      %dma_start3A_353 = arith.constant 0 : i32
      %dma_start3A_354 = tpu.memref_slice %arg9[%dma_start3A_352, %dma_start3A_353] : memref<10240x128xf32, #tpu.memory_space<vmem_shared>> -> memref<10240x128xf32, #tpu.memory_space<vmem_shared>>
      tpu.enqueue_indirect_dma source(%dma_start3A_348 : memref<48x128xf32, #tpu.memory_space<vmem>>) target(%dma_start3A_354 : memref<10240x128xf32, #tpu.memory_space<vmem_shared>>) offsets(%dma_start3A_351 : memref<48xi32, #tpu.memory_space<vmem>>) semaphore(%arg22 : memref<!tpu.dma_semaphore, #tpu.memory_space<semaphore_mem>>) {add = true}
      %mul3A_355 = arith.constant 5 : i32
      %mul3A_356 = arith.muli %scan3A_216, %mul3A_355 : i32
      %add3A_357 = arith.constant 3 : i32
      %add3A_358 = arith.addi %mul3A_356, %add3A_357 : i32
      %add3A_359 = arith.constant 4 : i32
      %add3A_360 = arith.addi %add3A_358, %add3A_359 : i32
      %lt3A_361 = arith.constant 210 : i32
      %lt3A_362 = arith.cmpi slt, %add3A_360, %lt3A_361 : i32
      %convert_element_type3A_363 = arith.extui %lt3A_362 : i1 to i32
      %cond3A_364 = arith.constant 0 : i32
      %cond3A_365 = arith.cmpi ne, %convert_element_type3A_363, %cond3A_364 : i32
      scf.if %cond3A_365 {
        %add3A_450 = arith.constant 4 : i32
        %add3A_451 = arith.addi %add3A_358, %add3A_450 : i32
        %mul3A_452 = arith.constant 48 : i32
        %mul3A_453 = arith.muli %add3A_451, %mul3A_452 : i32
        %add3A_454 = arith.addi %mul3A_2, %mul3A_453 : i32
        %dma_start3A_455 = arith.constant 2 : i32
        %dma_start3A_456 = arith.constant 0 : i32
        %dma_start3A_457 = tpu.memref_slice %arg6[%dma_start3A_455, %dma_start3A_456] : memref<5x48xi32, #tpu.memory_space<vmem>> -> memref<1x48xi32, #tpu.memory_space<vmem>>
        %dma_start3A_458 = tpu.memref_squeeze %dma_start3A_457 : memref<1x48xi32, #tpu.memory_space<vmem>> -> memref<48xi32, #tpu.memory_space<vmem>>
        %dma_start3A_459 = tpu.memref_slice %arg3[%add3A_454] : memref<322560xi32, #tpu.memory_space<hbm>> -> memref<48xi32, #tpu.memory_space<hbm>>
        %dma_start3A_460 = arith.constant 0 : i32
        %dma_start3A_461 = tpu.memref_slice %arg6[%dma_start3A_455, %dma_start3A_460] : memref<5x48xi32, #tpu.memory_space<vmem>> -> memref<1x48xi32, #tpu.memory_space<vmem>>
        %dma_start3A_462 = tpu.memref_squeeze %dma_start3A_461 : memref<1x48xi32, #tpu.memory_space<vmem>> -> memref<48xi32, #tpu.memory_space<vmem>>
        %dma_start3A_463 = tpu.memref_slice %arg3[%add3A_454] : memref<322560xi32, #tpu.memory_space<hbm>> -> memref<48xi32, #tpu.memory_space<hbm>>
        tpu.enqueue_dma source(%dma_start3A_463 : memref<48xi32, #tpu.memory_space<hbm>>) target(%dma_start3A_462 : memref<48xi32, #tpu.memory_space<vmem>>) target_semaphore(%arg12 : memref<!tpu.dma_semaphore, #tpu.memory_space<semaphore_mem>>)
        %dma_start3A_464 = arith.constant 2 : i32
        %dma_start3A_465 = arith.constant 0 : i32
        %dma_start3A_466 = tpu.memref_slice %arg7[%dma_start3A_464, %dma_start3A_465] : memref<5x48xi32, #tpu.memory_space<vmem>> -> memref<1x48xi32, #tpu.memory_space<vmem>>
        %dma_start3A_467 = tpu.memref_squeeze %dma_start3A_466 : memref<1x48xi32, #tpu.memory_space<vmem>> -> memref<48xi32, #tpu.memory_space<vmem>>
        %dma_start3A_468 = tpu.memref_slice %arg4[%add3A_454] : memref<322560xi32, #tpu.memory_space<hbm>> -> memref<48xi32, #tpu.memory_space<hbm>>
        %dma_start3A_469 = arith.constant 0 : i32
        %dma_start3A_470 = tpu.memref_slice %arg7[%dma_start3A_464, %dma_start3A_469] : memref<5x48xi32, #tpu.memory_space<vmem>> -> memref<1x48xi32, #tpu.memory_space<vmem>>
        %dma_start3A_471 = tpu.memref_squeeze %dma_start3A_470 : memref<1x48xi32, #tpu.memory_space<vmem>> -> memref<48xi32, #tpu.memory_space<vmem>>
        %dma_start3A_472 = tpu.memref_slice %arg4[%add3A_454] : memref<322560xi32, #tpu.memory_space<hbm>> -> memref<48xi32, #tpu.memory_space<hbm>>
        tpu.enqueue_dma source(%dma_start3A_472 : memref<48xi32, #tpu.memory_space<hbm>>) target(%dma_start3A_471 : memref<48xi32, #tpu.memory_space<vmem>>) target_semaphore(%arg12 : memref<!tpu.dma_semaphore, #tpu.memory_space<semaphore_mem>>)
      } else {
      }
      %ge3A_366 = arith.constant 3 : i32
      %ge3A_367 = arith.cmpi sge, %add3A_358, %ge3A_366 : i32
      %convert_element_type3A_368 = arith.extui %ge3A_367 : i1 to i32
      %cond3A_369 = arith.constant 0 : i32
      %cond3A_370 = arith.cmpi ne, %convert_element_type3A_368, %cond3A_369 : i32
      scf.if %cond3A_370 {
        %dma_wait3A_450 = arith.constant 0 : i32
        %dma_wait3A_451 = arith.constant 0 : i32
        %dma_wait3A_452 = arith.constant 0 : i32
        %dma_wait3A_453 = arith.constant 0 : i32
        %dma_wait3A_454 = tpu.memref_slice %arg8[%dma_wait3A_450, %dma_wait3A_452, %dma_wait3A_453] : memref<5x48x128xf32, #tpu.memory_space<vmem>> -> memref<1x48x128xf32, #tpu.memory_space<vmem>>
        %dma_wait3A_455 = tpu.memref_squeeze %dma_wait3A_454 : memref<1x48x128xf32, #tpu.memory_space<vmem>> -> memref<48x128xf32, #tpu.memory_space<vmem>>
        %dma_wait3A_456 = arith.constant 0 : i32
        %dma_wait3A_457 = tpu.memref_slice %arg7[%dma_wait3A_451, %dma_wait3A_456] : memref<5x48xi32, #tpu.memory_space<vmem>> -> memref<1x48xi32, #tpu.memory_space<vmem>>
        %dma_wait3A_458 = tpu.memref_squeeze %dma_wait3A_457 : memref<1x48xi32, #tpu.memory_space<vmem>> -> memref<48xi32, #tpu.memory_space<vmem>>
        %dma_wait3A_459 = arith.constant 0 : i32
        %dma_wait3A_460 = arith.constant 0 : i32
        %dma_wait3A_461 = tpu.memref_slice %arg9[%dma_wait3A_459, %dma_wait3A_460] : memref<10240x128xf32, #tpu.memory_space<vmem_shared>> -> memref<10240x128xf32, #tpu.memory_space<vmem_shared>>
        tpu.wait_indirect_dma semaphore(%arg20 : memref<!tpu.dma_semaphore, #tpu.memory_space<semaphore_mem>>) src(%dma_wait3A_455 : memref<48x128xf32, #tpu.memory_space<vmem>>) dst(%dma_wait3A_461 : memref<10240x128xf32, #tpu.memory_space<vmem_shared>>)
      } else {
      }
      %add3A_371 = arith.constant 2 : i32
      %add3A_372 = arith.addi %add3A_358, %add3A_371 : i32
      %lt3A_373 = arith.constant 210 : i32
      %lt3A_374 = arith.cmpi slt, %add3A_372, %lt3A_373 : i32
      %convert_element_type3A_375 = arith.extui %lt3A_374 : i1 to i32
      %cond3A_376 = arith.constant 0 : i32
      %cond3A_377 = arith.cmpi ne, %convert_element_type3A_375, %cond3A_376 : i32
      scf.if %cond3A_377 {
        %add3A_450 = arith.constant 2 : i32
        %add3A_451 = arith.addi %add3A_358, %add3A_450 : i32
        %mul3A_452 = arith.constant 48 : i32
        %mul3A_453 = arith.muli %add3A_451, %mul3A_452 : i32
        %add3A_454 = arith.addi %mul3A_2, %mul3A_453 : i32
        %dma_wait3A_455 = arith.constant 0 : i32
        %dma_wait3A_456 = arith.constant 0 : i32
        %dma_wait3A_457 = tpu.memref_slice %arg6[%dma_wait3A_455, %dma_wait3A_456] : memref<5x48xi32, #tpu.memory_space<vmem>> -> memref<1x48xi32, #tpu.memory_space<vmem>>
        %dma_wait3A_458 = tpu.memref_squeeze %dma_wait3A_457 : memref<1x48xi32, #tpu.memory_space<vmem>> -> memref<48xi32, #tpu.memory_space<vmem>>
        %dma_wait3A_459 = tpu.memref_slice %arg3[%add3A_454] : memref<322560xi32, #tpu.memory_space<hbm>> -> memref<48xi32, #tpu.memory_space<hbm>>
        %dma_wait3A_460 = arith.constant 0 : i32
        %dma_wait3A_461 = tpu.memref_slice %arg6[%dma_wait3A_455, %dma_wait3A_460] : memref<5x48xi32, #tpu.memory_space<vmem>> -> memref<1x48xi32, #tpu.memory_space<vmem>>
        %dma_wait3A_462 = tpu.memref_squeeze %dma_wait3A_461 : memref<1x48xi32, #tpu.memory_space<vmem>> -> memref<48xi32, #tpu.memory_space<vmem>>
        %dma_wait3A_463 = tpu.memref_slice %arg3[%add3A_454] : memref<322560xi32, #tpu.memory_space<hbm>> -> memref<48xi32, #tpu.memory_space<hbm>>
        tpu.wait_dma2 semaphore(%arg10 : memref<!tpu.dma_semaphore, #tpu.memory_space<semaphore_mem>>) src(%dma_wait3A_463 : memref<48xi32, #tpu.memory_space<hbm>>) dst(%dma_wait3A_462 : memref<48xi32, #tpu.memory_space<vmem>>)
        %dma_wait3A_464 = arith.constant 0 : i32
        %dma_wait3A_465 = arith.constant 0 : i32
        %dma_wait3A_466 = tpu.memref_slice %arg7[%dma_wait3A_464, %dma_wait3A_465] : memref<5x48xi32, #tpu.memory_space<vmem>> -> memref<1x48xi32, #tpu.memory_space<vmem>>
        %dma_wait3A_467 = tpu.memref_squeeze %dma_wait3A_466 : memref<1x48xi32, #tpu.memory_space<vmem>> -> memref<48xi32, #tpu.memory_space<vmem>>
        %dma_wait3A_468 = tpu.memref_slice %arg4[%add3A_454] : memref<322560xi32, #tpu.memory_space<hbm>> -> memref<48xi32, #tpu.memory_space<hbm>>
        %dma_wait3A_469 = arith.constant 0 : i32
        %dma_wait3A_470 = tpu.memref_slice %arg7[%dma_wait3A_464, %dma_wait3A_469] : memref<5x48xi32, #tpu.memory_space<vmem>> -> memref<1x48xi32, #tpu.memory_space<vmem>>
        %dma_wait3A_471 = tpu.memref_squeeze %dma_wait3A_470 : memref<1x48xi32, #tpu.memory_space<vmem>> -> memref<48xi32, #tpu.memory_space<vmem>>
        %dma_wait3A_472 = tpu.memref_slice %arg4[%add3A_454] : memref<322560xi32, #tpu.memory_space<hbm>> -> memref<48xi32, #tpu.memory_space<hbm>>
        tpu.wait_dma2 semaphore(%arg10 : memref<!tpu.dma_semaphore, #tpu.memory_space<semaphore_mem>>) src(%dma_wait3A_472 : memref<48xi32, #tpu.memory_space<hbm>>) dst(%dma_wait3A_471 : memref<48xi32, #tpu.memory_space<vmem>>)
        %dma_start3A_473 = arith.constant 0 : i32
        %dma_start3A_474 = arith.constant 0 : i32
        %dma_start3A_475 = arith.constant 0 : i32
        %dma_start3A_476 = arith.constant 0 : i32
        %dma_start3A_477 = tpu.memref_slice %arg8[%dma_start3A_474, %dma_start3A_475, %dma_start3A_476] : memref<5x48x128xf32, #tpu.memory_space<vmem>> -> memref<1x48x128xf32, #tpu.memory_space<vmem>>
        %dma_start3A_478 = tpu.memref_squeeze %dma_start3A_477 : memref<1x48x128xf32, #tpu.memory_space<vmem>> -> memref<48x128xf32, #tpu.memory_space<vmem>>
        %dma_start3A_479 = arith.constant 0 : i32
        %dma_start3A_480 = tpu.memref_slice %arg6[%dma_start3A_473, %dma_start3A_479] : memref<5x48xi32, #tpu.memory_space<vmem>> -> memref<1x48xi32, #tpu.memory_space<vmem>>
        %dma_start3A_481 = tpu.memref_squeeze %dma_start3A_480 : memref<1x48xi32, #tpu.memory_space<vmem>> -> memref<48xi32, #tpu.memory_space<vmem>>
        %dma_start3A_482 = arith.constant 0 : i32
        %dma_start3A_483 = arith.constant 0 : i32
        %dma_start3A_484 = tpu.memref_slice %arg2[%dma_start3A_482, %dma_start3A_483] : memref<10000x128xf32, #tpu.memory_space<hbm>> -> memref<10000x128xf32, #tpu.memory_space<hbm>>
        tpu.enqueue_indirect_dma source(%dma_start3A_484 : memref<10000x128xf32, #tpu.memory_space<hbm>>) target(%dma_start3A_478 : memref<48x128xf32, #tpu.memory_space<vmem>>) offsets(%dma_start3A_481 : memref<48xi32, #tpu.memory_space<vmem>>) semaphore(%arg15 : memref<!tpu.dma_semaphore, #tpu.memory_space<semaphore_mem>>)
      } else {
      }
      %dma_wait3A_378 = arith.constant 3 : i32
      %dma_wait3A_379 = arith.constant 3 : i32
      %dma_wait3A_380 = arith.constant 0 : i32
      %dma_wait3A_381 = arith.constant 0 : i32
      %dma_wait3A_382 = tpu.memref_slice %arg8[%dma_wait3A_379, %dma_wait3A_380, %dma_wait3A_381] : memref<5x48x128xf32, #tpu.memory_space<vmem>> -> memref<1x48x128xf32, #tpu.memory_space<vmem>>
      %dma_wait3A_383 = tpu.memref_squeeze %dma_wait3A_382 : memref<1x48x128xf32, #tpu.memory_space<vmem>> -> memref<48x128xf32, #tpu.memory_space<vmem>>
      %dma_wait3A_384 = arith.constant 0 : i32
      %dma_wait3A_385 = tpu.memref_slice %arg6[%dma_wait3A_378, %dma_wait3A_384] : memref<5x48xi32, #tpu.memory_space<vmem>> -> memref<1x48xi32, #tpu.memory_space<vmem>>
      %dma_wait3A_386 = tpu.memref_squeeze %dma_wait3A_385 : memref<1x48xi32, #tpu.memory_space<vmem>> -> memref<48xi32, #tpu.memory_space<vmem>>
      %dma_wait3A_387 = arith.constant 0 : i32
      %dma_wait3A_388 = arith.constant 0 : i32
      %dma_wait3A_389 = tpu.memref_slice %arg2[%dma_wait3A_387, %dma_wait3A_388] : memref<10000x128xf32, #tpu.memory_space<hbm>> -> memref<10000x128xf32, #tpu.memory_space<hbm>>
      tpu.wait_indirect_dma semaphore(%arg18 : memref<!tpu.dma_semaphore, #tpu.memory_space<semaphore_mem>>) src(%dma_wait3A_389 : memref<10000x128xf32, #tpu.memory_space<hbm>>) dst(%dma_wait3A_383 : memref<48x128xf32, #tpu.memory_space<vmem>>)
      %dma_start3A_390 = arith.constant 3 : i32
      %dma_start3A_391 = arith.constant 3 : i32
      %dma_start3A_392 = arith.constant 0 : i32
      %dma_start3A_393 = arith.constant 0 : i32
      %dma_start3A_394 = tpu.memref_slice %arg8[%dma_start3A_390, %dma_start3A_392, %dma_start3A_393] : memref<5x48x128xf32, #tpu.memory_space<vmem>> -> memref<1x48x128xf32, #tpu.memory_space<vmem>>
      %dma_start3A_395 = tpu.memref_squeeze %dma_start3A_394 : memref<1x48x128xf32, #tpu.memory_space<vmem>> -> memref<48x128xf32, #tpu.memory_space<vmem>>
      %dma_start3A_396 = arith.constant 0 : i32
      %dma_start3A_397 = tpu.memref_slice %arg7[%dma_start3A_391, %dma_start3A_396] : memref<5x48xi32, #tpu.memory_space<vmem>> -> memref<1x48xi32, #tpu.memory_space<vmem>>
      %dma_start3A_398 = tpu.memref_squeeze %dma_start3A_397 : memref<1x48xi32, #tpu.memory_space<vmem>> -> memref<48xi32, #tpu.memory_space<vmem>>
      %dma_start3A_399 = arith.constant 0 : i32
      %dma_start3A_400 = arith.constant 0 : i32
      %dma_start3A_401 = tpu.memref_slice %arg9[%dma_start3A_399, %dma_start3A_400] : memref<10240x128xf32, #tpu.memory_space<vmem_shared>> -> memref<10240x128xf32, #tpu.memory_space<vmem_shared>>
      tpu.enqueue_indirect_dma source(%dma_start3A_395 : memref<48x128xf32, #tpu.memory_space<vmem>>) target(%dma_start3A_401 : memref<10240x128xf32, #tpu.memory_space<vmem_shared>>) offsets(%dma_start3A_398 : memref<48xi32, #tpu.memory_space<vmem>>) semaphore(%arg23 : memref<!tpu.dma_semaphore, #tpu.memory_space<semaphore_mem>>) {add = true}
      %mul3A_402 = arith.constant 5 : i32
      %mul3A_403 = arith.muli %scan3A_216, %mul3A_402 : i32
      %add3A_404 = arith.constant 4 : i32
      %add3A_405 = arith.addi %mul3A_403, %add3A_404 : i32
      %add3A_406 = arith.constant 4 : i32
      %add3A_407 = arith.addi %add3A_405, %add3A_406 : i32
      %lt3A_408 = arith.constant 210 : i32
      %lt3A_409 = arith.cmpi slt, %add3A_407, %lt3A_408 : i32
      %convert_element_type3A_410 = arith.extui %lt3A_409 : i1 to i32
      %cond3A_411 = arith.constant 0 : i32
      %cond3A_412 = arith.cmpi ne, %convert_element_type3A_410, %cond3A_411 : i32
      scf.if %cond3A_412 {
        %add3A_450 = arith.constant 4 : i32
        %add3A_451 = arith.addi %add3A_405, %add3A_450 : i32
        %mul3A_452 = arith.constant 48 : i32
        %mul3A_453 = arith.muli %add3A_451, %mul3A_452 : i32
        %add3A_454 = arith.addi %mul3A_2, %mul3A_453 : i32
        %dma_start3A_455 = arith.constant 3 : i32
        %dma_start3A_456 = arith.constant 0 : i32
        %dma_start3A_457 = tpu.memref_slice %arg6[%dma_start3A_455, %dma_start3A_456] : memref<5x48xi32, #tpu.memory_space<vmem>> -> memref<1x48xi32, #tpu.memory_space<vmem>>
        %dma_start3A_458 = tpu.memref_squeeze %dma_start3A_457 : memref<1x48xi32, #tpu.memory_space<vmem>> -> memref<48xi32, #tpu.memory_space<vmem>>
        %dma_start3A_459 = tpu.memref_slice %arg3[%add3A_454] : memref<322560xi32, #tpu.memory_space<hbm>> -> memref<48xi32, #tpu.memory_space<hbm>>
        %dma_start3A_460 = arith.constant 0 : i32
        %dma_start3A_461 = tpu.memref_slice %arg6[%dma_start3A_455, %dma_start3A_460] : memref<5x48xi32, #tpu.memory_space<vmem>> -> memref<1x48xi32, #tpu.memory_space<vmem>>
        %dma_start3A_462 = tpu.memref_squeeze %dma_start3A_461 : memref<1x48xi32, #tpu.memory_space<vmem>> -> memref<48xi32, #tpu.memory_space<vmem>>
        %dma_start3A_463 = tpu.memref_slice %arg3[%add3A_454] : memref<322560xi32, #tpu.memory_space<hbm>> -> memref<48xi32, #tpu.memory_space<hbm>>
        tpu.enqueue_dma source(%dma_start3A_463 : memref<48xi32, #tpu.memory_space<hbm>>) target(%dma_start3A_462 : memref<48xi32, #tpu.memory_space<vmem>>) target_semaphore(%arg13 : memref<!tpu.dma_semaphore, #tpu.memory_space<semaphore_mem>>)
        %dma_start3A_464 = arith.constant 3 : i32
        %dma_start3A_465 = arith.constant 0 : i32
        %dma_start3A_466 = tpu.memref_slice %arg7[%dma_start3A_464, %dma_start3A_465] : memref<5x48xi32, #tpu.memory_space<vmem>> -> memref<1x48xi32, #tpu.memory_space<vmem>>
        %dma_start3A_467 = tpu.memref_squeeze %dma_start3A_466 : memref<1x48xi32, #tpu.memory_space<vmem>> -> memref<48xi32, #tpu.memory_space<vmem>>
        %dma_start3A_468 = tpu.memref_slice %arg4[%add3A_454] : memref<322560xi32, #tpu.memory_space<hbm>> -> memref<48xi32, #tpu.memory_space<hbm>>
        %dma_start3A_469 = arith.constant 0 : i32
        %dma_start3A_470 = tpu.memref_slice %arg7[%dma_start3A_464, %dma_start3A_469] : memref<5x48xi32, #tpu.memory_space<vmem>> -> memref<1x48xi32, #tpu.memory_space<vmem>>
        %dma_start3A_471 = tpu.memref_squeeze %dma_start3A_470 : memref<1x48xi32, #tpu.memory_space<vmem>> -> memref<48xi32, #tpu.memory_space<vmem>>
        %dma_start3A_472 = tpu.memref_slice %arg4[%add3A_454] : memref<322560xi32, #tpu.memory_space<hbm>> -> memref<48xi32, #tpu.memory_space<hbm>>
        tpu.enqueue_dma source(%dma_start3A_472 : memref<48xi32, #tpu.memory_space<hbm>>) target(%dma_start3A_471 : memref<48xi32, #tpu.memory_space<vmem>>) target_semaphore(%arg13 : memref<!tpu.dma_semaphore, #tpu.memory_space<semaphore_mem>>)
      } else {
      }
      %ge3A_413 = arith.constant 3 : i32
      %ge3A_414 = arith.cmpi sge, %add3A_405, %ge3A_413 : i32
      %convert_element_type3A_415 = arith.extui %ge3A_414 : i1 to i32
      %cond3A_416 = arith.constant 0 : i32
      %cond3A_417 = arith.cmpi ne, %convert_element_type3A_415, %cond3A_416 : i32
      scf.if %cond3A_417 {
        %dma_wait3A_450 = arith.constant 1 : i32
        %dma_wait3A_451 = arith.constant 1 : i32
        %dma_wait3A_452 = arith.constant 0 : i32
        %dma_wait3A_453 = arith.constant 0 : i32
        %dma_wait3A_454 = tpu.memref_slice %arg8[%dma_wait3A_450, %dma_wait3A_452, %dma_wait3A_453] : memref<5x48x128xf32, #tpu.memory_space<vmem>> -> memref<1x48x128xf32, #tpu.memory_space<vmem>>
        %dma_wait3A_455 = tpu.memref_squeeze %dma_wait3A_454 : memref<1x48x128xf32, #tpu.memory_space<vmem>> -> memref<48x128xf32, #tpu.memory_space<vmem>>
        %dma_wait3A_456 = arith.constant 0 : i32
        %dma_wait3A_457 = tpu.memref_slice %arg7[%dma_wait3A_451, %dma_wait3A_456] : memref<5x48xi32, #tpu.memory_space<vmem>> -> memref<1x48xi32, #tpu.memory_space<vmem>>
        %dma_wait3A_458 = tpu.memref_squeeze %dma_wait3A_457 : memref<1x48xi32, #tpu.memory_space<vmem>> -> memref<48xi32, #tpu.memory_space<vmem>>
        %dma_wait3A_459 = arith.constant 0 : i32
        %dma_wait3A_460 = arith.constant 0 : i32
        %dma_wait3A_461 = tpu.memref_slice %arg9[%dma_wait3A_459, %dma_wait3A_460] : memref<10240x128xf32, #tpu.memory_space<vmem_shared>> -> memref<10240x128xf32, #tpu.memory_space<vmem_shared>>
        tpu.wait_indirect_dma semaphore(%arg21 : memref<!tpu.dma_semaphore, #tpu.memory_space<semaphore_mem>>) src(%dma_wait3A_455 : memref<48x128xf32, #tpu.memory_space<vmem>>) dst(%dma_wait3A_461 : memref<10240x128xf32, #tpu.memory_space<vmem_shared>>)
      } else {
      }
      %add3A_418 = arith.constant 2 : i32
      %add3A_419 = arith.addi %add3A_405, %add3A_418 : i32
      %lt3A_420 = arith.constant 210 : i32
      %lt3A_421 = arith.cmpi slt, %add3A_419, %lt3A_420 : i32
      %convert_element_type3A_422 = arith.extui %lt3A_421 : i1 to i32
      %cond3A_423 = arith.constant 0 : i32
      %cond3A_424 = arith.cmpi ne, %convert_element_type3A_422, %cond3A_423 : i32
      scf.if %cond3A_424 {
        %add3A_450 = arith.constant 2 : i32
        %add3A_451 = arith.addi %add3A_405, %add3A_450 : i32
        %mul3A_452 = arith.constant 48 : i32
        %mul3A_453 = arith.muli %add3A_451, %mul3A_452 : i32
        %add3A_454 = arith.addi %mul3A_2, %mul3A_453 : i32
        %dma_wait3A_455 = arith.constant 1 : i32
        %dma_wait3A_456 = arith.constant 0 : i32
        %dma_wait3A_457 = tpu.memref_slice %arg6[%dma_wait3A_455, %dma_wait3A_456] : memref<5x48xi32, #tpu.memory_space<vmem>> -> memref<1x48xi32, #tpu.memory_space<vmem>>
        %dma_wait3A_458 = tpu.memref_squeeze %dma_wait3A_457 : memref<1x48xi32, #tpu.memory_space<vmem>> -> memref<48xi32, #tpu.memory_space<vmem>>
        %dma_wait3A_459 = tpu.memref_slice %arg3[%add3A_454] : memref<322560xi32, #tpu.memory_space<hbm>> -> memref<48xi32, #tpu.memory_space<hbm>>
        %dma_wait3A_460 = arith.constant 0 : i32
        %dma_wait3A_461 = tpu.memref_slice %arg6[%dma_wait3A_455, %dma_wait3A_460] : memref<5x48xi32, #tpu.memory_space<vmem>> -> memref<1x48xi32, #tpu.memory_space<vmem>>
        %dma_wait3A_462 = tpu.memref_squeeze %dma_wait3A_461 : memref<1x48xi32, #tpu.memory_space<vmem>> -> memref<48xi32, #tpu.memory_space<vmem>>
        %dma_wait3A_463 = tpu.memref_slice %arg3[%add3A_454] : memref<322560xi32, #tpu.memory_space<hbm>> -> memref<48xi32, #tpu.memory_space<hbm>>
        tpu.wait_dma2 semaphore(%arg11 : memref<!tpu.dma_semaphore, #tpu.memory_space<semaphore_mem>>) src(%dma_wait3A_463 : memref<48xi32, #tpu.memory_space<hbm>>) dst(%dma_wait3A_462 : memref<48xi32, #tpu.memory_space<vmem>>)
        %dma_wait3A_464 = arith.constant 1 : i32
        %dma_wait3A_465 = arith.constant 0 : i32
        %dma_wait3A_466 = tpu.memref_slice %arg7[%dma_wait3A_464, %dma_wait3A_465] : memref<5x48xi32, #tpu.memory_space<vmem>> -> memref<1x48xi32, #tpu.memory_space<vmem>>
        %dma_wait3A_467 = tpu.memref_squeeze %dma_wait3A_466 : memref<1x48xi32, #tpu.memory_space<vmem>> -> memref<48xi32, #tpu.memory_space<vmem>>
        %dma_wait3A_468 = tpu.memref_slice %arg4[%add3A_454] : memref<322560xi32, #tpu.memory_space<hbm>> -> memref<48xi32, #tpu.memory_space<hbm>>
        %dma_wait3A_469 = arith.constant 0 : i32
        %dma_wait3A_470 = tpu.memref_slice %arg7[%dma_wait3A_464, %dma_wait3A_469] : memref<5x48xi32, #tpu.memory_space<vmem>> -> memref<1x48xi32, #tpu.memory_space<vmem>>
        %dma_wait3A_471 = tpu.memref_squeeze %dma_wait3A_470 : memref<1x48xi32, #tpu.memory_space<vmem>> -> memref<48xi32, #tpu.memory_space<vmem>>
        %dma_wait3A_472 = tpu.memref_slice %arg4[%add3A_454] : memref<322560xi32, #tpu.memory_space<hbm>> -> memref<48xi32, #tpu.memory_space<hbm>>
        tpu.wait_dma2 semaphore(%arg11 : memref<!tpu.dma_semaphore, #tpu.memory_space<semaphore_mem>>) src(%dma_wait3A_472 : memref<48xi32, #tpu.memory_space<hbm>>) dst(%dma_wait3A_471 : memref<48xi32, #tpu.memory_space<vmem>>)
        %dma_start3A_473 = arith.constant 1 : i32
        %dma_start3A_474 = arith.constant 1 : i32
        %dma_start3A_475 = arith.constant 0 : i32
        %dma_start3A_476 = arith.constant 0 : i32
        %dma_start3A_477 = tpu.memref_slice %arg8[%dma_start3A_474, %dma_start3A_475, %dma_start3A_476] : memref<5x48x128xf32, #tpu.memory_space<vmem>> -> memref<1x48x128xf32, #tpu.memory_space<vmem>>
        %dma_start3A_478 = tpu.memref_squeeze %dma_start3A_477 : memref<1x48x128xf32, #tpu.memory_space<vmem>> -> memref<48x128xf32, #tpu.memory_space<vmem>>
        %dma_start3A_479 = arith.constant 0 : i32
        %dma_start3A_480 = tpu.memref_slice %arg6[%dma_start3A_473, %dma_start3A_479] : memref<5x48xi32, #tpu.memory_space<vmem>> -> memref<1x48xi32, #tpu.memory_space<vmem>>
        %dma_start3A_481 = tpu.memref_squeeze %dma_start3A_480 : memref<1x48xi32, #tpu.memory_space<vmem>> -> memref<48xi32, #tpu.memory_space<vmem>>
        %dma_start3A_482 = arith.constant 0 : i32
        %dma_start3A_483 = arith.constant 0 : i32
        %dma_start3A_484 = tpu.memref_slice %arg2[%dma_start3A_482, %dma_start3A_483] : memref<10000x128xf32, #tpu.memory_space<hbm>> -> memref<10000x128xf32, #tpu.memory_space<hbm>>
        tpu.enqueue_indirect_dma source(%dma_start3A_484 : memref<10000x128xf32, #tpu.memory_space<hbm>>) target(%dma_start3A_478 : memref<48x128xf32, #tpu.memory_space<vmem>>) offsets(%dma_start3A_481 : memref<48xi32, #tpu.memory_space<vmem>>) semaphore(%arg16 : memref<!tpu.dma_semaphore, #tpu.memory_space<semaphore_mem>>)
      } else {
      }
      %dma_wait3A_425 = arith.constant 4 : i32
      %dma_wait3A_426 = arith.constant 4 : i32
      %dma_wait3A_427 = arith.constant 0 : i32
      %dma_wait3A_428 = arith.constant 0 : i32
      %dma_wait3A_429 = tpu.memref_slice %arg8[%dma_wait3A_426, %dma_wait3A_427, %dma_wait3A_428] : memref<5x48x128xf32, #tpu.memory_space<vmem>> -> memref<1x48x128xf32, #tpu.memory_space<vmem>>
      %dma_wait3A_430 = tpu.memref_squeeze %dma_wait3A_429 : memref<1x48x128xf32, #tpu.memory_space<vmem>> -> memref<48x128xf32, #tpu.memory_space<vmem>>
      %dma_wait3A_431 = arith.constant 0 : i32
      %dma_wait3A_432 = tpu.memref_slice %arg6[%dma_wait3A_425, %dma_wait3A_431] : memref<5x48xi32, #tpu.memory_space<vmem>> -> memref<1x48xi32, #tpu.memory_space<vmem>>
      %dma_wait3A_433 = tpu.memref_squeeze %dma_wait3A_432 : memref<1x48xi32, #tpu.memory_space<vmem>> -> memref<48xi32, #tpu.memory_space<vmem>>
      %dma_wait3A_434 = arith.constant 0 : i32
      %dma_wait3A_435 = arith.constant 0 : i32
      %dma_wait3A_436 = tpu.memref_slice %arg2[%dma_wait3A_434, %dma_wait3A_435] : memref<10000x128xf32, #tpu.memory_space<hbm>> -> memref<10000x128xf32, #tpu.memory_space<hbm>>
      tpu.wait_indirect_dma semaphore(%arg19 : memref<!tpu.dma_semaphore, #tpu.memory_space<semaphore_mem>>) src(%dma_wait3A_436 : memref<10000x128xf32, #tpu.memory_space<hbm>>) dst(%dma_wait3A_430 : memref<48x128xf32, #tpu.memory_space<vmem>>)
      %dma_start3A_437 = arith.constant 4 : i32
      %dma_start3A_438 = arith.constant 4 : i32
      %dma_start3A_439 = arith.constant 0 : i32
      %dma_start3A_440 = arith.constant 0 : i32
      %dma_start3A_441 = tpu.memref_slice %arg8[%dma_start3A_437, %dma_start3A_439, %dma_start3A_440] : memref<5x48x128xf32, #tpu.memory_space<vmem>> -> memref<1x48x128xf32, #tpu.memory_space<vmem>>
      %dma_start3A_442 = tpu.memref_squeeze %dma_start3A_441 : memref<1x48x128xf32, #tpu.memory_space<vmem>> -> memref<48x128xf32, #tpu.memory_space<vmem>>
      %dma_start3A_443 = arith.constant 0 : i32
      %dma_start3A_444 = tpu.memref_slice %arg7[%dma_start3A_438, %dma_start3A_443] : memref<5x48xi32, #tpu.memory_space<vmem>> -> memref<1x48xi32, #tpu.memory_space<vmem>>
      %dma_start3A_445 = tpu.memref_squeeze %dma_start3A_444 : memref<1x48xi32, #tpu.memory_space<vmem>> -> memref<48xi32, #tpu.memory_space<vmem>>
      %dma_start3A_446 = arith.constant 0 : i32
      %dma_start3A_447 = arith.constant 0 : i32
      %dma_start3A_448 = tpu.memref_slice %arg9[%dma_start3A_446, %dma_start3A_447] : memref<10240x128xf32, #tpu.memory_space<vmem_shared>> -> memref<10240x128xf32, #tpu.memory_space<vmem_shared>>
      tpu.enqueue_indirect_dma source(%dma_start3A_442 : memref<48x128xf32, #tpu.memory_space<vmem>>) target(%dma_start3A_448 : memref<10240x128xf32, #tpu.memory_space<vmem_shared>>) offsets(%dma_start3A_445 : memref<48xi32, #tpu.memory_space<vmem>>) semaphore(%arg24 : memref<!tpu.dma_semaphore, #tpu.memory_space<semaphore_mem>>) {add = true}
      %scan3A_449 = arith.constant 0 : i32
      scf.yield %scan3A_449 : i32
    }
    %scan3A_173 = arith.constant 42 : i32
    %dma_wait3A_174 = arith.constant 2 : i32
    %dma_wait3A_175 = arith.constant 2 : i32
    %dma_wait3A_176 = arith.constant 0 : i32
    %dma_wait3A_177 = arith.constant 0 : i32
    %dma_wait3A_178 = tpu.memref_slice %arg8[%dma_wait3A_174, %dma_wait3A_176, %dma_wait3A_177] : memref<5x48x128xf32, #tpu.memory_space<vmem>> -> memref<1x48x128xf32, #tpu.memory_space<vmem>>
    %dma_wait3A_179 = tpu.memref_squeeze %dma_wait3A_178 : memref<1x48x128xf32, #tpu.memory_space<vmem>> -> memref<48x128xf32, #tpu.memory_space<vmem>>
    %dma_wait3A_180 = arith.constant 0 : i32
    %dma_wait3A_181 = tpu.memref_slice %arg7[%dma_wait3A_175, %dma_wait3A_180] : memref<5x48xi32, #tpu.memory_space<vmem>> -> memref<1x48xi32, #tpu.memory_space<vmem>>
    %dma_wait3A_182 = tpu.memref_squeeze %dma_wait3A_181 : memref<1x48xi32, #tpu.memory_space<vmem>> -> memref<48xi32, #tpu.memory_space<vmem>>
    %dma_wait3A_183 = arith.constant 0 : i32
    %dma_wait3A_184 = arith.constant 0 : i32
    %dma_wait3A_185 = tpu.memref_slice %arg9[%dma_wait3A_183, %dma_wait3A_184] : memref<10240x128xf32, #tpu.memory_space<vmem_shared>> -> memref<10240x128xf32, #tpu.memory_space<vmem_shared>>
    tpu.wait_indirect_dma semaphore(%arg22 : memref<!tpu.dma_semaphore, #tpu.memory_space<semaphore_mem>>) src(%dma_wait3A_179 : memref<48x128xf32, #tpu.memory_space<vmem>>) dst(%dma_wait3A_185 : memref<10240x128xf32, #tpu.memory_space<vmem_shared>>)
    %dma_wait3A_186 = arith.constant 3 : i32
    %dma_wait3A_187 = arith.constant 3 : i32
    %dma_wait3A_188 = arith.constant 0 : i32
    %dma_wait3A_189 = arith.constant 0 : i32
    %dma_wait3A_190 = tpu.memref_slice %arg8[%dma_wait3A_186, %dma_wait3A_188, %dma_wait3A_189] : memref<5x48x128xf32, #tpu.memory_space<vmem>> -> memref<1x48x128xf32, #tpu.memory_space<vmem>>
    %dma_wait3A_191 = tpu.memref_squeeze %dma_wait3A_190 : memref<1x48x128xf32, #tpu.memory_space<vmem>> -> memref<48x128xf32, #tpu.memory_space<vmem>>
    %dma_wait3A_192 = arith.constant 0 : i32
    %dma_wait3A_193 = tpu.memref_slice %arg7[%dma_wait3A_187, %dma_wait3A_192] : memref<5x48xi32, #tpu.memory_space<vmem>> -> memref<1x48xi32, #tpu.memory_space<vmem>>
    %dma_wait3A_194 = tpu.memref_squeeze %dma_wait3A_193 : memref<1x48xi32, #tpu.memory_space<vmem>> -> memref<48xi32, #tpu.memory_space<vmem>>
    %dma_wait3A_195 = arith.constant 0 : i32
    %dma_wait3A_196 = arith.constant 0 : i32
    %dma_wait3A_197 = tpu.memref_slice %arg9[%dma_wait3A_195, %dma_wait3A_196] : memref<10240x128xf32, #tpu.memory_space<vmem_shared>> -> memref<10240x128xf32, #tpu.memory_space<vmem_shared>>
    tpu.wait_indirect_dma semaphore(%arg23 : memref<!tpu.dma_semaphore, #tpu.memory_space<semaphore_mem>>) src(%dma_wait3A_191 : memref<48x128xf32, #tpu.memory_space<vmem>>) dst(%dma_wait3A_197 : memref<10240x128xf32, #tpu.memory_space<vmem_shared>>)
    %dma_wait3A_198 = arith.constant 4 : i32
    %dma_wait3A_199 = arith.constant 4 : i32
    %dma_wait3A_200 = arith.constant 0 : i32
    %dma_wait3A_201 = arith.constant 0 : i32
    %dma_wait3A_202 = tpu.memref_slice %arg8[%dma_wait3A_198, %dma_wait3A_200, %dma_wait3A_201] : memref<5x48x128xf32, #tpu.memory_space<vmem>> -> memref<1x48x128xf32, #tpu.memory_space<vmem>>
    %dma_wait3A_203 = tpu.memref_squeeze %dma_wait3A_202 : memref<1x48x128xf32, #tpu.memory_space<vmem>> -> memref<48x128xf32, #tpu.memory_space<vmem>>
    %dma_wait3A_204 = arith.constant 0 : i32
    %dma_wait3A_205 = tpu.memref_slice %arg7[%dma_wait3A_199, %dma_wait3A_204] : memref<5x48xi32, #tpu.memory_space<vmem>> -> memref<1x48xi32, #tpu.memory_space<vmem>>
    %dma_wait3A_206 = tpu.memref_squeeze %dma_wait3A_205 : memref<1x48xi32, #tpu.memory_space<vmem>> -> memref<48xi32, #tpu.memory_space<vmem>>
    %dma_wait3A_207 = arith.constant 0 : i32
    %dma_wait3A_208 = arith.constant 0 : i32
    %dma_wait3A_209 = tpu.memref_slice %arg9[%dma_wait3A_207, %dma_wait3A_208] : memref<10240x128xf32, #tpu.memory_space<vmem_shared>> -> memref<10240x128xf32, #tpu.memory_space<vmem_shared>>
    tpu.wait_indirect_dma semaphore(%arg24 : memref<!tpu.dma_semaphore, #tpu.memory_space<semaphore_mem>>) src(%dma_wait3A_203 : memref<48x128xf32, #tpu.memory_space<vmem>>) dst(%dma_wait3A_209 : memref<10240x128xf32, #tpu.memory_space<vmem_shared>>)
    %barrier3A_210 = arith.constant 0 : index
    tpu.barrier barrier_id(%barrier3A_210)
    %mul3A_211 = arith.constant 10240 : i32
    %mul3A_212 = arith.muli %arg0, %mul3A_211 : i32
    %mul3A_213 = arith.constant 640 : i32
    %mul3A_214 = arith.muli %arg1, %mul3A_213 : i32
    %add3A_215 = arith.addi %mul3A_212, %mul3A_214 : i32
    "tpu.region"() ({
      %run_scoped3A = tpu.sem_alloc : memref<!tpu.dma_semaphore, #tpu.memory_space<semaphore_mem>>
      %dma_start3A_216 = arith.constant 0 : i32
      %dma_start3A_217 = tpu.memref_slice %arg5[%add3A_215, %dma_start3A_216] : memref<20480x128xf32, #tpu.memory_space<hbm>> -> memref<640x128xf32, #tpu.memory_space<hbm>>
      %dma_start3A_218 = arith.constant 0 : i32
      %dma_start3A_219 = tpu.memref_slice %arg9[%mul3A_10, %dma_start3A_218] : memref<10240x128xf32, #tpu.memory_space<vmem_shared>> -> memref<640x128xf32, #tpu.memory_space<vmem_shared>>
      tpu.enqueue_dma source(%dma_start3A_219 : memref<640x128xf32, #tpu.memory_space<vmem_shared>>) target(%dma_start3A_217 : memref<640x128xf32, #tpu.memory_space<hbm>>) target_semaphore(%run_scoped3A : memref<!tpu.dma_semaphore, #tpu.memory_space<semaphore_mem>>)
      %dma_wait3A_220 = arith.constant 0 : i32
      %dma_wait3A_221 = tpu.memref_slice %arg5[%add3A_215, %dma_wait3A_220] : memref<20480x128xf32, #tpu.memory_space<hbm>> -> memref<640x128xf32, #tpu.memory_space<hbm>>
      %dma_wait3A_222 = arith.constant 0 : i32
      %dma_wait3A_223 = tpu.memref_slice %arg9[%mul3A_10, %dma_wait3A_222] : memref<10240x128xf32, #tpu.memory_space<vmem_shared>> -> memref<640x128xf32, #tpu.memory_space<vmem_shared>>
      tpu.wait_dma2 semaphore(%run_scoped3A : memref<!tpu.dma_semaphore, #tpu.memory_space<semaphore_mem>>) src(%dma_wait3A_223 : memref<640x128xf32, #tpu.memory_space<vmem_shared>>) dst(%dma_wait3A_221 : memref<640x128xf32, #tpu.memory_space<hbm>>)
      tpu.yield
    }) : () -> ()
    return
  }
}

#map = affine_map<(d0, d1) -> (0, 0)>
#map1 = affine_map<(d0, d1) -> (0)>
module attributes {stable_mosaic.version = 14 : i64} {
  func.func @_agg_body(%arg0: i32, %arg1: i32, %arg2: memref<10000x128xf32, #tpu.memory_space<hbm>>, %arg3: memref<322560xi32, #tpu.memory_space<hbm>>, %arg4: memref<322560xi32, #tpu.memory_space<hbm>>, %arg5: memref<20480x128xf32, #tpu.memory_space<hbm>>, %arg6: memref<5x48xi32, #tpu.memory_space<vmem>>, %arg7: memref<5x48xi32, #tpu.memory_space<vmem>>, %arg8: memref<5x48x128xf32, #tpu.memory_space<vmem>>, %arg9: memref<10240x128xf32, #tpu.memory_space<vmem_shared>>, %arg10: memref<!tpu.dma_semaphore, #tpu.memory_space<semaphore_mem>>, %arg11: memref<!tpu.dma_semaphore, #tpu.memory_space<semaphore_mem>>, %arg12: memref<!tpu.dma_semaphore, #tpu.memory_space<semaphore_mem>>, %arg13: memref<!tpu.dma_semaphore, #tpu.memory_space<semaphore_mem>>, %arg14: memref<!tpu.dma_semaphore, #tpu.memory_space<semaphore_mem>>, %arg15: memref<!tpu.dma_semaphore, #tpu.memory_space<semaphore_mem>>, %arg16: memref<!tpu.dma_semaphore, #tpu.memory_space<semaphore_mem>>, %arg17: memref<!tpu.dma_semaphore, #tpu.memory_space<semaphore_mem>>, %arg18: memref<!tpu.dma_semaphore, #tpu.memory_space<semaphore_mem>>, %arg19: memref<!tpu.dma_semaphore, #tpu.memory_space<semaphore_mem>>, %arg20: memref<!tpu.dma_semaphore, #tpu.memory_space<semaphore_mem>>, %arg21: memref<!tpu.dma_semaphore, #tpu.memory_space<semaphore_mem>>, %arg22: memref<!tpu.dma_semaphore, #tpu.memory_space<semaphore_mem>>, %arg23: memref<!tpu.dma_semaphore, #tpu.memory_space<semaphore_mem>>, %arg24: memref<!tpu.dma_semaphore, #tpu.memory_space<semaphore_mem>>, %arg25: memref<!tpu.dma_semaphore, #tpu.memory_space<semaphore_mem>>) attributes {dimension_semantics = [#tpu.dimension_semantics<core_parallel>, #tpu.dimension_semantics<subcore_parallel>], iteration_bounds = array<i64: 2, 16>, scalar_prefetch = 0 : i64, scratch_operands = 20 : i64, tpu.core_type = #tpu.core_type<sc_vector_subcore>, window_params = [{transform_indices = #map}, {transform_indices = #map1}, {transform_indices = #map1}, {transform_indices = #map}]} {
    %mul3A = arith.constant 16 : i32
    %mul3A_0 = arith.muli %arg0, %mul3A : i32
    %add3A = arith.addi %mul3A_0, %arg1 : i32
    %mul3A_1 = arith.constant 10080 : i32
    %mul3A_2 = arith.muli %add3A, %mul3A_1 : i32
    %scan3A = arith.constant 0 : i32
    %scan3A_3 = arith.constant 0 : i32
    %scan3A_4 = arith.constant 384 : i32
    %scan3A_5 = arith.addi %scan3A_3, %scan3A_4 : i32
    %scan3A_6 = arith.constant 1 : i32
    %scan3A_7 = scf.for %scan3A_216 = %scan3A_3 to %scan3A_5 step %scan3A_6 iter_args(%scan3A_217 = %scan3A) -> (i32)  : i32 {
      %jit3A = arith.constant 8 : i32
      %div3A = arith.divsi %scan3A_216, %jit3A : i32
      %sign3A = arith.constant 0 : i32
      %sign3A_218 = arith.cmpi sgt, %scan3A_216, %sign3A : i32
      %sign3A_219 = arith.extui %sign3A_218 : i1 to i32
      %sign3A_220 = arith.constant 0 : i32
      %sign3A_221 = arith.cmpi slt, %scan3A_216, %sign3A_220 : i32
      %sign3A_222 = arith.extui %sign3A_221 : i1 to i32
      %sign3A_223 = arith.subi %sign3A_219, %sign3A_222 : i32
      %sign3A_224 = arith.constant 0 : i32
      %sign3A_225 = arith.cmpi sgt, %jit3A, %sign3A_224 : i32
      %sign3A_226 = arith.extui %sign3A_225 : i1 to i32
      %sign3A_227 = arith.constant 0 : i32
      %sign3A_228 = arith.cmpi slt, %jit3A, %sign3A_227 : i32
      %sign3A_229 = arith.extui %sign3A_228 : i1 to i32
      %sign3A_230 = arith.subi %sign3A_226, %sign3A_229 : i32
      %ne3A = arith.cmpi ne, %sign3A_223, %sign3A_230 : i32
      %rem3A = arith.remsi %scan3A_216, %jit3A : i32
      %ne3A_231 = arith.constant 0 : i32
      %ne3A_232 = arith.cmpi ne, %rem3A, %ne3A_231 : i32
      %and3A = arith.andi %ne3A, %ne3A_232 : i1
      %sub3A = arith.constant 1 : i32
      %sub3A_233 = arith.subi %div3A, %sub3A : i32
      %select_n3A = arith.select %and3A, %sub3A_233, %div3A : i32
      %jit3A_234 = arith.constant 8 : i32
      %eq3A = arith.constant 0 : i32
      %eq3A_235 = arith.cmpi eq, %jit3A_234, %eq3A : i32
      %jit3A_236 = arith.constant 1 : i32
      %select_n3A_237 = arith.select %eq3A_235, %jit3A_236, %jit3A_234 : i32
      %rem3A_238 = arith.remsi %scan3A_216, %select_n3A_237 : i32
      %ne3A_239 = arith.constant 0 : i32
      %ne3A_240 = arith.cmpi ne, %rem3A_238, %ne3A_239 : i32
      %lt3A = arith.constant 0 : i32
      %lt3A_241 = arith.cmpi slt, %rem3A_238, %lt3A : i32
      %lt3A_242 = arith.constant 0 : i32
      %lt3A_243 = arith.cmpi slt, %select_n3A_237, %lt3A_242 : i32
      %ne3A_244 = arith.xori %lt3A_241, %lt3A_243 : i1
      %and3A_245 = arith.andi %ne3A_244, %ne3A_240 : i1
      %add3A_246 = arith.addi %rem3A_238, %select_n3A_237 : i32
      %select_n3A_247 = arith.select %and3A_245, %add3A_246, %rem3A_238 : i32
      %mul3A_248 = arith.constant 16 : i32
      %mul3A_249 = arith.muli %select_n3A_247, %mul3A_248 : i32
      %broadcast_in_dim3A = arith.constant 0.000000e+00 : f32
      %broadcast_in_dim3A_250 = vector.broadcast %broadcast_in_dim3A : f32 to vector<16xf32>
      %swap3A = arith.constant 0 : i32
      %swap3A_251 = arith.index_cast %swap3A : i32 to index
      %swap3A_252 = arith.index_cast %select_n3A : i32 to index
      %swap3A_253 = arith.index_cast %mul3A_249 : i32 to index
      %swap3A_254 = tpu.vector_load %arg8[%swap3A_251, %swap3A_252, %swap3A_253] {strides = array<i32>} : memref<5x48x128xf32, #tpu.memory_space<vmem>>, vector<1x1x16xf32>,
      %swap3A_255 = vector.shape_cast %swap3A_254 : vector<1x1x16xf32> to vector<16xf32>
      %swap3A_256 = vector.shape_cast %broadcast_in_dim3A_250 : vector<16xf32> to vector<1x1x16xf32>
      tpu.vector_store %arg8[%swap3A_251, %swap3A_252, %swap3A_253], %swap3A_256 {strides = array<i32>} : memref<5x48x128xf32, #tpu.memory_space<vmem>>, vector<1x1x16xf32>,
      %scan3A_257 = arith.constant 0 : i32
      scf.yield %scan3A_257 : i32
    }
    %scan3A_8 = arith.constant 384 : i32
    %mul3A_9 = arith.constant 640 : i32
    %mul3A_10 = arith.muli %arg1, %mul3A_9 : i32
    %scan3A_11 = arith.constant 0 : i32
    %scan3A_12 = arith.constant 0 : i32
    %scan3A_13 = arith.constant 20 : i32
    %scan3A_14 = arith.addi %scan3A_12, %scan3A_13 : i32
    %scan3A_15 = arith.constant 1 : i32
    %scan3A_16 = scf.for %scan3A_216 = %scan3A_12 to %scan3A_14 step %scan3A_15 iter_args(%scan3A_217 = %scan3A_11) -> (i32)  : i32 {
      %mul3A_218 = arith.constant 32 : i32
      %mul3A_219 = arith.muli %scan3A_216, %mul3A_218 : i32
      %add3A_220 = arith.addi %mul3A_10, %mul3A_219 : i32
      %dma_start3A_221 = arith.constant 0 : i32
      %dma_start3A_222 = arith.constant 0 : i32
      %dma_start3A_223 = arith.constant 0 : i32
      %dma_start3A_224 = tpu.memref_slice %arg8[%dma_start3A_221, %dma_start3A_222, %dma_start3A_223] : memref<5x48x128xf32, #tpu.memory_space<vmem>> -> memref<1x32x128xf32, #tpu.memory_space<vmem>>
      %dma_start3A_225 = tpu.memref_squeeze %dma_start3A_224 : memref<1x32x128xf32, #tpu.memory_space<vmem>> -> memref<32x128xf32, #tpu.memory_space<vmem>>
      %dma_start3A_226 = arith.constant 0 : i32
      %dma_start3A_227 = tpu.memref_slice %arg9[%add3A_220, %dma_start3A_226] : memref<10240x128xf32, #tpu.memory_space<vmem_shared>> -> memref<32x128xf32, #tpu.memory_space<vmem_shared>>
      %dma_start3A_228 = arith.constant 0 : i32
      %dma_start3A_229 = tpu.memref_slice %arg9[%add3A_220, %dma_start3A_228] : memref<10240x128xf32, #tpu.memory_space<vmem_shared>> -> memref<32x128xf32, #tpu.memory_space<vmem_shared>>
      %dma_start3A_230 = arith.constant 0 : i32
      %dma_start3A_231 = arith.constant 0 : i32
      %dma_start3A_232 = tpu.memref_slice %arg8[%dma_start3A_221, %dma_start3A_230, %dma_start3A_231] : memref<5x48x128xf32, #tpu.memory_space<vmem>> -> memref<1x32x128xf32, #tpu.memory_space<vmem>>
      %dma_start3A_233 = tpu.memref_squeeze %dma_start3A_232 : memref<1x32x128xf32, #tpu.memory_space<vmem>> -> memref<32x128xf32, #tpu.memory_space<vmem>>
      tpu.enqueue_dma source(%dma_start3A_233 : memref<32x128xf32, #tpu.memory_space<vmem>>) target(%dma_start3A_229 : memref<32x128xf32, #tpu.memory_space<vmem_shared>>) target_semaphore(%arg25 : memref<!tpu.dma_semaphore, #tpu.memory_space<semaphore_mem>>)
      %scan3A_234 = arith.constant 0 : i32
      scf.yield %scan3A_234 : i32
    }
    %scan3A_17 = arith.constant 20 : i32
    %add3A_18 = arith.constant 0 : i32
    %add3A_19 = arith.addi %mul3A_2, %add3A_18 : i32
    %dma_start3A = arith.constant 0 : i32
    %dma_start3A_20 = arith.constant 0 : i32
    %dma_start3A_21 = tpu.memref_slice %arg6[%dma_start3A, %dma_start3A_20] : memref<5x48xi32, #tpu.memory_space<vmem>> -> memref<1x48xi32, #tpu.memory_space<vmem>>
    %dma_start3A_22 = tpu.memref_squeeze %dma_start3A_21 : memref<1x48xi32, #tpu.memory_space<vmem>> -> memref<48xi32, #tpu.memory_space<vmem>>
    %dma_start3A_23 = tpu.memref_slice %arg3[%add3A_19] : memref<322560xi32, #tpu.memory_space<hbm>> -> memref<48xi32, #tpu.memory_space<hbm>>
    %dma_start3A_24 = arith.constant 0 : i32
    %dma_start3A_25 = tpu.memref_slice %arg6[%dma_start3A, %dma_start3A_24] : memref<5x48xi32, #tpu.memory_space<vmem>> -> memref<1x48xi32, #tpu.memory_space<vmem>>
    %dma_start3A_26 = tpu.memref_squeeze %dma_start3A_25 : memref<1x48xi32, #tpu.memory_space<vmem>> -> memref<48xi32, #tpu.memory_space<vmem>>
    %dma_start3A_27 = tpu.memref_slice %arg3[%add3A_19] : memref<322560xi32, #tpu.memory_space<hbm>> -> memref<48xi32, #tpu.memory_space<hbm>>
    tpu.enqueue_dma source(%dma_start3A_27 : memref<48xi32, #tpu.memory_space<hbm>>) target(%dma_start3A_26 : memref<48xi32, #tpu.memory_space<vmem>>) target_semaphore(%arg10 : memref<!tpu.dma_semaphore, #tpu.memory_space<semaphore_mem>>)
    %dma_start3A_28 = arith.constant 0 : i32
    %dma_start3A_29 = arith.constant 0 : i32
    %dma_start3A_30 = tpu.memref_slice %arg7[%dma_start3A_28, %dma_start3A_29] : memref<5x48xi32, #tpu.memory_space<vmem>> -> memref<1x48xi32, #tpu.memory_space<vmem>>
    %dma_start3A_31 = tpu.memref_squeeze %dma_start3A_30 : memref<1x48xi32, #tpu.memory_space<vmem>> -> memref<48xi32, #tpu.memory_space<vmem>>
    %dma_start3A_32 = tpu.memref_slice %arg4[%add3A_19] : memref<322560xi32, #tpu.memory_space<hbm>> -> memref<48xi32, #tpu.memory_space<hbm>>
    %dma_start3A_33 = arith.constant 0 : i32
    %dma_start3A_34 = tpu.memref_slice %arg7[%dma_start3A_28, %dma_start3A_33] : memref<5x48xi32, #tpu.memory_space<vmem>> -> memref<1x48xi32, #tpu.memory_space<vmem>>
    %dma_start3A_35 = tpu.memref_squeeze %dma_start3A_34 : memref<1x48xi32, #tpu.memory_space<vmem>> -> memref<48xi32, #tpu.memory_space<vmem>>
    %dma_start3A_36 = tpu.memref_slice %arg4[%add3A_19] : memref<322560xi32, #tpu.memory_space<hbm>> -> memref<48xi32, #tpu.memory_space<hbm>>
    tpu.enqueue_dma source(%dma_start3A_36 : memref<48xi32, #tpu.memory_space<hbm>>) target(%dma_start3A_35 : memref<48xi32, #tpu.memory_space<vmem>>) target_semaphore(%arg10 : memref<!tpu.dma_semaphore, #tpu.memory_space<semaphore_mem>>)
    %add3A_37 = arith.constant 48 : i32
    %add3A_38 = arith.addi %mul3A_2, %add3A_37 : i32
    %dma_start3A_39 = arith.constant 1 : i32
    %dma_start3A_40 = arith.constant 0 : i32
    %dma_start3A_41 = tpu.memref_slice %arg6[%dma_start3A_39, %dma_start3A_40] : memref<5x48xi32, #tpu.memory_space<vmem>> -> memref<1x48xi32, #tpu.memory_space<vmem>>
    %dma_start3A_42 = tpu.memref_squeeze %dma_start3A_41 : memref<1x48xi32, #tpu.memory_space<vmem>> -> memref<48xi32, #tpu.memory_space<vmem>>
    %dma_start3A_43 = tpu.memref_slice %arg3[%add3A_38] : memref<322560xi32, #tpu.memory_space<hbm>> -> memref<48xi32, #tpu.memory_space<hbm>>
    %dma_start3A_44 = arith.constant 0 : i32
    %dma_start3A_45 = tpu.memref_slice %arg6[%dma_start3A_39, %dma_start3A_44] : memref<5x48xi32, #tpu.memory_space<vmem>> -> memref<1x48xi32, #tpu.memory_space<vmem>>
    %dma_start3A_46 = tpu.memref_squeeze %dma_start3A_45 : memref<1x48xi32, #tpu.memory_space<vmem>> -> memref<48xi32, #tpu.memory_space<vmem>>
    %dma_start3A_47 = tpu.memref_slice %arg3[%add3A_38] : memref<322560xi32, #tpu.memory_space<hbm>> -> memref<48xi32, #tpu.memory_space<hbm>>
    tpu.enqueue_dma source(%dma_start3A_47 : memref<48xi32, #tpu.memory_space<hbm>>) target(%dma_start3A_46 : memref<48xi32, #tpu.memory_space<vmem>>) target_semaphore(%arg11 : memref<!tpu.dma_semaphore, #tpu.memory_space<semaphore_mem>>)
    %dma_start3A_48 = arith.constant 1 : i32
    %dma_start3A_49 = arith.constant 0 : i32
    %dma_start3A_50 = tpu.memref_slice %arg7[%dma_start3A_48, %dma_start3A_49] : memref<5x48xi32, #tpu.memory_space<vmem>> -> memref<1x48xi32, #tpu.memory_space<vmem>>
    %dma_start3A_51 = tpu.memref_squeeze %dma_start3A_50 : memref<1x48xi32, #tpu.memory_space<vmem>> -> memref<48xi32, #tpu.memory_space<vmem>>
    %dma_start3A_52 = tpu.memref_slice %arg4[%add3A_38] : memref<322560xi32, #tpu.memory_space<hbm>> -> memref<48xi32, #tpu.memory_space<hbm>>
    %dma_start3A_53 = arith.constant 0 : i32
    %dma_start3A_54 = tpu.memref_slice %arg7[%dma_start3A_48, %dma_start3A_53] : memref<5x48xi32, #tpu.memory_space<vmem>> -> memref<1x48xi32, #tpu.memory_space<vmem>>
    %dma_start3A_55 = tpu.memref_squeeze %dma_start3A_54 : memref<1x48xi32, #tpu.memory_space<vmem>> -> memref<48xi32, #tpu.memory_space<vmem>>
    %dma_start3A_56 = tpu.memref_slice %arg4[%add3A_38] : memref<322560xi32, #tpu.memory_space<hbm>> -> memref<48xi32, #tpu.memory_space<hbm>>
    tpu.enqueue_dma source(%dma_start3A_56 : memref<48xi32, #tpu.memory_space<hbm>>) target(%dma_start3A_55 : memref<48xi32, #tpu.memory_space<vmem>>) target_semaphore(%arg11 : memref<!tpu.dma_semaphore, #tpu.memory_space<semaphore_mem>>)
    %add3A_57 = arith.constant 96 : i32
    %add3A_58 = arith.addi %mul3A_2, %add3A_57 : i32
    %dma_start3A_59 = arith.constant 2 : i32
    %dma_start3A_60 = arith.constant 0 : i32
    %dma_start3A_61 = tpu.memref_slice %arg6[%dma_start3A_59, %dma_start3A_60] : memref<5x48xi32, #tpu.memory_space<vmem>> -> memref<1x48xi32, #tpu.memory_space<vmem>>
    %dma_start3A_62 = tpu.memref_squeeze %dma_start3A_61 : memref<1x48xi32, #tpu.memory_space<vmem>> -> memref<48xi32, #tpu.memory_space<vmem>>
    %dma_start3A_63 = tpu.memref_slice %arg3[%add3A_58] : memref<322560xi32, #tpu.memory_space<hbm>> -> memref<48xi32, #tpu.memory_space<hbm>>
    %dma_start3A_64 = arith.constant 0 : i32
    %dma_start3A_65 = tpu.memref_slice %arg6[%dma_start3A_59, %dma_start3A_64] : memref<5x48xi32, #tpu.memory_space<vmem>> -> memref<1x48xi32, #tpu.memory_space<vmem>>
    %dma_start3A_66 = tpu.memref_squeeze %dma_start3A_65 : memref<1x48xi32, #tpu.memory_space<vmem>> -> memref<48xi32, #tpu.memory_space<vmem>>
    %dma_start3A_67 = tpu.memref_slice %arg3[%add3A_58] : memref<322560xi32, #tpu.memory_space<hbm>> -> memref<48xi32, #tpu.memory_space<hbm>>
    tpu.enqueue_dma source(%dma_start3A_67 : memref<48xi32, #tpu.memory_space<hbm>>) target(%dma_start3A_66 : memref<48xi32, #tpu.memory_space<vmem>>) target_semaphore(%arg12 : memref<!tpu.dma_semaphore, #tpu.memory_space<semaphore_mem>>)
    %dma_start3A_68 = arith.constant 2 : i32
    %dma_start3A_69 = arith.constant 0 : i32
    %dma_start3A_70 = tpu.memref_slice %arg7[%dma_start3A_68, %dma_start3A_69] : memref<5x48xi32, #tpu.memory_space<vmem>> -> memref<1x48xi32, #tpu.memory_space<vmem>>
    %dma_start3A_71 = tpu.memref_squeeze %dma_start3A_70 : memref<1x48xi32, #tpu.memory_space<vmem>> -> memref<48xi32, #tpu.memory_space<vmem>>
    %dma_start3A_72 = tpu.memref_slice %arg4[%add3A_58] : memref<322560xi32, #tpu.memory_space<hbm>> -> memref<48xi32, #tpu.memory_space<hbm>>
    %dma_start3A_73 = arith.constant 0 : i32
    %dma_start3A_74 = tpu.memref_slice %arg7[%dma_start3A_68, %dma_start3A_73] : memref<5x48xi32, #tpu.memory_space<vmem>> -> memref<1x48xi32, #tpu.memory_space<vmem>>
    %dma_start3A_75 = tpu.memref_squeeze %dma_start3A_74 : memref<1x48xi32, #tpu.memory_space<vmem>> -> memref<48xi32, #tpu.memory_space<vmem>>
    %dma_start3A_76 = tpu.memref_slice %arg4[%add3A_58] : memref<322560xi32, #tpu.memory_space<hbm>> -> memref<48xi32, #tpu.memory_space<hbm>>
    tpu.enqueue_dma source(%dma_start3A_76 : memref<48xi32, #tpu.memory_space<hbm>>) target(%dma_start3A_75 : memref<48xi32, #tpu.memory_space<vmem>>) target_semaphore(%arg12 : memref<!tpu.dma_semaphore, #tpu.memory_space<semaphore_mem>>)
    %add3A_77 = arith.constant 144 : i32
    %add3A_78 = arith.addi %mul3A_2, %add3A_77 : i32
    %dma_start3A_79 = arith.constant 3 : i32
    %dma_start3A_80 = arith.constant 0 : i32
    %dma_start3A_81 = tpu.memref_slice %arg6[%dma_start3A_79, %dma_start3A_80] : memref<5x48xi32, #tpu.memory_space<vmem>> -> memref<1x48xi32, #tpu.memory_space<vmem>>
    %dma_start3A_82 = tpu.memref_squeeze %dma_start3A_81 : memref<1x48xi32, #tpu.memory_space<vmem>> -> memref<48xi32, #tpu.memory_space<vmem>>
    %dma_start3A_83 = tpu.memref_slice %arg3[%add3A_78] : memref<322560xi32, #tpu.memory_space<hbm>> -> memref<48xi32, #tpu.memory_space<hbm>>
    %dma_start3A_84 = arith.constant 0 : i32
    %dma_start3A_85 = tpu.memref_slice %arg6[%dma_start3A_79, %dma_start3A_84] : memref<5x48xi32, #tpu.memory_space<vmem>> -> memref<1x48xi32, #tpu.memory_space<vmem>>
    %dma_start3A_86 = tpu.memref_squeeze %dma_start3A_85 : memref<1x48xi32, #tpu.memory_space<vmem>> -> memref<48xi32, #tpu.memory_space<vmem>>
    %dma_start3A_87 = tpu.memref_slice %arg3[%add3A_78] : memref<322560xi32, #tpu.memory_space<hbm>> -> memref<48xi32, #tpu.memory_space<hbm>>
    tpu.enqueue_dma source(%dma_start3A_87 : memref<48xi32, #tpu.memory_space<hbm>>) target(%dma_start3A_86 : memref<48xi32, #tpu.memory_space<vmem>>) target_semaphore(%arg13 : memref<!tpu.dma_semaphore, #tpu.memory_space<semaphore_mem>>)
    %dma_start3A_88 = arith.constant 3 : i32
    %dma_start3A_89 = arith.constant 0 : i32
    %dma_start3A_90 = tpu.memref_slice %arg7[%dma_start3A_88, %dma_start3A_89] : memref<5x48xi32, #tpu.memory_space<vmem>> -> memref<1x48xi32, #tpu.memory_space<vmem>>
    %dma_start3A_91 = tpu.memref_squeeze %dma_start3A_90 : memref<1x48xi32, #tpu.memory_space<vmem>> -> memref<48xi32, #tpu.memory_space<vmem>>
    %dma_start3A_92 = tpu.memref_slice %arg4[%add3A_78] : memref<322560xi32, #tpu.memory_space<hbm>> -> memref<48xi32, #tpu.memory_space<hbm>>
    %dma_start3A_93 = arith.constant 0 : i32
    %dma_start3A_94 = tpu.memref_slice %arg7[%dma_start3A_88, %dma_start3A_93] : memref<5x48xi32, #tpu.memory_space<vmem>> -> memref<1x48xi32, #tpu.memory_space<vmem>>
    %dma_start3A_95 = tpu.memref_squeeze %dma_start3A_94 : memref<1x48xi32, #tpu.memory_space<vmem>> -> memref<48xi32, #tpu.memory_space<vmem>>
    %dma_start3A_96 = tpu.memref_slice %arg4[%add3A_78] : memref<322560xi32, #tpu.memory_space<hbm>> -> memref<48xi32, #tpu.memory_space<hbm>>
    tpu.enqueue_dma source(%dma_start3A_96 : memref<48xi32, #tpu.memory_space<hbm>>) target(%dma_start3A_95 : memref<48xi32, #tpu.memory_space<vmem>>) target_semaphore(%arg13 : memref<!tpu.dma_semaphore, #tpu.memory_space<semaphore_mem>>)
    %scan3A_97 = arith.constant 0 : i32
    %scan3A_98 = arith.constant 0 : i32
    %scan3A_99 = arith.constant 20 : i32
    %scan3A_100 = arith.addi %scan3A_98, %scan3A_99 : i32
    %scan3A_101 = arith.constant 1 : i32
    %scan3A_102 = scf.for %scan3A_216 = %scan3A_98 to %scan3A_100 step %scan3A_101 iter_args(%scan3A_217 = %scan3A_97) -> (i32)  : i32 {
      %mul3A_218 = arith.constant 32 : i32
      %mul3A_219 = arith.muli %scan3A_216, %mul3A_218 : i32
      %add3A_220 = arith.addi %mul3A_10, %mul3A_219 : i32
      %dma_wait3A_221 = arith.constant 0 : i32
      %dma_wait3A_222 = arith.constant 0 : i32
      %dma_wait3A_223 = arith.constant 0 : i32
      %dma_wait3A_224 = tpu.memref_slice %arg8[%dma_wait3A_221, %dma_wait3A_222, %dma_wait3A_223] : memref<5x48x128xf32, #tpu.memory_space<vmem>> -> memref<1x32x128xf32, #tpu.memory_space<vmem>>
      %dma_wait3A_225 = tpu.memref_squeeze %dma_wait3A_224 : memref<1x32x128xf32, #tpu.memory_space<vmem>> -> memref<32x128xf32, #tpu.memory_space<vmem>>
      %dma_wait3A_226 = arith.constant 0 : i32
      %dma_wait3A_227 = tpu.memref_slice %arg9[%add3A_220, %dma_wait3A_226] : memref<10240x128xf32, #tpu.memory_space<vmem_shared>> -> memref<32x128xf32, #tpu.memory_space<vmem_shared>>
      %dma_wait3A_228 = arith.constant 0 : i32
      %dma_wait3A_229 = tpu.memref_slice %arg9[%add3A_220, %dma_wait3A_228] : memref<10240x128xf32, #tpu.memory_space<vmem_shared>> -> memref<32x128xf32, #tpu.memory_space<vmem_shared>>
      %dma_wait3A_230 = arith.constant 0 : i32
      %dma_wait3A_231 = arith.constant 0 : i32
      %dma_wait3A_232 = tpu.memref_slice %arg8[%dma_wait3A_221, %dma_wait3A_230, %dma_wait3A_231] : memref<5x48x128xf32, #tpu.memory_space<vmem>> -> memref<1x32x128xf32, #tpu.memory_space<vmem>>
      %dma_wait3A_233 = tpu.memref_squeeze %dma_wait3A_232 : memref<1x32x128xf32, #tpu.memory_space<vmem>> -> memref<32x128xf32, #tpu.memory_space<vmem>>
      tpu.wait_dma2 semaphore(%arg25 : memref<!tpu.dma_semaphore, #tpu.memory_space<semaphore_mem>>) src(%dma_wait3A_233 : memref<32x128xf32, #tpu.memory_space<vmem>>) dst(%dma_wait3A_229 : memref<32x128xf32, #tpu.memory_space<vmem_shared>>)
      %scan3A_234 = arith.constant 0 : i32
      scf.yield %scan3A_234 : i32
    }
    %scan3A_103 = arith.constant 20 : i32
    %add3A_104 = arith.constant 0 : i32
    %add3A_105 = arith.addi %mul3A_2, %add3A_104 : i32
    %dma_wait3A = arith.constant 0 : i32
    %dma_wait3A_106 = arith.constant 0 : i32
    %dma_wait3A_107 = tpu.memref_slice %arg6[%dma_wait3A, %dma_wait3A_106] : memref<5x48xi32, #tpu.memory_space<vmem>> -> memref<1x48xi32, #tpu.memory_space<vmem>>
    %dma_wait3A_108 = tpu.memref_squeeze %dma_wait3A_107 : memref<1x48xi32, #tpu.memory_space<vmem>> -> memref<48xi32, #tpu.memory_space<vmem>>
    %dma_wait3A_109 = tpu.memref_slice %arg3[%add3A_105] : memref<322560xi32, #tpu.memory_space<hbm>> -> memref<48xi32, #tpu.memory_space<hbm>>
    %dma_wait3A_110 = arith.constant 0 : i32
    %dma_wait3A_111 = tpu.memref_slice %arg6[%dma_wait3A, %dma_wait3A_110] : memref<5x48xi32, #tpu.memory_space<vmem>> -> memref<1x48xi32, #tpu.memory_space<vmem>>
    %dma_wait3A_112 = tpu.memref_squeeze %dma_wait3A_111 : memref<1x48xi32, #tpu.memory_space<vmem>> -> memref<48xi32, #tpu.memory_space<vmem>>
    %dma_wait3A_113 = tpu.memref_slice %arg3[%add3A_105] : memref<322560xi32, #tpu.memory_space<hbm>> -> memref<48xi32, #tpu.memory_space<hbm>>
    tpu.wait_dma2 semaphore(%arg10 : memref<!tpu.dma_semaphore, #tpu.memory_space<semaphore_mem>>) src(%dma_wait3A_113 : memref<48xi32, #tpu.memory_space<hbm>>) dst(%dma_wait3A_112 : memref<48xi32, #tpu.memory_space<vmem>>)
    %dma_wait3A_114 = arith.constant 0 : i32
    %dma_wait3A_115 = arith.constant 0 : i32
    %dma_wait3A_116 = tpu.memref_slice %arg7[%dma_wait3A_114, %dma_wait3A_115] : memref<5x48xi32, #tpu.memory_space<vmem>> -> memref<1x48xi32, #tpu.memory_space<vmem>>
    %dma_wait3A_117 = tpu.memref_squeeze %dma_wait3A_116 : memref<1x48xi32, #tpu.memory_space<vmem>> -> memref<48xi32, #tpu.memory_space<vmem>>
    %dma_wait3A_118 = tpu.memref_slice %arg4[%add3A_105] : memref<322560xi32, #tpu.memory_space<hbm>> -> memref<48xi32, #tpu.memory_space<hbm>>
    %dma_wait3A_119 = arith.constant 0 : i32
    %dma_wait3A_120 = tpu.memref_slice %arg7[%dma_wait3A_114, %dma_wait3A_119] : memref<5x48xi32, #tpu.memory_space<vmem>> -> memref<1x48xi32, #tpu.memory_space<vmem>>
    %dma_wait3A_121 = tpu.memref_squeeze %dma_wait3A_120 : memref<1x48xi32, #tpu.memory_space<vmem>> -> memref<48xi32, #tpu.memory_space<vmem>>
    %dma_wait3A_122 = tpu.memref_slice %arg4[%add3A_105] : memref<322560xi32, #tpu.memory_space<hbm>> -> memref<48xi32, #tpu.memory_space<hbm>>
    tpu.wait_dma2 semaphore(%arg10 : memref<!tpu.dma_semaphore, #tpu.memory_space<semaphore_mem>>) src(%dma_wait3A_122 : memref<48xi32, #tpu.memory_space<hbm>>) dst(%dma_wait3A_121 : memref<48xi32, #tpu.memory_space<vmem>>)
    %dma_start3A_123 = arith.constant 0 : i32
    %dma_start3A_124 = arith.constant 0 : i32
    %dma_start3A_125 = arith.constant 0 : i32
    %dma_start3A_126 = arith.constant 0 : i32
    %dma_start3A_127 = tpu.memref_slice %arg8[%dma_start3A_124, %dma_start3A_125, %dma_start3A_126] : memref<5x48x128xf32, #tpu.memory_space<vmem>> -> memref<1x48x128xf32, #tpu.memory_space<vmem>>
    %dma_start3A_128 = tpu.memref_squeeze %dma_start3A_127 : memref<1x48x128xf32, #tpu.memory_space<vmem>> -> memref<48x128xf32, #tpu.memory_space<vmem>>
    %dma_start3A_129 = arith.constant 0 : i32
    %dma_start3A_130 = tpu.memref_slice %arg6[%dma_start3A_123, %dma_start3A_129] : memref<5x48xi32, #tpu.memory_space<vmem>> -> memref<1x48xi32, #tpu.memory_space<vmem>>
    %dma_start3A_131 = tpu.memref_squeeze %dma_start3A_130 : memref<1x48xi32, #tpu.memory_space<vmem>> -> memref<48xi32, #tpu.memory_space<vmem>>
    %dma_start3A_132 = arith.constant 0 : i32
    %dma_start3A_133 = arith.constant 0 : i32
    %dma_start3A_134 = tpu.memref_slice %arg2[%dma_start3A_132, %dma_start3A_133] : memref<10000x128xf32, #tpu.memory_space<hbm>> -> memref<10000x128xf32, #tpu.memory_space<hbm>>
    tpu.enqueue_indirect_dma source(%dma_start3A_134 : memref<10000x128xf32, #tpu.memory_space<hbm>>) target(%dma_start3A_128 : memref<48x128xf32, #tpu.memory_space<vmem>>) offsets(%dma_start3A_131 : memref<48xi32, #tpu.memory_space<vmem>>) semaphore(%arg15 : memref<!tpu.dma_semaphore, #tpu.memory_space<semaphore_mem>>)
    %add3A_135 = arith.constant 48 : i32
    %add3A_136 = arith.addi %mul3A_2, %add3A_135 : i32
    %dma_wait3A_137 = arith.constant 1 : i32
    %dma_wait3A_138 = arith.constant 0 : i32
    %dma_wait3A_139 = tpu.memref_slice %arg6[%dma_wait3A_137, %dma_wait3A_138] : memref<5x48xi32, #tpu.memory_space<vmem>> -> memref<1x48xi32, #tpu.memory_space<vmem>>
    %dma_wait3A_140 = tpu.memref_squeeze %dma_wait3A_139 : memref<1x48xi32, #tpu.memory_space<vmem>> -> memref<48xi32, #tpu.memory_space<vmem>>
    %dma_wait3A_141 = tpu.memref_slice %arg3[%add3A_136] : memref<322560xi32, #tpu.memory_space<hbm>> -> memref<48xi32, #tpu.memory_space<hbm>>
    %dma_wait3A_142 = arith.constant 0 : i32
    %dma_wait3A_143 = tpu.memref_slice %arg6[%dma_wait3A_137, %dma_wait3A_142] : memref<5x48xi32, #tpu.memory_space<vmem>> -> memref<1x48xi32, #tpu.memory_space<vmem>>
    %dma_wait3A_144 = tpu.memref_squeeze %dma_wait3A_143 : memref<1x48xi32, #tpu.memory_space<vmem>> -> memref<48xi32, #tpu.memory_space<vmem>>
    %dma_wait3A_145 = tpu.memref_slice %arg3[%add3A_136] : memref<322560xi32, #tpu.memory_space<hbm>> -> memref<48xi32, #tpu.memory_space<hbm>>
    tpu.wait_dma2 semaphore(%arg11 : memref<!tpu.dma_semaphore, #tpu.memory_space<semaphore_mem>>) src(%dma_wait3A_145 : memref<48xi32, #tpu.memory_space<hbm>>) dst(%dma_wait3A_144 : memref<48xi32, #tpu.memory_space<vmem>>)
    %dma_wait3A_146 = arith.constant 1 : i32
    %dma_wait3A_147 = arith.constant 0 : i32
    %dma_wait3A_148 = tpu.memref_slice %arg7[%dma_wait3A_146, %dma_wait3A_147] : memref<5x48xi32, #tpu.memory_space<vmem>> -> memref<1x48xi32, #tpu.memory_space<vmem>>
    %dma_wait3A_149 = tpu.memref_squeeze %dma_wait3A_148 : memref<1x48xi32, #tpu.memory_space<vmem>> -> memref<48xi32, #tpu.memory_space<vmem>>
    %dma_wait3A_150 = tpu.memref_slice %arg4[%add3A_136] : memref<322560xi32, #tpu.memory_space<hbm>> -> memref<48xi32, #tpu.memory_space<hbm>>
    %dma_wait3A_151 = arith.constant 0 : i32
    %dma_wait3A_152 = tpu.memref_slice %arg7[%dma_wait3A_146, %dma_wait3A_151] : memref<5x48xi32, #tpu.memory_space<vmem>> -> memref<1x48xi32, #tpu.memory_space<vmem>>
    %dma_wait3A_153 = tpu.memref_squeeze %dma_wait3A_152 : memref<1x48xi32, #tpu.memory_space<vmem>> -> memref<48xi32, #tpu.memory_space<vmem>>
    %dma_wait3A_154 = tpu.memref_slice %arg4[%add3A_136] : memref<322560xi32, #tpu.memory_space<hbm>> -> memref<48xi32, #tpu.memory_space<hbm>>
    tpu.wait_dma2 semaphore(%arg11 : memref<!tpu.dma_semaphore, #tpu.memory_space<semaphore_mem>>) src(%dma_wait3A_154 : memref<48xi32, #tpu.memory_space<hbm>>) dst(%dma_wait3A_153 : memref<48xi32, #tpu.memory_space<vmem>>)
    %dma_start3A_155 = arith.constant 1 : i32
    %dma_start3A_156 = arith.constant 1 : i32
    %dma_start3A_157 = arith.constant 0 : i32
    %dma_start3A_158 = arith.constant 0 : i32
    %dma_start3A_159 = tpu.memref_slice %arg8[%dma_start3A_156, %dma_start3A_157, %dma_start3A_158] : memref<5x48x128xf32, #tpu.memory_space<vmem>> -> memref<1x48x128xf32, #tpu.memory_space<vmem>>
    %dma_start3A_160 = tpu.memref_squeeze %dma_start3A_159 : memref<1x48x128xf32, #tpu.memory_space<vmem>> -> memref<48x128xf32, #tpu.memory_space<vmem>>
    %dma_start3A_161 = arith.constant 0 : i32
    %dma_start3A_162 = tpu.memref_slice %arg6[%dma_start3A_155, %dma_start3A_161] : memref<5x48xi32, #tpu.memory_space<vmem>> -> memref<1x48xi32, #tpu.memory_space<vmem>>
    %dma_start3A_163 = tpu.memref_squeeze %dma_start3A_162 : memref<1x48xi32, #tpu.memory_space<vmem>> -> memref<48xi32, #tpu.memory_space<vmem>>
    %dma_start3A_164 = arith.constant 0 : i32
    %dma_start3A_165 = arith.constant 0 : i32
    %dma_start3A_166 = tpu.memref_slice %arg2[%dma_start3A_164, %dma_start3A_165] : memref<10000x128xf32, #tpu.memory_space<hbm>> -> memref<10000x128xf32, #tpu.memory_space<hbm>>
    tpu.enqueue_indirect_dma source(%dma_start3A_166 : memref<10000x128xf32, #tpu.memory_space<hbm>>) target(%dma_start3A_160 : memref<48x128xf32, #tpu.memory_space<vmem>>) offsets(%dma_start3A_163 : memref<48xi32, #tpu.memory_space<vmem>>) semaphore(%arg16 : memref<!tpu.dma_semaphore, #tpu.memory_space<semaphore_mem>>)
    %barrier3A = arith.constant 0 : index
    tpu.barrier barrier_id(%barrier3A)
    %scan3A_167 = arith.constant 0 : i32
    %scan3A_168 = arith.constant 0 : i32
    %scan3A_169 = arith.constant 42 : i32
    %scan3A_170 = arith.addi %scan3A_168, %scan3A_169 : i32
    %scan3A_171 = arith.constant 1 : i32
    %scan3A_172 = scf.for %scan3A_216 = %scan3A_168 to %scan3A_170 step %scan3A_171 iter_args(%scan3A_217 = %scan3A_167) -> (i32)  : i32 {
      %mul3A_218 = arith.constant 5 : i32
      %mul3A_219 = arith.muli %scan3A_216, %mul3A_218 : i32
      %add3A_220 = arith.constant 0 : i32
      %add3A_221 = arith.addi %mul3A_219, %add3A_220 : i32
      %add3A_222 = arith.constant 4 : i32
      %add3A_223 = arith.addi %add3A_221, %add3A_222 : i32
      %lt3A = arith.constant 210 : i32
      %lt3A_224 = arith.cmpi slt, %add3A_223, %lt3A : i32
      %convert_element_type3A = arith.extui %lt3A_224 : i1 to i32
      %cond3A = arith.constant 0 : i32
      %cond3A_225 = arith.cmpi ne, %convert_element_type3A, %cond3A : i32
      scf.if %cond3A_225 {
        %add3A_450 = arith.constant 4 : i32
        %add3A_451 = arith.addi %add3A_221, %add3A_450 : i32
        %mul3A_452 = arith.constant 48 : i32
        %mul3A_453 = arith.muli %add3A_451, %mul3A_452 : i32
        %add3A_454 = arith.addi %mul3A_2, %mul3A_453 : i32
        %dma_start3A_455 = arith.constant 4 : i32
        %dma_start3A_456 = arith.constant 0 : i32
        %dma_start3A_457 = tpu.memref_slice %arg6[%dma_start3A_455, %dma_start3A_456] : memref<5x48xi32, #tpu.memory_space<vmem>> -> memref<1x48xi32, #tpu.memory_space<vmem>>
        %dma_start3A_458 = tpu.memref_squeeze %dma_start3A_457 : memref<1x48xi32, #tpu.memory_space<vmem>> -> memref<48xi32, #tpu.memory_space<vmem>>
        %dma_start3A_459 = tpu.memref_slice %arg3[%add3A_454] : memref<322560xi32, #tpu.memory_space<hbm>> -> memref<48xi32, #tpu.memory_space<hbm>>
        %dma_start3A_460 = arith.constant 0 : i32
        %dma_start3A_461 = tpu.memref_slice %arg6[%dma_start3A_455, %dma_start3A_460] : memref<5x48xi32, #tpu.memory_space<vmem>> -> memref<1x48xi32, #tpu.memory_space<vmem>>
        %dma_start3A_462 = tpu.memref_squeeze %dma_start3A_461 : memref<1x48xi32, #tpu.memory_space<vmem>> -> memref<48xi32, #tpu.memory_space<vmem>>
        %dma_start3A_463 = tpu.memref_slice %arg3[%add3A_454] : memref<322560xi32, #tpu.memory_space<hbm>> -> memref<48xi32, #tpu.memory_space<hbm>>
        tpu.enqueue_dma source(%dma_start3A_463 : memref<48xi32, #tpu.memory_space<hbm>>) target(%dma_start3A_462 : memref<48xi32, #tpu.memory_space<vmem>>) target_semaphore(%arg14 : memref<!tpu.dma_semaphore, #tpu.memory_space<semaphore_mem>>)
        %dma_start3A_464 = arith.constant 4 : i32
        %dma_start3A_465 = arith.constant 0 : i32
        %dma_start3A_466 = tpu.memref_slice %arg7[%dma_start3A_464, %dma_start3A_465] : memref<5x48xi32, #tpu.memory_space<vmem>> -> memref<1x48xi32, #tpu.memory_space<vmem>>
        %dma_start3A_467 = tpu.memref_squeeze %dma_start3A_466 : memref<1x48xi32, #tpu.memory_space<vmem>> -> memref<48xi32, #tpu.memory_space<vmem>>
        %dma_start3A_468 = tpu.memref_slice %arg4[%add3A_454] : memref<322560xi32, #tpu.memory_space<hbm>> -> memref<48xi32, #tpu.memory_space<hbm>>
        %dma_start3A_469 = arith.constant 0 : i32
        %dma_start3A_470 = tpu.memref_slice %arg7[%dma_start3A_464, %dma_start3A_469] : memref<5x48xi32, #tpu.memory_space<vmem>> -> memref<1x48xi32, #tpu.memory_space<vmem>>
        %dma_start3A_471 = tpu.memref_squeeze %dma_start3A_470 : memref<1x48xi32, #tpu.memory_space<vmem>> -> memref<48xi32, #tpu.memory_space<vmem>>
        %dma_start3A_472 = tpu.memref_slice %arg4[%add3A_454] : memref<322560xi32, #tpu.memory_space<hbm>> -> memref<48xi32, #tpu.memory_space<hbm>>
        tpu.enqueue_dma source(%dma_start3A_472 : memref<48xi32, #tpu.memory_space<hbm>>) target(%dma_start3A_471 : memref<48xi32, #tpu.memory_space<vmem>>) target_semaphore(%arg14 : memref<!tpu.dma_semaphore, #tpu.memory_space<semaphore_mem>>)
      } else {
      }
      %ge3A = arith.constant 3 : i32
      %ge3A_226 = arith.cmpi sge, %add3A_221, %ge3A : i32
      %convert_element_type3A_227 = arith.extui %ge3A_226 : i1 to i32
      %cond3A_228 = arith.constant 0 : i32
      %cond3A_229 = arith.cmpi ne, %convert_element_type3A_227, %cond3A_228 : i32
      scf.if %cond3A_229 {
        %dma_wait3A_450 = arith.constant 2 : i32
        %dma_wait3A_451 = arith.constant 2 : i32
        %dma_wait3A_452 = arith.constant 0 : i32
        %dma_wait3A_453 = arith.constant 0 : i32
        %dma_wait3A_454 = tpu.memref_slice %arg8[%dma_wait3A_450, %dma_wait3A_452, %dma_wait3A_453] : memref<5x48x128xf32, #tpu.memory_space<vmem>> -> memref<1x48x128xf32, #tpu.memory_space<vmem>>
        %dma_wait3A_455 = tpu.memref_squeeze %dma_wait3A_454 : memref<1x48x128xf32, #tpu.memory_space<vmem>> -> memref<48x128xf32, #tpu.memory_space<vmem>>
        %dma_wait3A_456 = arith.constant 0 : i32
        %dma_wait3A_457 = tpu.memref_slice %arg7[%dma_wait3A_451, %dma_wait3A_456] : memref<5x48xi32, #tpu.memory_space<vmem>> -> memref<1x48xi32, #tpu.memory_space<vmem>>
        %dma_wait3A_458 = tpu.memref_squeeze %dma_wait3A_457 : memref<1x48xi32, #tpu.memory_space<vmem>> -> memref<48xi32, #tpu.memory_space<vmem>>
        %dma_wait3A_459 = arith.constant 0 : i32
        %dma_wait3A_460 = arith.constant 0 : i32
        %dma_wait3A_461 = tpu.memref_slice %arg9[%dma_wait3A_459, %dma_wait3A_460] : memref<10240x128xf32, #tpu.memory_space<vmem_shared>> -> memref<10240x128xf32, #tpu.memory_space<vmem_shared>>
        tpu.wait_indirect_dma semaphore(%arg22 : memref<!tpu.dma_semaphore, #tpu.memory_space<semaphore_mem>>) src(%dma_wait3A_455 : memref<48x128xf32, #tpu.memory_space<vmem>>) dst(%dma_wait3A_461 : memref<10240x128xf32, #tpu.memory_space<vmem_shared>>)
      } else {
      }
      %add3A_230 = arith.constant 2 : i32
      %add3A_231 = arith.addi %add3A_221, %add3A_230 : i32
      %lt3A_232 = arith.constant 210 : i32
      %lt3A_233 = arith.cmpi slt, %add3A_231, %lt3A_232 : i32
      %convert_element_type3A_234 = arith.extui %lt3A_233 : i1 to i32
      %cond3A_235 = arith.constant 0 : i32
      %cond3A_236 = arith.cmpi ne, %convert_element_type3A_234, %cond3A_235 : i32
      scf.if %cond3A_236 {
        %add3A_450 = arith.constant 2 : i32
        %add3A_451 = arith.addi %add3A_221, %add3A_450 : i32
        %mul3A_452 = arith.constant 48 : i32
        %mul3A_453 = arith.muli %add3A_451, %mul3A_452 : i32
        %add3A_454 = arith.addi %mul3A_2, %mul3A_453 : i32
        %dma_wait3A_455 = arith.constant 2 : i32
        %dma_wait3A_456 = arith.constant 0 : i32
        %dma_wait3A_457 = tpu.memref_slice %arg6[%dma_wait3A_455, %dma_wait3A_456] : memref<5x48xi32, #tpu.memory_space<vmem>> -> memref<1x48xi32, #tpu.memory_space<vmem>>
        %dma_wait3A_458 = tpu.memref_squeeze %dma_wait3A_457 : memref<1x48xi32, #tpu.memory_space<vmem>> -> memref<48xi32, #tpu.memory_space<vmem>>
        %dma_wait3A_459 = tpu.memref_slice %arg3[%add3A_454] : memref<322560xi32, #tpu.memory_space<hbm>> -> memref<48xi32, #tpu.memory_space<hbm>>
        %dma_wait3A_460 = arith.constant 0 : i32
        %dma_wait3A_461 = tpu.memref_slice %arg6[%dma_wait3A_455, %dma_wait3A_460] : memref<5x48xi32, #tpu.memory_space<vmem>> -> memref<1x48xi32, #tpu.memory_space<vmem>>
        %dma_wait3A_462 = tpu.memref_squeeze %dma_wait3A_461 : memref<1x48xi32, #tpu.memory_space<vmem>> -> memref<48xi32, #tpu.memory_space<vmem>>
        %dma_wait3A_463 = tpu.memref_slice %arg3[%add3A_454] : memref<322560xi32, #tpu.memory_space<hbm>> -> memref<48xi32, #tpu.memory_space<hbm>>
        tpu.wait_dma2 semaphore(%arg12 : memref<!tpu.dma_semaphore, #tpu.memory_space<semaphore_mem>>) src(%dma_wait3A_463 : memref<48xi32, #tpu.memory_space<hbm>>) dst(%dma_wait3A_462 : memref<48xi32, #tpu.memory_space<vmem>>)
        %dma_wait3A_464 = arith.constant 2 : i32
        %dma_wait3A_465 = arith.constant 0 : i32
        %dma_wait3A_466 = tpu.memref_slice %arg7[%dma_wait3A_464, %dma_wait3A_465] : memref<5x48xi32, #tpu.memory_space<vmem>> -> memref<1x48xi32, #tpu.memory_space<vmem>>
        %dma_wait3A_467 = tpu.memref_squeeze %dma_wait3A_466 : memref<1x48xi32, #tpu.memory_space<vmem>> -> memref<48xi32, #tpu.memory_space<vmem>>
        %dma_wait3A_468 = tpu.memref_slice %arg4[%add3A_454] : memref<322560xi32, #tpu.memory_space<hbm>> -> memref<48xi32, #tpu.memory_space<hbm>>
        %dma_wait3A_469 = arith.constant 0 : i32
        %dma_wait3A_470 = tpu.memref_slice %arg7[%dma_wait3A_464, %dma_wait3A_469] : memref<5x48xi32, #tpu.memory_space<vmem>> -> memref<1x48xi32, #tpu.memory_space<vmem>>
        %dma_wait3A_471 = tpu.memref_squeeze %dma_wait3A_470 : memref<1x48xi32, #tpu.memory_space<vmem>> -> memref<48xi32, #tpu.memory_space<vmem>>
        %dma_wait3A_472 = tpu.memref_slice %arg4[%add3A_454] : memref<322560xi32, #tpu.memory_space<hbm>> -> memref<48xi32, #tpu.memory_space<hbm>>
        tpu.wait_dma2 semaphore(%arg12 : memref<!tpu.dma_semaphore, #tpu.memory_space<semaphore_mem>>) src(%dma_wait3A_472 : memref<48xi32, #tpu.memory_space<hbm>>) dst(%dma_wait3A_471 : memref<48xi32, #tpu.memory_space<vmem>>)
        %dma_start3A_473 = arith.constant 2 : i32
        %dma_start3A_474 = arith.constant 2 : i32
        %dma_start3A_475 = arith.constant 0 : i32
        %dma_start3A_476 = arith.constant 0 : i32
        %dma_start3A_477 = tpu.memref_slice %arg8[%dma_start3A_474, %dma_start3A_475, %dma_start3A_476] : memref<5x48x128xf32, #tpu.memory_space<vmem>> -> memref<1x48x128xf32, #tpu.memory_space<vmem>>
        %dma_start3A_478 = tpu.memref_squeeze %dma_start3A_477 : memref<1x48x128xf32, #tpu.memory_space<vmem>> -> memref<48x128xf32, #tpu.memory_space<vmem>>
        %dma_start3A_479 = arith.constant 0 : i32
        %dma_start3A_480 = tpu.memref_slice %arg6[%dma_start3A_473, %dma_start3A_479] : memref<5x48xi32, #tpu.memory_space<vmem>> -> memref<1x48xi32, #tpu.memory_space<vmem>>
        %dma_start3A_481 = tpu.memref_squeeze %dma_start3A_480 : memref<1x48xi32, #tpu.memory_space<vmem>> -> memref<48xi32, #tpu.memory_space<vmem>>
        %dma_start3A_482 = arith.constant 0 : i32
        %dma_start3A_483 = arith.constant 0 : i32
        %dma_start3A_484 = tpu.memref_slice %arg2[%dma_start3A_482, %dma_start3A_483] : memref<10000x128xf32, #tpu.memory_space<hbm>> -> memref<10000x128xf32, #tpu.memory_space<hbm>>
        tpu.enqueue_indirect_dma source(%dma_start3A_484 : memref<10000x128xf32, #tpu.memory_space<hbm>>) target(%dma_start3A_478 : memref<48x128xf32, #tpu.memory_space<vmem>>) offsets(%dma_start3A_481 : memref<48xi32, #tpu.memory_space<vmem>>) semaphore(%arg17 : memref<!tpu.dma_semaphore, #tpu.memory_space<semaphore_mem>>)
      } else {
      }
      %dma_wait3A_237 = arith.constant 0 : i32
      %dma_wait3A_238 = arith.constant 0 : i32
      %dma_wait3A_239 = arith.constant 0 : i32
      %dma_wait3A_240 = arith.constant 0 : i32
      %dma_wait3A_241 = tpu.memref_slice %arg8[%dma_wait3A_238, %dma_wait3A_239, %dma_wait3A_240] : memref<5x48x128xf32, #tpu.memory_space<vmem>> -> memref<1x48x128xf32, #tpu.memory_space<vmem>>
      %dma_wait3A_242 = tpu.memref_squeeze %dma_wait3A_241 : memref<1x48x128xf32, #tpu.memory_space<vmem>> -> memref<48x128xf32, #tpu.memory_space<vmem>>
      %dma_wait3A_243 = arith.constant 0 : i32
      %dma_wait3A_244 = tpu.memref_slice %arg6[%dma_wait3A_237, %dma_wait3A_243] : memref<5x48xi32, #tpu.memory_space<vmem>> -> memref<1x48xi32, #tpu.memory_space<vmem>>
      %dma_wait3A_245 = tpu.memref_squeeze %dma_wait3A_244 : memref<1x48xi32, #tpu.memory_space<vmem>> -> memref<48xi32, #tpu.memory_space<vmem>>
      %dma_wait3A_246 = arith.constant 0 : i32
      %dma_wait3A_247 = arith.constant 0 : i32
      %dma_wait3A_248 = tpu.memref_slice %arg2[%dma_wait3A_246, %dma_wait3A_247] : memref<10000x128xf32, #tpu.memory_space<hbm>> -> memref<10000x128xf32, #tpu.memory_space<hbm>>
      tpu.wait_indirect_dma semaphore(%arg15 : memref<!tpu.dma_semaphore, #tpu.memory_space<semaphore_mem>>) src(%dma_wait3A_248 : memref<10000x128xf32, #tpu.memory_space<hbm>>) dst(%dma_wait3A_242 : memref<48x128xf32, #tpu.memory_space<vmem>>)
      %dma_start3A_249 = arith.constant 0 : i32
      %dma_start3A_250 = arith.constant 0 : i32
      %dma_start3A_251 = arith.constant 0 : i32
      %dma_start3A_252 = arith.constant 0 : i32
      %dma_start3A_253 = tpu.memref_slice %arg8[%dma_start3A_249, %dma_start3A_251, %dma_start3A_252] : memref<5x48x128xf32, #tpu.memory_space<vmem>> -> memref<1x48x128xf32, #tpu.memory_space<vmem>>
      %dma_start3A_254 = tpu.memref_squeeze %dma_start3A_253 : memref<1x48x128xf32, #tpu.memory_space<vmem>> -> memref<48x128xf32, #tpu.memory_space<vmem>>
      %dma_start3A_255 = arith.constant 0 : i32
      %dma_start3A_256 = tpu.memref_slice %arg7[%dma_start3A_250, %dma_start3A_255] : memref<5x48xi32, #tpu.memory_space<vmem>> -> memref<1x48xi32, #tpu.memory_space<vmem>>
      %dma_start3A_257 = tpu.memref_squeeze %dma_start3A_256 : memref<1x48xi32, #tpu.memory_space<vmem>> -> memref<48xi32, #tpu.memory_space<vmem>>
      %dma_start3A_258 = arith.constant 0 : i32
      %dma_start3A_259 = arith.constant 0 : i32
      %dma_start3A_260 = tpu.memref_slice %arg9[%dma_start3A_258, %dma_start3A_259] : memref<10240x128xf32, #tpu.memory_space<vmem_shared>> -> memref<10240x128xf32, #tpu.memory_space<vmem_shared>>
      tpu.enqueue_indirect_dma source(%dma_start3A_254 : memref<48x128xf32, #tpu.memory_space<vmem>>) target(%dma_start3A_260 : memref<10240x128xf32, #tpu.memory_space<vmem_shared>>) offsets(%dma_start3A_257 : memref<48xi32, #tpu.memory_space<vmem>>) semaphore(%arg20 : memref<!tpu.dma_semaphore, #tpu.memory_space<semaphore_mem>>) {add = true}
      %mul3A_261 = arith.constant 5 : i32
      %mul3A_262 = arith.muli %scan3A_216, %mul3A_261 : i32
      %add3A_263 = arith.constant 1 : i32
      %add3A_264 = arith.addi %mul3A_262, %add3A_263 : i32
      %add3A_265 = arith.constant 4 : i32
      %add3A_266 = arith.addi %add3A_264, %add3A_265 : i32
      %lt3A_267 = arith.constant 210 : i32
      %lt3A_268 = arith.cmpi slt, %add3A_266, %lt3A_267 : i32
      %convert_element_type3A_269 = arith.extui %lt3A_268 : i1 to i32
      %cond3A_270 = arith.constant 0 : i32
      %cond3A_271 = arith.cmpi ne, %convert_element_type3A_269, %cond3A_270 : i32
      scf.if %cond3A_271 {
        %add3A_450 = arith.constant 4 : i32
        %add3A_451 = arith.addi %add3A_264, %add3A_450 : i32
        %mul3A_452 = arith.constant 48 : i32
        %mul3A_453 = arith.muli %add3A_451, %mul3A_452 : i32
        %add3A_454 = arith.addi %mul3A_2, %mul3A_453 : i32
        %dma_start3A_455 = arith.constant 0 : i32
        %dma_start3A_456 = arith.constant 0 : i32
        %dma_start3A_457 = tpu.memref_slice %arg6[%dma_start3A_455, %dma_start3A_456] : memref<5x48xi32, #tpu.memory_space<vmem>> -> memref<1x48xi32, #tpu.memory_space<vmem>>
        %dma_start3A_458 = tpu.memref_squeeze %dma_start3A_457 : memref<1x48xi32, #tpu.memory_space<vmem>> -> memref<48xi32, #tpu.memory_space<vmem>>
        %dma_start3A_459 = tpu.memref_slice %arg3[%add3A_454] : memref<322560xi32, #tpu.memory_space<hbm>> -> memref<48xi32, #tpu.memory_space<hbm>>
        %dma_start3A_460 = arith.constant 0 : i32
        %dma_start3A_461 = tpu.memref_slice %arg6[%dma_start3A_455, %dma_start3A_460] : memref<5x48xi32, #tpu.memory_space<vmem>> -> memref<1x48xi32, #tpu.memory_space<vmem>>
        %dma_start3A_462 = tpu.memref_squeeze %dma_start3A_461 : memref<1x48xi32, #tpu.memory_space<vmem>> -> memref<48xi32, #tpu.memory_space<vmem>>
        %dma_start3A_463 = tpu.memref_slice %arg3[%add3A_454] : memref<322560xi32, #tpu.memory_space<hbm>> -> memref<48xi32, #tpu.memory_space<hbm>>
        tpu.enqueue_dma source(%dma_start3A_463 : memref<48xi32, #tpu.memory_space<hbm>>) target(%dma_start3A_462 : memref<48xi32, #tpu.memory_space<vmem>>) target_semaphore(%arg10 : memref<!tpu.dma_semaphore, #tpu.memory_space<semaphore_mem>>)
        %dma_start3A_464 = arith.constant 0 : i32
        %dma_start3A_465 = arith.constant 0 : i32
        %dma_start3A_466 = tpu.memref_slice %arg7[%dma_start3A_464, %dma_start3A_465] : memref<5x48xi32, #tpu.memory_space<vmem>> -> memref<1x48xi32, #tpu.memory_space<vmem>>
        %dma_start3A_467 = tpu.memref_squeeze %dma_start3A_466 : memref<1x48xi32, #tpu.memory_space<vmem>> -> memref<48xi32, #tpu.memory_space<vmem>>
        %dma_start3A_468 = tpu.memref_slice %arg4[%add3A_454] : memref<322560xi32, #tpu.memory_space<hbm>> -> memref<48xi32, #tpu.memory_space<hbm>>
        %dma_start3A_469 = arith.constant 0 : i32
        %dma_start3A_470 = tpu.memref_slice %arg7[%dma_start3A_464, %dma_start3A_469] : memref<5x48xi32, #tpu.memory_space<vmem>> -> memref<1x48xi32, #tpu.memory_space<vmem>>
        %dma_start3A_471 = tpu.memref_squeeze %dma_start3A_470 : memref<1x48xi32, #tpu.memory_space<vmem>> -> memref<48xi32, #tpu.memory_space<vmem>>
        %dma_start3A_472 = tpu.memref_slice %arg4[%add3A_454] : memref<322560xi32, #tpu.memory_space<hbm>> -> memref<48xi32, #tpu.memory_space<hbm>>
        tpu.enqueue_dma source(%dma_start3A_472 : memref<48xi32, #tpu.memory_space<hbm>>) target(%dma_start3A_471 : memref<48xi32, #tpu.memory_space<vmem>>) target_semaphore(%arg10 : memref<!tpu.dma_semaphore, #tpu.memory_space<semaphore_mem>>)
      } else {
      }
      %ge3A_272 = arith.constant 3 : i32
      %ge3A_273 = arith.cmpi sge, %add3A_264, %ge3A_272 : i32
      %convert_element_type3A_274 = arith.extui %ge3A_273 : i1 to i32
      %cond3A_275 = arith.constant 0 : i32
      %cond3A_276 = arith.cmpi ne, %convert_element_type3A_274, %cond3A_275 : i32
      scf.if %cond3A_276 {
        %dma_wait3A_450 = arith.constant 3 : i32
        %dma_wait3A_451 = arith.constant 3 : i32
        %dma_wait3A_452 = arith.constant 0 : i32
        %dma_wait3A_453 = arith.constant 0 : i32
        %dma_wait3A_454 = tpu.memref_slice %arg8[%dma_wait3A_450, %dma_wait3A_452, %dma_wait3A_453] : memref<5x48x128xf32, #tpu.memory_space<vmem>> -> memref<1x48x128xf32, #tpu.memory_space<vmem>>
        %dma_wait3A_455 = tpu.memref_squeeze %dma_wait3A_454 : memref<1x48x128xf32, #tpu.memory_space<vmem>> -> memref<48x128xf32, #tpu.memory_space<vmem>>
        %dma_wait3A_456 = arith.constant 0 : i32
        %dma_wait3A_457 = tpu.memref_slice %arg7[%dma_wait3A_451, %dma_wait3A_456] : memref<5x48xi32, #tpu.memory_space<vmem>> -> memref<1x48xi32, #tpu.memory_space<vmem>>
        %dma_wait3A_458 = tpu.memref_squeeze %dma_wait3A_457 : memref<1x48xi32, #tpu.memory_space<vmem>> -> memref<48xi32, #tpu.memory_space<vmem>>
        %dma_wait3A_459 = arith.constant 0 : i32
        %dma_wait3A_460 = arith.constant 0 : i32
        %dma_wait3A_461 = tpu.memref_slice %arg9[%dma_wait3A_459, %dma_wait3A_460] : memref<10240x128xf32, #tpu.memory_space<vmem_shared>> -> memref<10240x128xf32, #tpu.memory_space<vmem_shared>>
        tpu.wait_indirect_dma semaphore(%arg23 : memref<!tpu.dma_semaphore, #tpu.memory_space<semaphore_mem>>) src(%dma_wait3A_455 : memref<48x128xf32, #tpu.memory_space<vmem>>) dst(%dma_wait3A_461 : memref<10240x128xf32, #tpu.memory_space<vmem_shared>>)
      } else {
      }
      %add3A_277 = arith.constant 2 : i32
      %add3A_278 = arith.addi %add3A_264, %add3A_277 : i32
      %lt3A_279 = arith.constant 210 : i32
      %lt3A_280 = arith.cmpi slt, %add3A_278, %lt3A_279 : i32
      %convert_element_type3A_281 = arith.extui %lt3A_280 : i1 to i32
      %cond3A_282 = arith.constant 0 : i32
      %cond3A_283 = arith.cmpi ne, %convert_element_type3A_281, %cond3A_282 : i32
      scf.if %cond3A_283 {
        %add3A_450 = arith.constant 2 : i32
        %add3A_451 = arith.addi %add3A_264, %add3A_450 : i32
        %mul3A_452 = arith.constant 48 : i32
        %mul3A_453 = arith.muli %add3A_451, %mul3A_452 : i32
        %add3A_454 = arith.addi %mul3A_2, %mul3A_453 : i32
        %dma_wait3A_455 = arith.constant 3 : i32
        %dma_wait3A_456 = arith.constant 0 : i32
        %dma_wait3A_457 = tpu.memref_slice %arg6[%dma_wait3A_455, %dma_wait3A_456] : memref<5x48xi32, #tpu.memory_space<vmem>> -> memref<1x48xi32, #tpu.memory_space<vmem>>
        %dma_wait3A_458 = tpu.memref_squeeze %dma_wait3A_457 : memref<1x48xi32, #tpu.memory_space<vmem>> -> memref<48xi32, #tpu.memory_space<vmem>>
        %dma_wait3A_459 = tpu.memref_slice %arg3[%add3A_454] : memref<322560xi32, #tpu.memory_space<hbm>> -> memref<48xi32, #tpu.memory_space<hbm>>
        %dma_wait3A_460 = arith.constant 0 : i32
        %dma_wait3A_461 = tpu.memref_slice %arg6[%dma_wait3A_455, %dma_wait3A_460] : memref<5x48xi32, #tpu.memory_space<vmem>> -> memref<1x48xi32, #tpu.memory_space<vmem>>
        %dma_wait3A_462 = tpu.memref_squeeze %dma_wait3A_461 : memref<1x48xi32, #tpu.memory_space<vmem>> -> memref<48xi32, #tpu.memory_space<vmem>>
        %dma_wait3A_463 = tpu.memref_slice %arg3[%add3A_454] : memref<322560xi32, #tpu.memory_space<hbm>> -> memref<48xi32, #tpu.memory_space<hbm>>
        tpu.wait_dma2 semaphore(%arg13 : memref<!tpu.dma_semaphore, #tpu.memory_space<semaphore_mem>>) src(%dma_wait3A_463 : memref<48xi32, #tpu.memory_space<hbm>>) dst(%dma_wait3A_462 : memref<48xi32, #tpu.memory_space<vmem>>)
        %dma_wait3A_464 = arith.constant 3 : i32
        %dma_wait3A_465 = arith.constant 0 : i32
        %dma_wait3A_466 = tpu.memref_slice %arg7[%dma_wait3A_464, %dma_wait3A_465] : memref<5x48xi32, #tpu.memory_space<vmem>> -> memref<1x48xi32, #tpu.memory_space<vmem>>
        %dma_wait3A_467 = tpu.memref_squeeze %dma_wait3A_466 : memref<1x48xi32, #tpu.memory_space<vmem>> -> memref<48xi32, #tpu.memory_space<vmem>>
        %dma_wait3A_468 = tpu.memref_slice %arg4[%add3A_454] : memref<322560xi32, #tpu.memory_space<hbm>> -> memref<48xi32, #tpu.memory_space<hbm>>
        %dma_wait3A_469 = arith.constant 0 : i32
        %dma_wait3A_470 = tpu.memref_slice %arg7[%dma_wait3A_464, %dma_wait3A_469] : memref<5x48xi32, #tpu.memory_space<vmem>> -> memref<1x48xi32, #tpu.memory_space<vmem>>
        %dma_wait3A_471 = tpu.memref_squeeze %dma_wait3A_470 : memref<1x48xi32, #tpu.memory_space<vmem>> -> memref<48xi32, #tpu.memory_space<vmem>>
        %dma_wait3A_472 = tpu.memref_slice %arg4[%add3A_454] : memref<322560xi32, #tpu.memory_space<hbm>> -> memref<48xi32, #tpu.memory_space<hbm>>
        tpu.wait_dma2 semaphore(%arg13 : memref<!tpu.dma_semaphore, #tpu.memory_space<semaphore_mem>>) src(%dma_wait3A_472 : memref<48xi32, #tpu.memory_space<hbm>>) dst(%dma_wait3A_471 : memref<48xi32, #tpu.memory_space<vmem>>)
        %dma_start3A_473 = arith.constant 3 : i32
        %dma_start3A_474 = arith.constant 3 : i32
        %dma_start3A_475 = arith.constant 0 : i32
        %dma_start3A_476 = arith.constant 0 : i32
        %dma_start3A_477 = tpu.memref_slice %arg8[%dma_start3A_474, %dma_start3A_475, %dma_start3A_476] : memref<5x48x128xf32, #tpu.memory_space<vmem>> -> memref<1x48x128xf32, #tpu.memory_space<vmem>>
        %dma_start3A_478 = tpu.memref_squeeze %dma_start3A_477 : memref<1x48x128xf32, #tpu.memory_space<vmem>> -> memref<48x128xf32, #tpu.memory_space<vmem>>
        %dma_start3A_479 = arith.constant 0 : i32
        %dma_start3A_480 = tpu.memref_slice %arg6[%dma_start3A_473, %dma_start3A_479] : memref<5x48xi32, #tpu.memory_space<vmem>> -> memref<1x48xi32, #tpu.memory_space<vmem>>
        %dma_start3A_481 = tpu.memref_squeeze %dma_start3A_480 : memref<1x48xi32, #tpu.memory_space<vmem>> -> memref<48xi32, #tpu.memory_space<vmem>>
        %dma_start3A_482 = arith.constant 0 : i32
        %dma_start3A_483 = arith.constant 0 : i32
        %dma_start3A_484 = tpu.memref_slice %arg2[%dma_start3A_482, %dma_start3A_483] : memref<10000x128xf32, #tpu.memory_space<hbm>> -> memref<10000x128xf32, #tpu.memory_space<hbm>>
        tpu.enqueue_indirect_dma source(%dma_start3A_484 : memref<10000x128xf32, #tpu.memory_space<hbm>>) target(%dma_start3A_478 : memref<48x128xf32, #tpu.memory_space<vmem>>) offsets(%dma_start3A_481 : memref<48xi32, #tpu.memory_space<vmem>>) semaphore(%arg18 : memref<!tpu.dma_semaphore, #tpu.memory_space<semaphore_mem>>)
      } else {
      }
      %dma_wait3A_284 = arith.constant 1 : i32
      %dma_wait3A_285 = arith.constant 1 : i32
      %dma_wait3A_286 = arith.constant 0 : i32
      %dma_wait3A_287 = arith.constant 0 : i32
      %dma_wait3A_288 = tpu.memref_slice %arg8[%dma_wait3A_285, %dma_wait3A_286, %dma_wait3A_287] : memref<5x48x128xf32, #tpu.memory_space<vmem>> -> memref<1x48x128xf32, #tpu.memory_space<vmem>>
      %dma_wait3A_289 = tpu.memref_squeeze %dma_wait3A_288 : memref<1x48x128xf32, #tpu.memory_space<vmem>> -> memref<48x128xf32, #tpu.memory_space<vmem>>
      %dma_wait3A_290 = arith.constant 0 : i32
      %dma_wait3A_291 = tpu.memref_slice %arg6[%dma_wait3A_284, %dma_wait3A_290] : memref<5x48xi32, #tpu.memory_space<vmem>> -> memref<1x48xi32, #tpu.memory_space<vmem>>
      %dma_wait3A_292 = tpu.memref_squeeze %dma_wait3A_291 : memref<1x48xi32, #tpu.memory_space<vmem>> -> memref<48xi32, #tpu.memory_space<vmem>>
      %dma_wait3A_293 = arith.constant 0 : i32
      %dma_wait3A_294 = arith.constant 0 : i32
      %dma_wait3A_295 = tpu.memref_slice %arg2[%dma_wait3A_293, %dma_wait3A_294] : memref<10000x128xf32, #tpu.memory_space<hbm>> -> memref<10000x128xf32, #tpu.memory_space<hbm>>
      tpu.wait_indirect_dma semaphore(%arg16 : memref<!tpu.dma_semaphore, #tpu.memory_space<semaphore_mem>>) src(%dma_wait3A_295 : memref<10000x128xf32, #tpu.memory_space<hbm>>) dst(%dma_wait3A_289 : memref<48x128xf32, #tpu.memory_space<vmem>>)
      %dma_start3A_296 = arith.constant 1 : i32
      %dma_start3A_297 = arith.constant 1 : i32
      %dma_start3A_298 = arith.constant 0 : i32
      %dma_start3A_299 = arith.constant 0 : i32
      %dma_start3A_300 = tpu.memref_slice %arg8[%dma_start3A_296, %dma_start3A_298, %dma_start3A_299] : memref<5x48x128xf32, #tpu.memory_space<vmem>> -> memref<1x48x128xf32, #tpu.memory_space<vmem>>
      %dma_start3A_301 = tpu.memref_squeeze %dma_start3A_300 : memref<1x48x128xf32, #tpu.memory_space<vmem>> -> memref<48x128xf32, #tpu.memory_space<vmem>>
      %dma_start3A_302 = arith.constant 0 : i32
      %dma_start3A_303 = tpu.memref_slice %arg7[%dma_start3A_297, %dma_start3A_302] : memref<5x48xi32, #tpu.memory_space<vmem>> -> memref<1x48xi32, #tpu.memory_space<vmem>>
      %dma_start3A_304 = tpu.memref_squeeze %dma_start3A_303 : memref<1x48xi32, #tpu.memory_space<vmem>> -> memref<48xi32, #tpu.memory_space<vmem>>
      %dma_start3A_305 = arith.constant 0 : i32
      %dma_start3A_306 = arith.constant 0 : i32
      %dma_start3A_307 = tpu.memref_slice %arg9[%dma_start3A_305, %dma_start3A_306] : memref<10240x128xf32, #tpu.memory_space<vmem_shared>> -> memref<10240x128xf32, #tpu.memory_space<vmem_shared>>
      tpu.enqueue_indirect_dma source(%dma_start3A_301 : memref<48x128xf32, #tpu.memory_space<vmem>>) target(%dma_start3A_307 : memref<10240x128xf32, #tpu.memory_space<vmem_shared>>) offsets(%dma_start3A_304 : memref<48xi32, #tpu.memory_space<vmem>>) semaphore(%arg21 : memref<!tpu.dma_semaphore, #tpu.memory_space<semaphore_mem>>) {add = true}
      %mul3A_308 = arith.constant 5 : i32
      %mul3A_309 = arith.muli %scan3A_216, %mul3A_308 : i32
      %add3A_310 = arith.constant 2 : i32
      %add3A_311 = arith.addi %mul3A_309, %add3A_310 : i32
      %add3A_312 = arith.constant 4 : i32
      %add3A_313 = arith.addi %add3A_311, %add3A_312 : i32
      %lt3A_314 = arith.constant 210 : i32
      %lt3A_315 = arith.cmpi slt, %add3A_313, %lt3A_314 : i32
      %convert_element_type3A_316 = arith.extui %lt3A_315 : i1 to i32
      %cond3A_317 = arith.constant 0 : i32
      %cond3A_318 = arith.cmpi ne, %convert_element_type3A_316, %cond3A_317 : i32
      scf.if %cond3A_318 {
        %add3A_450 = arith.constant 4 : i32
        %add3A_451 = arith.addi %add3A_311, %add3A_450 : i32
        %mul3A_452 = arith.constant 48 : i32
        %mul3A_453 = arith.muli %add3A_451, %mul3A_452 : i32
        %add3A_454 = arith.addi %mul3A_2, %mul3A_453 : i32
        %dma_start3A_455 = arith.constant 1 : i32
        %dma_start3A_456 = arith.constant 0 : i32
        %dma_start3A_457 = tpu.memref_slice %arg6[%dma_start3A_455, %dma_start3A_456] : memref<5x48xi32, #tpu.memory_space<vmem>> -> memref<1x48xi32, #tpu.memory_space<vmem>>
        %dma_start3A_458 = tpu.memref_squeeze %dma_start3A_457 : memref<1x48xi32, #tpu.memory_space<vmem>> -> memref<48xi32, #tpu.memory_space<vmem>>
        %dma_start3A_459 = tpu.memref_slice %arg3[%add3A_454] : memref<322560xi32, #tpu.memory_space<hbm>> -> memref<48xi32, #tpu.memory_space<hbm>>
        %dma_start3A_460 = arith.constant 0 : i32
        %dma_start3A_461 = tpu.memref_slice %arg6[%dma_start3A_455, %dma_start3A_460] : memref<5x48xi32, #tpu.memory_space<vmem>> -> memref<1x48xi32, #tpu.memory_space<vmem>>
        %dma_start3A_462 = tpu.memref_squeeze %dma_start3A_461 : memref<1x48xi32, #tpu.memory_space<vmem>> -> memref<48xi32, #tpu.memory_space<vmem>>
        %dma_start3A_463 = tpu.memref_slice %arg3[%add3A_454] : memref<322560xi32, #tpu.memory_space<hbm>> -> memref<48xi32, #tpu.memory_space<hbm>>
        tpu.enqueue_dma source(%dma_start3A_463 : memref<48xi32, #tpu.memory_space<hbm>>) target(%dma_start3A_462 : memref<48xi32, #tpu.memory_space<vmem>>) target_semaphore(%arg11 : memref<!tpu.dma_semaphore, #tpu.memory_space<semaphore_mem>>)
        %dma_start3A_464 = arith.constant 1 : i32
        %dma_start3A_465 = arith.constant 0 : i32
        %dma_start3A_466 = tpu.memref_slice %arg7[%dma_start3A_464, %dma_start3A_465] : memref<5x48xi32, #tpu.memory_space<vmem>> -> memref<1x48xi32, #tpu.memory_space<vmem>>
        %dma_start3A_467 = tpu.memref_squeeze %dma_start3A_466 : memref<1x48xi32, #tpu.memory_space<vmem>> -> memref<48xi32, #tpu.memory_space<vmem>>
        %dma_start3A_468 = tpu.memref_slice %arg4[%add3A_454] : memref<322560xi32, #tpu.memory_space<hbm>> -> memref<48xi32, #tpu.memory_space<hbm>>
        %dma_start3A_469 = arith.constant 0 : i32
        %dma_start3A_470 = tpu.memref_slice %arg7[%dma_start3A_464, %dma_start3A_469] : memref<5x48xi32, #tpu.memory_space<vmem>> -> memref<1x48xi32, #tpu.memory_space<vmem>>
        %dma_start3A_471 = tpu.memref_squeeze %dma_start3A_470 : memref<1x48xi32, #tpu.memory_space<vmem>> -> memref<48xi32, #tpu.memory_space<vmem>>
        %dma_start3A_472 = tpu.memref_slice %arg4[%add3A_454] : memref<322560xi32, #tpu.memory_space<hbm>> -> memref<48xi32, #tpu.memory_space<hbm>>
        tpu.enqueue_dma source(%dma_start3A_472 : memref<48xi32, #tpu.memory_space<hbm>>) target(%dma_start3A_471 : memref<48xi32, #tpu.memory_space<vmem>>) target_semaphore(%arg11 : memref<!tpu.dma_semaphore, #tpu.memory_space<semaphore_mem>>)
      } else {
      }
      %ge3A_319 = arith.constant 3 : i32
      %ge3A_320 = arith.cmpi sge, %add3A_311, %ge3A_319 : i32
      %convert_element_type3A_321 = arith.extui %ge3A_320 : i1 to i32
      %cond3A_322 = arith.constant 0 : i32
      %cond3A_323 = arith.cmpi ne, %convert_element_type3A_321, %cond3A_322 : i32
      scf.if %cond3A_323 {
        %dma_wait3A_450 = arith.constant 4 : i32
        %dma_wait3A_451 = arith.constant 4 : i32
        %dma_wait3A_452 = arith.constant 0 : i32
        %dma_wait3A_453 = arith.constant 0 : i32
        %dma_wait3A_454 = tpu.memref_slice %arg8[%dma_wait3A_450, %dma_wait3A_452, %dma_wait3A_453] : memref<5x48x128xf32, #tpu.memory_space<vmem>> -> memref<1x48x128xf32, #tpu.memory_space<vmem>>
        %dma_wait3A_455 = tpu.memref_squeeze %dma_wait3A_454 : memref<1x48x128xf32, #tpu.memory_space<vmem>> -> memref<48x128xf32, #tpu.memory_space<vmem>>
        %dma_wait3A_456 = arith.constant 0 : i32
        %dma_wait3A_457 = tpu.memref_slice %arg7[%dma_wait3A_451, %dma_wait3A_456] : memref<5x48xi32, #tpu.memory_space<vmem>> -> memref<1x48xi32, #tpu.memory_space<vmem>>
        %dma_wait3A_458 = tpu.memref_squeeze %dma_wait3A_457 : memref<1x48xi32, #tpu.memory_space<vmem>> -> memref<48xi32, #tpu.memory_space<vmem>>
        %dma_wait3A_459 = arith.constant 0 : i32
        %dma_wait3A_460 = arith.constant 0 : i32
        %dma_wait3A_461 = tpu.memref_slice %arg9[%dma_wait3A_459, %dma_wait3A_460] : memref<10240x128xf32, #tpu.memory_space<vmem_shared>> -> memref<10240x128xf32, #tpu.memory_space<vmem_shared>>
        tpu.wait_indirect_dma semaphore(%arg24 : memref<!tpu.dma_semaphore, #tpu.memory_space<semaphore_mem>>) src(%dma_wait3A_455 : memref<48x128xf32, #tpu.memory_space<vmem>>) dst(%dma_wait3A_461 : memref<10240x128xf32, #tpu.memory_space<vmem_shared>>)
      } else {
      }
      %add3A_324 = arith.constant 2 : i32
      %add3A_325 = arith.addi %add3A_311, %add3A_324 : i32
      %lt3A_326 = arith.constant 210 : i32
      %lt3A_327 = arith.cmpi slt, %add3A_325, %lt3A_326 : i32
      %convert_element_type3A_328 = arith.extui %lt3A_327 : i1 to i32
      %cond3A_329 = arith.constant 0 : i32
      %cond3A_330 = arith.cmpi ne, %convert_element_type3A_328, %cond3A_329 : i32
      scf.if %cond3A_330 {
        %add3A_450 = arith.constant 2 : i32
        %add3A_451 = arith.addi %add3A_311, %add3A_450 : i32
        %mul3A_452 = arith.constant 48 : i32
        %mul3A_453 = arith.muli %add3A_451, %mul3A_452 : i32
        %add3A_454 = arith.addi %mul3A_2, %mul3A_453 : i32
        %dma_wait3A_455 = arith.constant 4 : i32
        %dma_wait3A_456 = arith.constant 0 : i32
        %dma_wait3A_457 = tpu.memref_slice %arg6[%dma_wait3A_455, %dma_wait3A_456] : memref<5x48xi32, #tpu.memory_space<vmem>> -> memref<1x48xi32, #tpu.memory_space<vmem>>
        %dma_wait3A_458 = tpu.memref_squeeze %dma_wait3A_457 : memref<1x48xi32, #tpu.memory_space<vmem>> -> memref<48xi32, #tpu.memory_space<vmem>>
        %dma_wait3A_459 = tpu.memref_slice %arg3[%add3A_454] : memref<322560xi32, #tpu.memory_space<hbm>> -> memref<48xi32, #tpu.memory_space<hbm>>
        %dma_wait3A_460 = arith.constant 0 : i32
        %dma_wait3A_461 = tpu.memref_slice %arg6[%dma_wait3A_455, %dma_wait3A_460] : memref<5x48xi32, #tpu.memory_space<vmem>> -> memref<1x48xi32, #tpu.memory_space<vmem>>
        %dma_wait3A_462 = tpu.memref_squeeze %dma_wait3A_461 : memref<1x48xi32, #tpu.memory_space<vmem>> -> memref<48xi32, #tpu.memory_space<vmem>>
        %dma_wait3A_463 = tpu.memref_slice %arg3[%add3A_454] : memref<322560xi32, #tpu.memory_space<hbm>> -> memref<48xi32, #tpu.memory_space<hbm>>
        tpu.wait_dma2 semaphore(%arg14 : memref<!tpu.dma_semaphore, #tpu.memory_space<semaphore_mem>>) src(%dma_wait3A_463 : memref<48xi32, #tpu.memory_space<hbm>>) dst(%dma_wait3A_462 : memref<48xi32, #tpu.memory_space<vmem>>)
        %dma_wait3A_464 = arith.constant 4 : i32
        %dma_wait3A_465 = arith.constant 0 : i32
        %dma_wait3A_466 = tpu.memref_slice %arg7[%dma_wait3A_464, %dma_wait3A_465] : memref<5x48xi32, #tpu.memory_space<vmem>> -> memref<1x48xi32, #tpu.memory_space<vmem>>
        %dma_wait3A_467 = tpu.memref_squeeze %dma_wait3A_466 : memref<1x48xi32, #tpu.memory_space<vmem>> -> memref<48xi32, #tpu.memory_space<vmem>>
        %dma_wait3A_468 = tpu.memref_slice %arg4[%add3A_454] : memref<322560xi32, #tpu.memory_space<hbm>> -> memref<48xi32, #tpu.memory_space<hbm>>
        %dma_wait3A_469 = arith.constant 0 : i32
        %dma_wait3A_470 = tpu.memref_slice %arg7[%dma_wait3A_464, %dma_wait3A_469] : memref<5x48xi32, #tpu.memory_space<vmem>> -> memref<1x48xi32, #tpu.memory_space<vmem>>
        %dma_wait3A_471 = tpu.memref_squeeze %dma_wait3A_470 : memref<1x48xi32, #tpu.memory_space<vmem>> -> memref<48xi32, #tpu.memory_space<vmem>>
        %dma_wait3A_472 = tpu.memref_slice %arg4[%add3A_454] : memref<322560xi32, #tpu.memory_space<hbm>> -> memref<48xi32, #tpu.memory_space<hbm>>
        tpu.wait_dma2 semaphore(%arg14 : memref<!tpu.dma_semaphore, #tpu.memory_space<semaphore_mem>>) src(%dma_wait3A_472 : memref<48xi32, #tpu.memory_space<hbm>>) dst(%dma_wait3A_471 : memref<48xi32, #tpu.memory_space<vmem>>)
        %dma_start3A_473 = arith.constant 4 : i32
        %dma_start3A_474 = arith.constant 4 : i32
        %dma_start3A_475 = arith.constant 0 : i32
        %dma_start3A_476 = arith.constant 0 : i32
        %dma_start3A_477 = tpu.memref_slice %arg8[%dma_start3A_474, %dma_start3A_475, %dma_start3A_476] : memref<5x48x128xf32, #tpu.memory_space<vmem>> -> memref<1x48x128xf32, #tpu.memory_space<vmem>>
        %dma_start3A_478 = tpu.memref_squeeze %dma_start3A_477 : memref<1x48x128xf32, #tpu.memory_space<vmem>> -> memref<48x128xf32, #tpu.memory_space<vmem>>
        %dma_start3A_479 = arith.constant 0 : i32
        %dma_start3A_480 = tpu.memref_slice %arg6[%dma_start3A_473, %dma_start3A_479] : memref<5x48xi32, #tpu.memory_space<vmem>> -> memref<1x48xi32, #tpu.memory_space<vmem>>
        %dma_start3A_481 = tpu.memref_squeeze %dma_start3A_480 : memref<1x48xi32, #tpu.memory_space<vmem>> -> memref<48xi32, #tpu.memory_space<vmem>>
        %dma_start3A_482 = arith.constant 0 : i32
        %dma_start3A_483 = arith.constant 0 : i32
        %dma_start3A_484 = tpu.memref_slice %arg2[%dma_start3A_482, %dma_start3A_483] : memref<10000x128xf32, #tpu.memory_space<hbm>> -> memref<10000x128xf32, #tpu.memory_space<hbm>>
        tpu.enqueue_indirect_dma source(%dma_start3A_484 : memref<10000x128xf32, #tpu.memory_space<hbm>>) target(%dma_start3A_478 : memref<48x128xf32, #tpu.memory_space<vmem>>) offsets(%dma_start3A_481 : memref<48xi32, #tpu.memory_space<vmem>>) semaphore(%arg19 : memref<!tpu.dma_semaphore, #tpu.memory_space<semaphore_mem>>)
      } else {
      }
      %dma_wait3A_331 = arith.constant 2 : i32
      %dma_wait3A_332 = arith.constant 2 : i32
      %dma_wait3A_333 = arith.constant 0 : i32
      %dma_wait3A_334 = arith.constant 0 : i32
      %dma_wait3A_335 = tpu.memref_slice %arg8[%dma_wait3A_332, %dma_wait3A_333, %dma_wait3A_334] : memref<5x48x128xf32, #tpu.memory_space<vmem>> -> memref<1x48x128xf32, #tpu.memory_space<vmem>>
      %dma_wait3A_336 = tpu.memref_squeeze %dma_wait3A_335 : memref<1x48x128xf32, #tpu.memory_space<vmem>> -> memref<48x128xf32, #tpu.memory_space<vmem>>
      %dma_wait3A_337 = arith.constant 0 : i32
      %dma_wait3A_338 = tpu.memref_slice %arg6[%dma_wait3A_331, %dma_wait3A_337] : memref<5x48xi32, #tpu.memory_space<vmem>> -> memref<1x48xi32, #tpu.memory_space<vmem>>
      %dma_wait3A_339 = tpu.memref_squeeze %dma_wait3A_338 : memref<1x48xi32, #tpu.memory_space<vmem>> -> memref<48xi32, #tpu.memory_space<vmem>>
      %dma_wait3A_340 = arith.constant 0 : i32
      %dma_wait3A_341 = arith.constant 0 : i32
      %dma_wait3A_342 = tpu.memref_slice %arg2[%dma_wait3A_340, %dma_wait3A_341] : memref<10000x128xf32, #tpu.memory_space<hbm>> -> memref<10000x128xf32, #tpu.memory_space<hbm>>
      tpu.wait_indirect_dma semaphore(%arg17 : memref<!tpu.dma_semaphore, #tpu.memory_space<semaphore_mem>>) src(%dma_wait3A_342 : memref<10000x128xf32, #tpu.memory_space<hbm>>) dst(%dma_wait3A_336 : memref<48x128xf32, #tpu.memory_space<vmem>>)
      %dma_start3A_343 = arith.constant 2 : i32
      %dma_start3A_344 = arith.constant 2 : i32
      %dma_start3A_345 = arith.constant 0 : i32
      %dma_start3A_346 = arith.constant 0 : i32
      %dma_start3A_347 = tpu.memref_slice %arg8[%dma_start3A_343, %dma_start3A_345, %dma_start3A_346] : memref<5x48x128xf32, #tpu.memory_space<vmem>> -> memref<1x48x128xf32, #tpu.memory_space<vmem>>
      %dma_start3A_348 = tpu.memref_squeeze %dma_start3A_347 : memref<1x48x128xf32, #tpu.memory_space<vmem>> -> memref<48x128xf32, #tpu.memory_space<vmem>>
      %dma_start3A_349 = arith.constant 0 : i32
      %dma_start3A_350 = tpu.memref_slice %arg7[%dma_start3A_344, %dma_start3A_349] : memref<5x48xi32, #tpu.memory_space<vmem>> -> memref<1x48xi32, #tpu.memory_space<vmem>>
      %dma_start3A_351 = tpu.memref_squeeze %dma_start3A_350 : memref<1x48xi32, #tpu.memory_space<vmem>> -> memref<48xi32, #tpu.memory_space<vmem>>
      %dma_start3A_352 = arith.constant 0 : i32
      %dma_start3A_353 = arith.constant 0 : i32
      %dma_start3A_354 = tpu.memref_slice %arg9[%dma_start3A_352, %dma_start3A_353] : memref<10240x128xf32, #tpu.memory_space<vmem_shared>> -> memref<10240x128xf32, #tpu.memory_space<vmem_shared>>
      tpu.enqueue_indirect_dma source(%dma_start3A_348 : memref<48x128xf32, #tpu.memory_space<vmem>>) target(%dma_start3A_354 : memref<10240x128xf32, #tpu.memory_space<vmem_shared>>) offsets(%dma_start3A_351 : memref<48xi32, #tpu.memory_space<vmem>>) semaphore(%arg22 : memref<!tpu.dma_semaphore, #tpu.memory_space<semaphore_mem>>) {add = true}
      %mul3A_355 = arith.constant 5 : i32
      %mul3A_356 = arith.muli %scan3A_216, %mul3A_355 : i32
      %add3A_357 = arith.constant 3 : i32
      %add3A_358 = arith.addi %mul3A_356, %add3A_357 : i32
      %add3A_359 = arith.constant 4 : i32
      %add3A_360 = arith.addi %add3A_358, %add3A_359 : i32
      %lt3A_361 = arith.constant 210 : i32
      %lt3A_362 = arith.cmpi slt, %add3A_360, %lt3A_361 : i32
      %convert_element_type3A_363 = arith.extui %lt3A_362 : i1 to i32
      %cond3A_364 = arith.constant 0 : i32
      %cond3A_365 = arith.cmpi ne, %convert_element_type3A_363, %cond3A_364 : i32
      scf.if %cond3A_365 {
        %add3A_450 = arith.constant 4 : i32
        %add3A_451 = arith.addi %add3A_358, %add3A_450 : i32
        %mul3A_452 = arith.constant 48 : i32
        %mul3A_453 = arith.muli %add3A_451, %mul3A_452 : i32
        %add3A_454 = arith.addi %mul3A_2, %mul3A_453 : i32
        %dma_start3A_455 = arith.constant 2 : i32
        %dma_start3A_456 = arith.constant 0 : i32
        %dma_start3A_457 = tpu.memref_slice %arg6[%dma_start3A_455, %dma_start3A_456] : memref<5x48xi32, #tpu.memory_space<vmem>> -> memref<1x48xi32, #tpu.memory_space<vmem>>
        %dma_start3A_458 = tpu.memref_squeeze %dma_start3A_457 : memref<1x48xi32, #tpu.memory_space<vmem>> -> memref<48xi32, #tpu.memory_space<vmem>>
        %dma_start3A_459 = tpu.memref_slice %arg3[%add3A_454] : memref<322560xi32, #tpu.memory_space<hbm>> -> memref<48xi32, #tpu.memory_space<hbm>>
        %dma_start3A_460 = arith.constant 0 : i32
        %dma_start3A_461 = tpu.memref_slice %arg6[%dma_start3A_455, %dma_start3A_460] : memref<5x48xi32, #tpu.memory_space<vmem>> -> memref<1x48xi32, #tpu.memory_space<vmem>>
        %dma_start3A_462 = tpu.memref_squeeze %dma_start3A_461 : memref<1x48xi32, #tpu.memory_space<vmem>> -> memref<48xi32, #tpu.memory_space<vmem>>
        %dma_start3A_463 = tpu.memref_slice %arg3[%add3A_454] : memref<322560xi32, #tpu.memory_space<hbm>> -> memref<48xi32, #tpu.memory_space<hbm>>
        tpu.enqueue_dma source(%dma_start3A_463 : memref<48xi32, #tpu.memory_space<hbm>>) target(%dma_start3A_462 : memref<48xi32, #tpu.memory_space<vmem>>) target_semaphore(%arg12 : memref<!tpu.dma_semaphore, #tpu.memory_space<semaphore_mem>>)
        %dma_start3A_464 = arith.constant 2 : i32
        %dma_start3A_465 = arith.constant 0 : i32
        %dma_start3A_466 = tpu.memref_slice %arg7[%dma_start3A_464, %dma_start3A_465] : memref<5x48xi32, #tpu.memory_space<vmem>> -> memref<1x48xi32, #tpu.memory_space<vmem>>
        %dma_start3A_467 = tpu.memref_squeeze %dma_start3A_466 : memref<1x48xi32, #tpu.memory_space<vmem>> -> memref<48xi32, #tpu.memory_space<vmem>>
        %dma_start3A_468 = tpu.memref_slice %arg4[%add3A_454] : memref<322560xi32, #tpu.memory_space<hbm>> -> memref<48xi32, #tpu.memory_space<hbm>>
        %dma_start3A_469 = arith.constant 0 : i32
        %dma_start3A_470 = tpu.memref_slice %arg7[%dma_start3A_464, %dma_start3A_469] : memref<5x48xi32, #tpu.memory_space<vmem>> -> memref<1x48xi32, #tpu.memory_space<vmem>>
        %dma_start3A_471 = tpu.memref_squeeze %dma_start3A_470 : memref<1x48xi32, #tpu.memory_space<vmem>> -> memref<48xi32, #tpu.memory_space<vmem>>
        %dma_start3A_472 = tpu.memref_slice %arg4[%add3A_454] : memref<322560xi32, #tpu.memory_space<hbm>> -> memref<48xi32, #tpu.memory_space<hbm>>
        tpu.enqueue_dma source(%dma_start3A_472 : memref<48xi32, #tpu.memory_space<hbm>>) target(%dma_start3A_471 : memref<48xi32, #tpu.memory_space<vmem>>) target_semaphore(%arg12 : memref<!tpu.dma_semaphore, #tpu.memory_space<semaphore_mem>>)
      } else {
      }
      %ge3A_366 = arith.constant 3 : i32
      %ge3A_367 = arith.cmpi sge, %add3A_358, %ge3A_366 : i32
      %convert_element_type3A_368 = arith.extui %ge3A_367 : i1 to i32
      %cond3A_369 = arith.constant 0 : i32
      %cond3A_370 = arith.cmpi ne, %convert_element_type3A_368, %cond3A_369 : i32
      scf.if %cond3A_370 {
        %dma_wait3A_450 = arith.constant 0 : i32
        %dma_wait3A_451 = arith.constant 0 : i32
        %dma_wait3A_452 = arith.constant 0 : i32
        %dma_wait3A_453 = arith.constant 0 : i32
        %dma_wait3A_454 = tpu.memref_slice %arg8[%dma_wait3A_450, %dma_wait3A_452, %dma_wait3A_453] : memref<5x48x128xf32, #tpu.memory_space<vmem>> -> memref<1x48x128xf32, #tpu.memory_space<vmem>>
        %dma_wait3A_455 = tpu.memref_squeeze %dma_wait3A_454 : memref<1x48x128xf32, #tpu.memory_space<vmem>> -> memref<48x128xf32, #tpu.memory_space<vmem>>
        %dma_wait3A_456 = arith.constant 0 : i32
        %dma_wait3A_457 = tpu.memref_slice %arg7[%dma_wait3A_451, %dma_wait3A_456] : memref<5x48xi32, #tpu.memory_space<vmem>> -> memref<1x48xi32, #tpu.memory_space<vmem>>
        %dma_wait3A_458 = tpu.memref_squeeze %dma_wait3A_457 : memref<1x48xi32, #tpu.memory_space<vmem>> -> memref<48xi32, #tpu.memory_space<vmem>>
        %dma_wait3A_459 = arith.constant 0 : i32
        %dma_wait3A_460 = arith.constant 0 : i32
        %dma_wait3A_461 = tpu.memref_slice %arg9[%dma_wait3A_459, %dma_wait3A_460] : memref<10240x128xf32, #tpu.memory_space<vmem_shared>> -> memref<10240x128xf32, #tpu.memory_space<vmem_shared>>
        tpu.wait_indirect_dma semaphore(%arg20 : memref<!tpu.dma_semaphore, #tpu.memory_space<semaphore_mem>>) src(%dma_wait3A_455 : memref<48x128xf32, #tpu.memory_space<vmem>>) dst(%dma_wait3A_461 : memref<10240x128xf32, #tpu.memory_space<vmem_shared>>)
      } else {
      }
      %add3A_371 = arith.constant 2 : i32
      %add3A_372 = arith.addi %add3A_358, %add3A_371 : i32
      %lt3A_373 = arith.constant 210 : i32
      %lt3A_374 = arith.cmpi slt, %add3A_372, %lt3A_373 : i32
      %convert_element_type3A_375 = arith.extui %lt3A_374 : i1 to i32
      %cond3A_376 = arith.constant 0 : i32
      %cond3A_377 = arith.cmpi ne, %convert_element_type3A_375, %cond3A_376 : i32
      scf.if %cond3A_377 {
        %add3A_450 = arith.constant 2 : i32
        %add3A_451 = arith.addi %add3A_358, %add3A_450 : i32
        %mul3A_452 = arith.constant 48 : i32
        %mul3A_453 = arith.muli %add3A_451, %mul3A_452 : i32
        %add3A_454 = arith.addi %mul3A_2, %mul3A_453 : i32
        %dma_wait3A_455 = arith.constant 0 : i32
        %dma_wait3A_456 = arith.constant 0 : i32
        %dma_wait3A_457 = tpu.memref_slice %arg6[%dma_wait3A_455, %dma_wait3A_456] : memref<5x48xi32, #tpu.memory_space<vmem>> -> memref<1x48xi32, #tpu.memory_space<vmem>>
        %dma_wait3A_458 = tpu.memref_squeeze %dma_wait3A_457 : memref<1x48xi32, #tpu.memory_space<vmem>> -> memref<48xi32, #tpu.memory_space<vmem>>
        %dma_wait3A_459 = tpu.memref_slice %arg3[%add3A_454] : memref<322560xi32, #tpu.memory_space<hbm>> -> memref<48xi32, #tpu.memory_space<hbm>>
        %dma_wait3A_460 = arith.constant 0 : i32
        %dma_wait3A_461 = tpu.memref_slice %arg6[%dma_wait3A_455, %dma_wait3A_460] : memref<5x48xi32, #tpu.memory_space<vmem>> -> memref<1x48xi32, #tpu.memory_space<vmem>>
        %dma_wait3A_462 = tpu.memref_squeeze %dma_wait3A_461 : memref<1x48xi32, #tpu.memory_space<vmem>> -> memref<48xi32, #tpu.memory_space<vmem>>
        %dma_wait3A_463 = tpu.memref_slice %arg3[%add3A_454] : memref<322560xi32, #tpu.memory_space<hbm>> -> memref<48xi32, #tpu.memory_space<hbm>>
        tpu.wait_dma2 semaphore(%arg10 : memref<!tpu.dma_semaphore, #tpu.memory_space<semaphore_mem>>) src(%dma_wait3A_463 : memref<48xi32, #tpu.memory_space<hbm>>) dst(%dma_wait3A_462 : memref<48xi32, #tpu.memory_space<vmem>>)
        %dma_wait3A_464 = arith.constant 0 : i32
        %dma_wait3A_465 = arith.constant 0 : i32
        %dma_wait3A_466 = tpu.memref_slice %arg7[%dma_wait3A_464, %dma_wait3A_465] : memref<5x48xi32, #tpu.memory_space<vmem>> -> memref<1x48xi32, #tpu.memory_space<vmem>>
        %dma_wait3A_467 = tpu.memref_squeeze %dma_wait3A_466 : memref<1x48xi32, #tpu.memory_space<vmem>> -> memref<48xi32, #tpu.memory_space<vmem>>
        %dma_wait3A_468 = tpu.memref_slice %arg4[%add3A_454] : memref<322560xi32, #tpu.memory_space<hbm>> -> memref<48xi32, #tpu.memory_space<hbm>>
        %dma_wait3A_469 = arith.constant 0 : i32
        %dma_wait3A_470 = tpu.memref_slice %arg7[%dma_wait3A_464, %dma_wait3A_469] : memref<5x48xi32, #tpu.memory_space<vmem>> -> memref<1x48xi32, #tpu.memory_space<vmem>>
        %dma_wait3A_471 = tpu.memref_squeeze %dma_wait3A_470 : memref<1x48xi32, #tpu.memory_space<vmem>> -> memref<48xi32, #tpu.memory_space<vmem>>
        %dma_wait3A_472 = tpu.memref_slice %arg4[%add3A_454] : memref<322560xi32, #tpu.memory_space<hbm>> -> memref<48xi32, #tpu.memory_space<hbm>>
        tpu.wait_dma2 semaphore(%arg10 : memref<!tpu.dma_semaphore, #tpu.memory_space<semaphore_mem>>) src(%dma_wait3A_472 : memref<48xi32, #tpu.memory_space<hbm>>) dst(%dma_wait3A_471 : memref<48xi32, #tpu.memory_space<vmem>>)
        %dma_start3A_473 = arith.constant 0 : i32
        %dma_start3A_474 = arith.constant 0 : i32
        %dma_start3A_475 = arith.constant 0 : i32
        %dma_start3A_476 = arith.constant 0 : i32
        %dma_start3A_477 = tpu.memref_slice %arg8[%dma_start3A_474, %dma_start3A_475, %dma_start3A_476] : memref<5x48x128xf32, #tpu.memory_space<vmem>> -> memref<1x48x128xf32, #tpu.memory_space<vmem>>
        %dma_start3A_478 = tpu.memref_squeeze %dma_start3A_477 : memref<1x48x128xf32, #tpu.memory_space<vmem>> -> memref<48x128xf32, #tpu.memory_space<vmem>>
        %dma_start3A_479 = arith.constant 0 : i32
        %dma_start3A_480 = tpu.memref_slice %arg6[%dma_start3A_473, %dma_start3A_479] : memref<5x48xi32, #tpu.memory_space<vmem>> -> memref<1x48xi32, #tpu.memory_space<vmem>>
        %dma_start3A_481 = tpu.memref_squeeze %dma_start3A_480 : memref<1x48xi32, #tpu.memory_space<vmem>> -> memref<48xi32, #tpu.memory_space<vmem>>
        %dma_start3A_482 = arith.constant 0 : i32
        %dma_start3A_483 = arith.constant 0 : i32
        %dma_start3A_484 = tpu.memref_slice %arg2[%dma_start3A_482, %dma_start3A_483] : memref<10000x128xf32, #tpu.memory_space<hbm>> -> memref<10000x128xf32, #tpu.memory_space<hbm>>
        tpu.enqueue_indirect_dma source(%dma_start3A_484 : memref<10000x128xf32, #tpu.memory_space<hbm>>) target(%dma_start3A_478 : memref<48x128xf32, #tpu.memory_space<vmem>>) offsets(%dma_start3A_481 : memref<48xi32, #tpu.memory_space<vmem>>) semaphore(%arg15 : memref<!tpu.dma_semaphore, #tpu.memory_space<semaphore_mem>>)
      } else {
      }
      %dma_wait3A_378 = arith.constant 3 : i32
      %dma_wait3A_379 = arith.constant 3 : i32
      %dma_wait3A_380 = arith.constant 0 : i32
      %dma_wait3A_381 = arith.constant 0 : i32
      %dma_wait3A_382 = tpu.memref_slice %arg8[%dma_wait3A_379, %dma_wait3A_380, %dma_wait3A_381] : memref<5x48x128xf32, #tpu.memory_space<vmem>> -> memref<1x48x128xf32, #tpu.memory_space<vmem>>
      %dma_wait3A_383 = tpu.memref_squeeze %dma_wait3A_382 : memref<1x48x128xf32, #tpu.memory_space<vmem>> -> memref<48x128xf32, #tpu.memory_space<vmem>>
      %dma_wait3A_384 = arith.constant 0 : i32
      %dma_wait3A_385 = tpu.memref_slice %arg6[%dma_wait3A_378, %dma_wait3A_384] : memref<5x48xi32, #tpu.memory_space<vmem>> -> memref<1x48xi32, #tpu.memory_space<vmem>>
      %dma_wait3A_386 = tpu.memref_squeeze %dma_wait3A_385 : memref<1x48xi32, #tpu.memory_space<vmem>> -> memref<48xi32, #tpu.memory_space<vmem>>
      %dma_wait3A_387 = arith.constant 0 : i32
      %dma_wait3A_388 = arith.constant 0 : i32
      %dma_wait3A_389 = tpu.memref_slice %arg2[%dma_wait3A_387, %dma_wait3A_388] : memref<10000x128xf32, #tpu.memory_space<hbm>> -> memref<10000x128xf32, #tpu.memory_space<hbm>>
      tpu.wait_indirect_dma semaphore(%arg18 : memref<!tpu.dma_semaphore, #tpu.memory_space<semaphore_mem>>) src(%dma_wait3A_389 : memref<10000x128xf32, #tpu.memory_space<hbm>>) dst(%dma_wait3A_383 : memref<48x128xf32, #tpu.memory_space<vmem>>)
      %dma_start3A_390 = arith.constant 3 : i32
      %dma_start3A_391 = arith.constant 3 : i32
      %dma_start3A_392 = arith.constant 0 : i32
      %dma_start3A_393 = arith.constant 0 : i32
      %dma_start3A_394 = tpu.memref_slice %arg8[%dma_start3A_390, %dma_start3A_392, %dma_start3A_393] : memref<5x48x128xf32, #tpu.memory_space<vmem>> -> memref<1x48x128xf32, #tpu.memory_space<vmem>>
      %dma_start3A_395 = tpu.memref_squeeze %dma_start3A_394 : memref<1x48x128xf32, #tpu.memory_space<vmem>> -> memref<48x128xf32, #tpu.memory_space<vmem>>
      %dma_start3A_396 = arith.constant 0 : i32
      %dma_start3A_397 = tpu.memref_slice %arg7[%dma_start3A_391, %dma_start3A_396] : memref<5x48xi32, #tpu.memory_space<vmem>> -> memref<1x48xi32, #tpu.memory_space<vmem>>
      %dma_start3A_398 = tpu.memref_squeeze %dma_start3A_397 : memref<1x48xi32, #tpu.memory_space<vmem>> -> memref<48xi32, #tpu.memory_space<vmem>>
      %dma_start3A_399 = arith.constant 0 : i32
      %dma_start3A_400 = arith.constant 0 : i32
      %dma_start3A_401 = tpu.memref_slice %arg9[%dma_start3A_399, %dma_start3A_400] : memref<10240x128xf32, #tpu.memory_space<vmem_shared>> -> memref<10240x128xf32, #tpu.memory_space<vmem_shared>>
      tpu.enqueue_indirect_dma source(%dma_start3A_395 : memref<48x128xf32, #tpu.memory_space<vmem>>) target(%dma_start3A_401 : memref<10240x128xf32, #tpu.memory_space<vmem_shared>>) offsets(%dma_start3A_398 : memref<48xi32, #tpu.memory_space<vmem>>) semaphore(%arg23 : memref<!tpu.dma_semaphore, #tpu.memory_space<semaphore_mem>>) {add = true}
      %mul3A_402 = arith.constant 5 : i32
      %mul3A_403 = arith.muli %scan3A_216, %mul3A_402 : i32
      %add3A_404 = arith.constant 4 : i32
      %add3A_405 = arith.addi %mul3A_403, %add3A_404 : i32
      %add3A_406 = arith.constant 4 : i32
      %add3A_407 = arith.addi %add3A_405, %add3A_406 : i32
      %lt3A_408 = arith.constant 210 : i32
      %lt3A_409 = arith.cmpi slt, %add3A_407, %lt3A_408 : i32
      %convert_element_type3A_410 = arith.extui %lt3A_409 : i1 to i32
      %cond3A_411 = arith.constant 0 : i32
      %cond3A_412 = arith.cmpi ne, %convert_element_type3A_410, %cond3A_411 : i32
      scf.if %cond3A_412 {
        %add3A_450 = arith.constant 4 : i32
        %add3A_451 = arith.addi %add3A_405, %add3A_450 : i32
        %mul3A_452 = arith.constant 48 : i32
        %mul3A_453 = arith.muli %add3A_451, %mul3A_452 : i32
        %add3A_454 = arith.addi %mul3A_2, %mul3A_453 : i32
        %dma_start3A_455 = arith.constant 3 : i32
        %dma_start3A_456 = arith.constant 0 : i32
        %dma_start3A_457 = tpu.memref_slice %arg6[%dma_start3A_455, %dma_start3A_456] : memref<5x48xi32, #tpu.memory_space<vmem>> -> memref<1x48xi32, #tpu.memory_space<vmem>>
        %dma_start3A_458 = tpu.memref_squeeze %dma_start3A_457 : memref<1x48xi32, #tpu.memory_space<vmem>> -> memref<48xi32, #tpu.memory_space<vmem>>
        %dma_start3A_459 = tpu.memref_slice %arg3[%add3A_454] : memref<322560xi32, #tpu.memory_space<hbm>> -> memref<48xi32, #tpu.memory_space<hbm>>
        %dma_start3A_460 = arith.constant 0 : i32
        %dma_start3A_461 = tpu.memref_slice %arg6[%dma_start3A_455, %dma_start3A_460] : memref<5x48xi32, #tpu.memory_space<vmem>> -> memref<1x48xi32, #tpu.memory_space<vmem>>
        %dma_start3A_462 = tpu.memref_squeeze %dma_start3A_461 : memref<1x48xi32, #tpu.memory_space<vmem>> -> memref<48xi32, #tpu.memory_space<vmem>>
        %dma_start3A_463 = tpu.memref_slice %arg3[%add3A_454] : memref<322560xi32, #tpu.memory_space<hbm>> -> memref<48xi32, #tpu.memory_space<hbm>>
        tpu.enqueue_dma source(%dma_start3A_463 : memref<48xi32, #tpu.memory_space<hbm>>) target(%dma_start3A_462 : memref<48xi32, #tpu.memory_space<vmem>>) target_semaphore(%arg13 : memref<!tpu.dma_semaphore, #tpu.memory_space<semaphore_mem>>)
        %dma_start3A_464 = arith.constant 3 : i32
        %dma_start3A_465 = arith.constant 0 : i32
        %dma_start3A_466 = tpu.memref_slice %arg7[%dma_start3A_464, %dma_start3A_465] : memref<5x48xi32, #tpu.memory_space<vmem>> -> memref<1x48xi32, #tpu.memory_space<vmem>>
        %dma_start3A_467 = tpu.memref_squeeze %dma_start3A_466 : memref<1x48xi32, #tpu.memory_space<vmem>> -> memref<48xi32, #tpu.memory_space<vmem>>
        %dma_start3A_468 = tpu.memref_slice %arg4[%add3A_454] : memref<322560xi32, #tpu.memory_space<hbm>> -> memref<48xi32, #tpu.memory_space<hbm>>
        %dma_start3A_469 = arith.constant 0 : i32
        %dma_start3A_470 = tpu.memref_slice %arg7[%dma_start3A_464, %dma_start3A_469] : memref<5x48xi32, #tpu.memory_space<vmem>> -> memref<1x48xi32, #tpu.memory_space<vmem>>
        %dma_start3A_471 = tpu.memref_squeeze %dma_start3A_470 : memref<1x48xi32, #tpu.memory_space<vmem>> -> memref<48xi32, #tpu.memory_space<vmem>>
        %dma_start3A_472 = tpu.memref_slice %arg4[%add3A_454] : memref<322560xi32, #tpu.memory_space<hbm>> -> memref<48xi32, #tpu.memory_space<hbm>>
        tpu.enqueue_dma source(%dma_start3A_472 : memref<48xi32, #tpu.memory_space<hbm>>) target(%dma_start3A_471 : memref<48xi32, #tpu.memory_space<vmem>>) target_semaphore(%arg13 : memref<!tpu.dma_semaphore, #tpu.memory_space<semaphore_mem>>)
      } else {
      }
      %ge3A_413 = arith.constant 3 : i32
      %ge3A_414 = arith.cmpi sge, %add3A_405, %ge3A_413 : i32
      %convert_element_type3A_415 = arith.extui %ge3A_414 : i1 to i32
      %cond3A_416 = arith.constant 0 : i32
      %cond3A_417 = arith.cmpi ne, %convert_element_type3A_415, %cond3A_416 : i32
      scf.if %cond3A_417 {
        %dma_wait3A_450 = arith.constant 1 : i32
        %dma_wait3A_451 = arith.constant 1 : i32
        %dma_wait3A_452 = arith.constant 0 : i32
        %dma_wait3A_453 = arith.constant 0 : i32
        %dma_wait3A_454 = tpu.memref_slice %arg8[%dma_wait3A_450, %dma_wait3A_452, %dma_wait3A_453] : memref<5x48x128xf32, #tpu.memory_space<vmem>> -> memref<1x48x128xf32, #tpu.memory_space<vmem>>
        %dma_wait3A_455 = tpu.memref_squeeze %dma_wait3A_454 : memref<1x48x128xf32, #tpu.memory_space<vmem>> -> memref<48x128xf32, #tpu.memory_space<vmem>>
        %dma_wait3A_456 = arith.constant 0 : i32
        %dma_wait3A_457 = tpu.memref_slice %arg7[%dma_wait3A_451, %dma_wait3A_456] : memref<5x48xi32, #tpu.memory_space<vmem>> -> memref<1x48xi32, #tpu.memory_space<vmem>>
        %dma_wait3A_458 = tpu.memref_squeeze %dma_wait3A_457 : memref<1x48xi32, #tpu.memory_space<vmem>> -> memref<48xi32, #tpu.memory_space<vmem>>
        %dma_wait3A_459 = arith.constant 0 : i32
        %dma_wait3A_460 = arith.constant 0 : i32
        %dma_wait3A_461 = tpu.memref_slice %arg9[%dma_wait3A_459, %dma_wait3A_460] : memref<10240x128xf32, #tpu.memory_space<vmem_shared>> -> memref<10240x128xf32, #tpu.memory_space<vmem_shared>>
        tpu.wait_indirect_dma semaphore(%arg21 : memref<!tpu.dma_semaphore, #tpu.memory_space<semaphore_mem>>) src(%dma_wait3A_455 : memref<48x128xf32, #tpu.memory_space<vmem>>) dst(%dma_wait3A_461 : memref<10240x128xf32, #tpu.memory_space<vmem_shared>>)
      } else {
      }
      %add3A_418 = arith.constant 2 : i32
      %add3A_419 = arith.addi %add3A_405, %add3A_418 : i32
      %lt3A_420 = arith.constant 210 : i32
      %lt3A_421 = arith.cmpi slt, %add3A_419, %lt3A_420 : i32
      %convert_element_type3A_422 = arith.extui %lt3A_421 : i1 to i32
      %cond3A_423 = arith.constant 0 : i32
      %cond3A_424 = arith.cmpi ne, %convert_element_type3A_422, %cond3A_423 : i32
      scf.if %cond3A_424 {
        %add3A_450 = arith.constant 2 : i32
        %add3A_451 = arith.addi %add3A_405, %add3A_450 : i32
        %mul3A_452 = arith.constant 48 : i32
        %mul3A_453 = arith.muli %add3A_451, %mul3A_452 : i32
        %add3A_454 = arith.addi %mul3A_2, %mul3A_453 : i32
        %dma_wait3A_455 = arith.constant 1 : i32
        %dma_wait3A_456 = arith.constant 0 : i32
        %dma_wait3A_457 = tpu.memref_slice %arg6[%dma_wait3A_455, %dma_wait3A_456] : memref<5x48xi32, #tpu.memory_space<vmem>> -> memref<1x48xi32, #tpu.memory_space<vmem>>
        %dma_wait3A_458 = tpu.memref_squeeze %dma_wait3A_457 : memref<1x48xi32, #tpu.memory_space<vmem>> -> memref<48xi32, #tpu.memory_space<vmem>>
        %dma_wait3A_459 = tpu.memref_slice %arg3[%add3A_454] : memref<322560xi32, #tpu.memory_space<hbm>> -> memref<48xi32, #tpu.memory_space<hbm>>
        %dma_wait3A_460 = arith.constant 0 : i32
        %dma_wait3A_461 = tpu.memref_slice %arg6[%dma_wait3A_455, %dma_wait3A_460] : memref<5x48xi32, #tpu.memory_space<vmem>> -> memref<1x48xi32, #tpu.memory_space<vmem>>
        %dma_wait3A_462 = tpu.memref_squeeze %dma_wait3A_461 : memref<1x48xi32, #tpu.memory_space<vmem>> -> memref<48xi32, #tpu.memory_space<vmem>>
        %dma_wait3A_463 = tpu.memref_slice %arg3[%add3A_454] : memref<322560xi32, #tpu.memory_space<hbm>> -> memref<48xi32, #tpu.memory_space<hbm>>
        tpu.wait_dma2 semaphore(%arg11 : memref<!tpu.dma_semaphore, #tpu.memory_space<semaphore_mem>>) src(%dma_wait3A_463 : memref<48xi32, #tpu.memory_space<hbm>>) dst(%dma_wait3A_462 : memref<48xi32, #tpu.memory_space<vmem>>)
        %dma_wait3A_464 = arith.constant 1 : i32
        %dma_wait3A_465 = arith.constant 0 : i32
        %dma_wait3A_466 = tpu.memref_slice %arg7[%dma_wait3A_464, %dma_wait3A_465] : memref<5x48xi32, #tpu.memory_space<vmem>> -> memref<1x48xi32, #tpu.memory_space<vmem>>
        %dma_wait3A_467 = tpu.memref_squeeze %dma_wait3A_466 : memref<1x48xi32, #tpu.memory_space<vmem>> -> memref<48xi32, #tpu.memory_space<vmem>>
        %dma_wait3A_468 = tpu.memref_slice %arg4[%add3A_454] : memref<322560xi32, #tpu.memory_space<hbm>> -> memref<48xi32, #tpu.memory_space<hbm>>
        %dma_wait3A_469 = arith.constant 0 : i32
        %dma_wait3A_470 = tpu.memref_slice %arg7[%dma_wait3A_464, %dma_wait3A_469] : memref<5x48xi32, #tpu.memory_space<vmem>> -> memref<1x48xi32, #tpu.memory_space<vmem>>
        %dma_wait3A_471 = tpu.memref_squeeze %dma_wait3A_470 : memref<1x48xi32, #tpu.memory_space<vmem>> -> memref<48xi32, #tpu.memory_space<vmem>>
        %dma_wait3A_472 = tpu.memref_slice %arg4[%add3A_454] : memref<322560xi32, #tpu.memory_space<hbm>> -> memref<48xi32, #tpu.memory_space<hbm>>
        tpu.wait_dma2 semaphore(%arg11 : memref<!tpu.dma_semaphore, #tpu.memory_space<semaphore_mem>>) src(%dma_wait3A_472 : memref<48xi32, #tpu.memory_space<hbm>>) dst(%dma_wait3A_471 : memref<48xi32, #tpu.memory_space<vmem>>)
        %dma_start3A_473 = arith.constant 1 : i32
        %dma_start3A_474 = arith.constant 1 : i32
        %dma_start3A_475 = arith.constant 0 : i32
        %dma_start3A_476 = arith.constant 0 : i32
        %dma_start3A_477 = tpu.memref_slice %arg8[%dma_start3A_474, %dma_start3A_475, %dma_start3A_476] : memref<5x48x128xf32, #tpu.memory_space<vmem>> -> memref<1x48x128xf32, #tpu.memory_space<vmem>>
        %dma_start3A_478 = tpu.memref_squeeze %dma_start3A_477 : memref<1x48x128xf32, #tpu.memory_space<vmem>> -> memref<48x128xf32, #tpu.memory_space<vmem>>
        %dma_start3A_479 = arith.constant 0 : i32
        %dma_start3A_480 = tpu.memref_slice %arg6[%dma_start3A_473, %dma_start3A_479] : memref<5x48xi32, #tpu.memory_space<vmem>> -> memref<1x48xi32, #tpu.memory_space<vmem>>
        %dma_start3A_481 = tpu.memref_squeeze %dma_start3A_480 : memref<1x48xi32, #tpu.memory_space<vmem>> -> memref<48xi32, #tpu.memory_space<vmem>>
        %dma_start3A_482 = arith.constant 0 : i32
        %dma_start3A_483 = arith.constant 0 : i32
        %dma_start3A_484 = tpu.memref_slice %arg2[%dma_start3A_482, %dma_start3A_483] : memref<10000x128xf32, #tpu.memory_space<hbm>> -> memref<10000x128xf32, #tpu.memory_space<hbm>>
        tpu.enqueue_indirect_dma source(%dma_start3A_484 : memref<10000x128xf32, #tpu.memory_space<hbm>>) target(%dma_start3A_478 : memref<48x128xf32, #tpu.memory_space<vmem>>) offsets(%dma_start3A_481 : memref<48xi32, #tpu.memory_space<vmem>>) semaphore(%arg16 : memref<!tpu.dma_semaphore, #tpu.memory_space<semaphore_mem>>)
      } else {
      }
      %dma_wait3A_425 = arith.constant 4 : i32
      %dma_wait3A_426 = arith.constant 4 : i32
      %dma_wait3A_427 = arith.constant 0 : i32
      %dma_wait3A_428 = arith.constant 0 : i32
      %dma_wait3A_429 = tpu.memref_slice %arg8[%dma_wait3A_426, %dma_wait3A_427, %dma_wait3A_428] : memref<5x48x128xf32, #tpu.memory_space<vmem>> -> memref<1x48x128xf32, #tpu.memory_space<vmem>>
      %dma_wait3A_430 = tpu.memref_squeeze %dma_wait3A_429 : memref<1x48x128xf32, #tpu.memory_space<vmem>> -> memref<48x128xf32, #tpu.memory_space<vmem>>
      %dma_wait3A_431 = arith.constant 0 : i32
      %dma_wait3A_432 = tpu.memref_slice %arg6[%dma_wait3A_425, %dma_wait3A_431] : memref<5x48xi32, #tpu.memory_space<vmem>> -> memref<1x48xi32, #tpu.memory_space<vmem>>
      %dma_wait3A_433 = tpu.memref_squeeze %dma_wait3A_432 : memref<1x48xi32, #tpu.memory_space<vmem>> -> memref<48xi32, #tpu.memory_space<vmem>>
      %dma_wait3A_434 = arith.constant 0 : i32
      %dma_wait3A_435 = arith.constant 0 : i32
      %dma_wait3A_436 = tpu.memref_slice %arg2[%dma_wait3A_434, %dma_wait3A_435] : memref<10000x128xf32, #tpu.memory_space<hbm>> -> memref<10000x128xf32, #tpu.memory_space<hbm>>
      tpu.wait_indirect_dma semaphore(%arg19 : memref<!tpu.dma_semaphore, #tpu.memory_space<semaphore_mem>>) src(%dma_wait3A_436 : memref<10000x128xf32, #tpu.memory_space<hbm>>) dst(%dma_wait3A_430 : memref<48x128xf32, #tpu.memory_space<vmem>>)
      %dma_start3A_437 = arith.constant 4 : i32
      %dma_start3A_438 = arith.constant 4 : i32
      %dma_start3A_439 = arith.constant 0 : i32
      %dma_start3A_440 = arith.constant 0 : i32
      %dma_start3A_441 = tpu.memref_slice %arg8[%dma_start3A_437, %dma_start3A_439, %dma_start3A_440] : memref<5x48x128xf32, #tpu.memory_space<vmem>> -> memref<1x48x128xf32, #tpu.memory_space<vmem>>
      %dma_start3A_442 = tpu.memref_squeeze %dma_start3A_441 : memref<1x48x128xf32, #tpu.memory_space<vmem>> -> memref<48x128xf32, #tpu.memory_space<vmem>>
      %dma_start3A_443 = arith.constant 0 : i32
      %dma_start3A_444 = tpu.memref_slice %arg7[%dma_start3A_438, %dma_start3A_443] : memref<5x48xi32, #tpu.memory_space<vmem>> -> memref<1x48xi32, #tpu.memory_space<vmem>>
      %dma_start3A_445 = tpu.memref_squeeze %dma_start3A_444 : memref<1x48xi32, #tpu.memory_space<vmem>> -> memref<48xi32, #tpu.memory_space<vmem>>
      %dma_start3A_446 = arith.constant 0 : i32
      %dma_start3A_447 = arith.constant 0 : i32
      %dma_start3A_448 = tpu.memref_slice %arg9[%dma_start3A_446, %dma_start3A_447] : memref<10240x128xf32, #tpu.memory_space<vmem_shared>> -> memref<10240x128xf32, #tpu.memory_space<vmem_shared>>
      tpu.enqueue_indirect_dma source(%dma_start3A_442 : memref<48x128xf32, #tpu.memory_space<vmem>>) target(%dma_start3A_448 : memref<10240x128xf32, #tpu.memory_space<vmem_shared>>) offsets(%dma_start3A_445 : memref<48xi32, #tpu.memory_space<vmem>>) semaphore(%arg24 : memref<!tpu.dma_semaphore, #tpu.memory_space<semaphore_mem>>) {add = true}
      %scan3A_449 = arith.constant 0 : i32
      scf.yield %scan3A_449 : i32
    }
    %scan3A_173 = arith.constant 42 : i32
    %dma_wait3A_174 = arith.constant 2 : i32
    %dma_wait3A_175 = arith.constant 2 : i32
    %dma_wait3A_176 = arith.constant 0 : i32
    %dma_wait3A_177 = arith.constant 0 : i32
    %dma_wait3A_178 = tpu.memref_slice %arg8[%dma_wait3A_174, %dma_wait3A_176, %dma_wait3A_177] : memref<5x48x128xf32, #tpu.memory_space<vmem>> -> memref<1x48x128xf32, #tpu.memory_space<vmem>>
    %dma_wait3A_179 = tpu.memref_squeeze %dma_wait3A_178 : memref<1x48x128xf32, #tpu.memory_space<vmem>> -> memref<48x128xf32, #tpu.memory_space<vmem>>
    %dma_wait3A_180 = arith.constant 0 : i32
    %dma_wait3A_181 = tpu.memref_slice %arg7[%dma_wait3A_175, %dma_wait3A_180] : memref<5x48xi32, #tpu.memory_space<vmem>> -> memref<1x48xi32, #tpu.memory_space<vmem>>
    %dma_wait3A_182 = tpu.memref_squeeze %dma_wait3A_181 : memref<1x48xi32, #tpu.memory_space<vmem>> -> memref<48xi32, #tpu.memory_space<vmem>>
    %dma_wait3A_183 = arith.constant 0 : i32
    %dma_wait3A_184 = arith.constant 0 : i32
    %dma_wait3A_185 = tpu.memref_slice %arg9[%dma_wait3A_183, %dma_wait3A_184] : memref<10240x128xf32, #tpu.memory_space<vmem_shared>> -> memref<10240x128xf32, #tpu.memory_space<vmem_shared>>
    tpu.wait_indirect_dma semaphore(%arg22 : memref<!tpu.dma_semaphore, #tpu.memory_space<semaphore_mem>>) src(%dma_wait3A_179 : memref<48x128xf32, #tpu.memory_space<vmem>>) dst(%dma_wait3A_185 : memref<10240x128xf32, #tpu.memory_space<vmem_shared>>)
    %dma_wait3A_186 = arith.constant 3 : i32
    %dma_wait3A_187 = arith.constant 3 : i32
    %dma_wait3A_188 = arith.constant 0 : i32
    %dma_wait3A_189 = arith.constant 0 : i32
    %dma_wait3A_190 = tpu.memref_slice %arg8[%dma_wait3A_186, %dma_wait3A_188, %dma_wait3A_189] : memref<5x48x128xf32, #tpu.memory_space<vmem>> -> memref<1x48x128xf32, #tpu.memory_space<vmem>>
    %dma_wait3A_191 = tpu.memref_squeeze %dma_wait3A_190 : memref<1x48x128xf32, #tpu.memory_space<vmem>> -> memref<48x128xf32, #tpu.memory_space<vmem>>
    %dma_wait3A_192 = arith.constant 0 : i32
    %dma_wait3A_193 = tpu.memref_slice %arg7[%dma_wait3A_187, %dma_wait3A_192] : memref<5x48xi32, #tpu.memory_space<vmem>> -> memref<1x48xi32, #tpu.memory_space<vmem>>
    %dma_wait3A_194 = tpu.memref_squeeze %dma_wait3A_193 : memref<1x48xi32, #tpu.memory_space<vmem>> -> memref<48xi32, #tpu.memory_space<vmem>>
    %dma_wait3A_195 = arith.constant 0 : i32
    %dma_wait3A_196 = arith.constant 0 : i32
    %dma_wait3A_197 = tpu.memref_slice %arg9[%dma_wait3A_195, %dma_wait3A_196] : memref<10240x128xf32, #tpu.memory_space<vmem_shared>> -> memref<10240x128xf32, #tpu.memory_space<vmem_shared>>
    tpu.wait_indirect_dma semaphore(%arg23 : memref<!tpu.dma_semaphore, #tpu.memory_space<semaphore_mem>>) src(%dma_wait3A_191 : memref<48x128xf32, #tpu.memory_space<vmem>>) dst(%dma_wait3A_197 : memref<10240x128xf32, #tpu.memory_space<vmem_shared>>)
    %dma_wait3A_198 = arith.constant 4 : i32
    %dma_wait3A_199 = arith.constant 4 : i32
    %dma_wait3A_200 = arith.constant 0 : i32
    %dma_wait3A_201 = arith.constant 0 : i32
    %dma_wait3A_202 = tpu.memref_slice %arg8[%dma_wait3A_198, %dma_wait3A_200, %dma_wait3A_201] : memref<5x48x128xf32, #tpu.memory_space<vmem>> -> memref<1x48x128xf32, #tpu.memory_space<vmem>>
    %dma_wait3A_203 = tpu.memref_squeeze %dma_wait3A_202 : memref<1x48x128xf32, #tpu.memory_space<vmem>> -> memref<48x128xf32, #tpu.memory_space<vmem>>
    %dma_wait3A_204 = arith.constant 0 : i32
    %dma_wait3A_205 = tpu.memref_slice %arg7[%dma_wait3A_199, %dma_wait3A_204] : memref<5x48xi32, #tpu.memory_space<vmem>> -> memref<1x48xi32, #tpu.memory_space<vmem>>
    %dma_wait3A_206 = tpu.memref_squeeze %dma_wait3A_205 : memref<1x48xi32, #tpu.memory_space<vmem>> -> memref<48xi32, #tpu.memory_space<vmem>>
    %dma_wait3A_207 = arith.constant 0 : i32
    %dma_wait3A_208 = arith.constant 0 : i32
    %dma_wait3A_209 = tpu.memref_slice %arg9[%dma_wait3A_207, %dma_wait3A_208] : memref<10240x128xf32, #tpu.memory_space<vmem_shared>> -> memref<10240x128xf32, #tpu.memory_space<vmem_shared>>
    tpu.wait_indirect_dma semaphore(%arg24 : memref<!tpu.dma_semaphore, #tpu.memory_space<semaphore_mem>>) src(%dma_wait3A_203 : memref<48x128xf32, #tpu.memory_space<vmem>>) dst(%dma_wait3A_209 : memref<10240x128xf32, #tpu.memory_space<vmem_shared>>)
    %barrier3A_210 = arith.constant 0 : index
    tpu.barrier barrier_id(%barrier3A_210)
    %mul3A_211 = arith.constant 10240 : i32
    %mul3A_212 = arith.muli %arg0, %mul3A_211 : i32
    %mul3A_213 = arith.constant 640 : i32
    %mul3A_214 = arith.muli %arg1, %mul3A_213 : i32
    %add3A_215 = arith.addi %mul3A_212, %mul3A_214 : i32
    "tpu.region"() ({
      %run_scoped3A = tpu.sem_alloc : memref<!tpu.dma_semaphore, #tpu.memory_space<semaphore_mem>>
      %dma_start3A_216 = arith.constant 0 : i32
      %dma_start3A_217 = tpu.memref_slice %arg5[%add3A_215, %dma_start3A_216] : memref<20480x128xf32, #tpu.memory_space<hbm>> -> memref<640x128xf32, #tpu.memory_space<hbm>>
      %dma_start3A_218 = arith.constant 0 : i32
      %dma_start3A_219 = tpu.memref_slice %arg9[%mul3A_10, %dma_start3A_218] : memref<10240x128xf32, #tpu.memory_space<vmem_shared>> -> memref<640x128xf32, #tpu.memory_space<vmem_shared>>
      tpu.enqueue_dma source(%dma_start3A_219 : memref<640x128xf32, #tpu.memory_space<vmem_shared>>) target(%dma_start3A_217 : memref<640x128xf32, #tpu.memory_space<hbm>>) target_semaphore(%run_scoped3A : memref<!tpu.dma_semaphore, #tpu.memory_space<semaphore_mem>>)
      %dma_wait3A_220 = arith.constant 0 : i32
      %dma_wait3A_221 = tpu.memref_slice %arg5[%add3A_215, %dma_wait3A_220] : memref<20480x128xf32, #tpu.memory_space<hbm>> -> memref<640x128xf32, #tpu.memory_space<hbm>>
      %dma_wait3A_222 = arith.constant 0 : i32
      %dma_wait3A_223 = tpu.memref_slice %arg9[%mul3A_10, %dma_wait3A_222] : memref<10240x128xf32, #tpu.memory_space<vmem_shared>> -> memref<640x128xf32, #tpu.memory_space<vmem_shared>>
      tpu.wait_dma2 semaphore(%run_scoped3A : memref<!tpu.dma_semaphore, #tpu.memory_space<semaphore_mem>>) src(%dma_wait3A_223 : memref<640x128xf32, #tpu.memory_space<vmem_shared>>) dst(%dma_wait3A_221 : memref<640x128xf32, #tpu.memory_space<hbm>>)
      tpu.yield
    }) : () -> ()
    return
  }
}

module attributes {stable_mosaic.version = 14 : i64} {
  func.func @_mlpbn_body(%arg0: i32, %arg1: memref<2000x128xf32, #tpu.memory_space<vmem>>, %arg2: memref<2x2000x128xf32, #tpu.memory_space<vmem>>, %arg3: memref<128x128xf32, #tpu.memory_space<vmem>>, %arg4: memref<1x128xf32, #tpu.memory_space<vmem>>, %arg5: memref<128x128xf32, #tpu.memory_space<vmem>>, %arg6: memref<1x128xf32, #tpu.memory_space<vmem>>, %arg7: memref<1x128xf32, #tpu.memory_space<vmem>>, %arg8: memref<1x128xf32, #tpu.memory_space<vmem>>, %arg9: memref<2000x128xf32, #tpu.memory_space<vmem>>, %arg10: memref<10000x128xf32, #tpu.memory_space<vmem>>, %arg11: memref<2x128xf32, #tpu.memory_space<vmem>>) attributes {dimension_semantics = [#tpu.dimension_semantics<arbitrary>], iteration_bounds = array<i64: 10>, scalar_prefetch = 0 : i64, scratch_operands = 2 : i64, tpu.core_type = #tpu.core_type<tc>, window_params = [{transform_indices = @transform_0, window_bounds = array<i64: 2000, 128>}, {transform_indices = @transform_1, window_bounds = array<i64: 2, 2000, 128>}, {pipeline_mode = #tpu.pipeline_mode<synchronous>, transform_indices = @transform_2, window_bounds = array<i64: 128, 128>}, {pipeline_mode = #tpu.pipeline_mode<synchronous>, transform_indices = @transform_3, window_bounds = array<i64: 1, 128>}, {pipeline_mode = #tpu.pipeline_mode<synchronous>, transform_indices = @transform_4, window_bounds = array<i64: 128, 128>}, {pipeline_mode = #tpu.pipeline_mode<synchronous>, transform_indices = @transform_5, window_bounds = array<i64: 1, 128>}, {pipeline_mode = #tpu.pipeline_mode<synchronous>, transform_indices = @transform_6, window_bounds = array<i64: 1, 128>}, {pipeline_mode = #tpu.pipeline_mode<synchronous>, transform_indices = @transform_7, window_bounds = array<i64: 1, 128>}, {transform_indices = @transform_8, window_bounds = array<i64: 2000, 128>}]} {
    %lt3A = arith.constant 5 : i32
    %lt3A_0 = arith.cmpi slt, %arg0, %lt3A : i32
    %convert_element_type3A = arith.extui %lt3A_0 : i1 to i32
    %cond3A = arith.constant 0 : i32
    %cond3A_1 = arith.cmpi ne, %convert_element_type3A, %cond3A : i32
    scf.if %cond3A_1 {
      %get3A = arith.constant 0 : index
      %get3A_6 = arith.constant 0 : index
      %get3A_7 = vector.load %arg1[%get3A, %get3A_6] : memref<2000x128xf32, #tpu.memory_space<vmem>>, vector<2000x128xf32>
      %get3A_8 = arith.constant 0 : index
      %get3A_9 = arith.constant 0 : index
      %get3A_10 = arith.constant 0 : index
      %get3A_11 = vector.load %arg2[%get3A_8, %get3A_9, %get3A_10] : memref<2x2000x128xf32, #tpu.memory_space<vmem>>, vector<1x2000x128xf32>
      %get3A_12 = vector.shape_cast %get3A_11 : vector<1x2000x128xf32> to vector<2000x128xf32>
      %add3A = arith.addf %get3A_7, %get3A_12 : vector<2000x128xf32>
      %get3A_13 = arith.constant 1 : index
      %get3A_14 = arith.constant 0 : index
      %get3A_15 = arith.constant 0 : index
      %get3A_16 = vector.load %arg2[%get3A_13, %get3A_14, %get3A_15] : memref<2x2000x128xf32, #tpu.memory_space<vmem>>, vector<1x2000x128xf32>
      %get3A_17 = vector.shape_cast %get3A_16 : vector<1x2000x128xf32> to vector<2000x128xf32>
      %add3A_18 = arith.addf %add3A, %get3A_17 : vector<2000x128xf32>
      %convert_element_type3A_19 = arith.truncf %add3A_18 : vector<2000x128xf32> to vector<2000x128xbf16>
      %get3A_20 = arith.constant 0 : index
      %get3A_21 = arith.constant 0 : index
      %get3A_22 = vector.load %arg3[%get3A_20, %get3A_21] : memref<128x128xf32, #tpu.memory_space<vmem>>, vector<128x128xf32>
      %convert_element_type3A_23 = arith.truncf %get3A_22 : vector<128x128xf32> to vector<128x128xbf16>
      %dot_general3A = arith.constant dense<0.000000e+00> : vector<2000x128xf32>
      %dot_general3A_24 = tpu.matmul %convert_element_type3A_19, %convert_element_type3A_23, %dot_general3A {dimension_numbers = #tpu.dot_dimension_numbers<[1], [0], [0], [1], [0, 0, 1, 1], [], []>, transpose_lhs_hint = false} : vector<2000x128xbf16>, vector<128x128xbf16>, vector<2000x128xf32> -> vector<2000x128xf32>
      %get3A_25 = arith.constant 0 : index
      %get3A_26 = arith.constant 0 : index
      %get3A_27 = vector.load %arg4[%get3A_25, %get3A_26] : memref<1x128xf32, #tpu.memory_space<vmem>>, vector<1x128xf32>
      %add3A_28 = vector.broadcast %get3A_27 : vector<1x128xf32> to vector<2000x128xf32>
      %add3A_29 = arith.addf %dot_general3A_24, %add3A_28 : vector<2000x128xf32>
      %max3A = arith.constant 0.000000e+00 : f32
      %max3A_30 = vector.broadcast %max3A : f32 to vector<2000x128xf32>
      %max3A_31 = arith.maximumf %add3A_29, %max3A_30 : vector<2000x128xf32>
      %convert_element_type3A_32 = arith.truncf %max3A_31 : vector<2000x128xf32> to vector<2000x128xbf16>
      %get3A_33 = arith.constant 0 : index
      %get3A_34 = arith.constant 0 : index
      %get3A_35 = vector.load %arg5[%get3A_33, %get3A_34] : memref<128x128xf32, #tpu.memory_space<vmem>>, vector<128x128xf32>
      %convert_element_type3A_36 = arith.truncf %get3A_35 : vector<128x128xf32> to vector<128x128xbf16>
      %dot_general3A_37 = arith.constant dense<0.000000e+00> : vector<2000x128xf32>
      %dot_general3A_38 = tpu.matmul %convert_element_type3A_32, %convert_element_type3A_36, %dot_general3A_37 {dimension_numbers = #tpu.dot_dimension_numbers<[1], [0], [0], [1], [0, 0, 1, 1], [], []>, transpose_lhs_hint = false} : vector<2000x128xbf16>, vector<128x128xbf16>, vector<2000x128xf32> -> vector<2000x128xf32>
      %get3A_39 = arith.constant 0 : index
      %get3A_40 = arith.constant 0 : index
      %get3A_41 = vector.load %arg6[%get3A_39, %get3A_40] : memref<1x128xf32, #tpu.memory_space<vmem>>, vector<1x128xf32>
      %add3A_42 = vector.broadcast %get3A_41 : vector<1x128xf32> to vector<2000x128xf32>
      %add3A_43 = arith.addf %dot_general3A_38, %add3A_42 : vector<2000x128xf32>
      %mul3A = arith.constant 2000 : i32
      %mul3A_44 = arith.muli %arg0, %mul3A : i32
      %swap3A = arith.index_cast %mul3A_44 : i32 to index
      %swap3A_45 = arith.constant 0 : index
      %swap3A_46 = vector.load %arg10[%swap3A, %swap3A_45] : memref<10000x128xf32, #tpu.memory_space<vmem>>, vector<2000x128xf32>
      tpu.vector_store %arg10[%swap3A, %swap3A_45], %add3A_43 {strides = array<i32>} : memref<10000x128xf32, #tpu.memory_space<vmem>>, vector<2000x128xf32>,
      %reduce_sum3A = arith.constant dense<0.000000e+00> : vector<128xf32>
      %reduce_sum3A_47 = vector.multi_reduction <add>, %add3A_43, %reduce_sum3A [0] : vector<2000x128xf32> to vector<128xf32>
      %broadcast_in_dim3A = vector.shape_cast %reduce_sum3A_47 : vector<128xf32> to vector<1x128xf32>
      %mul3A_48 = arith.mulf %add3A_43, %add3A_43 : vector<2000x128xf32>
      %reduce_sum3A_49 = arith.constant dense<0.000000e+00> : vector<128xf32>
      %reduce_sum3A_50 = vector.multi_reduction <add>, %mul3A_48, %reduce_sum3A_49 [0] : vector<2000x128xf32> to vector<128xf32>
      %broadcast_in_dim3A_51 = vector.shape_cast %reduce_sum3A_50 : vector<128xf32> to vector<1x128xf32>
      %concatenate3A = tpu.concatenate %broadcast_in_dim3A, %broadcast_in_dim3A_51 in 0 : vector<1x128xf32>, vector<1x128xf32> -> vector<2x128xf32>
      %eq3A = arith.constant 0 : i32
      %eq3A_52 = arith.cmpi eq, %arg0, %eq3A : i32
      %convert_element_type3A_53 = arith.extui %eq3A_52 : i1 to i32
      %cond3A_54 = arith.constant 0 : i32
      %cond3A_55 = arith.cmpi ne, %convert_element_type3A_53, %cond3A_54 : i32
      scf.if %cond3A_55 {
        %swap3A_60 = arith.constant 0 : index
        %swap3A_61 = arith.constant 0 : index
        %swap3A_62 = vector.load %arg11[%swap3A_60, %swap3A_61] : memref<2x128xf32, #tpu.memory_space<vmem>>, vector<2x128xf32>
        tpu.vector_store %arg11[%swap3A_60, %swap3A_61], %concatenate3A {strides = array<i32>} : memref<2x128xf32, #tpu.memory_space<vmem>>, vector<2x128xf32>,
      } else {
      }
      %gt3A = arith.constant 0 : i32
      %gt3A_56 = arith.cmpi sgt, %arg0, %gt3A : i32
      %convert_element_type3A_57 = arith.extui %gt3A_56 : i1 to i32
      %cond3A_58 = arith.constant 0 : i32
      %cond3A_59 = arith.cmpi ne, %convert_element_type3A_57, %cond3A_58 : i32
      scf.if %cond3A_59 {
        %get3A_60 = arith.constant 0 : index
        %get3A_61 = arith.constant 0 : index
        %get3A_62 = vector.load %arg11[%get3A_60, %get3A_61] : memref<2x128xf32, #tpu.memory_space<vmem>>, vector<2x128xf32>
        %add3A_63 = arith.addf %get3A_62, %concatenate3A : vector<2x128xf32>
        %swap3A_64 = arith.constant 0 : index
        %swap3A_65 = arith.constant 0 : index
        %swap3A_66 = vector.load %arg11[%swap3A_64, %swap3A_65] : memref<2x128xf32, #tpu.memory_space<vmem>>, vector<2x128xf32>
        tpu.vector_store %arg11[%swap3A_64, %swap3A_65], %add3A_63 {strides = array<i32>} : memref<2x128xf32, #tpu.memory_space<vmem>>, vector<2x128xf32>,
      } else {
      }
    } else {
    }
    %ge3A = arith.constant 5 : i32
    %ge3A_2 = arith.cmpi sge, %arg0, %ge3A : i32
    %convert_element_type3A_3 = arith.extui %ge3A_2 : i1 to i32
    %cond3A_4 = arith.constant 0 : i32
    %cond3A_5 = arith.cmpi ne, %convert_element_type3A_3, %cond3A_4 : i32
    scf.if %cond3A_5 {
      %sub3A = arith.constant 5 : i32
      %sub3A_6 = arith.subi %arg0, %sub3A : i32
      %get3A = arith.constant 0 : index
      %get3A_7 = arith.constant 0 : index
      %get3A_8 = vector.load %arg11[%get3A, %get3A_7] : memref<2x128xf32, #tpu.memory_space<vmem>>, vector<1x128xf32>
      %mul3A = arith.constant 9.99999974E-5 : f32
      %mul3A_9 = vector.broadcast %mul3A : f32 to vector<1x128xf32>
      %mul3A_10 = arith.mulf %get3A_8, %mul3A_9 : vector<1x128xf32>
      %get3A_11 = arith.constant 1 : index
      %get3A_12 = arith.constant 0 : index
      %get3A_13 = vector.load %arg11[%get3A_11, %get3A_12] : memref<2x128xf32, #tpu.memory_space<vmem>>, vector<1x128xf32>
      %mul3A_14 = arith.constant 9.99999974E-5 : f32
      %mul3A_15 = vector.broadcast %mul3A_14 : f32 to vector<1x128xf32>
      %mul3A_16 = arith.mulf %get3A_13, %mul3A_15 : vector<1x128xf32>
      %mul3A_17 = arith.mulf %mul3A_10, %mul3A_10 : vector<1x128xf32>
      %sub3A_18 = arith.subf %mul3A_16, %mul3A_17 : vector<1x128xf32>
      %get3A_19 = arith.constant 0 : index
      %get3A_20 = arith.constant 0 : index
      %get3A_21 = vector.load %arg7[%get3A_19, %get3A_20] : memref<1x128xf32, #tpu.memory_space<vmem>>, vector<1x128xf32>
      %add3A = arith.constant 9.99999974E-6 : f32
      %add3A_22 = vector.broadcast %add3A : f32 to vector<1x128xf32>
      %add3A_23 = arith.addf %sub3A_18, %add3A_22 : vector<1x128xf32>
      %rsqrt3A = math.rsqrt %add3A_23 : vector<1x128xf32>
      %mul3A_24 = arith.mulf %get3A_21, %rsqrt3A : vector<1x128xf32>
      %mul3A_25 = arith.constant 2000 : i32
      %mul3A_26 = arith.muli %sub3A_6, %mul3A_25 : i32
      %get3A_27 = arith.index_cast %mul3A_26 : i32 to index
      %get3A_28 = arith.constant 0 : index
      %get3A_29 = vector.load %arg10[%get3A_27, %get3A_28] : memref<10000x128xf32, #tpu.memory_space<vmem>>, vector<2000x128xf32>
      %sub3A_30 = vector.broadcast %mul3A_10 : vector<1x128xf32> to vector<2000x128xf32>
      %sub3A_31 = arith.subf %get3A_29, %sub3A_30 : vector<2000x128xf32>
      %mul3A_32 = vector.broadcast %mul3A_24 : vector<1x128xf32> to vector<2000x128xf32>
      %mul3A_33 = arith.mulf %sub3A_31, %mul3A_32 : vector<2000x128xf32>
      %get3A_34 = arith.constant 0 : index
      %get3A_35 = arith.constant 0 : index
      %get3A_36 = vector.load %arg8[%get3A_34, %get3A_35] : memref<1x128xf32, #tpu.memory_space<vmem>>, vector<1x128xf32>
      %add3A_37 = vector.broadcast %get3A_36 : vector<1x128xf32> to vector<2000x128xf32>
      %add3A_38 = arith.addf %mul3A_33, %add3A_37 : vector<2000x128xf32>
      %max3A = arith.constant 0.000000e+00 : f32
      %max3A_39 = vector.broadcast %max3A : f32 to vector<2000x128xf32>
      %max3A_40 = arith.maximumf %add3A_38, %max3A_39 : vector<2000x128xf32>
      %swap3A = arith.constant 0 : index
      %swap3A_41 = arith.constant 0 : index
      %swap3A_42 = vector.load %arg9[%swap3A, %swap3A_41] : memref<2000x128xf32, #tpu.memory_space<vmem>>, vector<2000x128xf32>
      tpu.vector_store %arg9[%swap3A, %swap3A_41], %max3A_40 {strides = array<i32>} : memref<2000x128xf32, #tpu.memory_space<vmem>>, vector<2000x128xf32>,
    } else {
    }
    return
  }
  func.func @transform_0(%arg0: i32) -> (i32, i32) {
    %min3A = arith.constant 4 : i32
    %min3A_0 = arith.minsi %arg0, %min3A : i32
    %c0_i32 = arith.constant 0 : i32
    %c0_i32_1 = arith.constant 0 : i32
    return %min3A_0, %c0_i32 : i32, i32
  }
  func.func @transform_1(%arg0: i32) -> (i32, i32, i32) {
    %min3A = arith.constant 4 : i32
    %min3A_0 = arith.minsi %arg0, %min3A : i32
    %c0_i32 = arith.constant 0 : i32
    %c0_i32_1 = arith.constant 0 : i32
    %c0_i32_2 = arith.constant 0 : i32
    return %c0_i32, %min3A_0, %c0_i32_1 : i32, i32, i32
  }
  func.func @transform_2(%arg0: i32) -> (i32, i32) {
    %c0_i32 = arith.constant 0 : i32
    %c0_i32_0 = arith.constant 0 : i32
    %c0_i32_1 = arith.constant 0 : i32
    return %c0_i32, %c0_i32_0 : i32, i32
  }
  func.func @transform_3(%arg0: i32) -> (i32, i32) {
    %c0_i32 = arith.constant 0 : i32
    %c0_i32_0 = arith.constant 0 : i32
    %c0_i32_1 = arith.constant 0 : i32
    return %c0_i32, %c0_i32_0 : i32, i32
  }
  func.func @transform_4(%arg0: i32) -> (i32, i32) {
    %c0_i32 = arith.constant 0 : i32
    %c0_i32_0 = arith.constant 0 : i32
    %c0_i32_1 = arith.constant 0 : i32
    return %c0_i32, %c0_i32_0 : i32, i32
  }
  func.func @transform_5(%arg0: i32) -> (i32, i32) {
    %c0_i32 = arith.constant 0 : i32
    %c0_i32_0 = arith.constant 0 : i32
    %c0_i32_1 = arith.constant 0 : i32
    return %c0_i32, %c0_i32_0 : i32, i32
  }
  func.func @transform_6(%arg0: i32) -> (i32, i32) {
    %c0_i32 = arith.constant 0 : i32
    %c0_i32_0 = arith.constant 0 : i32
    %c0_i32_1 = arith.constant 0 : i32
    return %c0_i32, %c0_i32_0 : i32, i32
  }
  func.func @transform_7(%arg0: i32) -> (i32, i32) {
    %c0_i32 = arith.constant 0 : i32
    %c0_i32_0 = arith.constant 0 : i32
    %c0_i32_1 = arith.constant 0 : i32
    return %c0_i32, %c0_i32_0 : i32, i32
  }
  func.func @transform_8(%arg0: i32) -> (i32, i32) {
    %sub3A = arith.constant 5 : i32
    %sub3A_0 = arith.subi %arg0, %sub3A : i32
    %max3A = arith.constant 0 : i32
    %max3A_1 = arith.maxsi %sub3A_0, %max3A : i32
    %c0_i32 = arith.constant 0 : i32
    %c0_i32_2 = arith.constant 0 : i32
    return %max3A_1, %c0_i32 : i32, i32
  }
}

</mosaic_0001>

<sc_bundles>
// kernel: kernel.11.cloned.1.call-start
scs
__scs_entry_jumppad:
0x0: {  	(pc) =	sbr.rel $0x88, $3  }
0x1: {  	(tag) =	ssettag $0x0;
	lr =	simm.s32 $0x1  }
0x2: {  	[smem:$0x3F8D] =	sst lr;
	_ =	strace $0xD0000000  }
0x3: {  	_ = 	snop  }
0x4: {  	_ = 	snop  }
0x5: {  	_ = 	snop  }
0x6: {  	_ = 	snop  }
0x7: {  	_ = 	snop  }
__scs_overlays_trampoline_lowered:
0x8: {  	[smem:$0x3F9C] =	sst s0  }
0x9: {  	[smem:$0x3F9D] =	sst s1  }
0xa: {  	[smem:$0x3F9E] =	sst s2  }
0xb: {  	[smem:$0x3F9F] =	sst s3  }
0xc: {  	[smem:$0x3FA0] =	sst s4  }
0xd: {  	[smem:$0x3FA1] =	sst s5  }
0xe: {  	[smem:$0x3FA2] =	sst s6  }
0xf: {  	[smem:$0x3FA3] =	sst s7  }
0x10: {  	[smem:$0x3FA4] =	sst s8  }
0x11: {  	[smem:$0x3FA5] =	sst s9;
	s0 =	simm.s32 @!p0 $0x0  }
0x12: {  	s1 =	sld [smem:$0x3F8B];
	s0 =	simm.s32 @p0 $0x1  }
0x13: {  	[smem:$0x3FA6] =	sst s0;
	s0 =	simm.s32 @!p1 $0x0  }
0x14: {  	s2 =	sld [smem:$0x3F8A];
	s0 =	simm.s32 @p1 $0x1  }
0x15: {  	[smem:$0x3FA7] =	sst s0;
	s0 =	simm.s32 @!p2 $0x0  }
0x16: {  	s3 =	sld [smem:$0x3FDB];
	s0 =	simm.s32 @p2 $0x1  }
0x17: {  	s4 =	simm.s32 $0x1BF5;
	[smem:$0x3FA9] =	sst s0  }
0x18: {  	s0 =	sld [smem:$0x3F8C];
	_ =	swait.ge [sflag:s4], $0x0  }
0x19: {  	s7 =	sld [smem:$0x3F8D]  }
0x1a: {  	s8 =	sadd.s32 $0xFFFFE003, lr  }
0x1b: {  	s9 =	sadd.s32 $0xFFFFFEF7, lr;
	s5 =	simm.s32 $0xFFFFFFFF;
	p2 =	slt.u32 s8, $0xFFFFF086  }
0x1c: {  	p1 =	slt.u32 s9, $0xF7A;
	s5 =	simm.s32 @!p2 $0x0  }
0x1d: {  	s5 =	simm.s32 @p1 $0x1;
	p0 =	seq.s32 s7, s2  }
0x1e: {  	s7 =	smul.u32 @!p0 $0xF7A, s2;
	p2 =	seq.s32 @!p0 s5, $0x0  }
0x1f: {  	s9 =	smul.u32 $0xF7A, s1;
	s8 =	simm.s32 @!p0 $0x1BF5;
	p2 =	por !p2, p0  }
0x20: {  	[sflag:s8] =	ssyncset.s32 @!p0 $0xFFFFF086;
	s6 =	sadd.s32 @!p0 s3, s7;
	s7 =	simm.s32 @!p0 $0x108  }
0x21: {  	s3 =	sadd.s32 s3, s9;
	s6 =	sadd.s32 @!p0 $0x88, s6;
	s7 =	simm.s32 @p2 $0x1082  }
0x22: {  	[simem:s7], [sflag:s8] =	dma.local @!p0 [hbm:s6], $0xF7A  }
0x23: {  	s9 =	sor.u32 $0xD0000000, s2;
	s6 =	simm.s32 $0x108;
	_ =	swait.ge @!p0 [sflag:s8], $0x0  }
0x24: {  	s3 =	sadd.s32 $0x88, s3;
	s6 =	simm.s32 @!p1 $0x1082;
	[sflag:s4] =	ssyncset.s32 $0xFFFFF086  }
0x25: {  	[simem:s6], [sflag:s4] =	dma.local [hbm:s3], $0xF7A  }
0x26: {  	[smem:$0x3F8D] =	sst s1;
	(tag) =	ssettag s2;
	_ =	strace s9  }
0x27: {  	s1 =	sld [smem:$0x3F9D]  }
0x28: {  	s2 =	sld [smem:$0x3F9E]  }
0x29: {  	s4 =	sld [smem:$0x3FA0]  }
0x2a: {  	p0 =	seq.s32 s5, $0x0;
	s5 =	sld [smem:$0x3FA1]  }
0x2b: {  	s6 =	sld [smem:$0x3FA2]  }
0x2c: {  	s7 =	sld [smem:$0x3FA3]  }
0x2d: {  	s3 =	simm.s32 $0x108;
	s8 =	sld [smem:$0x3FA4]  }
0x2e: {  	s3 =	simm.s32 @!p0 $0x1082;
	s9 =	sld [smem:$0x3FA5]  }
0x2f: {  	lr =	sadd.s32 s0, s3;
	s0 =	sld [smem:$0x3F9C]  }
0x30: {  	s3 =	sld [smem:$0x3F9F]  }
0x31: {  	[smem:$0x3FA8] =	sst s10  }
0x32: {  	s10 =	sld [smem:$0x3FA6];
	_ =	sdelay $0x3  }
0x33: {  	p0 =	seq.s32 s10, $0x1;
	s10 =	sld [smem:$0x3FA8];
	_ =	sdelay $0x3  }
0x34: {  	[smem:$0x3FA8] =	sst s10  }
0x35: {  	s10 =	sld [smem:$0x3FA7];
	_ =	sdelay $0x3  }
0x36: {  	p1 =	seq.s32 s10, $0x1;
	s10 =	sld [smem:$0x3FA8];
	_ =	sdelay $0x3  }
0x37: {  	[smem:$0x3FA8] =	sst s10  }
0x38: {  	s10 =	sld [smem:$0x3FA9]  }
0x39: {  	_ = 	snop;
	(pc) =	sbr.ind lr, $3  }
0x3a: {  	_ = 	snop  }
0x3b: {  	_ = 	snop  }
0x3c: {  	p2 =	seq.s32 s10, $0x1;
	s10 =	sld [smem:$0x3FA8]  }
0x3d: {  	_ =	shalt  }
0x3e: {  	_ =	shalt  }
0x3f: {  	_ =	shalt  }
0x40: {  	_ =	shalt  }
0x41: {  	_ =	shalt  }
0x42: {  	_ =	shalt  }
0x43: {  	_ =	shalt  }
0x44: {  	_ =	shalt  }
0x45: {  	_ =	shalt  }
0x46: {  	_ =	shalt  }
0x47: {  	_ =	shalt  }
0x48: {  	_ =	shalt  }
0x49: {  	_ =	shalt  }
0x4a: {  	_ =	shalt  }
0x4b: {  	_ =	shalt  }
0x4c: {  	_ =	shalt  }
0x4d: {  	_ =	shalt  }
0x4e: {  	_ =	shalt  }
0x4f: {  	_ =	shalt  }
0x50: {  	_ =	shalt  }
0x51: {  	_ =	shalt  }
0x52: {  	_ =	shalt  }
0x53: {  	_ =	shalt  }
0x54: {  	_ =	shalt  }
0x55: {  	_ =	shalt  }
0x56: {  	_ =	shalt  }
0x57: {  	_ =	shalt  }
0x58: {  	_ =	shalt  }
0x59: {  	_ =	shalt  }
0x5a: {  	_ =	shalt  }
0x5b: {  	_ =	shalt  }
0x5c: {  	_ =	shalt  }
0x5d: {  	_ =	shalt  }
0x5e: {  	_ =	shalt  }
0x5f: {  	_ =	shalt  }
0x60: {  	_ =	shalt  }
0x61: {  	_ =	shalt  }
0x62: {  	_ =	shalt  }
0x63: {  	_ =	shalt  }
0x64: {  	_ =	shalt  }
0x65: {  	_ =	shalt  }
0x66: {  	_ =	shalt  }
0x67: {  	_ =	shalt  }
0x68: {  	_ =	shalt  }
0x69: {  	_ =	shalt  }
0x6a: {  	_ =	shalt  }
0x6b: {  	_ =	shalt  }
0x6c: {  	_ =	shalt  }
0x6d: {  	_ =	shalt  }
0x6e: {  	_ =	shalt  }
0x6f: {  	_ =	shalt  }
0x70: {  	_ =	shalt  }
0x71: {  	_ =	shalt  }
0x72: {  	_ =	shalt  }
0x73: {  	_ =	shalt  }
0x74: {  	_ =	shalt  }
0x75: {  	_ =	shalt  }
0x76: {  	_ =	shalt  }
0x77: {  	_ =	shalt  }
0x78: {  	_ =	shalt  }
0x79: {  	_ =	shalt  }
0x7a: {  	_ =	shalt  }
0x7b: {  	_ =	shalt  }
0x7c: {  	_ =	shalt  }
0x7d: {  	_ =	shalt  }
0x7e: {  	_ =	shalt  }
0x7f: {  	_ =	shalt  }
0x80: {  	_ =	shalt  }
0x81: {  	_ =	shalt  }
0x82: {  	_ =	shalt  }
0x83: {  	_ =	shalt  }
0x84: {  	_ =	shalt  }
0x85: {  	_ =	shalt  }
0x86: {  	_ =	shalt  }
0x87: {  	_ =	shalt  }
.Lfunc_end0:
.L_simem_size_0:
called_computation.1_lowered:
.L_overlay_start_0:
0x88: {  	s2 =	sld [smem:$0x3FD9]  }
0x89: {  	s3 =	sld [smem:$0x3FFE];
	_ =	sdelay $0x1  }
0x8a: {  	s1 =	srdreg.scid  }
0x8b: {  	s0 =	sand.u32 $0x1, s1  }
0x8c: {  	s14 =	sshll.u32 s0, $0xA;
	s2 =	sadd.s32 s3, s2  }
0x8d: {  	s2 =	sadd.s32 s2, s14  }
0x8e: {  	[smem:$0x3FB4] =	sst s2  }
0x8f: {  	_ = 	snop  }
0x90: {  	s2 =	sld [smem:$0x3FD0];
	_ =	sdelay $0x2  }
0x91: {  	s15 =	simm.s32 $0xA;
	s4 =	simm.s32 $0x10  }
0x92: {  	[smem:s4], [sflag:s15] =	dma.local [hbm:s2], $0x1  }
0x93: {  	_ =	swait.eq [sflag:s15], $0x1  }
0x94: {  	[sflag:s15] =	ssyncset.done $0x0  }
0x95: {  	s16 =	sld [smem:$0x10];
	[sflag:s15] =	ssyncadd.s32 $0xFFFFFFFF  }
0x96: {  	s17 =	sld [smem:$0x12];
	(tm) =	ssettm $0x1  }
0x97: {  	s18 =	sld [smem:$0x3FFB];
	_ =	sdelay $0x3  }
0x98: {  	_ =	strace s18  }
0x99: {  	s4 =	sld [smem:$0x3FFC];
	_ =	sdelay $0x3  }
0x9a: {  	_ =	strace s4  }
0x9b: {  	s4 =	sld [smem:$0x3FFD];
	_ =	sdelay $0x3  }
0x9c: {  	_ =	strace s4  }
0x9d: {  	_ =	strace $0x8FFFFFFF  }
0x9e: {  	s19 =	sld [smem:$0x3FDB];
	_ =	sdelay $0x1  }
0x9f: {  	s5 =	simm.s32 $_scs_section_size  }
0xa0: {  	s6 =	simm.s32 $_size__tile_overlayer_lowered;
	s7 =	simm.s32 $_tile_overlayer_lowered  }
0xa1: {  	s22 =	simm.s32 $0x1BFF;
	s21 =	sshll.u32 s7, $0x1;
	s4 =	sadd.s32 s5, s19  }
0xa2: {  	s8 =	simm.s32 $0x0;
	s20 =	sshll.u32 s6, $0x1;
	s6 =	sadd.s32 s21, s4  }
0xa3: {  	[timem:s8], [sflag:s22] =	dma.local [hbm:s6], s20  }
0xa4: {  	_ =	swait.ge [sflag:s22], s20  }
0xa5: {  	s5 =	ssub.s32 $0x0, s20;
	[sflag:s22] =	ssyncset.done $0x0  }
0xa6: {  	[sflag:s22] =	ssyncadd.s32 s5;
	_ =	sdelay $0x1  }
0xa7: {  	s23 =	simm.s32 $0x1B8B  }
0xa8: {  	_ =	swait.ge [sflag:s23], $0x1  }
0xa9: {  	[sflag:s23] =	ssyncset.done $0x0  }
0xaa: {  	s25 =	simm.s32 $0x1B8E;
	s24 =	sld [smem:$0x3FFE];
	[sflag:s23] =	ssyncadd.s32 $0xFFFFFFFF  }
0xab: {  	s26 =	simm.s32 $execute0_lowered;
	[smem:$0x3FD2] =	sst s25  }
0xac: {  	s6 =	sshll.u32 s26, $0x1;
	_ =	strace $0x80000049;
	[dreg:$0x1] =	wrdreg $0xFFFFFFFF  }
0xad: {  	s28 =	simm.s32 $_size_execute0_lowered;
	s4 =	sadd.s32 s4, s6;
	[dreg:$0x0] =	wrdreg $0x0  }
0xae: {  	s6 =	sshll.u32 s28, $0x1;
	[dreg:$0x2] =	wrdreg s4  }
0xaf: {  	[dreg:$0x3] =	wrdreg s6  }
0xb0: {  	[dreg:$0x4] =	wrdreg $0xC0  }
0xb1: {  	_ =	task [dreg:s8], $0x5FFFF  }
0xb2: {  	[dreg:$0x1] =	wrdreg $0xFFFFFFFF  }
0xb3: {  	[dreg:$0x0] =	wrdreg $0x60  }
0xb4: {  	[dreg:$0x2] =	wrdreg s16  }
0xb5: {  	[dreg:$0x3] =	wrdreg s17  }
0xb6: {  	[dreg:$0x4] =	wrdreg s24  }
0xb7: {  	[dreg:$0x5] =	wrdreg $0x80000  }
0xb8: {  	[dreg:$0x6] =	wrdreg $0x9  }
0xb9: {  	_ =	task.clear_ibuf [dreg:s8], $0x7FFFF;
	_ =	strace $0x90000049  }
0xba: {  	s29 =	simm.s32 $0x9;
	_ =	strace $0x8000004B  }
0xbb: {  	_ =	swait.ge [sflag:s29], $0x1  }
0xbc: {  	[sflag:s29] =	ssyncadd.s32 $0xFFFFFFFF  }
0xbd: {  	_ =	strace $0x9000004B  }
0xbe: {  	_ =	sfence  }
0xbf: {  	s30 =	sld [smem:$0x0];
	_ =	sdelay $0x2  }
0xc0: {  	s31 =	sshll.u32 s1, $0xD;
	s1 =	sshrl.u32 s1, $0x2  }
0xc1: {  	s3 =	sand.u32 $0x4000, s31;
	s1 =	sadd.s32 s1, s30  }
0xc2: {  	s0 =	sor.u32 s3, s0;
	s1 =	sshll.u32 s1, $0x11  }
0xc3: {  	s0 =	sor.u32 s1, s0  }
0xc4: {  	s0 =	sadd.s32 $0x8F2B, s0  }
0xc5: {  	[sflag:s0] =	ssyncadd.remote.s32 $0x1  }
0xc6: {  	_ =	sfence.sel $0xFFFF  }
0xc7: {  	[dreg:$0x0] =	wrdreg $0xFFFFFFFF;
	(pc) =	sbr.abs _section_cstart, $3  }
0xc8: {  	[dreg:$0x1] =	wrdreg $0xFFFFFFFF  }
0xc9: {  	_ =	task.clear_ibuf [dreg:s8], $0x2FFFF;
	_ =	strace $0x9FFFFFFF  }
0xca: {  	(tm) =	ssettm $0x7FFFFFFF  }
0xcb: {  	_ =	shalt  }
tec
execute0_lowered:
.L_overlay_start_1:
0x0: {  	(tag) =	ssettag $0x1  }
0x1: {  	s1 =	rddreg [dreg:$0x0]  }
0x2: {  	s9 =	rddreg [dreg:$0x1]  }
0x3: {  	s0 =	rddreg [dreg:$0x2]  }
0x4: {  	s4 =	rddreg [dreg:$0x3];
	s10 =	stileid.u32  }
0x5: {  	s2 =	srdreg.scid;
	s3 =	smul.u32 $0x2800, s10  }
0x6: {  	s6 =	simm.s32 $0x0;
	s2 =	sand.u32 $0x1, s2;
	s8 =	smul.u32 $0x50000, s10  }
0x7: {  	[smem:$0x7FF] =	sst s6;
	s6 =	sadd.s32 $0x4600, s0;
	s13 =	smul.u32 $0x2760, s10  }
0x8: {  	s5 =	sshll.u32 s2, $0x4;
	s25 =	smul.u32 $0x28000, s2;
	_ =	strace $0x8000004A  }
0x9: {  	s7 =	ssub.s32 $0x2, s2;
	s2 =	smul.u32 $0x27600, s2;
	s30 =	sshrl.u32 s8, $0x2  }
0xa: {  	s26 =	sshrl.u32 s7, $0x1;
	s3 =	sadd.s32 s3, s25;
	s18 =	sadd.s32 s30, s4  }
0xb: {  	s2 =	sadd.s32 s13, s2;
	s0 =	sadd.s32 s3, s0;
	s3 =	ssub.s32 s7, s26  }
0xc: {  	s19 =	sadd.s32 $0x180, s2;
	s22 =	sadd.s32 $0x150, s2;
	s24 =	sadd.s32 $0x120, s2  }
0xd: {  	s26 =	sadd.s32 $0xC0, s2;
	s2 =	sadd.s32 $0xF0, s2;
	[dreg:$0x5] =	wrdreg s18  }
0xe: {  	s5 =	sor.u32 s10, s5;
	s10 =	sadd.s32 $0x8000, s18;
	[dreg:$0x13] =	wrdreg s2  }
0xf: {  	s13 =	sadd.s32 $0xB000, s18;
	[dreg:$0x1b] =	wrdreg s10  }
0x10: {  	s5 =	smul.u32 $0x2760, s5;
	s0 =	sadd.s32 $0xE400, s0;
	[dreg:$0x1e] =	wrdreg s13  }
0x11: {  	s3 =	smax.u32 s3, $0x1;
	[dreg:$0xe] =	wrdreg s0  }
0x12: {  	s5 =	sshrl.u32 s5, $0x3;
	s2 =	sadd.s32 $0x1000, s18;
	[dreg:$0xf] =	wrdreg s3  }
0x13: {  	s20 =	sshrl.u32 s19, $0x3;
	s19 =	sadd.s32 $0x10000, s18;
	[dreg:$0x14] =	wrdreg s2  }
0x14: {  	s8 =	sadd.s32 s9, s5;
	[smem:$0x7FA] =	sst s19  }
0x15: {  	s11 =	sadd.s32 s6, s5;
	[dreg:$0x6] =	wrdreg s8  }
0x16: {  	s28 =	simm.s32 $0x3;
	s21 =	sadd.s32 s20, s6;
	[dreg:$0x7] =	wrdreg s11  }
0x17: {  	s23 =	sshrl.u32 s22, $0x3;
	s0 =	sadd.s32 s20, s9;
	[dreg:$0x10] =	wrdreg s21  }
0x18: {  	s12 =	sadd.s32 $0x6, s5;
	s25 =	sadd.s32 s23, s6;
	[dreg:$0x11] =	wrdreg s0  }
0x19: {  	s3 =	sshrl.u32 s24, $0x3;
	s24 =	sadd.s32 $0x12000, s18;
	[dreg:$0x12] =	wrdreg s25  }
0x1a: {  	s29 =	simm.s32 $0x6;
	s14 =	sadd.s32 s9, s12;
	[smem:$0x7FC] =	sst s24  }
0x1b: {  	s15 =	sadd.s32 $0xC, s5;
	s7 =	sadd.s32 s6, s12;
	[dreg:$0x8] =	wrdreg s14  }
0x1c: {  	s5 =	sadd.s32 $0x12, s5;
	s16 =	sadd.s32 s9, s15;
	[dreg:$0x9] =	wrdreg s7  }
0x1d: {  	s31 =	simm.s32 $0x6800;
	s17 =	sadd.s32 s9, s5;
	[dreg:$0xa] =	wrdreg s16  }
0x1e: {  	s30 =	sshrl.u32 s26, $0x3;
	s5 =	sadd.s32 s6, s5;
	[dreg:$0xc] =	wrdreg s17  }
0x1f: {  	s0 =	sadd.s32 s23, s9;
	s22 =	sadd.s32 s3, s6;
	[dreg:$0xd] =	wrdreg s5  }
0x20: {  	s23 =	sadd.s32 s3, s9;
	s3 =	sadd.s32 $0x2000, s18;
	[smem:$0x7F6] =	sst s0  }
0x21: {  	s13 =	simm.s32 $0x5000;
	s8 =	sadd.s32 $0x6000, s18;
	[dreg:$0x15] =	wrdreg s3  }
0x22: {  	s26 =	sadd.s32 s30, s9;
	s9 =	sadd.s32 $0x7000, s18;
	[dreg:$0x19] =	wrdreg s8  }
0x23: {  	s10 =	simm.s32 $0xE;
	s11 =	sadd.s32 $0x9000, s18;
	[dreg:$0x1a] =	wrdreg s9  }
0x24: {  	s20 =	smov.u32 s6;
	s12 =	sadd.s32 $0xA000, s18;
	[dreg:$0x1c] =	wrdreg s11  }
0x25: {  	s2 =	simm.s32 $0x5;
	s21 =	sadd.s32 $0x11000, s18;
	[dreg:$0x1d] =	wrdreg s12  }
0x26: {  	s25 =	sadd.s32 s30, s6;
	s30 =	sadd.s32 $0x13000, s18;
	[smem:$0x7FB] =	sst s21  }
0x27: {  	s24 =	simm.s32 $0x3800;
	s7 =	sadd.s32 s6, s15;
	[smem:$0x7FD] =	sst s30  }
0x28: {  	s5 =	sadd.s32 $0x3000, s18;
	s6 =	sadd.s32 $0x4000, s18;
	[dreg:$0xb] =	wrdreg s7  }
0x29: {  	s14 =	sadd.s32 $0xC000, s18;
	s15 =	sadd.s32 $0xD000, s18;
	[dreg:$0x16] =	wrdreg s5  }
0x2a: {  	s16 =	sadd.s32 $0xE000, s18;
	s17 =	sadd.s32 $0xF000, s18;
	[dreg:$0x17] =	wrdreg s6  }
0x2b: {  	s12 =	simm.s32 $0x10;
	s0 =	simm.s32 $0x600;
	[dreg:$0x1f] =	wrdreg s14  }
0x2c: {  	s3 =	simm.s32 $0x8;
	s8 =	simm.s32 $0x9;
	[smem:$0x7F7] =	sst s15  }
0x2d: {  	s9 =	simm.s32 $0xA;
	s11 =	simm.s32 $0xF;
	[smem:$0x7F8] =	sst s16  }
0x2e: {  	s21 =	simm.s32 $0x800;
	s7 =	sadd.s32 $0x5000, s18;
	[smem:$0x7F9] =	sst s17  }
0x2f: {  	s14 =	simm.s32 $0x30;
	s17 =	simm.s32 $0x200;
	s15 =	simm.s32 $0x7  }
0x30: {  	v0 =	vimm.f32 $0.0e+00;
	s16 =	simm.s32 $0x0;
	[dreg:$0x18] =	wrdreg s7;
	s7 =	simm.s32 $0x4  }
.LBB2_1:
0x31: {  	s6 =	simm.s32 $0x0  }
0x32: {  	s5 =	sand.u32 $0x7E00, s6  }
0x33: {  	[smem:$0x7F5] =	sst s16;
	s19 =	sand.u32 $0x70, s6;
	s30 =	sshrl.u32 s5, $0x2  }
0x34: {  	s16 =	simm.s32 $0x0;
	s5 =	simm.s32 $0x40;
	s30 =	sor.u32 s19, s30  }
.LBB2_2:
0x35: {  	p0 =	sne.s32 s5, $0x5FC0  }
0x36: {  	[tilespmem:s30+$0x800] =	vst v0;
	s16 =	sadd.s32 $0x10, s16;
	s30 =	smov.u32 s5;
	s5 =	sadd.s32 $0x40, s5  }
.Ltmp0:
0x37: {  	(pc) =	sbr.rel @p0 .LBB2_2-.Ltmp0, $4  }
0x38: {  	_ = 	snop  }
0x39: {  	s30 =	sand.u32 $0x7E00, s30  }
0x3a: {  	s6 =	sand.u32 $0x70, s16;
	s30 =	sshrl.u32 s30, $0x2  }
0x3b: {  	s30 =	sor.u32 s6, s30  }
0x3c: {  	[tilespmem:s30+$0x800] =	vst v0;
	s6 =	simm.s32 $0x800;
	s5 =	rddreg [dreg:$0x14]  }
0x3d: {  	[spmem:s18] =	stream.linear.scatter [tilespmem:s6], [sflag:$0x10], $0x1000, $0x38;
	[tilespmem:$0x1C000] =	vst v63  }
0x3e: {  	s19 =	rddreg [dreg:$0x15]  }
0x3f: {  	[spmem:s5] =	stream.linear.scatter [tilespmem:s6], [sflag:$0x10], $0x1000, $0x38;
	[tilespmem:$0x1C000] =	vst v63  }
0x40: {  	s16 =	rddreg [dreg:$0x16]  }
0x41: {  	[spmem:s19] =	stream.linear.scatter [tilespmem:s6], [sflag:$0x10], $0x1000, $0x38;
	[tilespmem:$0x1C000] =	vst v63  }
0x42: {  	s18 =	rddreg [dreg:$0x17]  }
0x43: {  	[spmem:s16] =	stream.linear.scatter [tilespmem:s6], [sflag:$0x10], $0x1000, $0x38;
	[tilespmem:$0x1C000] =	vst v63  }
0x44: {  	s19 =	rddreg [dreg:$0x18]  }
0x45: {  	[spmem:s18] =	stream.linear.scatter [tilespmem:s6], [sflag:$0x10], $0x1000, $0x38;
	[tilespmem:$0x1C000] =	vst v63  }
0x46: {  	s16 =	rddreg [dreg:$0x19]  }
0x47: {  	[spmem:s19] =	stream.linear.scatter [tilespmem:s6], [sflag:$0x10], $0x1000, $0x38;
	[tilespmem:$0x1C000] =	vst v63  }
0x48: {  	s18 =	rddreg [dreg:$0x1a]  }
0x49: {  	[spmem:s16] =	stream.linear.scatter [tilespmem:s6], [sflag:$0x10], $0x1000, $0x38;
	[tilespmem:$0x1C000] =	vst v63  }
0x4a: {  	s19 =	rddreg [dreg:$0x1b]  }
0x4b: {  	[spmem:s18] =	stream.linear.scatter [tilespmem:s6], [sflag:$0x10], $0x1000, $0x38;
	[tilespmem:$0x1C000] =	vst v63  }
0x4c: {  	s16 =	rddreg [dreg:$0x1c]  }
0x4d: {  	[spmem:s19] =	stream.linear.scatter [tilespmem:s6], [sflag:$0x10], $0x1000, $0x38;
	[tilespmem:$0x1C000] =	vst v63  }
0x4e: {  	s18 =	rddreg [dreg:$0x1d]  }
0x4f: {  	[spmem:s16] =	stream.linear.scatter [tilespmem:s6], [sflag:$0x10], $0x1000, $0x38;
	[tilespmem:$0x1C000] =	vst v63  }
0x50: {  	s19 =	rddreg [dreg:$0x1e]  }
0x51: {  	[spmem:s18] =	stream.linear.scatter [tilespmem:s6], [sflag:$0x10], $0x1000, $0x38;
	[tilespmem:$0x1C000] =	vst v63  }
0x52: {  	s16 =	rddreg [dreg:$0x1f]  }
0x53: {  	[spmem:s19] =	stream.linear.scatter [tilespmem:s6], [sflag:$0x10], $0x1000, $0x38;
	[tilespmem:$0x1C000] =	vst v63  }
0x54: {  	s18 =	sld [smem:$0x7F7]  }
0x55: {  	[spmem:s16] =	stream.linear.scatter [tilespmem:s6], [sflag:$0x10], $0x1000, $0x38;
	[tilespmem:$0x1C000] =	vst v63  }
0x56: {  	s19 =	sld [smem:$0x7F8]  }
0x57: {  	[spmem:s18] =	stream.linear.scatter [tilespmem:s6], [sflag:$0x10], $0x1000, $0x38;
	[tilespmem:$0x1C000] =	vst v63  }
0x58: {  	s16 =	sld [smem:$0x7F9]  }
0x59: {  	[spmem:s19] =	stream.linear.scatter [tilespmem:s6], [sflag:$0x10], $0x1000, $0x38;
	[tilespmem:$0x1C000] =	vst v63  }
0x5a: {  	s18 =	sld [smem:$0x7FA]  }
0x5b: {  	[spmem:s16] =	stream.linear.scatter [tilespmem:s6], [sflag:$0x10], $0x1000, $0x38;
	[tilespmem:$0x1C000] =	vst v63  }
0x5c: {  	s19 =	sld [smem:$0x7FB]  }
0x5d: {  	[spmem:s18] =	stream.linear.scatter [tilespmem:s6], [sflag:$0x10], $0x1000, $0x38;
	[tilespmem:$0x1C000] =	vst v63  }
0x5e: {  	s16 =	sld [smem:$0x7FC]  }
0x5f: {  	[spmem:s19] =	stream.linear.scatter [tilespmem:s6], [sflag:$0x10], $0x1000, $0x38;
	[tilespmem:$0x1C000] =	vst v63  }
0x60: {  	s18 =	sld [smem:$0x7FD]  }
0x61: {  	[spmem:s16] =	stream.linear.scatter [tilespmem:s6], [sflag:$0x10], $0x1000, $0x38;
	[tilespmem:$0x1C000] =	vst v63  }
0x62: {  	_ = 	snop  }
0x63: {  	[spmem:s18] =	stream.linear.scatter [tilespmem:s6], [sflag:$0x10], $0x1000, $0x38;
	[tilespmem:$0x1C000] =	vst v63  }
0x64: {  	s19 =	rddreg [dreg:$0x6];
	s16 =	simm.s32 $0x0  }
0x65: {  	[tilespmem:s16], [sflag:$0x1] =	stream.linear.gather [hbm4b:s19+s16], $0x30, $0x38;
	[tilespmem:$0x1C000] =	vst v63  }
0x66: {  	s18 =	rddreg [dreg:$0x7];
	s19 =	simm.s32 $0x400  }
0x67: {  	[tilespmem:s19], [sflag:$0x1] =	stream.linear.gather [hbm4b:s18+s16], $0x30, $0x38;
	[tilespmem:$0x1C000] =	vst v63  }
0x68: {  	s19 =	rddreg [dreg:$0x8];
	s18 =	simm.s32 $0x80  }
0x69: {  	[tilespmem:s18], [sflag:$0x2] =	stream.linear.gather [hbm4b:s19+s16], $0x30, $0x38;
	[tilespmem:$0x1C000] =	vst v63  }
0x6a: {  	s5 =	rddreg [dreg:$0x9];
	s19 =	simm.s32 $0x480  }
0x6b: {  	[tilespmem:s19], [sflag:$0x2] =	stream.linear.gather [hbm4b:s5+s16], $0x30, $0x38;
	[tilespmem:$0x1C000] =	vst v63  }
0x6c: {  	s5 =	rddreg [dreg:$0xa];
	s19 =	simm.s32 $0x100  }
0x6d: {  	[tilespmem:s19], [sflag:$0x3] =	stream.linear.gather [hbm4b:s5+s16], $0x30, $0x38;
	[tilespmem:$0x1C000] =	vst v63  }
0x6e: {  	s5 =	rddreg [dreg:$0xb];
	s19 =	simm.s32 $0x500  }
0x6f: {  	[tilespmem:s19], [sflag:$0x3] =	stream.linear.gather [hbm4b:s5+s16], $0x30, $0x38;
	[tilespmem:$0x1C000] =	vst v63  }
0x70: {  	s5 =	rddreg [dreg:$0xc];
	s19 =	simm.s32 $0x180  }
0x71: {  	[tilespmem:s19], [sflag:$0x4] =	stream.linear.gather [hbm4b:s5+s16], $0x30, $0x38;
	[tilespmem:$0x1C000] =	vst v63  }
0x72: {  	s5 =	rddreg [dreg:$0xd];
	s19 =	simm.s32 $0x580  }
0x73: {  	[tilespmem:s19], [sflag:$0x4] =	stream.linear.gather [hbm4b:s5+s16], $0x30, $0x38;
	[tilespmem:$0x1C000] =	vst v63  }
0x74: {  	_ =	swait.ge [sflag:s12], $0x1000  }
0x75: {  	[sflag:s12] =	ssyncset.done $0x0  }
0x76: {  	[sflag:s12] =	ssyncadd.s32 $0xFFFFF000  }
0x77: {  	_ =	swait.ge [sflag:s12], $0x1000  }
0x78: {  	[sflag:s12] =	ssyncset.done $0x0  }
0x79: {  	[sflag:s12] =	ssyncadd.s32 $0xFFFFF000  }
0x7a: {  	_ =	swait.ge [sflag:s12], $0x1000  }
0x7b: {  	[sflag:s12] =	ssyncset.done $0x0  }
0x7c: {  	[sflag:s12] =	ssyncadd.s32 $0xFFFFF000  }
0x7d: {  	_ =	swait.ge [sflag:s12], $0x1000  }
0x7e: {  	[sflag:s12] =	ssyncset.done $0x0  }
0x7f: {  	[sflag:s12] =	ssyncadd.s32 $0xFFFFF000  }
0x80: {  	_ =	swait.ge [sflag:s12], $0x1000  }
0x81: {  	[sflag:s12] =	ssyncset.done $0x0  }
0x82: {  	[sflag:s12] =	ssyncadd.s32 $0xFFFFF000  }
0x83: {  	_ =	swait.ge [sflag:s12], $0x1000  }
0x84: {  	[sflag:s12] =	ssyncset.done $0x0  }
0x85: {  	[sflag:s12] =	ssyncadd.s32 $0xFFFFF000  }
0x86: {  	_ =	swait.ge [sflag:s12], $0x1000  }
0x87: {  	[sflag:s12] =	ssyncset.done $0x0  }
0x88: {  	[sflag:s12] =	ssyncadd.s32 $0xFFFFF000  }
0x89: {  	_ =	swait.ge [sflag:s12], $0x1000  }
0x8a: {  	[sflag:s12] =	ssyncset.done $0x0  }
0x8b: {  	[sflag:s12] =	ssyncadd.s32 $0xFFFFF000  }
0x8c: {  	_ =	swait.ge [sflag:s12], $0x1000  }
0x8d: {  	[sflag:s12] =	ssyncset.done $0x0  }
0x8e: {  	[sflag:s12] =	ssyncadd.s32 $0xFFFFF000  }
0x8f: {  	_ =	swait.ge [sflag:s12], $0x1000  }
0x90: {  	[sflag:s12] =	ssyncset.done $0x0  }
0x91: {  	[sflag:s12] =	ssyncadd.s32 $0xFFFFF000  }
0x92: {  	_ =	swait.ge [sflag:s12], $0x1000  }
0x93: {  	[sflag:s12] =	ssyncset.done $0x0  }
0x94: {  	[sflag:s12] =	ssyncadd.s32 $0xFFFFF000  }
0x95: {  	_ =	swait.ge [sflag:s12], $0x1000  }
0x96: {  	[sflag:s12] =	ssyncset.done $0x0  }
0x97: {  	[sflag:s12] =	ssyncadd.s32 $0xFFFFF000  }
0x98: {  	_ =	swait.ge [sflag:s12], $0x1000  }
0x99: {  	[sflag:s12] =	ssyncset.done $0x0  }
0x9a: {  	[sflag:s12] =	ssyncadd.s32 $0xFFFFF000  }
0x9b: {  	_ =	swait.ge [sflag:s12], $0x1000  }
0x9c: {  	[sflag:s12] =	ssyncset.done $0x0  }
0x9d: {  	[sflag:s12] =	ssyncadd.s32 $0xFFFFF000  }
0x9e: {  	_ =	swait.ge [sflag:s12], $0x1000  }
0x9f: {  	[sflag:s12] =	ssyncset.done $0x0  }
0xa0: {  	[sflag:s12] =	ssyncadd.s32 $0xFFFFF000  }
0xa1: {  	_ =	swait.ge [sflag:s12], $0x1000  }
0xa2: {  	[sflag:s12] =	ssyncset.done $0x0  }
0xa3: {  	[sflag:s12] =	ssyncadd.s32 $0xFFFFF000  }
0xa4: {  	_ =	swait.ge [sflag:s12], $0x1000  }
0xa5: {  	[sflag:s12] =	ssyncset.done $0x0  }
0xa6: {  	[sflag:s12] =	ssyncadd.s32 $0xFFFFF000  }
0xa7: {  	_ =	swait.ge [sflag:s12], $0x1000  }
0xa8: {  	[sflag:s12] =	ssyncset.done $0x0  }
0xa9: {  	[sflag:s12] =	ssyncadd.s32 $0xFFFFF000  }
0xaa: {  	_ =	swait.ge [sflag:s12], $0x1000  }
0xab: {  	[sflag:s12] =	ssyncset.done $0x0  }
0xac: {  	[sflag:s12] =	ssyncadd.s32 $0xFFFFF000  }
0xad: {  	_ =	swait.ge [sflag:s12], $0x1000  }
0xae: {  	[sflag:s12] =	ssyncset.done $0x0  }
0xaf: {  	s19 =	simm.s32 $0x1;
	[sflag:s12] =	ssyncadd.s32 $0xFFFFF000  }
0xb0: {  	_ =	swait.ge [sflag:s19], $0x30  }
0xb1: {  	[sflag:s19] =	ssyncset.done $0x0  }
0xb2: {  	[sflag:s19] =	ssyncadd.s32 $0xFFFFFFD0  }
0xb3: {  	_ =	swait.ge [sflag:s19], $0x30  }
0xb4: {  	[sflag:s19] =	ssyncset.done $0x0  }
0xb5: {  	[sflag:s19] =	ssyncadd.s32 $0xFFFFFFD0  }
0xb6: {  	[tilespmem:s6], [sflag:$0x6] =	stream.indirect.gather [hbm4b:s1+s14], $0x80, s16, s14, $0xb8;
	[tilespmem:$0x1C000] =	vst v63  }
0xb7: {  	s6 =	simm.s32 $0x2  }
0xb8: {  	_ =	swait.ge [sflag:s6], $0x30  }
0xb9: {  	[sflag:s6] =	ssyncset.done $0x0  }
0xba: {  	[sflag:s6] =	ssyncadd.s32 $0xFFFFFFD0  }
0xbb: {  	_ =	swait.ge [sflag:s6], $0x30  }
0xbc: {  	[sflag:s6] =	ssyncset.done $0x0  }
0xbd: {  	s19 =	simm.s32 $0x2000;
	[sflag:s6] =	ssyncadd.s32 $0xFFFFFFD0  }
0xbe: {  	[tilespmem:s19], [sflag:$0x7] =	stream.indirect.gather [hbm4b:s1+s14], $0x80, s18, s14, $0xb8;
	[tilespmem:$0x1C000] =	vst v63  }
0xbf: {  	[bflag:$0x0] =	sbarrier.arrive $0xFFFF  }
0xc0: {  	s30 =	rddreg [dreg:$0x13]  }
.LBB2_4:
0xc1: {  	s5 =	sadd.s32 s16, s26;
	s6 =	simm.s32 $0x0;
	p0 =	seq.s32 s16, $0x0  }
0xc2: {  	[tilespmem:s17], [sflag:$0x5] =	stream.linear.gather [hbm4b:s5+s6], $0x30, $0x38;
	[tilespmem:$0x1C000] =	vst v63  }
0xc3: {  	s19 =	sadd.s32 s16, s25;
	s5 =	simm.s32 @!p0 $0xD  }
0xc4: {  	[tilespmem:s0], [sflag:$0x5] =	stream.linear.gather [hbm4b:s19+s6], $0x30, $0x38;
	[tilespmem:$0x1C000] =	vst v63  }
0xc5: {  	_ =	swait.ge @!p0 [sflag:s5], $0x1800  }
0xc6: {  	[sflag:s5] =	ssyncset.done @!p0 $0x0  }
0xc7: {  	[sflag:s5] =	ssyncadd.s32 @!p0 $0xFFFFE800  }
0xc8: {  	_ =	swait.ge [sflag:s28], $0x30  }
0xc9: {  	[sflag:s28] =	ssyncset.done $0x0  }
0xca: {  	[sflag:s28] =	ssyncadd.s32 $0xFFFFFFD0  }
0xcb: {  	_ =	swait.ge [sflag:s28], $0x30  }
0xcc: {  	[sflag:s28] =	ssyncset.done $0x0  }
0xcd: {  	s6 =	simm.s32 $0x100;
	[sflag:s28] =	ssyncadd.s32 $0xFFFFFFD0  }
0xce: {  	[tilespmem:s24], [sflag:$0x8] =	stream.indirect.gather [hbm4b:s1+s14], $0x80, s6, s14, $0xb8;
	[tilespmem:$0x1C000] =	vst v63  }
0xcf: {  	_ =	swait.ge [sflag:s29], $0x1800  }
0xd0: {  	[sflag:s29] =	ssyncset.done $0x0  }
0xd1: {  	s18 =	simm.s32 $0x400;
	p0 =	seq.s32 s16, $0x4CE;
	[sflag:s29] =	ssyncadd.s32 $0xFFFFE800  }
0xd2: {  	[spmem:s4] =	stream.indirect.scatter.add.f32 [tilespmem:s21], [sflag:$0xB], $0x80, s18, s14, $0xb8;
	[tilespmem:$0x1C000] =	vst v63  }
0xd3: {  	s6 =	sshrl.u32 @!p0 s30, $0x3;
	s5 =	rddreg [dreg:$0x1]  }
0xd4: {  	p1 =	seq.s32 @!p0 s16, $0x0;
	s18 =	sadd.s32 @!p0 s5, s6;
	s5 =	simm.s32 @!p0 $0x0  }
0xd5: {  	[tilespmem:s5], [sflag:$0x1] =	stream.linear.gather @!p0 [hbm4b:s18+s5], $0x30, $0x38;
	[tilespmem:$0x1C000] =	vst v63  }
0xd6: {  	p1 =	por p0, !p1;
	s6 =	sadd.s32 @!p0 s20, s6;
	s18 =	simm.s32 @!p0 $0x400  }
0xd7: {  	[tilespmem:s18], [sflag:$0x1] =	stream.linear.gather @!p0 [hbm4b:s6+s5], $0x30, $0x38;
	[tilespmem:$0x1C000] =	vst v63  }
0xd8: {  	_ =	swait.ge @p1 [sflag:s10], $0x1800  }
0xd9: {  	[sflag:s10] =	ssyncset.done @p1 $0x0  }
0xda: {  	[sflag:s10] =	ssyncadd.s32 @p1 $0xFFFFE800  }
0xdb: {  	_ =	swait.ge [sflag:s7], $0x30  }
0xdc: {  	[sflag:s7] =	ssyncset.done $0x0  }
0xdd: {  	[sflag:s7] =	ssyncadd.s32 $0xFFFFFFD0  }
0xde: {  	_ =	swait.ge [sflag:s7], $0x30  }
0xdf: {  	[sflag:s7] =	ssyncset.done $0x0  }
0xe0: {  	s19 =	simm.s32 $0x180;
	[sflag:s7] =	ssyncadd.s32 $0xFFFFFFD0  }
0xe1: {  	[tilespmem:s13], [sflag:$0x9] =	stream.indirect.gather [hbm4b:s1+s14], $0x80, s19, s14, $0xb8;
	[tilespmem:$0x1C000] =	vst v63  }
0xe2: {  	_ =	swait.ge [sflag:s15], $0x1800  }
0xe3: {  	[sflag:s15] =	ssyncset.done $0x0  }
0xe4: {  	s18 =	simm.s32 $0x480;
	s19 =	simm.s32 $0x2000;
	[sflag:s15] =	ssyncadd.s32 $0xFFFFE800  }
0xe5: {  	[spmem:s4] =	stream.indirect.scatter.add.f32 [tilespmem:s19], [sflag:$0xC], $0x80, s18, s14, $0xb8;
	[tilespmem:$0x1C000] =	vst v63  }
0xe6: {  	s6 =	sadd.s32 @!p0 s16, s23;
	s18 =	simm.s32 @!p0 $0x80  }
0xe7: {  	[tilespmem:s18], [sflag:$0x2] =	stream.linear.gather @!p0 [hbm4b:s6+s5], $0x30, $0x38;
	[tilespmem:$0x1C000] =	vst v63  }
0xe8: {  	s6 =	sadd.s32 @!p0 s16, s22;
	s18 =	simm.s32 @!p0 $0x480  }
0xe9: {  	[tilespmem:s18], [sflag:$0x2] =	stream.linear.gather @!p0 [hbm4b:s6+s5], $0x30, $0x38;
	[tilespmem:$0x1C000] =	vst v63  }
0xea: {  	_ =	swait.ge @p1 [sflag:s11], $0x1800  }
0xeb: {  	[sflag:s11] =	ssyncset.done @p1 $0x0  }
0xec: {  	[sflag:s11] =	ssyncadd.s32 @p1 $0xFFFFE800  }
0xed: {  	_ =	swait.ge [sflag:s2], $0x30  }
0xee: {  	[sflag:s2] =	ssyncset.done $0x0  }
0xef: {  	[sflag:s2] =	ssyncadd.s32 $0xFFFFFFD0  }
0xf0: {  	_ =	swait.ge [sflag:s2], $0x30  }
0xf1: {  	[sflag:s2] =	ssyncset.done $0x0  }
0xf2: {  	[sflag:s2] =	ssyncadd.s32 $0xFFFFFFD0  }
0xf3: {  	[tilespmem:s31], [sflag:$0xA] =	stream.indirect.gather [hbm4b:s1+s14], $0x80, s17, s14, $0xb8;
	[tilespmem:$0x1C000] =	vst v63  }
0xf4: {  	_ =	swait.ge [sflag:s3], $0x1800  }
0xf5: {  	[sflag:s3] =	ssyncset.done $0x0;
	s5 =	sld [smem:$0x7F6]  }
0xf6: {  	p0 =	sne.s32 s16, $0x4CE;
	s18 =	simm.s32 $0x500;
	[sflag:s3] =	ssyncadd.s32 $0xFFFFE800  }
0xf7: {  	[spmem:s4] =	stream.indirect.scatter.add.f32 [tilespmem:s24], [sflag:$0xD], $0x80, s18, s14, $0xb8;
	[tilespmem:$0x1C000] =	vst v63  }
0xf8: {  	s6 =	simm.s32 @p0 $0x0;
	s18 =	simm.s32 @p0 $0x100;
	s5 =	sadd.s32 @p0 s16, s5  }
0xf9: {  	[tilespmem:s18], [sflag:$0x3] =	stream.linear.gather @p0 [hbm4b:s5+s6], $0x30, $0x38;
	[tilespmem:$0x1C000] =	vst v63  }
0xfa: {  	s5 =	rddreg [dreg:$0x12]  }
0xfb: {  	s18 =	simm.s32 @p0 $0x500;
	s5 =	sadd.s32 @p0 s16, s5  }
0xfc: {  	[tilespmem:s18], [sflag:$0x3] =	stream.linear.gather @p0 [hbm4b:s5+s6], $0x30, $0x38;
	[tilespmem:$0x1C000] =	vst v63  }
0xfd: {  	s5 =	simm.s32 @p0 $0xB  }
0xfe: {  	_ =	swait.ge @p0 [sflag:s5], $0x1800  }
0xff: {  	[sflag:s5] =	ssyncset.done @p0 $0x0  }
0x100: {  	[sflag:s5] =	ssyncadd.s32 @p0 $0xFFFFE800;
	s5 =	simm.s32 @p0 $0x1  }
0x101: {  	_ =	swait.ge @p0 [sflag:s5], $0x30  }
0x102: {  	[sflag:s5] =	ssyncset.done @p0 $0x0  }
0x103: {  	[sflag:s5] =	ssyncadd.s32 @p0 $0xFFFFFFD0  }
0x104: {  	_ =	swait.ge @p0 [sflag:s5], $0x30  }
0x105: {  	[sflag:s5] =	ssyncset.done @p0 $0x0  }
0x106: {  	s18 =	simm.s32 @p0 $0x800;
	[sflag:s5] =	ssyncadd.s32 @p0 $0xFFFFFFD0;
	s5 =	simm.s32 @p0 $0x30  }
0x107: {  	[tilespmem:s18], [sflag:$0x6] =	stream.indirect.gather @p0 [hbm4b:s1+s5], $0x80, s6, s5, $0xb8;
	[tilespmem:$0x1C000] =	vst v63  }
0x108: {  	s18 =	simm.s32 @!p0 $0xB  }
0x109: {  	_ =	swait.ge @!p0 [sflag:s18], $0x1800  }
0x10a: {  	[sflag:s18] =	ssyncset.done @!p0 $0x0  }
0x10b: {  	[sflag:s18] =	ssyncadd.s32 @!p0 $0xFFFFE800  }
0x10c: {  	_ =	swait.ge [sflag:s8], $0x1800  }
0x10d: {  	[sflag:s8] =	ssyncset.done $0x0  }
0x10e: {  	s19 =	simm.s32 $0x580;
	s18 =	rddreg [dreg:$0x11];
	[sflag:s8] =	ssyncadd.s32 $0xFFFFE800  }
0x10f: {  	[spmem:s4] =	stream.indirect.scatter.add.f32 [tilespmem:s13], [sflag:$0xE], $0x80, s19, s14, $0xb8;
	[tilespmem:$0x1C000] =	vst v63  }
0x110: {  	s18 =	sadd.s32 @p0 s16, s18;
	s19 =	simm.s32 @p0 $0x180  }
0x111: {  	[tilespmem:s19], [sflag:$0x4] =	stream.linear.gather @p0 [hbm4b:s18+s6], $0x30, $0x38;
	[tilespmem:$0x1C000] =	vst v63  }
0x112: {  	s18 =	rddreg [dreg:$0x10]  }
0x113: {  	s19 =	simm.s32 @p0 $0x580;
	s18 =	sadd.s32 @p0 s16, s18  }
0x114: {  	[tilespmem:s19], [sflag:$0x4] =	stream.linear.gather @p0 [hbm4b:s18+s6], $0x30, $0x38;
	[tilespmem:$0x1C000] =	vst v63  }
0x115: {  	s6 =	simm.s32 @p0 $0xC  }
0x116: {  	_ =	swait.ge @p0 [sflag:s6], $0x1800  }
0x117: {  	[sflag:s6] =	ssyncset.done @p0 $0x0  }
0x118: {  	[sflag:s6] =	ssyncadd.s32 @p0 $0xFFFFE800;
	s6 =	simm.s32 @p0 $0x2  }
0x119: {  	_ =	swait.ge @p0 [sflag:s6], $0x30  }
0x11a: {  	[sflag:s6] =	ssyncset.done @p0 $0x0  }
0x11b: {  	[sflag:s6] =	ssyncadd.s32 @p0 $0xFFFFFFD0  }
0x11c: {  	_ =	swait.ge @p0 [sflag:s6], $0x30  }
0x11d: {  	[sflag:s6] =	ssyncset.done @p0 $0x0  }
0x11e: {  	s18 =	simm.s32 @p0 $0x2000;
	[sflag:s6] =	ssyncadd.s32 @p0 $0xFFFFFFD0;
	s6 =	simm.s32 @p0 $0x80  }
0x11f: {  	[tilespmem:s18], [sflag:$0x7] =	stream.indirect.gather @p0 [hbm4b:s1+s5], $0x80, s6, s5, $0xb8;
	[tilespmem:$0x1C000] =	vst v63  }
0x120: {  	s5 =	simm.s32 @!p0 $0xC  }
0x121: {  	_ =	swait.ge @!p0 [sflag:s5], $0x1800  }
0x122: {  	s16 =	sadd.s32 $0x1E, s16;
	[sflag:s5] =	ssyncset.done @!p0 $0x0  }
0x123: {  	[sflag:s5] =	ssyncadd.s32 @!p0 $0xFFFFE800;
	p0 =	sne.s32 s16, $0x4EC  }
.Ltmp1:
0x124: {  	_ = 	snop;
	(pc) =	sbr.rel @p0 .LBB2_4-.Ltmp1, $4  }
0x125: {  	_ =	swait.ge [sflag:s9], $0x1800  }
0x126: {  	[sflag:s9] =	ssyncset.done $0x0  }
0x127: {  	s30 =	sadd.s32 $0xF0, s30;
	[sflag:s9] =	ssyncadd.s32 $0xFFFFE800  }
0x128: {  	[spmem:s4] =	stream.indirect.scatter.add.f32 [tilespmem:s31], [sflag:$0xF], $0x80, s0, s14, $0xb8;
	[tilespmem:$0x1C000] =	vst v63  }
0x129: {  	s5 =	simm.s32 $0xD  }
0x12a: {  	_ =	swait.ge [sflag:s5], $0x1800  }
0x12b: {  	[sflag:s5] =	ssyncset.done $0x0  }
0x12c: {  	[sflag:s5] =	ssyncadd.s32 $0xFFFFE800  }
0x12d: {  	_ =	swait.ge [sflag:s10], $0x1800  }
0x12e: {  	[sflag:s10] =	ssyncset.done $0x0  }
0x12f: {  	[sflag:s10] =	ssyncadd.s32 $0xFFFFE800  }
0x130: {  	_ =	swait.ge [sflag:s11], $0x1800  }
0x131: {  	[sflag:s11] =	ssyncset.done $0x0  }
0x132: {  	[sflag:s11] =	ssyncadd.s32 $0xFFFFE800  }
0x133: {  	s18 =	stileid.u32;
	[bflag:$0x0] =	sbarrier.arrive $0xFFFF  }
0x134: {  	s5 =	sshll.u32 s18, $0x6;
	s18 =	rddreg [dreg:$0x5]  }
0x135: {  	s5 =	sor.u32 $0x1C11, s5;
	s16 =	rddreg [dreg:$0xe];
	s6 =	sshrl.u32 s18, $0x3  }
0x136: {  	[hbm:s16], [sflag:s5] =	dma.local [spmem:s6], $0x2800  }
0x137: {  	s6 =	simm.s32 $0x11  }
0x138: {  	_ =	swait.ge [sflag:s6], $0x2800  }
0x139: {  	s19 =	sld [smem:$0x7F5];
	_ =	sdelay $0x2  }
0x13a: {  	s30 =	rddreg [dreg:$0xf];
	s16 =	sadd.s32 $0x1, s19  }
0x13b: {  	p0 =	sne.s32 s16, s30  }
.Ltmp2:
0x13c: {  	_ = 	snop;
	(pc) =	sbr.rel @p0 .LBB2_1-.Ltmp2, $3  }
0x13d: {  	_ =	sdelay $0x1  }
0x13e: {  	[sflag:s6] =	ssyncset.done $0x0  }
0x13f: {  	[sflag:s6] =	ssyncadd.s32 $0xFFFFD800  }
0x140: {  	_ =	sfence.sel $0x180000  }
0x141: {  	[bflag:$0x0] =	sbarrier.arrive $0xFFFF  }
0x142: {  	_ =	strace $0x9000004A  }
0x143: {  	s0 =	stileid.u32;
	[bflag:$0x2] =	sbarrier.arrive $0xFFFF  }
0x144: {  	p0 =	sne.s32 s0, $0x0;
	s0 =	rddreg [dreg:$0x4]  }
0x145: {  	s0 =	sadd.s32 @!p0 $0x100000, s0  }
0x146: {  	[sflag:s0] =	ssyncadd.tile.s32 @!p0 $0x1;
	_ =	shalt  }
.Lfunc_end2:
_tile_overlayer_lowered:
.L_overlay_start_2:
0x147: {  	(tag) =	ssettag $0x2  }
0x148: {  	s0 =	rddreg [dreg:$0x0];
	s2 =	stileid.u32  }
0x149: {  	s1 =	rddreg [dreg:$0x1];
	p0 =	sne.s32 s2, $0x0  }
0x14a: {  	s3 =	rddreg [dreg:$0x2];
	[bflag:$0x3] =	sbarrier.arrive $0xFFFF;
	s2 =	simm.s32 @!p0 $0x1C11  }
0x14b: {  	[timem:s3], [sflag:s2] =	dma.local @!p0 [hbm:s0], s1  }
0x14c: {  	s0 =	simm.s32 @!p0 $0x11  }
0x14d: {  	_ =	swait.ge @!p0 [sflag:s0], s1  }
0x14e: {  	s1 =	ssub.s32 @!p0 $0x0, s1;
	[sflag:s0] =	ssyncset.done @!p0 $0x0  }
0x14f: {  	[sflag:s0] =	ssyncadd.s32 @!p0 s1  }
0x150: {  	[bflag:$0x3] =	sbarrier.arrive $0xFFFF  }
0x151: {  	_ =	shalt  }

// kernel: kernel.14.cloned.1.call-start
scs
__scs_entry_jumppad:
0x0: {  	(pc) =	sbr.rel $0x88, $3  }
0x1: {  	(tag) =	ssettag $0x0;
	lr =	simm.s32 $0x1  }
0x2: {  	[smem:$0x3F8D] =	sst lr;
	_ =	strace $0xD0000000  }
0x3: {  	_ = 	snop  }
0x4: {  	_ = 	snop  }
0x5: {  	_ = 	snop  }
0x6: {  	_ = 	snop  }
0x7: {  	_ = 	snop  }
__scs_overlays_trampoline_lowered:
0x8: {  	[smem:$0x3F9C] =	sst s0  }
0x9: {  	[smem:$0x3F9D] =	sst s1  }
0xa: {  	[smem:$0x3F9E] =	sst s2  }
0xb: {  	[smem:$0x3F9F] =	sst s3  }
0xc: {  	[smem:$0x3FA0] =	sst s4  }
0xd: {  	[smem:$0x3FA1] =	sst s5  }
0xe: {  	[smem:$0x3FA2] =	sst s6  }
0xf: {  	[smem:$0x3FA3] =	sst s7  }
0x10: {  	[smem:$0x3FA4] =	sst s8  }
0x11: {  	[smem:$0x3FA5] =	sst s9;
	s0 =	simm.s32 @!p0 $0x0  }
0x12: {  	s1 =	sld [smem:$0x3F8B];
	s0 =	simm.s32 @p0 $0x1  }
0x13: {  	[smem:$0x3FA6] =	sst s0;
	s0 =	simm.s32 @!p1 $0x0  }
0x14: {  	s2 =	sld [smem:$0x3F8A];
	s0 =	simm.s32 @p1 $0x1  }
0x15: {  	[smem:$0x3FA7] =	sst s0;
	s0 =	simm.s32 @!p2 $0x0  }
0x16: {  	s3 =	sld [smem:$0x3FDB];
	s0 =	simm.s32 @p2 $0x1  }
0x17: {  	s4 =	simm.s32 $0x1BF5;
	[smem:$0x3FA9] =	sst s0  }
0x18: {  	s0 =	sld [smem:$0x3F8C];
	_ =	swait.ge [sflag:s4], $0x0  }
0x19: {  	s7 =	sld [smem:$0x3F8D]  }
0x1a: {  	s8 =	sadd.s32 $0xFFFFE003, lr  }
0x1b: {  	s9 =	sadd.s32 $0xFFFFFEF7, lr;
	s5 =	simm.s32 $0xFFFFFFFF;
	p2 =	slt.u32 s8, $0xFFFFF086  }
0x1c: {  	p1 =	slt.u32 s9, $0xF7A;
	s5 =	simm.s32 @!p2 $0x0  }
0x1d: {  	s5 =	simm.s32 @p1 $0x1;
	p0 =	seq.s32 s7, s2  }
0x1e: {  	s7 =	smul.u32 @!p0 $0xF7A, s2;
	p2 =	seq.s32 @!p0 s5, $0x0  }
0x1f: {  	s9 =	smul.u32 $0xF7A, s1;
	s8 =	simm.s32 @!p0 $0x1BF5;
	p2 =	por !p2, p0  }
0x20: {  	[sflag:s8] =	ssyncset.s32 @!p0 $0xFFFFF086;
	s6 =	sadd.s32 @!p0 s3, s7;
	s7 =	simm.s32 @!p0 $0x108  }
0x21: {  	s3 =	sadd.s32 s3, s9;
	s6 =	sadd.s32 @!p0 $0x88, s6;
	s7 =	simm.s32 @p2 $0x1082  }
0x22: {  	[simem:s7], [sflag:s8] =	dma.local @!p0 [hbm:s6], $0xF7A  }
0x23: {  	s9 =	sor.u32 $0xD0000000, s2;
	s6 =	simm.s32 $0x108;
	_ =	swait.ge @!p0 [sflag:s8], $0x0  }
0x24: {  	s3 =	sadd.s32 $0x88, s3;
	s6 =	simm.s32 @!p1 $0x1082;
	[sflag:s4] =	ssyncset.s32 $0xFFFFF086  }
0x25: {  	[simem:s6], [sflag:s4] =	dma.local [hbm:s3], $0xF7A  }
0x26: {  	[smem:$0x3F8D] =	sst s1;
	(tag) =	ssettag s2;
	_ =	strace s9  }
0x27: {  	s1 =	sld [smem:$0x3F9D]  }
0x28: {  	s2 =	sld [smem:$0x3F9E]  }
0x29: {  	s4 =	sld [smem:$0x3FA0]  }
0x2a: {  	p0 =	seq.s32 s5, $0x0;
	s5 =	sld [smem:$0x3FA1]  }
0x2b: {  	s6 =	sld [smem:$0x3FA2]  }
0x2c: {  	s7 =	sld [smem:$0x3FA3]  }
0x2d: {  	s3 =	simm.s32 $0x108;
	s8 =	sld [smem:$0x3FA4]  }
0x2e: {  	s3 =	simm.s32 @!p0 $0x1082;
	s9 =	sld [smem:$0x3FA5]  }
0x2f: {  	lr =	sadd.s32 s0, s3;
	s0 =	sld [smem:$0x3F9C]  }
0x30: {  	s3 =	sld [smem:$0x3F9F]  }
0x31: {  	[smem:$0x3FA8] =	sst s10  }
0x32: {  	s10 =	sld [smem:$0x3FA6];
	_ =	sdelay $0x3  }
0x33: {  	p0 =	seq.s32 s10, $0x1;
	s10 =	sld [smem:$0x3FA8];
	_ =	sdelay $0x3  }
0x34: {  	[smem:$0x3FA8] =	sst s10  }
0x35: {  	s10 =	sld [smem:$0x3FA7];
	_ =	sdelay $0x3  }
0x36: {  	p1 =	seq.s32 s10, $0x1;
	s10 =	sld [smem:$0x3FA8];
	_ =	sdelay $0x3  }
0x37: {  	[smem:$0x3FA8] =	sst s10  }
0x38: {  	s10 =	sld [smem:$0x3FA9]  }
0x39: {  	_ = 	snop;
	(pc) =	sbr.ind lr, $3  }
0x3a: {  	_ = 	snop  }
0x3b: {  	_ = 	snop  }
0x3c: {  	p2 =	seq.s32 s10, $0x1;
	s10 =	sld [smem:$0x3FA8]  }
0x3d: {  	_ =	shalt  }
0x3e: {  	_ =	shalt  }
0x3f: {  	_ =	shalt  }
0x40: {  	_ =	shalt  }
0x41: {  	_ =	shalt  }
0x42: {  	_ =	shalt  }
0x43: {  	_ =	shalt  }
0x44: {  	_ =	shalt  }
0x45: {  	_ =	shalt  }
0x46: {  	_ =	shalt  }
0x47: {  	_ =	shalt  }
0x48: {  	_ =	shalt  }
0x49: {  	_ =	shalt  }
0x4a: {  	_ =	shalt  }
0x4b: {  	_ =	shalt  }
0x4c: {  	_ =	shalt  }
0x4d: {  	_ =	shalt  }
0x4e: {  	_ =	shalt  }
0x4f: {  	_ =	shalt  }
0x50: {  	_ =	shalt  }
0x51: {  	_ =	shalt  }
0x52: {  	_ =	shalt  }
0x53: {  	_ =	shalt  }
0x54: {  	_ =	shalt  }
0x55: {  	_ =	shalt  }
0x56: {  	_ =	shalt  }
0x57: {  	_ =	shalt  }
0x58: {  	_ =	shalt  }
0x59: {  	_ =	shalt  }
0x5a: {  	_ =	shalt  }
0x5b: {  	_ =	shalt  }
0x5c: {  	_ =	shalt  }
0x5d: {  	_ =	shalt  }
0x5e: {  	_ =	shalt  }
0x5f: {  	_ =	shalt  }
0x60: {  	_ =	shalt  }
0x61: {  	_ =	shalt  }
0x62: {  	_ =	shalt  }
0x63: {  	_ =	shalt  }
0x64: {  	_ =	shalt  }
0x65: {  	_ =	shalt  }
0x66: {  	_ =	shalt  }
0x67: {  	_ =	shalt  }
0x68: {  	_ =	shalt  }
0x69: {  	_ =	shalt  }
0x6a: {  	_ =	shalt  }
0x6b: {  	_ =	shalt  }
0x6c: {  	_ =	shalt  }
0x6d: {  	_ =	shalt  }
0x6e: {  	_ =	shalt  }
0x6f: {  	_ =	shalt  }
0x70: {  	_ =	shalt  }
0x71: {  	_ =	shalt  }
0x72: {  	_ =	shalt  }
0x73: {  	_ =	shalt  }
0x74: {  	_ =	shalt  }
0x75: {  	_ =	shalt  }
0x76: {  	_ =	shalt  }
0x77: {  	_ =	shalt  }
0x78: {  	_ =	shalt  }
0x79: {  	_ =	shalt  }
0x7a: {  	_ =	shalt  }
0x7b: {  	_ =	shalt  }
0x7c: {  	_ =	shalt  }
0x7d: {  	_ =	shalt  }
0x7e: {  	_ =	shalt  }
0x7f: {  	_ =	shalt  }
0x80: {  	_ =	shalt  }
0x81: {  	_ =	shalt  }
0x82: {  	_ =	shalt  }
0x83: {  	_ =	shalt  }
0x84: {  	_ =	shalt  }
0x85: {  	_ =	shalt  }
0x86: {  	_ =	shalt  }
0x87: {  	_ =	shalt  }
.Lfunc_end0:
.L_simem_size_0:
called_computation.2_lowered:
.L_overlay_start_0:
0x88: {  	s2 =	sld [smem:$0x3FD9]  }
0x89: {  	s3 =	sld [smem:$0x3FFE];
	_ =	sdelay $0x1  }
0x8a: {  	s1 =	srdreg.scid  }
0x8b: {  	s0 =	sand.u32 $0x1, s1  }
0x8c: {  	s14 =	sshll.u32 s0, $0xA;
	s2 =	sadd.s32 s3, s2  }
0x8d: {  	s2 =	sadd.s32 s2, s14  }
0x8e: {  	[smem:$0x3FB4] =	sst s2  }
0x8f: {  	_ = 	snop  }
0x90: {  	s2 =	sld [smem:$0x3FD0];
	_ =	sdelay $0x2  }
0x91: {  	s15 =	simm.s32 $0xA;
	s4 =	simm.s32 $0x10  }
0x92: {  	[smem:s4], [sflag:s15] =	dma.local [hbm:s2], $0x1  }
0x93: {  	_ =	swait.eq [sflag:s15], $0x1  }
0x94: {  	[sflag:s15] =	ssyncset.done $0x0  }
0x95: {  	s16 =	sld [smem:$0x11];
	[sflag:s15] =	ssyncadd.s32 $0xFFFFFFFF  }
0x96: {  	s17 =	sld [smem:$0x12];
	(tm) =	ssettm $0x1  }
0x97: {  	s18 =	sld [smem:$0x3FFB];
	_ =	sdelay $0x3  }
0x98: {  	_ =	strace s18  }
0x99: {  	s4 =	sld [smem:$0x3FFC];
	_ =	sdelay $0x3  }
0x9a: {  	_ =	strace s4  }
0x9b: {  	s4 =	sld [smem:$0x3FFD];
	_ =	sdelay $0x3  }
0x9c: {  	_ =	strace s4  }
0x9d: {  	_ =	strace $0x8FFFFFFF  }
0x9e: {  	s19 =	sld [smem:$0x3FDB];
	_ =	sdelay $0x1  }
0x9f: {  	s5 =	simm.s32 $_scs_section_size  }
0xa0: {  	s6 =	simm.s32 $_size__tile_overlayer_lowered;
	s7 =	simm.s32 $_tile_overlayer_lowered  }
0xa1: {  	s22 =	simm.s32 $0x1BFF;
	s21 =	sshll.u32 s7, $0x1;
	s4 =	sadd.s32 s5, s19  }
0xa2: {  	s8 =	simm.s32 $0x0;
	s20 =	sshll.u32 s6, $0x1;
	s6 =	sadd.s32 s21, s4  }
0xa3: {  	[timem:s8], [sflag:s22] =	dma.local [hbm:s6], s20  }
0xa4: {  	_ =	swait.ge [sflag:s22], s20  }
0xa5: {  	s5 =	ssub.s32 $0x0, s20;
	[sflag:s22] =	ssyncset.done $0x0  }
0xa6: {  	[sflag:s22] =	ssyncadd.s32 s5;
	_ =	sdelay $0x1  }
0xa7: {  	s23 =	simm.s32 $0x1B8B  }
0xa8: {  	_ =	swait.ge [sflag:s23], $0x1  }
0xa9: {  	[sflag:s23] =	ssyncset.done $0x0  }
0xaa: {  	s25 =	simm.s32 $0x1B8E;
	s24 =	sld [smem:$0x3FFE];
	[sflag:s23] =	ssyncadd.s32 $0xFFFFFFFF  }
0xab: {  	s26 =	simm.s32 $execute0_lowered;
	[smem:$0x3FD2] =	sst s25  }
0xac: {  	s6 =	sshll.u32 s26, $0x1;
	_ =	strace $0x8000004C;
	[dreg:$0x1] =	wrdreg $0xFFFFFFFF  }
0xad: {  	s28 =	simm.s32 $_size_execute0_lowered;
	s4 =	sadd.s32 s4, s6;
	[dreg:$0x0] =	wrdreg $0x0  }
0xae: {  	s6 =	sshll.u32 s28, $0x1;
	[dreg:$0x2] =	wrdreg s4  }
0xaf: {  	[dreg:$0x3] =	wrdreg s6  }
0xb0: {  	[dreg:$0x4] =	wrdreg $0xC0  }
0xb1: {  	_ =	task [dreg:s8], $0x5FFFF  }
0xb2: {  	[dreg:$0x1] =	wrdreg $0xFFFFFFFF  }
0xb3: {  	[dreg:$0x0] =	wrdreg $0x60  }
0xb4: {  	[dreg:$0x2] =	wrdreg s16  }
0xb5: {  	[dreg:$0x3] =	wrdreg s17  }
0xb6: {  	[dreg:$0x4] =	wrdreg s24  }
0xb7: {  	[dreg:$0x5] =	wrdreg $0x80000  }
0xb8: {  	[dreg:$0x6] =	wrdreg $0x9  }
0xb9: {  	_ =	task.clear_ibuf [dreg:s8], $0x7FFFF;
	_ =	strace $0x9000004C  }
0xba: {  	s29 =	simm.s32 $0x9;
	_ =	strace $0x8000004E  }
0xbb: {  	_ =	swait.ge [sflag:s29], $0x1  }
0xbc: {  	[sflag:s29] =	ssyncadd.s32 $0xFFFFFFFF  }
0xbd: {  	_ =	strace $0x9000004E  }
0xbe: {  	_ =	sfence  }
0xbf: {  	s30 =	sld [smem:$0x0];
	_ =	sdelay $0x2  }
0xc0: {  	s31 =	sshll.u32 s1, $0xD;
	s1 =	sshrl.u32 s1, $0x2  }
0xc1: {  	s3 =	sand.u32 $0x4000, s31;
	s1 =	sadd.s32 s1, s30  }
0xc2: {  	s0 =	sor.u32 s3, s0;
	s1 =	sshll.u32 s1, $0x11  }
0xc3: {  	s0 =	sor.u32 s1, s0  }
0xc4: {  	s0 =	sadd.s32 $0x8F2B, s0  }
0xc5: {  	[sflag:s0] =	ssyncadd.remote.s32 $0x1  }
0xc6: {  	_ =	sfence.sel $0xFFFF  }
0xc7: {  	[dreg:$0x0] =	wrdreg $0xFFFFFFFF;
	(pc) =	sbr.abs _section_cstart, $3  }
0xc8: {  	[dreg:$0x1] =	wrdreg $0xFFFFFFFF  }
0xc9: {  	_ =	task.clear_ibuf [dreg:s8], $0x2FFFF;
	_ =	strace $0x9FFFFFFF  }
0xca: {  	(tm) =	ssettm $0x7FFFFFFF  }
0xcb: {  	_ =	shalt  }
tec
execute0_lowered:
.L_overlay_start_1:
0x0: {  	(tag) =	ssettag $0x1  }
0x1: {  	s1 =	rddreg [dreg:$0x0]  }
0x2: {  	s9 =	rddreg [dreg:$0x1]  }
0x3: {  	s0 =	rddreg [dreg:$0x2]  }
0x4: {  	s4 =	rddreg [dreg:$0x3];
	s10 =	stileid.u32  }
0x5: {  	s2 =	srdreg.scid;
	s3 =	smul.u32 $0x2800, s10  }
0x6: {  	s6 =	simm.s32 $0x0;
	s2 =	sand.u32 $0x1, s2;
	s8 =	smul.u32 $0x50000, s10  }
0x7: {  	[smem:$0x7FF] =	sst s6;
	s6 =	sadd.s32 $0x4600, s0;
	s13 =	smul.u32 $0x2760, s10  }
0x8: {  	s5 =	sshll.u32 s2, $0x4;
	s25 =	smul.u32 $0x28000, s2;
	_ =	strace $0x8000004D  }
0x9: {  	s7 =	ssub.s32 $0x2, s2;
	s2 =	smul.u32 $0x27600, s2;
	s30 =	sshrl.u32 s8, $0x2  }
0xa: {  	s26 =	sshrl.u32 s7, $0x1;
	s3 =	sadd.s32 s3, s25;
	s18 =	sadd.s32 s30, s4  }
0xb: {  	s2 =	sadd.s32 s13, s2;
	s0 =	sadd.s32 s3, s0;
	s3 =	ssub.s32 s7, s26  }
0xc: {  	s19 =	sadd.s32 $0x180, s2;
	s22 =	sadd.s32 $0x150, s2;
	s24 =	sadd.s32 $0x120, s2  }
0xd: {  	s26 =	sadd.s32 $0xC0, s2;
	s2 =	sadd.s32 $0xF0, s2;
	[dreg:$0x5] =	wrdreg s18  }
0xe: {  	s5 =	sor.u32 s10, s5;
	s10 =	sadd.s32 $0x8000, s18;
	[dreg:$0x13] =	wrdreg s2  }
0xf: {  	s13 =	sadd.s32 $0xB000, s18;
	[dreg:$0x1b] =	wrdreg s10  }
0x10: {  	s5 =	smul.u32 $0x2760, s5;
	s0 =	sadd.s32 $0xE400, s0;
	[dreg:$0x1e] =	wrdreg s13  }
0x11: {  	s3 =	smax.u32 s3, $0x1;
	[dreg:$0xe] =	wrdreg s0  }
0x12: {  	s5 =	sshrl.u32 s5, $0x3;
	s2 =	sadd.s32 $0x1000, s18;
	[dreg:$0xf] =	wrdreg s3  }
0x13: {  	s20 =	sshrl.u32 s19, $0x3;
	s19 =	sadd.s32 $0x10000, s18;
	[dreg:$0x14] =	wrdreg s2  }
0x14: {  	s8 =	sadd.s32 s9, s5;
	[smem:$0x7FA] =	sst s19  }
0x15: {  	s11 =	sadd.s32 s6, s5;
	[dreg:$0x6] =	wrdreg s8  }
0x16: {  	s28 =	simm.s32 $0x3;
	s21 =	sadd.s32 s20, s6;
	[dreg:$0x7] =	wrdreg s11  }
0x17: {  	s23 =	sshrl.u32 s22, $0x3;
	s0 =	sadd.s32 s20, s9;
	[dreg:$0x10] =	wrdreg s21  }
0x18: {  	s12 =	sadd.s32 $0x6, s5;
	s25 =	sadd.s32 s23, s6;
	[dreg:$0x11] =	wrdreg s0  }
0x19: {  	s3 =	sshrl.u32 s24, $0x3;
	s24 =	sadd.s32 $0x12000, s18;
	[dreg:$0x12] =	wrdreg s25  }
0x1a: {  	s29 =	simm.s32 $0x6;
	s14 =	sadd.s32 s9, s12;
	[smem:$0x7FC] =	sst s24  }
0x1b: {  	s15 =	sadd.s32 $0xC, s5;
	s7 =	sadd.s32 s6, s12;
	[dreg:$0x8] =	wrdreg s14  }
0x1c: {  	s5 =	sadd.s32 $0x12, s5;
	s16 =	sadd.s32 s9, s15;
	[dreg:$0x9] =	wrdreg s7  }
0x1d: {  	s31 =	simm.s32 $0x6800;
	s17 =	sadd.s32 s9, s5;
	[dreg:$0xa] =	wrdreg s16  }
0x1e: {  	s30 =	sshrl.u32 s26, $0x3;
	s5 =	sadd.s32 s6, s5;
	[dreg:$0xc] =	wrdreg s17  }
0x1f: {  	s0 =	sadd.s32 s23, s9;
	s22 =	sadd.s32 s3, s6;
	[dreg:$0xd] =	wrdreg s5  }
0x20: {  	s23 =	sadd.s32 s3, s9;
	s3 =	sadd.s32 $0x2000, s18;
	[smem:$0x7F6] =	sst s0  }
0x21: {  	s13 =	simm.s32 $0x5000;
	s8 =	sadd.s32 $0x6000, s18;
	[dreg:$0x15] =	wrdreg s3  }
0x22: {  	s26 =	sadd.s32 s30, s9;
	s9 =	sadd.s32 $0x7000, s18;
	[dreg:$0x19] =	wrdreg s8  }
0x23: {  	s10 =	simm.s32 $0xE;
	s11 =	sadd.s32 $0x9000, s18;
	[dreg:$0x1a] =	wrdreg s9  }
0x24: {  	s20 =	smov.u32 s6;
	s12 =	sadd.s32 $0xA000, s18;
	[dreg:$0x1c] =	wrdreg s11  }
0x25: {  	s2 =	simm.s32 $0x5;
	s21 =	sadd.s32 $0x11000, s18;
	[dreg:$0x1d] =	wrdreg s12  }
0x26: {  	s25 =	sadd.s32 s30, s6;
	s30 =	sadd.s32 $0x13000, s18;
	[smem:$0x7FB] =	sst s21  }
0x27: {  	s24 =	simm.s32 $0x3800;
	s7 =	sadd.s32 s6, s15;
	[smem:$0x7FD] =	sst s30  }
0x28: {  	s5 =	sadd.s32 $0x3000, s18;
	s6 =	sadd.s32 $0x4000, s18;
	[dreg:$0xb] =	wrdreg s7  }
0x29: {  	s14 =	sadd.s32 $0xC000, s18;
	s15 =	sadd.s32 $0xD000, s18;
	[dreg:$0x16] =	wrdreg s5  }
0x2a: {  	s16 =	sadd.s32 $0xE000, s18;
	s17 =	sadd.s32 $0xF000, s18;
	[dreg:$0x17] =	wrdreg s6  }
0x2b: {  	s12 =	simm.s32 $0x10;
	s0 =	simm.s32 $0x600;
	[dreg:$0x1f] =	wrdreg s14  }
0x2c: {  	s3 =	simm.s32 $0x8;
	s8 =	simm.s32 $0x9;
	[smem:$0x7F7] =	sst s15  }
0x2d: {  	s9 =	simm.s32 $0xA;
	s11 =	simm.s32 $0xF;
	[smem:$0x7F8] =	sst s16  }
0x2e: {  	s21 =	simm.s32 $0x800;
	s7 =	sadd.s32 $0x5000, s18;
	[smem:$0x7F9] =	sst s17  }
0x2f: {  	s14 =	simm.s32 $0x30;
	s17 =	simm.s32 $0x200;
	s15 =	simm.s32 $0x7  }
0x30: {  	v0 =	vimm.f32 $0.0e+00;
	s16 =	simm.s32 $0x0;
	[dreg:$0x18] =	wrdreg s7;
	s7 =	simm.s32 $0x4  }
.LBB2_1:
0x31: {  	s6 =	simm.s32 $0x0  }
0x32: {  	s5 =	sand.u32 $0x7E00, s6  }
0x33: {  	[smem:$0x7F5] =	sst s16;
	s19 =	sand.u32 $0x70, s6;
	s30 =	sshrl.u32 s5, $0x2  }
0x34: {  	s16 =	simm.s32 $0x0;
	s5 =	simm.s32 $0x40;
	s30 =	sor.u32 s19, s30  }
.LBB2_2:
0x35: {  	p0 =	sne.s32 s5, $0x5FC0  }
0x36: {  	[tilespmem:s30+$0x800] =	vst v0;
	s16 =	sadd.s32 $0x10, s16;
	s30 =	smov.u32 s5;
	s5 =	sadd.s32 $0x40, s5  }
.Ltmp0:
0x37: {  	(pc) =	sbr.rel @p0 .LBB2_2-.Ltmp0, $4  }
0x38: {  	_ = 	snop  }
0x39: {  	s30 =	sand.u32 $0x7E00, s30  }
0x3a: {  	s6 =	sand.u32 $0x70, s16;
	s30 =	sshrl.u32 s30, $0x2  }
0x3b: {  	s30 =	sor.u32 s6, s30  }
0x3c: {  	[tilespmem:s30+$0x800] =	vst v0;
	s6 =	simm.s32 $0x800;
	s5 =	rddreg [dreg:$0x14]  }
0x3d: {  	[spmem:s18] =	stream.linear.scatter [tilespmem:s6], [sflag:$0x10], $0x1000, $0x38;
	[tilespmem:$0x1C000] =	vst v63  }
0x3e: {  	s19 =	rddreg [dreg:$0x15]  }
0x3f: {  	[spmem:s5] =	stream.linear.scatter [tilespmem:s6], [sflag:$0x10], $0x1000, $0x38;
	[tilespmem:$0x1C000] =	vst v63  }
0x40: {  	s16 =	rddreg [dreg:$0x16]  }
0x41: {  	[spmem:s19] =	stream.linear.scatter [tilespmem:s6], [sflag:$0x10], $0x1000, $0x38;
	[tilespmem:$0x1C000] =	vst v63  }
0x42: {  	s18 =	rddreg [dreg:$0x17]  }
0x43: {  	[spmem:s16] =	stream.linear.scatter [tilespmem:s6], [sflag:$0x10], $0x1000, $0x38;
	[tilespmem:$0x1C000] =	vst v63  }
0x44: {  	s19 =	rddreg [dreg:$0x18]  }
0x45: {  	[spmem:s18] =	stream.linear.scatter [tilespmem:s6], [sflag:$0x10], $0x1000, $0x38;
	[tilespmem:$0x1C000] =	vst v63  }
0x46: {  	s16 =	rddreg [dreg:$0x19]  }
0x47: {  	[spmem:s19] =	stream.linear.scatter [tilespmem:s6], [sflag:$0x10], $0x1000, $0x38;
	[tilespmem:$0x1C000] =	vst v63  }
0x48: {  	s18 =	rddreg [dreg:$0x1a]  }
0x49: {  	[spmem:s16] =	stream.linear.scatter [tilespmem:s6], [sflag:$0x10], $0x1000, $0x38;
	[tilespmem:$0x1C000] =	vst v63  }
0x4a: {  	s19 =	rddreg [dreg:$0x1b]  }
0x4b: {  	[spmem:s18] =	stream.linear.scatter [tilespmem:s6], [sflag:$0x10], $0x1000, $0x38;
	[tilespmem:$0x1C000] =	vst v63  }
0x4c: {  	s16 =	rddreg [dreg:$0x1c]  }
0x4d: {  	[spmem:s19] =	stream.linear.scatter [tilespmem:s6], [sflag:$0x10], $0x1000, $0x38;
	[tilespmem:$0x1C000] =	vst v63  }
0x4e: {  	s18 =	rddreg [dreg:$0x1d]  }
0x4f: {  	[spmem:s16] =	stream.linear.scatter [tilespmem:s6], [sflag:$0x10], $0x1000, $0x38;
	[tilespmem:$0x1C000] =	vst v63  }
0x50: {  	s19 =	rddreg [dreg:$0x1e]  }
0x51: {  	[spmem:s18] =	stream.linear.scatter [tilespmem:s6], [sflag:$0x10], $0x1000, $0x38;
	[tilespmem:$0x1C000] =	vst v63  }
0x52: {  	s16 =	rddreg [dreg:$0x1f]  }
0x53: {  	[spmem:s19] =	stream.linear.scatter [tilespmem:s6], [sflag:$0x10], $0x1000, $0x38;
	[tilespmem:$0x1C000] =	vst v63  }
0x54: {  	s18 =	sld [smem:$0x7F7]  }
0x55: {  	[spmem:s16] =	stream.linear.scatter [tilespmem:s6], [sflag:$0x10], $0x1000, $0x38;
	[tilespmem:$0x1C000] =	vst v63  }
0x56: {  	s19 =	sld [smem:$0x7F8]  }
0x57: {  	[spmem:s18] =	stream.linear.scatter [tilespmem:s6], [sflag:$0x10], $0x1000, $0x38;
	[tilespmem:$0x1C000] =	vst v63  }
0x58: {  	s16 =	sld [smem:$0x7F9]  }
0x59: {  	[spmem:s19] =	stream.linear.scatter [tilespmem:s6], [sflag:$0x10], $0x1000, $0x38;
	[tilespmem:$0x1C000] =	vst v63  }
0x5a: {  	s18 =	sld [smem:$0x7FA]  }
0x5b: {  	[spmem:s16] =	stream.linear.scatter [tilespmem:s6], [sflag:$0x10], $0x1000, $0x38;
	[tilespmem:$0x1C000] =	vst v63  }
0x5c: {  	s19 =	sld [smem:$0x7FB]  }
0x5d: {  	[spmem:s18] =	stream.linear.scatter [tilespmem:s6], [sflag:$0x10], $0x1000, $0x38;
	[tilespmem:$0x1C000] =	vst v63  }
0x5e: {  	s16 =	sld [smem:$0x7FC]  }
0x5f: {  	[spmem:s19] =	stream.linear.scatter [tilespmem:s6], [sflag:$0x10], $0x1000, $0x38;
	[tilespmem:$0x1C000] =	vst v63  }
0x60: {  	s18 =	sld [smem:$0x7FD]  }
0x61: {  	[spmem:s16] =	stream.linear.scatter [tilespmem:s6], [sflag:$0x10], $0x1000, $0x38;
	[tilespmem:$0x1C000] =	vst v63  }
0x62: {  	_ = 	snop  }
0x63: {  	[spmem:s18] =	stream.linear.scatter [tilespmem:s6], [sflag:$0x10], $0x1000, $0x38;
	[tilespmem:$0x1C000] =	vst v63  }
0x64: {  	s19 =	rddreg [dreg:$0x6];
	s16 =	simm.s32 $0x0  }
0x65: {  	[tilespmem:s16], [sflag:$0x1] =	stream.linear.gather [hbm4b:s19+s16], $0x30, $0x38;
	[tilespmem:$0x1C000] =	vst v63  }
0x66: {  	s18 =	rddreg [dreg:$0x7];
	s19 =	simm.s32 $0x400  }
0x67: {  	[tilespmem:s19], [sflag:$0x1] =	stream.linear.gather [hbm4b:s18+s16], $0x30, $0x38;
	[tilespmem:$0x1C000] =	vst v63  }
0x68: {  	s19 =	rddreg [dreg:$0x8];
	s18 =	simm.s32 $0x80  }
0x69: {  	[tilespmem:s18], [sflag:$0x2] =	stream.linear.gather [hbm4b:s19+s16], $0x30, $0x38;
	[tilespmem:$0x1C000] =	vst v63  }
0x6a: {  	s5 =	rddreg [dreg:$0x9];
	s19 =	simm.s32 $0x480  }
0x6b: {  	[tilespmem:s19], [sflag:$0x2] =	stream.linear.gather [hbm4b:s5+s16], $0x30, $0x38;
	[tilespmem:$0x1C000] =	vst v63  }
0x6c: {  	s5 =	rddreg [dreg:$0xa];
	s19 =	simm.s32 $0x100  }
0x6d: {  	[tilespmem:s19], [sflag:$0x3] =	stream.linear.gather [hbm4b:s5+s16], $0x30, $0x38;
	[tilespmem:$0x1C000] =	vst v63  }
0x6e: {  	s5 =	rddreg [dreg:$0xb];
	s19 =	simm.s32 $0x500  }
0x6f: {  	[tilespmem:s19], [sflag:$0x3] =	stream.linear.gather [hbm4b:s5+s16], $0x30, $0x38;
	[tilespmem:$0x1C000] =	vst v63  }
0x70: {  	s5 =	rddreg [dreg:$0xc];
	s19 =	simm.s32 $0x180  }
0x71: {  	[tilespmem:s19], [sflag:$0x4] =	stream.linear.gather [hbm4b:s5+s16], $0x30, $0x38;
	[tilespmem:$0x1C000] =	vst v63  }
0x72: {  	s5 =	rddreg [dreg:$0xd];
	s19 =	simm.s32 $0x580  }
0x73: {  	[tilespmem:s19], [sflag:$0x4] =	stream.linear.gather [hbm4b:s5+s16], $0x30, $0x38;
	[tilespmem:$0x1C000] =	vst v63  }
0x74: {  	_ =	swait.ge [sflag:s12], $0x1000  }
0x75: {  	[sflag:s12] =	ssyncset.done $0x0  }
0x76: {  	[sflag:s12] =	ssyncadd.s32 $0xFFFFF000  }
0x77: {  	_ =	swait.ge [sflag:s12], $0x1000  }
0x78: {  	[sflag:s12] =	ssyncset.done $0x0  }
0x79: {  	[sflag:s12] =	ssyncadd.s32 $0xFFFFF000  }
0x7a: {  	_ =	swait.ge [sflag:s12], $0x1000  }
0x7b: {  	[sflag:s12] =	ssyncset.done $0x0  }
0x7c: {  	[sflag:s12] =	ssyncadd.s32 $0xFFFFF000  }
0x7d: {  	_ =	swait.ge [sflag:s12], $0x1000  }
0x7e: {  	[sflag:s12] =	ssyncset.done $0x0  }
0x7f: {  	[sflag:s12] =	ssyncadd.s32 $0xFFFFF000  }
0x80: {  	_ =	swait.ge [sflag:s12], $0x1000  }
0x81: {  	[sflag:s12] =	ssyncset.done $0x0  }
0x82: {  	[sflag:s12] =	ssyncadd.s32 $0xFFFFF000  }
0x83: {  	_ =	swait.ge [sflag:s12], $0x1000  }
0x84: {  	[sflag:s12] =	ssyncset.done $0x0  }
0x85: {  	[sflag:s12] =	ssyncadd.s32 $0xFFFFF000  }
0x86: {  	_ =	swait.ge [sflag:s12], $0x1000  }
0x87: {  	[sflag:s12] =	ssyncset.done $0x0  }
0x88: {  	[sflag:s12] =	ssyncadd.s32 $0xFFFFF000  }
0x89: {  	_ =	swait.ge [sflag:s12], $0x1000  }
0x8a: {  	[sflag:s12] =	ssyncset.done $0x0  }
0x8b: {  	[sflag:s12] =	ssyncadd.s32 $0xFFFFF000  }
0x8c: {  	_ =	swait.ge [sflag:s12], $0x1000  }
0x8d: {  	[sflag:s12] =	ssyncset.done $0x0  }
0x8e: {  	[sflag:s12] =	ssyncadd.s32 $0xFFFFF000  }
0x8f: {  	_ =	swait.ge [sflag:s12], $0x1000  }
0x90: {  	[sflag:s12] =	ssyncset.done $0x0  }
0x91: {  	[sflag:s12] =	ssyncadd.s32 $0xFFFFF000  }
0x92: {  	_ =	swait.ge [sflag:s12], $0x1000  }
0x93: {  	[sflag:s12] =	ssyncset.done $0x0  }
0x94: {  	[sflag:s12] =	ssyncadd.s32 $0xFFFFF000  }
0x95: {  	_ =	swait.ge [sflag:s12], $0x1000  }
0x96: {  	[sflag:s12] =	ssyncset.done $0x0  }
0x97: {  	[sflag:s12] =	ssyncadd.s32 $0xFFFFF000  }
0x98: {  	_ =	swait.ge [sflag:s12], $0x1000  }
0x99: {  	[sflag:s12] =	ssyncset.done $0x0  }
0x9a: {  	[sflag:s12] =	ssyncadd.s32 $0xFFFFF000  }
0x9b: {  	_ =	swait.ge [sflag:s12], $0x1000  }
0x9c: {  	[sflag:s12] =	ssyncset.done $0x0  }
0x9d: {  	[sflag:s12] =	ssyncadd.s32 $0xFFFFF000  }
0x9e: {  	_ =	swait.ge [sflag:s12], $0x1000  }
0x9f: {  	[sflag:s12] =	ssyncset.done $0x0  }
0xa0: {  	[sflag:s12] =	ssyncadd.s32 $0xFFFFF000  }
0xa1: {  	_ =	swait.ge [sflag:s12], $0x1000  }
0xa2: {  	[sflag:s12] =	ssyncset.done $0x0  }
0xa3: {  	[sflag:s12] =	ssyncadd.s32 $0xFFFFF000  }
0xa4: {  	_ =	swait.ge [sflag:s12], $0x1000  }
0xa5: {  	[sflag:s12] =	ssyncset.done $0x0  }
0xa6: {  	[sflag:s12] =	ssyncadd.s32 $0xFFFFF000  }
0xa7: {  	_ =	swait.ge [sflag:s12], $0x1000  }
0xa8: {  	[sflag:s12] =	ssyncset.done $0x0  }
0xa9: {  	[sflag:s12] =	ssyncadd.s32 $0xFFFFF000  }
0xaa: {  	_ =	swait.ge [sflag:s12], $0x1000  }
0xab: {  	[sflag:s12] =	ssyncset.done $0x0  }
0xac: {  	[sflag:s12] =	ssyncadd.s32 $0xFFFFF000  }
0xad: {  	_ =	swait.ge [sflag:s12], $0x1000  }
0xae: {  	[sflag:s12] =	ssyncset.done $0x0  }
0xaf: {  	s19 =	simm.s32 $0x1;
	[sflag:s12] =	ssyncadd.s32 $0xFFFFF000  }
0xb0: {  	_ =	swait.ge [sflag:s19], $0x30  }
0xb1: {  	[sflag:s19] =	ssyncset.done $0x0  }
0xb2: {  	[sflag:s19] =	ssyncadd.s32 $0xFFFFFFD0  }
0xb3: {  	_ =	swait.ge [sflag:s19], $0x30  }
0xb4: {  	[sflag:s19] =	ssyncset.done $0x0  }
0xb5: {  	[sflag:s19] =	ssyncadd.s32 $0xFFFFFFD0  }
0xb6: {  	[tilespmem:s6], [sflag:$0x6] =	stream.indirect.gather [hbm4b:s1+s14], $0x80, s16, s14, $0xb8;
	[tilespmem:$0x1C000] =	vst v63  }
0xb7: {  	s6 =	simm.s32 $0x2  }
0xb8: {  	_ =	swait.ge [sflag:s6], $0x30  }
0xb9: {  	[sflag:s6] =	ssyncset.done $0x0  }
0xba: {  	[sflag:s6] =	ssyncadd.s32 $0xFFFFFFD0  }
0xbb: {  	_ =	swait.ge [sflag:s6], $0x30  }
0xbc: {  	[sflag:s6] =	ssyncset.done $0x0  }
0xbd: {  	s19 =	simm.s32 $0x2000;
	[sflag:s6] =	ssyncadd.s32 $0xFFFFFFD0  }
0xbe: {  	[tilespmem:s19], [sflag:$0x7] =	stream.indirect.gather [hbm4b:s1+s14], $0x80, s18, s14, $0xb8;
	[tilespmem:$0x1C000] =	vst v63  }
0xbf: {  	[bflag:$0x0] =	sbarrier.arrive $0xFFFF  }
0xc0: {  	s30 =	rddreg [dreg:$0x13]  }
.LBB2_4:
0xc1: {  	s5 =	sadd.s32 s16, s26;
	s6 =	simm.s32 $0x0;
	p0 =	seq.s32 s16, $0x0  }
0xc2: {  	[tilespmem:s17], [sflag:$0x5] =	stream.linear.gather [hbm4b:s5+s6], $0x30, $0x38;
	[tilespmem:$0x1C000] =	vst v63  }
0xc3: {  	s19 =	sadd.s32 s16, s25;
	s5 =	simm.s32 @!p0 $0xD  }
0xc4: {  	[tilespmem:s0], [sflag:$0x5] =	stream.linear.gather [hbm4b:s19+s6], $0x30, $0x38;
	[tilespmem:$0x1C000] =	vst v63  }
0xc5: {  	_ =	swait.ge @!p0 [sflag:s5], $0x1800  }
0xc6: {  	[sflag:s5] =	ssyncset.done @!p0 $0x0  }
0xc7: {  	[sflag:s5] =	ssyncadd.s32 @!p0 $0xFFFFE800  }
0xc8: {  	_ =	swait.ge [sflag:s28], $0x30  }
0xc9: {  	[sflag:s28] =	ssyncset.done $0x0  }
0xca: {  	[sflag:s28] =	ssyncadd.s32 $0xFFFFFFD0  }
0xcb: {  	_ =	swait.ge [sflag:s28], $0x30  }
0xcc: {  	[sflag:s28] =	ssyncset.done $0x0  }
0xcd: {  	s6 =	simm.s32 $0x100;
	[sflag:s28] =	ssyncadd.s32 $0xFFFFFFD0  }
0xce: {  	[tilespmem:s24], [sflag:$0x8] =	stream.indirect.gather [hbm4b:s1+s14], $0x80, s6, s14, $0xb8;
	[tilespmem:$0x1C000] =	vst v63  }
0xcf: {  	_ =	swait.ge [sflag:s29], $0x1800  }
0xd0: {  	[sflag:s29] =	ssyncset.done $0x0  }
0xd1: {  	s18 =	simm.s32 $0x400;
	p0 =	seq.s32 s16, $0x4CE;
	[sflag:s29] =	ssyncadd.s32 $0xFFFFE800  }
0xd2: {  	[spmem:s4] =	stream.indirect.scatter.add.f32 [tilespmem:s21], [sflag:$0xB], $0x80, s18, s14, $0xb8;
	[tilespmem:$0x1C000] =	vst v63  }
0xd3: {  	s6 =	sshrl.u32 @!p0 s30, $0x3;
	s5 =	rddreg [dreg:$0x1]  }
0xd4: {  	p1 =	seq.s32 @!p0 s16, $0x0;
	s18 =	sadd.s32 @!p0 s5, s6;
	s5 =	simm.s32 @!p0 $0x0  }
0xd5: {  	[tilespmem:s5], [sflag:$0x1] =	stream.linear.gather @!p0 [hbm4b:s18+s5], $0x30, $0x38;
	[tilespmem:$0x1C000] =	vst v63  }
0xd6: {  	p1 =	por p0, !p1;
	s6 =	sadd.s32 @!p0 s20, s6;
	s18 =	simm.s32 @!p0 $0x400  }
0xd7: {  	[tilespmem:s18], [sflag:$0x1] =	stream.linear.gather @!p0 [hbm4b:s6+s5], $0x30, $0x38;
	[tilespmem:$0x1C000] =	vst v63  }
0xd8: {  	_ =	swait.ge @p1 [sflag:s10], $0x1800  }
0xd9: {  	[sflag:s10] =	ssyncset.done @p1 $0x0  }
0xda: {  	[sflag:s10] =	ssyncadd.s32 @p1 $0xFFFFE800  }
0xdb: {  	_ =	swait.ge [sflag:s7], $0x30  }
0xdc: {  	[sflag:s7] =	ssyncset.done $0x0  }
0xdd: {  	[sflag:s7] =	ssyncadd.s32 $0xFFFFFFD0  }
0xde: {  	_ =	swait.ge [sflag:s7], $0x30  }
0xdf: {  	[sflag:s7] =	ssyncset.done $0x0  }
0xe0: {  	s19 =	simm.s32 $0x180;
	[sflag:s7] =	ssyncadd.s32 $0xFFFFFFD0  }
0xe1: {  	[tilespmem:s13], [sflag:$0x9] =	stream.indirect.gather [hbm4b:s1+s14], $0x80, s19, s14, $0xb8;
	[tilespmem:$0x1C000] =	vst v63  }
0xe2: {  	_ =	swait.ge [sflag:s15], $0x1800  }
0xe3: {  	[sflag:s15] =	ssyncset.done $0x0  }
0xe4: {  	s18 =	simm.s32 $0x480;
	s19 =	simm.s32 $0x2000;
	[sflag:s15] =	ssyncadd.s32 $0xFFFFE800  }
0xe5: {  	[spmem:s4] =	stream.indirect.scatter.add.f32 [tilespmem:s19], [sflag:$0xC], $0x80, s18, s14, $0xb8;
	[tilespmem:$0x1C000] =	vst v63  }
0xe6: {  	s6 =	sadd.s32 @!p0 s16, s23;
	s18 =	simm.s32 @!p0 $0x80  }
0xe7: {  	[tilespmem:s18], [sflag:$0x2] =	stream.linear.gather @!p0 [hbm4b:s6+s5], $0x30, $0x38;
	[tilespmem:$0x1C000] =	vst v63  }
0xe8: {  	s6 =	sadd.s32 @!p0 s16, s22;
	s18 =	simm.s32 @!p0 $0x480  }
0xe9: {  	[tilespmem:s18], [sflag:$0x2] =	stream.linear.gather @!p0 [hbm4b:s6+s5], $0x30, $0x38;
	[tilespmem:$0x1C000] =	vst v63  }
0xea: {  	_ =	swait.ge @p1 [sflag:s11], $0x1800  }
0xeb: {  	[sflag:s11] =	ssyncset.done @p1 $0x0  }
0xec: {  	[sflag:s11] =	ssyncadd.s32 @p1 $0xFFFFE800  }
0xed: {  	_ =	swait.ge [sflag:s2], $0x30  }
0xee: {  	[sflag:s2] =	ssyncset.done $0x0  }
0xef: {  	[sflag:s2] =	ssyncadd.s32 $0xFFFFFFD0  }
0xf0: {  	_ =	swait.ge [sflag:s2], $0x30  }
0xf1: {  	[sflag:s2] =	ssyncset.done $0x0  }
0xf2: {  	[sflag:s2] =	ssyncadd.s32 $0xFFFFFFD0  }
0xf3: {  	[tilespmem:s31], [sflag:$0xA] =	stream.indirect.gather [hbm4b:s1+s14], $0x80, s17, s14, $0xb8;
	[tilespmem:$0x1C000] =	vst v63  }
0xf4: {  	_ =	swait.ge [sflag:s3], $0x1800  }
0xf5: {  	[sflag:s3] =	ssyncset.done $0x0;
	s5 =	sld [smem:$0x7F6]  }
0xf6: {  	p0 =	sne.s32 s16, $0x4CE;
	s18 =	simm.s32 $0x500;
	[sflag:s3] =	ssyncadd.s32 $0xFFFFE800  }
0xf7: {  	[spmem:s4] =	stream.indirect.scatter.add.f32 [tilespmem:s24], [sflag:$0xD], $0x80, s18, s14, $0xb8;
	[tilespmem:$0x1C000] =	vst v63  }
0xf8: {  	s6 =	simm.s32 @p0 $0x0;
	s18 =	simm.s32 @p0 $0x100;
	s5 =	sadd.s32 @p0 s16, s5  }
0xf9: {  	[tilespmem:s18], [sflag:$0x3] =	stream.linear.gather @p0 [hbm4b:s5+s6], $0x30, $0x38;
	[tilespmem:$0x1C000] =	vst v63  }
0xfa: {  	s5 =	rddreg [dreg:$0x12]  }
0xfb: {  	s18 =	simm.s32 @p0 $0x500;
	s5 =	sadd.s32 @p0 s16, s5  }
0xfc: {  	[tilespmem:s18], [sflag:$0x3] =	stream.linear.gather @p0 [hbm4b:s5+s6], $0x30, $0x38;
	[tilespmem:$0x1C000] =	vst v63  }
0xfd: {  	s5 =	simm.s32 @p0 $0xB  }
0xfe: {  	_ =	swait.ge @p0 [sflag:s5], $0x1800  }
0xff: {  	[sflag:s5] =	ssyncset.done @p0 $0x0  }
0x100: {  	[sflag:s5] =	ssyncadd.s32 @p0 $0xFFFFE800;
	s5 =	simm.s32 @p0 $0x1  }
0x101: {  	_ =	swait.ge @p0 [sflag:s5], $0x30  }
0x102: {  	[sflag:s5] =	ssyncset.done @p0 $0x0  }
0x103: {  	[sflag:s5] =	ssyncadd.s32 @p0 $0xFFFFFFD0  }
0x104: {  	_ =	swait.ge @p0 [sflag:s5], $0x30  }
0x105: {  	[sflag:s5] =	ssyncset.done @p0 $0x0  }
0x106: {  	s18 =	simm.s32 @p0 $0x800;
	[sflag:s5] =	ssyncadd.s32 @p0 $0xFFFFFFD0;
	s5 =	simm.s32 @p0 $0x30  }
0x107: {  	[tilespmem:s18], [sflag:$0x6] =	stream.indirect.gather @p0 [hbm4b:s1+s5], $0x80, s6, s5, $0xb8;
	[tilespmem:$0x1C000] =	vst v63  }
0x108: {  	s18 =	simm.s32 @!p0 $0xB  }
0x109: {  	_ =	swait.ge @!p0 [sflag:s18], $0x1800  }
0x10a: {  	[sflag:s18] =	ssyncset.done @!p0 $0x0  }
0x10b: {  	[sflag:s18] =	ssyncadd.s32 @!p0 $0xFFFFE800  }
0x10c: {  	_ =	swait.ge [sflag:s8], $0x1800  }
0x10d: {  	[sflag:s8] =	ssyncset.done $0x0  }
0x10e: {  	s19 =	simm.s32 $0x580;
	s18 =	rddreg [dreg:$0x11];
	[sflag:s8] =	ssyncadd.s32 $0xFFFFE800  }
0x10f: {  	[spmem:s4] =	stream.indirect.scatter.add.f32 [tilespmem:s13], [sflag:$0xE], $0x80, s19, s14, $0xb8;
	[tilespmem:$0x1C000] =	vst v63  }
0x110: {  	s18 =	sadd.s32 @p0 s16, s18;
	s19 =	simm.s32 @p0 $0x180  }
0x111: {  	[tilespmem:s19], [sflag:$0x4] =	stream.linear.gather @p0 [hbm4b:s18+s6], $0x30, $0x38;
	[tilespmem:$0x1C000] =	vst v63  }
0x112: {  	s18 =	rddreg [dreg:$0x10]  }
0x113: {  	s19 =	simm.s32 @p0 $0x580;
	s18 =	sadd.s32 @p0 s16, s18  }
0x114: {  	[tilespmem:s19], [sflag:$0x4] =	stream.linear.gather @p0 [hbm4b:s18+s6], $0x30, $0x38;
	[tilespmem:$0x1C000] =	vst v63  }
0x115: {  	s6 =	simm.s32 @p0 $0xC  }
0x116: {  	_ =	swait.ge @p0 [sflag:s6], $0x1800  }
0x117: {  	[sflag:s6] =	ssyncset.done @p0 $0x0  }
0x118: {  	[sflag:s6] =	ssyncadd.s32 @p0 $0xFFFFE800;
	s6 =	simm.s32 @p0 $0x2  }
0x119: {  	_ =	swait.ge @p0 [sflag:s6], $0x30  }
0x11a: {  	[sflag:s6] =	ssyncset.done @p0 $0x0  }
0x11b: {  	[sflag:s6] =	ssyncadd.s32 @p0 $0xFFFFFFD0  }
0x11c: {  	_ =	swait.ge @p0 [sflag:s6], $0x30  }
0x11d: {  	[sflag:s6] =	ssyncset.done @p0 $0x0  }
0x11e: {  	s18 =	simm.s32 @p0 $0x2000;
	[sflag:s6] =	ssyncadd.s32 @p0 $0xFFFFFFD0;
	s6 =	simm.s32 @p0 $0x80  }
0x11f: {  	[tilespmem:s18], [sflag:$0x7] =	stream.indirect.gather @p0 [hbm4b:s1+s5], $0x80, s6, s5, $0xb8;
	[tilespmem:$0x1C000] =	vst v63  }
0x120: {  	s5 =	simm.s32 @!p0 $0xC  }
0x121: {  	_ =	swait.ge @!p0 [sflag:s5], $0x1800  }
0x122: {  	s16 =	sadd.s32 $0x1E, s16;
	[sflag:s5] =	ssyncset.done @!p0 $0x0  }
0x123: {  	[sflag:s5] =	ssyncadd.s32 @!p0 $0xFFFFE800;
	p0 =	sne.s32 s16, $0x4EC  }
.Ltmp1:
0x124: {  	_ = 	snop;
	(pc) =	sbr.rel @p0 .LBB2_4-.Ltmp1, $4  }
0x125: {  	_ =	swait.ge [sflag:s9], $0x1800  }
0x126: {  	[sflag:s9] =	ssyncset.done $0x0  }
0x127: {  	s30 =	sadd.s32 $0xF0, s30;
	[sflag:s9] =	ssyncadd.s32 $0xFFFFE800  }
0x128: {  	[spmem:s4] =	stream.indirect.scatter.add.f32 [tilespmem:s31], [sflag:$0xF], $0x80, s0, s14, $0xb8;
	[tilespmem:$0x1C000] =	vst v63  }
0x129: {  	s5 =	simm.s32 $0xD  }
0x12a: {  	_ =	swait.ge [sflag:s5], $0x1800  }
0x12b: {  	[sflag:s5] =	ssyncset.done $0x0  }
0x12c: {  	[sflag:s5] =	ssyncadd.s32 $0xFFFFE800  }
0x12d: {  	_ =	swait.ge [sflag:s10], $0x1800  }
0x12e: {  	[sflag:s10] =	ssyncset.done $0x0  }
0x12f: {  	[sflag:s10] =	ssyncadd.s32 $0xFFFFE800  }
0x130: {  	_ =	swait.ge [sflag:s11], $0x1800  }
0x131: {  	[sflag:s11] =	ssyncset.done $0x0  }
0x132: {  	[sflag:s11] =	ssyncadd.s32 $0xFFFFE800  }
0x133: {  	s18 =	stileid.u32;
	[bflag:$0x0] =	sbarrier.arrive $0xFFFF  }
0x134: {  	s5 =	sshll.u32 s18, $0x6;
	s18 =	rddreg [dreg:$0x5]  }
0x135: {  	s5 =	sor.u32 $0x1C11, s5;
	s16 =	rddreg [dreg:$0xe];
	s6 =	sshrl.u32 s18, $0x3  }
0x136: {  	[hbm:s16], [sflag:s5] =	dma.local [spmem:s6], $0x2800  }
0x137: {  	s6 =	simm.s32 $0x11  }
0x138: {  	_ =	swait.ge [sflag:s6], $0x2800  }
0x139: {  	s19 =	sld [smem:$0x7F5];
	_ =	sdelay $0x2  }
0x13a: {  	s30 =	rddreg [dreg:$0xf];
	s16 =	sadd.s32 $0x1, s19  }
0x13b: {  	p0 =	sne.s32 s16, s30  }
.Ltmp2:
0x13c: {  	_ = 	snop;
	(pc) =	sbr.rel @p0 .LBB2_1-.Ltmp2, $3  }
0x13d: {  	_ =	sdelay $0x1  }
0x13e: {  	[sflag:s6] =	ssyncset.done $0x0  }
0x13f: {  	[sflag:s6] =	ssyncadd.s32 $0xFFFFD800  }
0x140: {  	_ =	sfence.sel $0x180000  }
0x141: {  	[bflag:$0x0] =	sbarrier.arrive $0xFFFF  }
0x142: {  	_ =	strace $0x9000004D  }
0x143: {  	s0 =	stileid.u32;
	[bflag:$0x2] =	sbarrier.arrive $0xFFFF  }
0x144: {  	p0 =	sne.s32 s0, $0x0;
	s0 =	rddreg [dreg:$0x4]  }
0x145: {  	s0 =	sadd.s32 @!p0 $0x100000, s0  }
0x146: {  	[sflag:s0] =	ssyncadd.tile.s32 @!p0 $0x1;
	_ =	shalt  }
.Lfunc_end2:
_tile_overlayer_lowered:
.L_overlay_start_2:
0x147: {  	(tag) =	ssettag $0x2  }
0x148: {  	s0 =	rddreg [dreg:$0x0];
	s2 =	stileid.u32  }
0x149: {  	s1 =	rddreg [dreg:$0x1];
	p0 =	sne.s32 s2, $0x0  }
0x14a: {  	s3 =	rddreg [dreg:$0x2];
	[bflag:$0x3] =	sbarrier.arrive $0xFFFF;
	s2 =	simm.s32 @!p0 $0x1C11  }
0x14b: {  	[timem:s3], [sflag:s2] =	dma.local @!p0 [hbm:s0], s1  }
0x14c: {  	s0 =	simm.s32 @!p0 $0x11  }
0x14d: {  	_ =	swait.ge @!p0 [sflag:s0], s1  }
0x14e: {  	s1 =	ssub.s32 @!p0 $0x0, s1;
	[sflag:s0] =	ssyncset.done @!p0 $0x0  }
0x14f: {  	[sflag:s0] =	ssyncadd.s32 @!p0 s1  }
0x150: {  	[bflag:$0x3] =	sbarrier.arrive $0xFFFF  }
0x151: {  	_ =	shalt  }

// kernel: kernel.8.cloned.1.call-start
scs
__scs_entry_jumppad:
0x0: {  	(pc) =	sbr.rel $0x88, $3  }
0x1: {  	(tag) =	ssettag $0x0;
	lr =	simm.s32 $0x1  }
0x2: {  	[smem:$0x3F8D] =	sst lr;
	_ =	strace $0xD0000000  }
0x3: {  	_ = 	snop  }
0x4: {  	_ = 	snop  }
0x5: {  	_ = 	snop  }
0x6: {  	_ = 	snop  }
0x7: {  	_ = 	snop  }
__scs_overlays_trampoline_lowered:
0x8: {  	[smem:$0x3F9C] =	sst s0  }
0x9: {  	[smem:$0x3F9D] =	sst s1  }
0xa: {  	[smem:$0x3F9E] =	sst s2  }
0xb: {  	[smem:$0x3F9F] =	sst s3  }
0xc: {  	[smem:$0x3FA0] =	sst s4  }
0xd: {  	[smem:$0x3FA1] =	sst s5  }
0xe: {  	[smem:$0x3FA2] =	sst s6  }
0xf: {  	[smem:$0x3FA3] =	sst s7  }
0x10: {  	[smem:$0x3FA4] =	sst s8  }
0x11: {  	[smem:$0x3FA5] =	sst s9;
	s0 =	simm.s32 @!p0 $0x0  }
0x12: {  	s1 =	sld [smem:$0x3F8B];
	s0 =	simm.s32 @p0 $0x1  }
0x13: {  	[smem:$0x3FA6] =	sst s0;
	s0 =	simm.s32 @!p1 $0x0  }
0x14: {  	s2 =	sld [smem:$0x3F8A];
	s0 =	simm.s32 @p1 $0x1  }
0x15: {  	[smem:$0x3FA7] =	sst s0;
	s0 =	simm.s32 @!p2 $0x0  }
0x16: {  	s3 =	sld [smem:$0x3FDB];
	s0 =	simm.s32 @p2 $0x1  }
0x17: {  	s4 =	simm.s32 $0x1BF5;
	[smem:$0x3FA9] =	sst s0  }
0x18: {  	s0 =	sld [smem:$0x3F8C];
	_ =	swait.ge [sflag:s4], $0x0  }
0x19: {  	s7 =	sld [smem:$0x3F8D]  }
0x1a: {  	s8 =	sadd.s32 $0xFFFFE003, lr  }
0x1b: {  	s9 =	sadd.s32 $0xFFFFFEF7, lr;
	s5 =	simm.s32 $0xFFFFFFFF;
	p2 =	slt.u32 s8, $0xFFFFF086  }
0x1c: {  	p1 =	slt.u32 s9, $0xF7A;
	s5 =	simm.s32 @!p2 $0x0  }
0x1d: {  	s5 =	simm.s32 @p1 $0x1;
	p0 =	seq.s32 s7, s2  }
0x1e: {  	s7 =	smul.u32 @!p0 $0xF7A, s2;
	p2 =	seq.s32 @!p0 s5, $0x0  }
0x1f: {  	s9 =	smul.u32 $0xF7A, s1;
	s8 =	simm.s32 @!p0 $0x1BF5;
	p2 =	por !p2, p0  }
0x20: {  	[sflag:s8] =	ssyncset.s32 @!p0 $0xFFFFF086;
	s6 =	sadd.s32 @!p0 s3, s7;
	s7 =	simm.s32 @!p0 $0x108  }
0x21: {  	s3 =	sadd.s32 s3, s9;
	s6 =	sadd.s32 @!p0 $0x88, s6;
	s7 =	simm.s32 @p2 $0x1082  }
0x22: {  	[simem:s7], [sflag:s8] =	dma.local @!p0 [hbm:s6], $0xF7A  }
0x23: {  	s9 =	sor.u32 $0xD0000000, s2;
	s6 =	simm.s32 $0x108;
	_ =	swait.ge @!p0 [sflag:s8], $0x0  }
0x24: {  	s3 =	sadd.s32 $0x88, s3;
	s6 =	simm.s32 @!p1 $0x1082;
	[sflag:s4] =	ssyncset.s32 $0xFFFFF086  }
0x25: {  	[simem:s6], [sflag:s4] =	dma.local [hbm:s3], $0xF7A  }
0x26: {  	[smem:$0x3F8D] =	sst s1;
	(tag) =	ssettag s2;
	_ =	strace s9  }
0x27: {  	s1 =	sld [smem:$0x3F9D]  }
0x28: {  	s2 =	sld [smem:$0x3F9E]  }
0x29: {  	s4 =	sld [smem:$0x3FA0]  }
0x2a: {  	p0 =	seq.s32 s5, $0x0;
	s5 =	sld [smem:$0x3FA1]  }
0x2b: {  	s6 =	sld [smem:$0x3FA2]  }
0x2c: {  	s7 =	sld [smem:$0x3FA3]  }
0x2d: {  	s3 =	simm.s32 $0x108;
	s8 =	sld [smem:$0x3FA4]  }
0x2e: {  	s3 =	simm.s32 @!p0 $0x1082;
	s9 =	sld [smem:$0x3FA5]  }
0x2f: {  	lr =	sadd.s32 s0, s3;
	s0 =	sld [smem:$0x3F9C]  }
0x30: {  	s3 =	sld [smem:$0x3F9F]  }
0x31: {  	[smem:$0x3FA8] =	sst s10  }
0x32: {  	s10 =	sld [smem:$0x3FA6];
	_ =	sdelay $0x3  }
0x33: {  	p0 =	seq.s32 s10, $0x1;
	s10 =	sld [smem:$0x3FA8];
	_ =	sdelay $0x3  }
0x34: {  	[smem:$0x3FA8] =	sst s10  }
0x35: {  	s10 =	sld [smem:$0x3FA7];
	_ =	sdelay $0x3  }
0x36: {  	p1 =	seq.s32 s10, $0x1;
	s10 =	sld [smem:$0x3FA8];
	_ =	sdelay $0x3  }
0x37: {  	[smem:$0x3FA8] =	sst s10  }
0x38: {  	s10 =	sld [smem:$0x3FA9]  }
0x39: {  	_ = 	snop;
	(pc) =	sbr.ind lr, $3  }
0x3a: {  	_ = 	snop  }
0x3b: {  	_ = 	snop  }
0x3c: {  	p2 =	seq.s32 s10, $0x1;
	s10 =	sld [smem:$0x3FA8]  }
0x3d: {  	_ =	shalt  }
0x3e: {  	_ =	shalt  }
0x3f: {  	_ =	shalt  }
0x40: {  	_ =	shalt  }
0x41: {  	_ =	shalt  }
0x42: {  	_ =	shalt  }
0x43: {  	_ =	shalt  }
0x44: {  	_ =	shalt  }
0x45: {  	_ =	shalt  }
0x46: {  	_ =	shalt  }
0x47: {  	_ =	shalt  }
0x48: {  	_ =	shalt  }
0x49: {  	_ =	shalt  }
0x4a: {  	_ =	shalt  }
0x4b: {  	_ =	shalt  }
0x4c: {  	_ =	shalt  }
0x4d: {  	_ =	shalt  }
0x4e: {  	_ =	shalt  }
0x4f: {  	_ =	shalt  }
0x50: {  	_ =	shalt  }
0x51: {  	_ =	shalt  }
0x52: {  	_ =	shalt  }
0x53: {  	_ =	shalt  }
0x54: {  	_ =	shalt  }
0x55: {  	_ =	shalt  }
0x56: {  	_ =	shalt  }
0x57: {  	_ =	shalt  }
0x58: {  	_ =	shalt  }
0x59: {  	_ =	shalt  }
0x5a: {  	_ =	shalt  }
0x5b: {  	_ =	shalt  }
0x5c: {  	_ =	shalt  }
0x5d: {  	_ =	shalt  }
0x5e: {  	_ =	shalt  }
0x5f: {  	_ =	shalt  }
0x60: {  	_ =	shalt  }
0x61: {  	_ =	shalt  }
0x62: {  	_ =	shalt  }
0x63: {  	_ =	shalt  }
0x64: {  	_ =	shalt  }
0x65: {  	_ =	shalt  }
0x66: {  	_ =	shalt  }
0x67: {  	_ =	shalt  }
0x68: {  	_ =	shalt  }
0x69: {  	_ =	shalt  }
0x6a: {  	_ =	shalt  }
0x6b: {  	_ =	shalt  }
0x6c: {  	_ =	shalt  }
0x6d: {  	_ =	shalt  }
0x6e: {  	_ =	shalt  }
0x6f: {  	_ =	shalt  }
0x70: {  	_ =	shalt  }
0x71: {  	_ =	shalt  }
0x72: {  	_ =	shalt  }
0x73: {  	_ =	shalt  }
0x74: {  	_ =	shalt  }
0x75: {  	_ =	shalt  }
0x76: {  	_ =	shalt  }
0x77: {  	_ =	shalt  }
0x78: {  	_ =	shalt  }
0x79: {  	_ =	shalt  }
0x7a: {  	_ =	shalt  }
0x7b: {  	_ =	shalt  }
0x7c: {  	_ =	shalt  }
0x7d: {  	_ =	shalt  }
0x7e: {  	_ =	shalt  }
0x7f: {  	_ =	shalt  }
0x80: {  	_ =	shalt  }
0x81: {  	_ =	shalt  }
0x82: {  	_ =	shalt  }
0x83: {  	_ =	shalt  }
0x84: {  	_ =	shalt  }
0x85: {  	_ =	shalt  }
0x86: {  	_ =	shalt  }
0x87: {  	_ =	shalt  }
.Lfunc_end0:
.L_simem_size_0:
called_computation_lowered:
.L_overlay_start_0:
0x88: {  	s2 =	sld [smem:$0x3FD9]  }
0x89: {  	s3 =	sld [smem:$0x3FFE];
	_ =	sdelay $0x1  }
0x8a: {  	s1 =	srdreg.scid  }
0x8b: {  	s0 =	sand.u32 $0x1, s1  }
0x8c: {  	s14 =	sshll.u32 s0, $0xA;
	s2 =	sadd.s32 s3, s2  }
0x8d: {  	s2 =	sadd.s32 s2, s14  }
0x8e: {  	[smem:$0x3FB4] =	sst s2  }
0x8f: {  	_ = 	snop  }
0x90: {  	s2 =	sld [smem:$0x3FD0];
	_ =	sdelay $0x2  }
0x91: {  	s4 =	simm.s32 $0xA;
	s5 =	simm.s32 $0x10;
	s15 =	sld [smem:$0x3FC9]  }
0x92: {  	[smem:s5], [sflag:s4] =	dma.local [hbm:s2], $0x1  }
0x93: {  	_ =	swait.eq [sflag:s4], $0x1  }
0x94: {  	[sflag:s4] =	ssyncset.done $0x0  }
0x95: {  	[sflag:s4] =	ssyncadd.s32 $0xFFFFFFFF  }
0x96: {  	s16 =	sld [smem:$0x12];
	(tm) =	ssettm $0x1  }
0x97: {  	s17 =	sld [smem:$0x3FFB];
	_ =	sdelay $0x3  }
0x98: {  	_ =	strace s17  }
0x99: {  	s4 =	sld [smem:$0x3FFC];
	_ =	sdelay $0x3  }
0x9a: {  	_ =	strace s4  }
0x9b: {  	s4 =	sld [smem:$0x3FFD];
	_ =	sdelay $0x3  }
0x9c: {  	_ =	strace s4  }
0x9d: {  	_ =	strace $0x8FFFFFFF  }
0x9e: {  	s18 =	sld [smem:$0x3FDB];
	_ =	sdelay $0x1  }
0x9f: {  	s19 =	simm.s32 $_scs_section_size  }
0xa0: {  	s6 =	simm.s32 $_size__tile_overlayer_lowered;
	s7 =	simm.s32 $_tile_overlayer_lowered  }
0xa1: {  	s22 =	simm.s32 $0x1BFF;
	s21 =	sshll.u32 s7, $0x1;
	s4 =	sadd.s32 s19, s18  }
0xa2: {  	s8 =	simm.s32 $0x0;
	s20 =	sshll.u32 s6, $0x1;
	s6 =	sadd.s32 s21, s4  }
0xa3: {  	[timem:s8], [sflag:s22] =	dma.local [hbm:s6], s20  }
0xa4: {  	_ =	swait.ge [sflag:s22], s20  }
0xa5: {  	s5 =	ssub.s32 $0x0, s20;
	[sflag:s22] =	ssyncset.done $0x0  }
0xa6: {  	[sflag:s22] =	ssyncadd.s32 s5;
	_ =	sdelay $0x1  }
0xa7: {  	s23 =	simm.s32 $0x1B8B  }
0xa8: {  	_ =	swait.ge [sflag:s23], $0x1  }
0xa9: {  	[sflag:s23] =	ssyncset.done $0x0  }
0xaa: {  	s25 =	simm.s32 $0x1B8E;
	s24 =	sld [smem:$0x3FFE];
	[sflag:s23] =	ssyncadd.s32 $0xFFFFFFFF  }
0xab: {  	s26 =	simm.s32 $execute0_lowered;
	[smem:$0x3FD2] =	sst s25  }
0xac: {  	s6 =	sshll.u32 s26, $0x1;
	_ =	strace $0x80000046;
	[dreg:$0x1] =	wrdreg $0xFFFFFFFF  }
0xad: {  	s28 =	simm.s32 $_size_execute0_lowered;
	s4 =	sadd.s32 s4, s6;
	[dreg:$0x0] =	wrdreg $0x0  }
0xae: {  	s6 =	sshll.u32 s28, $0x1;
	[dreg:$0x2] =	wrdreg s4  }
0xaf: {  	[dreg:$0x3] =	wrdreg s6  }
0xb0: {  	[dreg:$0x4] =	wrdreg $0xC0  }
0xb1: {  	_ =	task [dreg:s8], $0x5FFFF  }
0xb2: {  	[dreg:$0x1] =	wrdreg $0xFFFFFFFF  }
0xb3: {  	[dreg:$0x0] =	wrdreg $0x60  }
0xb4: {  	[dreg:$0x2] =	wrdreg s15  }
0xb5: {  	[dreg:$0x3] =	wrdreg s16  }
0xb6: {  	[dreg:$0x4] =	wrdreg s24  }
0xb7: {  	[dreg:$0x5] =	wrdreg $0x80000  }
0xb8: {  	[dreg:$0x6] =	wrdreg $0x9  }
0xb9: {  	_ =	task.clear_ibuf [dreg:s8], $0x7FFFF;
	_ =	strace $0x90000046  }
0xba: {  	s29 =	simm.s32 $0x9;
	_ =	strace $0x80000048  }
0xbb: {  	_ =	swait.ge [sflag:s29], $0x1  }
0xbc: {  	[sflag:s29] =	ssyncadd.s32 $0xFFFFFFFF  }
0xbd: {  	_ =	strace $0x90000048  }
0xbe: {  	_ =	sfence  }
0xbf: {  	s30 =	sld [smem:$0x0];
	_ =	sdelay $0x2  }
0xc0: {  	s31 =	sshll.u32 s1, $0xD;
	s1 =	sshrl.u32 s1, $0x2  }
0xc1: {  	s3 =	sand.u32 $0x4000, s31;
	s1 =	sadd.s32 s1, s30  }
0xc2: {  	s0 =	sor.u32 s3, s0;
	s1 =	sshll.u32 s1, $0x11  }
0xc3: {  	s0 =	sor.u32 s1, s0  }
0xc4: {  	s0 =	sadd.s32 $0x8F2B, s0  }
0xc5: {  	[sflag:s0] =	ssyncadd.remote.s32 $0x1  }
0xc6: {  	_ =	sfence.sel $0xFFFF  }
0xc7: {  	[dreg:$0x0] =	wrdreg $0xFFFFFFFF;
	(pc) =	sbr.abs _section_cstart, $3  }
0xc8: {  	[dreg:$0x1] =	wrdreg $0xFFFFFFFF  }
0xc9: {  	_ =	task.clear_ibuf [dreg:s8], $0x2FFFF;
	_ =	strace $0x9FFFFFFF  }
0xca: {  	(tm) =	ssettm $0x7FFFFFFF  }
0xcb: {  	_ =	shalt  }
tec
execute0_lowered:
.L_overlay_start_1:
0x0: {  	(tag) =	ssettag $0x1  }
0x1: {  	s1 =	rddreg [dreg:$0x0]  }
0x2: {  	s9 =	rddreg [dreg:$0x1]  }
0x3: {  	s0 =	rddreg [dreg:$0x2]  }
0x4: {  	s4 =	rddreg [dreg:$0x3];
	s10 =	stileid.u32  }
0x5: {  	s2 =	srdreg.scid;
	s3 =	smul.u32 $0x2800, s10  }
0x6: {  	s6 =	simm.s32 $0x0;
	s2 =	sand.u32 $0x1, s2;
	s8 =	smul.u32 $0x50000, s10  }
0x7: {  	[smem:$0x7FF] =	sst s6;
	s6 =	sadd.s32 $0x4600, s0;
	s13 =	smul.u32 $0x2760, s10  }
0x8: {  	s5 =	sshll.u32 s2, $0x4;
	s25 =	smul.u32 $0x28000, s2;
	_ =	strace $0x80000047  }
0x9: {  	s7 =	ssub.s32 $0x2, s2;
	s2 =	smul.u32 $0x27600, s2;
	s30 =	sshrl.u32 s8, $0x2  }
0xa: {  	s26 =	sshrl.u32 s7, $0x1;
	s3 =	sadd.s32 s3, s25;
	s18 =	sadd.s32 s30, s4  }
0xb: {  	s2 =	sadd.s32 s13, s2;
	s0 =	sadd.s32 s3, s0;
	s3 =	ssub.s32 s7, s26  }
0xc: {  	s19 =	sadd.s32 $0x180, s2;
	s22 =	sadd.s32 $0x150, s2;
	s24 =	sadd.s32 $0x120, s2  }
0xd: {  	s26 =	sadd.s32 $0xC0, s2;
	s2 =	sadd.s32 $0xF0, s2;
	[dreg:$0x5] =	wrdreg s18  }
0xe: {  	s5 =	sor.u32 s10, s5;
	s10 =	sadd.s32 $0x8000, s18;
	[dreg:$0x13] =	wrdreg s2  }
0xf: {  	s13 =	sadd.s32 $0xB000, s18;
	[dreg:$0x1b] =	wrdreg s10  }
0x10: {  	s5 =	smul.u32 $0x2760, s5;
	s0 =	sadd.s32 $0xE400, s0;
	[dreg:$0x1e] =	wrdreg s13  }
0x11: {  	s3 =	smax.u32 s3, $0x1;
	[dreg:$0xe] =	wrdreg s0  }
0x12: {  	s5 =	sshrl.u32 s5, $0x3;
	s2 =	sadd.s32 $0x1000, s18;
	[dreg:$0xf] =	wrdreg s3  }
0x13: {  	s20 =	sshrl.u32 s19, $0x3;
	s19 =	sadd.s32 $0x10000, s18;
	[dreg:$0x14] =	wrdreg s2  }
0x14: {  	s8 =	sadd.s32 s9, s5;
	[smem:$0x7FA] =	sst s19  }
0x15: {  	s11 =	sadd.s32 s6, s5;
	[dreg:$0x6] =	wrdreg s8  }
0x16: {  	s28 =	simm.s32 $0x3;
	s21 =	sadd.s32 s20, s6;
	[dreg:$0x7] =	wrdreg s11  }
0x17: {  	s23 =	sshrl.u32 s22, $0x3;
	s0 =	sadd.s32 s20, s9;
	[dreg:$0x10] =	wrdreg s21  }
0x18: {  	s12 =	sadd.s32 $0x6, s5;
	s25 =	sadd.s32 s23, s6;
	[dreg:$0x11] =	wrdreg s0  }
0x19: {  	s3 =	sshrl.u32 s24, $0x3;
	s24 =	sadd.s32 $0x12000, s18;
	[dreg:$0x12] =	wrdreg s25  }
0x1a: {  	s29 =	simm.s32 $0x6;
	s14 =	sadd.s32 s9, s12;
	[smem:$0x7FC] =	sst s24  }
0x1b: {  	s15 =	sadd.s32 $0xC, s5;
	s7 =	sadd.s32 s6, s12;
	[dreg:$0x8] =	wrdreg s14  }
0x1c: {  	s5 =	sadd.s32 $0x12, s5;
	s16 =	sadd.s32 s9, s15;
	[dreg:$0x9] =	wrdreg s7  }
0x1d: {  	s31 =	simm.s32 $0x6800;
	s17 =	sadd.s32 s9, s5;
	[dreg:$0xa] =	wrdreg s16  }
0x1e: {  	s30 =	sshrl.u32 s26, $0x3;
	s5 =	sadd.s32 s6, s5;
	[dreg:$0xc] =	wrdreg s17  }
0x1f: {  	s0 =	sadd.s32 s23, s9;
	s22 =	sadd.s32 s3, s6;
	[dreg:$0xd] =	wrdreg s5  }
0x20: {  	s23 =	sadd.s32 s3, s9;
	s3 =	sadd.s32 $0x2000, s18;
	[smem:$0x7F6] =	sst s0  }
0x21: {  	s13 =	simm.s32 $0x5000;
	s8 =	sadd.s32 $0x6000, s18;
	[dreg:$0x15] =	wrdreg s3  }
0x22: {  	s26 =	sadd.s32 s30, s9;
	s9 =	sadd.s32 $0x7000, s18;
	[dreg:$0x19] =	wrdreg s8  }
0x23: {  	s10 =	simm.s32 $0xE;
	s11 =	sadd.s32 $0x9000, s18;
	[dreg:$0x1a] =	wrdreg s9  }
0x24: {  	s20 =	smov.u32 s6;
	s12 =	sadd.s32 $0xA000, s18;
	[dreg:$0x1c] =	wrdreg s11  }
0x25: {  	s2 =	simm.s32 $0x5;
	s21 =	sadd.s32 $0x11000, s18;
	[dreg:$0x1d] =	wrdreg s12  }
0x26: {  	s25 =	sadd.s32 s30, s6;
	s30 =	sadd.s32 $0x13000, s18;
	[smem:$0x7FB] =	sst s21  }
0x27: {  	s24 =	simm.s32 $0x3800;
	s7 =	sadd.s32 s6, s15;
	[smem:$0x7FD] =	sst s30  }
0x28: {  	s5 =	sadd.s32 $0x3000, s18;
	s6 =	sadd.s32 $0x4000, s18;
	[dreg:$0xb] =	wrdreg s7  }
0x29: {  	s14 =	sadd.s32 $0xC000, s18;
	s15 =	sadd.s32 $0xD000, s18;
	[dreg:$0x16] =	wrdreg s5  }
0x2a: {  	s16 =	sadd.s32 $0xE000, s18;
	s17 =	sadd.s32 $0xF000, s18;
	[dreg:$0x17] =	wrdreg s6  }
0x2b: {  	s12 =	simm.s32 $0x10;
	s0 =	simm.s32 $0x600;
	[dreg:$0x1f] =	wrdreg s14  }
0x2c: {  	s3 =	simm.s32 $0x8;
	s8 =	simm.s32 $0x9;
	[smem:$0x7F7] =	sst s15  }
0x2d: {  	s9 =	simm.s32 $0xA;
	s11 =	simm.s32 $0xF;
	[smem:$0x7F8] =	sst s16  }
0x2e: {  	s21 =	simm.s32 $0x800;
	s7 =	sadd.s32 $0x5000, s18;
	[smem:$0x7F9] =	sst s17  }
0x2f: {  	s14 =	simm.s32 $0x30;
	s17 =	simm.s32 $0x200;
	s15 =	simm.s32 $0x7  }
0x30: {  	v0 =	vimm.f32 $0.0e+00;
	s16 =	simm.s32 $0x0;
	[dreg:$0x18] =	wrdreg s7;
	s7 =	simm.s32 $0x4  }
.LBB2_1:
0x31: {  	s6 =	simm.s32 $0x0  }
0x32: {  	s5 =	sand.u32 $0x7E00, s6  }
0x33: {  	[smem:$0x7F5] =	sst s16;
	s19 =	sand.u32 $0x70, s6;
	s30 =	sshrl.u32 s5, $0x2  }
0x34: {  	s16 =	simm.s32 $0x0;
	s5 =	simm.s32 $0x40;
	s30 =	sor.u32 s19, s30  }
.LBB2_2:
0x35: {  	p0 =	sne.s32 s5, $0x5FC0  }
0x36: {  	[tilespmem:s30+$0x800] =	vst v0;
	s16 =	sadd.s32 $0x10, s16;
	s30 =	smov.u32 s5;
	s5 =	sadd.s32 $0x40, s5  }
.Ltmp0:
0x37: {  	(pc) =	sbr.rel @p0 .LBB2_2-.Ltmp0, $4  }
0x38: {  	_ = 	snop  }
0x39: {  	s30 =	sand.u32 $0x7E00, s30  }
0x3a: {  	s6 =	sand.u32 $0x70, s16;
	s30 =	sshrl.u32 s30, $0x2  }
0x3b: {  	s30 =	sor.u32 s6, s30  }
0x3c: {  	[tilespmem:s30+$0x800] =	vst v0;
	s6 =	simm.s32 $0x800;
	s5 =	rddreg [dreg:$0x14]  }
0x3d: {  	[spmem:s18] =	stream.linear.scatter [tilespmem:s6], [sflag:$0x10], $0x1000, $0x38;
	[tilespmem:$0x1C000] =	vst v63  }
0x3e: {  	s19 =	rddreg [dreg:$0x15]  }
0x3f: {  	[spmem:s5] =	stream.linear.scatter [tilespmem:s6], [sflag:$0x10], $0x1000, $0x38;
	[tilespmem:$0x1C000] =	vst v63  }
0x40: {  	s16 =	rddreg [dreg:$0x16]  }
0x41: {  	[spmem:s19] =	stream.linear.scatter [tilespmem:s6], [sflag:$0x10], $0x1000, $0x38;
	[tilespmem:$0x1C000] =	vst v63  }
0x42: {  	s18 =	rddreg [dreg:$0x17]  }
0x43: {  	[spmem:s16] =	stream.linear.scatter [tilespmem:s6], [sflag:$0x10], $0x1000, $0x38;
	[tilespmem:$0x1C000] =	vst v63  }
0x44: {  	s19 =	rddreg [dreg:$0x18]  }
0x45: {  	[spmem:s18] =	stream.linear.scatter [tilespmem:s6], [sflag:$0x10], $0x1000, $0x38;
	[tilespmem:$0x1C000] =	vst v63  }
0x46: {  	s16 =	rddreg [dreg:$0x19]  }
0x47: {  	[spmem:s19] =	stream.linear.scatter [tilespmem:s6], [sflag:$0x10], $0x1000, $0x38;
	[tilespmem:$0x1C000] =	vst v63  }
0x48: {  	s18 =	rddreg [dreg:$0x1a]  }
0x49: {  	[spmem:s16] =	stream.linear.scatter [tilespmem:s6], [sflag:$0x10], $0x1000, $0x38;
	[tilespmem:$0x1C000] =	vst v63  }
0x4a: {  	s19 =	rddreg [dreg:$0x1b]  }
0x4b: {  	[spmem:s18] =	stream.linear.scatter [tilespmem:s6], [sflag:$0x10], $0x1000, $0x38;
	[tilespmem:$0x1C000] =	vst v63  }
0x4c: {  	s16 =	rddreg [dreg:$0x1c]  }
0x4d: {  	[spmem:s19] =	stream.linear.scatter [tilespmem:s6], [sflag:$0x10], $0x1000, $0x38;
	[tilespmem:$0x1C000] =	vst v63  }
0x4e: {  	s18 =	rddreg [dreg:$0x1d]  }
0x4f: {  	[spmem:s16] =	stream.linear.scatter [tilespmem:s6], [sflag:$0x10], $0x1000, $0x38;
	[tilespmem:$0x1C000] =	vst v63  }
0x50: {  	s19 =	rddreg [dreg:$0x1e]  }
0x51: {  	[spmem:s18] =	stream.linear.scatter [tilespmem:s6], [sflag:$0x10], $0x1000, $0x38;
	[tilespmem:$0x1C000] =	vst v63  }
0x52: {  	s16 =	rddreg [dreg:$0x1f]  }
0x53: {  	[spmem:s19] =	stream.linear.scatter [tilespmem:s6], [sflag:$0x10], $0x1000, $0x38;
	[tilespmem:$0x1C000] =	vst v63  }
0x54: {  	s18 =	sld [smem:$0x7F7]  }
0x55: {  	[spmem:s16] =	stream.linear.scatter [tilespmem:s6], [sflag:$0x10], $0x1000, $0x38;
	[tilespmem:$0x1C000] =	vst v63  }
0x56: {  	s19 =	sld [smem:$0x7F8]  }
0x57: {  	[spmem:s18] =	stream.linear.scatter [tilespmem:s6], [sflag:$0x10], $0x1000, $0x38;
	[tilespmem:$0x1C000] =	vst v63  }
0x58: {  	s16 =	sld [smem:$0x7F9]  }
0x59: {  	[spmem:s19] =	stream.linear.scatter [tilespmem:s6], [sflag:$0x10], $0x1000, $0x38;
	[tilespmem:$0x1C000] =	vst v63  }
0x5a: {  	s18 =	sld [smem:$0x7FA]  }
0x5b: {  	[spmem:s16] =	stream.linear.scatter [tilespmem:s6], [sflag:$0x10], $0x1000, $0x38;
	[tilespmem:$0x1C000] =	vst v63  }
0x5c: {  	s19 =	sld [smem:$0x7FB]  }
0x5d: {  	[spmem:s18] =	stream.linear.scatter [tilespmem:s6], [sflag:$0x10], $0x1000, $0x38;
	[tilespmem:$0x1C000] =	vst v63  }
0x5e: {  	s16 =	sld [smem:$0x7FC]  }
0x5f: {  	[spmem:s19] =	stream.linear.scatter [tilespmem:s6], [sflag:$0x10], $0x1000, $0x38;
	[tilespmem:$0x1C000] =	vst v63  }
0x60: {  	s18 =	sld [smem:$0x7FD]  }
0x61: {  	[spmem:s16] =	stream.linear.scatter [tilespmem:s6], [sflag:$0x10], $0x1000, $0x38;
	[tilespmem:$0x1C000] =	vst v63  }
0x62: {  	_ = 	snop  }
0x63: {  	[spmem:s18] =	stream.linear.scatter [tilespmem:s6], [sflag:$0x10], $0x1000, $0x38;
	[tilespmem:$0x1C000] =	vst v63  }
0x64: {  	s19 =	rddreg [dreg:$0x6];
	s16 =	simm.s32 $0x0  }
0x65: {  	[tilespmem:s16], [sflag:$0x1] =	stream.linear.gather [hbm4b:s19+s16], $0x30, $0x38;
	[tilespmem:$0x1C000] =	vst v63  }
0x66: {  	s18 =	rddreg [dreg:$0x7];
	s19 =	simm.s32 $0x400  }
0x67: {  	[tilespmem:s19], [sflag:$0x1] =	stream.linear.gather [hbm4b:s18+s16], $0x30, $0x38;
	[tilespmem:$0x1C000] =	vst v63  }
0x68: {  	s19 =	rddreg [dreg:$0x8];
	s18 =	simm.s32 $0x80  }
0x69: {  	[tilespmem:s18], [sflag:$0x2] =	stream.linear.gather [hbm4b:s19+s16], $0x30, $0x38;
	[tilespmem:$0x1C000] =	vst v63  }
0x6a: {  	s5 =	rddreg [dreg:$0x9];
	s19 =	simm.s32 $0x480  }
0x6b: {  	[tilespmem:s19], [sflag:$0x2] =	stream.linear.gather [hbm4b:s5+s16], $0x30, $0x38;
	[tilespmem:$0x1C000] =	vst v63  }
0x6c: {  	s5 =	rddreg [dreg:$0xa];
	s19 =	simm.s32 $0x100  }
0x6d: {  	[tilespmem:s19], [sflag:$0x3] =	stream.linear.gather [hbm4b:s5+s16], $0x30, $0x38;
	[tilespmem:$0x1C000] =	vst v63  }
0x6e: {  	s5 =	rddreg [dreg:$0xb];
	s19 =	simm.s32 $0x500  }
0x6f: {  	[tilespmem:s19], [sflag:$0x3] =	stream.linear.gather [hbm4b:s5+s16], $0x30, $0x38;
	[tilespmem:$0x1C000] =	vst v63  }
0x70: {  	s5 =	rddreg [dreg:$0xc];
	s19 =	simm.s32 $0x180  }
0x71: {  	[tilespmem:s19], [sflag:$0x4] =	stream.linear.gather [hbm4b:s5+s16], $0x30, $0x38;
	[tilespmem:$0x1C000] =	vst v63  }
0x72: {  	s5 =	rddreg [dreg:$0xd];
	s19 =	simm.s32 $0x580  }
0x73: {  	[tilespmem:s19], [sflag:$0x4] =	stream.linear.gather [hbm4b:s5+s16], $0x30, $0x38;
	[tilespmem:$0x1C000] =	vst v63  }
0x74: {  	_ =	swait.ge [sflag:s12], $0x1000  }
0x75: {  	[sflag:s12] =	ssyncset.done $0x0  }
0x76: {  	[sflag:s12] =	ssyncadd.s32 $0xFFFFF000  }
0x77: {  	_ =	swait.ge [sflag:s12], $0x1000  }
0x78: {  	[sflag:s12] =	ssyncset.done $0x0  }
0x79: {  	[sflag:s12] =	ssyncadd.s32 $0xFFFFF000  }
0x7a: {  	_ =	swait.ge [sflag:s12], $0x1000  }
0x7b: {  	[sflag:s12] =	ssyncset.done $0x0  }
0x7c: {  	[sflag:s12] =	ssyncadd.s32 $0xFFFFF000  }
0x7d: {  	_ =	swait.ge [sflag:s12], $0x1000  }
0x7e: {  	[sflag:s12] =	ssyncset.done $0x0  }
0x7f: {  	[sflag:s12] =	ssyncadd.s32 $0xFFFFF000  }
0x80: {  	_ =	swait.ge [sflag:s12], $0x1000  }
0x81: {  	[sflag:s12] =	ssyncset.done $0x0  }
0x82: {  	[sflag:s12] =	ssyncadd.s32 $0xFFFFF000  }
0x83: {  	_ =	swait.ge [sflag:s12], $0x1000  }
0x84: {  	[sflag:s12] =	ssyncset.done $0x0  }
0x85: {  	[sflag:s12] =	ssyncadd.s32 $0xFFFFF000  }
0x86: {  	_ =	swait.ge [sflag:s12], $0x1000  }
0x87: {  	[sflag:s12] =	ssyncset.done $0x0  }
0x88: {  	[sflag:s12] =	ssyncadd.s32 $0xFFFFF000  }
0x89: {  	_ =	swait.ge [sflag:s12], $0x1000  }
0x8a: {  	[sflag:s12] =	ssyncset.done $0x0  }
0x8b: {  	[sflag:s12] =	ssyncadd.s32 $0xFFFFF000  }
0x8c: {  	_ =	swait.ge [sflag:s12], $0x1000  }
0x8d: {  	[sflag:s12] =	ssyncset.done $0x0  }
0x8e: {  	[sflag:s12] =	ssyncadd.s32 $0xFFFFF000  }
0x8f: {  	_ =	swait.ge [sflag:s12], $0x1000  }
0x90: {  	[sflag:s12] =	ssyncset.done $0x0  }
0x91: {  	[sflag:s12] =	ssyncadd.s32 $0xFFFFF000  }
0x92: {  	_ =	swait.ge [sflag:s12], $0x1000  }
0x93: {  	[sflag:s12] =	ssyncset.done $0x0  }
0x94: {  	[sflag:s12] =	ssyncadd.s32 $0xFFFFF000  }
0x95: {  	_ =	swait.ge [sflag:s12], $0x1000  }
0x96: {  	[sflag:s12] =	ssyncset.done $0x0  }
0x97: {  	[sflag:s12] =	ssyncadd.s32 $0xFFFFF000  }
0x98: {  	_ =	swait.ge [sflag:s12], $0x1000  }
0x99: {  	[sflag:s12] =	ssyncset.done $0x0  }
0x9a: {  	[sflag:s12] =	ssyncadd.s32 $0xFFFFF000  }
0x9b: {  	_ =	swait.ge [sflag:s12], $0x1000  }
0x9c: {  	[sflag:s12] =	ssyncset.done $0x0  }
0x9d: {  	[sflag:s12] =	ssyncadd.s32 $0xFFFFF000  }
0x9e: {  	_ =	swait.ge [sflag:s12], $0x1000  }
0x9f: {  	[sflag:s12] =	ssyncset.done $0x0  }
0xa0: {  	[sflag:s12] =	ssyncadd.s32 $0xFFFFF000  }
0xa1: {  	_ =	swait.ge [sflag:s12], $0x1000  }
0xa2: {  	[sflag:s12] =	ssyncset.done $0x0  }
0xa3: {  	[sflag:s12] =	ssyncadd.s32 $0xFFFFF000  }
0xa4: {  	_ =	swait.ge [sflag:s12], $0x1000  }
0xa5: {  	[sflag:s12] =	ssyncset.done $0x0  }
0xa6: {  	[sflag:s12] =	ssyncadd.s32 $0xFFFFF000  }
0xa7: {  	_ =	swait.ge [sflag:s12], $0x1000  }
0xa8: {  	[sflag:s12] =	ssyncset.done $0x0  }
0xa9: {  	[sflag:s12] =	ssyncadd.s32 $0xFFFFF000  }
0xaa: {  	_ =	swait.ge [sflag:s12], $0x1000  }
0xab: {  	[sflag:s12] =	ssyncset.done $0x0  }
0xac: {  	[sflag:s12] =	ssyncadd.s32 $0xFFFFF000  }
0xad: {  	_ =	swait.ge [sflag:s12], $0x1000  }
0xae: {  	[sflag:s12] =	ssyncset.done $0x0  }
0xaf: {  	s19 =	simm.s32 $0x1;
	[sflag:s12] =	ssyncadd.s32 $0xFFFFF000  }
0xb0: {  	_ =	swait.ge [sflag:s19], $0x30  }
0xb1: {  	[sflag:s19] =	ssyncset.done $0x0  }
0xb2: {  	[sflag:s19] =	ssyncadd.s32 $0xFFFFFFD0  }
0xb3: {  	_ =	swait.ge [sflag:s19], $0x30  }
0xb4: {  	[sflag:s19] =	ssyncset.done $0x0  }
0xb5: {  	[sflag:s19] =	ssyncadd.s32 $0xFFFFFFD0  }
0xb6: {  	[tilespmem:s6], [sflag:$0x6] =	stream.indirect.gather [hbm4b:s1+s14], $0x80, s16, s14, $0xb8;
	[tilespmem:$0x1C000] =	vst v63  }
0xb7: {  	s6 =	simm.s32 $0x2  }
0xb8: {  	_ =	swait.ge [sflag:s6], $0x30  }
0xb9: {  	[sflag:s6] =	ssyncset.done $0x0  }
0xba: {  	[sflag:s6] =	ssyncadd.s32 $0xFFFFFFD0  }
0xbb: {  	_ =	swait.ge [sflag:s6], $0x30  }
0xbc: {  	[sflag:s6] =	ssyncset.done $0x0  }
0xbd: {  	s19 =	simm.s32 $0x2000;
	[sflag:s6] =	ssyncadd.s32 $0xFFFFFFD0  }
0xbe: {  	[tilespmem:s19], [sflag:$0x7] =	stream.indirect.gather [hbm4b:s1+s14], $0x80, s18, s14, $0xb8;
	[tilespmem:$0x1C000] =	vst v63  }
0xbf: {  	[bflag:$0x0] =	sbarrier.arrive $0xFFFF  }
0xc0: {  	s30 =	rddreg [dreg:$0x13]  }
.LBB2_4:
0xc1: {  	s5 =	sadd.s32 s16, s26;
	s6 =	simm.s32 $0x0;
	p0 =	seq.s32 s16, $0x0  }
0xc2: {  	[tilespmem:s17], [sflag:$0x5] =	stream.linear.gather [hbm4b:s5+s6], $0x30, $0x38;
	[tilespmem:$0x1C000] =	vst v63  }
0xc3: {  	s19 =	sadd.s32 s16, s25;
	s5 =	simm.s32 @!p0 $0xD  }
0xc4: {  	[tilespmem:s0], [sflag:$0x5] =	stream.linear.gather [hbm4b:s19+s6], $0x30, $0x38;
	[tilespmem:$0x1C000] =	vst v63  }
0xc5: {  	_ =	swait.ge @!p0 [sflag:s5], $0x1800  }
0xc6: {  	[sflag:s5] =	ssyncset.done @!p0 $0x0  }
0xc7: {  	[sflag:s5] =	ssyncadd.s32 @!p0 $0xFFFFE800  }
0xc8: {  	_ =	swait.ge [sflag:s28], $0x30  }
0xc9: {  	[sflag:s28] =	ssyncset.done $0x0  }
0xca: {  	[sflag:s28] =	ssyncadd.s32 $0xFFFFFFD0  }
0xcb: {  	_ =	swait.ge [sflag:s28], $0x30  }
0xcc: {  	[sflag:s28] =	ssyncset.done $0x0  }
0xcd: {  	s6 =	simm.s32 $0x100;
	[sflag:s28] =	ssyncadd.s32 $0xFFFFFFD0  }
0xce: {  	[tilespmem:s24], [sflag:$0x8] =	stream.indirect.gather [hbm4b:s1+s14], $0x80, s6, s14, $0xb8;
	[tilespmem:$0x1C000] =	vst v63  }
0xcf: {  	_ =	swait.ge [sflag:s29], $0x1800  }
0xd0: {  	[sflag:s29] =	ssyncset.done $0x0  }
0xd1: {  	s18 =	simm.s32 $0x400;
	p0 =	seq.s32 s16, $0x4CE;
	[sflag:s29] =	ssyncadd.s32 $0xFFFFE800  }
0xd2: {  	[spmem:s4] =	stream.indirect.scatter.add.f32 [tilespmem:s21], [sflag:$0xB], $0x80, s18, s14, $0xb8;
	[tilespmem:$0x1C000] =	vst v63  }
0xd3: {  	s6 =	sshrl.u32 @!p0 s30, $0x3;
	s5 =	rddreg [dreg:$0x1]  }
0xd4: {  	p1 =	seq.s32 @!p0 s16, $0x0;
	s18 =	sadd.s32 @!p0 s5, s6;
	s5 =	simm.s32 @!p0 $0x0  }
0xd5: {  	[tilespmem:s5], [sflag:$0x1] =	stream.linear.gather @!p0 [hbm4b:s18+s5], $0x30, $0x38;
	[tilespmem:$0x1C000] =	vst v63  }
0xd6: {  	p1 =	por p0, !p1;
	s6 =	sadd.s32 @!p0 s20, s6;
	s18 =	simm.s32 @!p0 $0x400  }
0xd7: {  	[tilespmem:s18], [sflag:$0x1] =	stream.linear.gather @!p0 [hbm4b:s6+s5], $0x30, $0x38;
	[tilespmem:$0x1C000] =	vst v63  }
0xd8: {  	_ =	swait.ge @p1 [sflag:s10], $0x1800  }
0xd9: {  	[sflag:s10] =	ssyncset.done @p1 $0x0  }
0xda: {  	[sflag:s10] =	ssyncadd.s32 @p1 $0xFFFFE800  }
0xdb: {  	_ =	swait.ge [sflag:s7], $0x30  }
0xdc: {  	[sflag:s7] =	ssyncset.done $0x0  }
0xdd: {  	[sflag:s7] =	ssyncadd.s32 $0xFFFFFFD0  }
0xde: {  	_ =	swait.ge [sflag:s7], $0x30  }
0xdf: {  	[sflag:s7] =	ssyncset.done $0x0  }
0xe0: {  	s19 =	simm.s32 $0x180;
	[sflag:s7] =	ssyncadd.s32 $0xFFFFFFD0  }
0xe1: {  	[tilespmem:s13], [sflag:$0x9] =	stream.indirect.gather [hbm4b:s1+s14], $0x80, s19, s14, $0xb8;
	[tilespmem:$0x1C000] =	vst v63  }
0xe2: {  	_ =	swait.ge [sflag:s15], $0x1800  }
0xe3: {  	[sflag:s15] =	ssyncset.done $0x0  }
0xe4: {  	s18 =	simm.s32 $0x480;
	s19 =	simm.s32 $0x2000;
	[sflag:s15] =	ssyncadd.s32 $0xFFFFE800  }
0xe5: {  	[spmem:s4] =	stream.indirect.scatter.add.f32 [tilespmem:s19], [sflag:$0xC], $0x80, s18, s14, $0xb8;
	[tilespmem:$0x1C000] =	vst v63  }
0xe6: {  	s6 =	sadd.s32 @!p0 s16, s23;
	s18 =	simm.s32 @!p0 $0x80  }
0xe7: {  	[tilespmem:s18], [sflag:$0x2] =	stream.linear.gather @!p0 [hbm4b:s6+s5], $0x30, $0x38;
	[tilespmem:$0x1C000] =	vst v63  }
0xe8: {  	s6 =	sadd.s32 @!p0 s16, s22;
	s18 =	simm.s32 @!p0 $0x480  }
0xe9: {  	[tilespmem:s18], [sflag:$0x2] =	stream.linear.gather @!p0 [hbm4b:s6+s5], $0x30, $0x38;
	[tilespmem:$0x1C000] =	vst v63  }
0xea: {  	_ =	swait.ge @p1 [sflag:s11], $0x1800  }
0xeb: {  	[sflag:s11] =	ssyncset.done @p1 $0x0  }
0xec: {  	[sflag:s11] =	ssyncadd.s32 @p1 $0xFFFFE800  }
0xed: {  	_ =	swait.ge [sflag:s2], $0x30  }
0xee: {  	[sflag:s2] =	ssyncset.done $0x0  }
0xef: {  	[sflag:s2] =	ssyncadd.s32 $0xFFFFFFD0  }
0xf0: {  	_ =	swait.ge [sflag:s2], $0x30  }
0xf1: {  	[sflag:s2] =	ssyncset.done $0x0  }
0xf2: {  	[sflag:s2] =	ssyncadd.s32 $0xFFFFFFD0  }
0xf3: {  	[tilespmem:s31], [sflag:$0xA] =	stream.indirect.gather [hbm4b:s1+s14], $0x80, s17, s14, $0xb8;
	[tilespmem:$0x1C000] =	vst v63  }
0xf4: {  	_ =	swait.ge [sflag:s3], $0x1800  }
0xf5: {  	[sflag:s3] =	ssyncset.done $0x0;
	s5 =	sld [smem:$0x7F6]  }
0xf6: {  	p0 =	sne.s32 s16, $0x4CE;
	s18 =	simm.s32 $0x500;
	[sflag:s3] =	ssyncadd.s32 $0xFFFFE800  }
0xf7: {  	[spmem:s4] =	stream.indirect.scatter.add.f32 [tilespmem:s24], [sflag:$0xD], $0x80, s18, s14, $0xb8;
	[tilespmem:$0x1C000] =	vst v63  }
0xf8: {  	s6 =	simm.s32 @p0 $0x0;
	s18 =	simm.s32 @p0 $0x100;
	s5 =	sadd.s32 @p0 s16, s5  }
0xf9: {  	[tilespmem:s18], [sflag:$0x3] =	stream.linear.gather @p0 [hbm4b:s5+s6], $0x30, $0x38;
	[tilespmem:$0x1C000] =	vst v63  }
0xfa: {  	s5 =	rddreg [dreg:$0x12]  }
0xfb: {  	s18 =	simm.s32 @p0 $0x500;
	s5 =	sadd.s32 @p0 s16, s5  }
0xfc: {  	[tilespmem:s18], [sflag:$0x3] =	stream.linear.gather @p0 [hbm4b:s5+s6], $0x30, $0x38;
	[tilespmem:$0x1C000] =	vst v63  }
0xfd: {  	s5 =	simm.s32 @p0 $0xB  }
0xfe: {  	_ =	swait.ge @p0 [sflag:s5], $0x1800  }
0xff: {  	[sflag:s5] =	ssyncset.done @p0 $0x0  }
0x100: {  	[sflag:s5] =	ssyncadd.s32 @p0 $0xFFFFE800;
	s5 =	simm.s32 @p0 $0x1  }
0x101: {  	_ =	swait.ge @p0 [sflag:s5], $0x30  }
0x102: {  	[sflag:s5] =	ssyncset.done @p0 $0x0  }
0x103: {  	[sflag:s5] =	ssyncadd.s32 @p0 $0xFFFFFFD0  }
0x104: {  	_ =	swait.ge @p0 [sflag:s5], $0x30  }
0x105: {  	[sflag:s5] =	ssyncset.done @p0 $0x0  }
0x106: {  	s18 =	simm.s32 @p0 $0x800;
	[sflag:s5] =	ssyncadd.s32 @p0 $0xFFFFFFD0;
	s5 =	simm.s32 @p0 $0x30  }
0x107: {  	[tilespmem:s18], [sflag:$0x6] =	stream.indirect.gather @p0 [hbm4b:s1+s5], $0x80, s6, s5, $0xb8;
	[tilespmem:$0x1C000] =	vst v63  }
0x108: {  	s18 =	simm.s32 @!p0 $0xB  }
0x109: {  	_ =	swait.ge @!p0 [sflag:s18], $0x1800  }
0x10a: {  	[sflag:s18] =	ssyncset.done @!p0 $0x0  }
0x10b: {  	[sflag:s18] =	ssyncadd.s32 @!p0 $0xFFFFE800  }
0x10c: {  	_ =	swait.ge [sflag:s8], $0x1800  }
0x10d: {  	[sflag:s8] =	ssyncset.done $0x0  }
0x10e: {  	s19 =	simm.s32 $0x580;
	s18 =	rddreg [dreg:$0x11];
	[sflag:s8] =	ssyncadd.s32 $0xFFFFE800  }
0x10f: {  	[spmem:s4] =	stream.indirect.scatter.add.f32 [tilespmem:s13], [sflag:$0xE], $0x80, s19, s14, $0xb8;
	[tilespmem:$0x1C000] =	vst v63  }
0x110: {  	s18 =	sadd.s32 @p0 s16, s18;
	s19 =	simm.s32 @p0 $0x180  }
0x111: {  	[tilespmem:s19], [sflag:$0x4] =	stream.linear.gather @p0 [hbm4b:s18+s6], $0x30, $0x38;
	[tilespmem:$0x1C000] =	vst v63  }
0x112: {  	s18 =	rddreg [dreg:$0x10]  }
0x113: {  	s19 =	simm.s32 @p0 $0x580;
	s18 =	sadd.s32 @p0 s16, s18  }
0x114: {  	[tilespmem:s19], [sflag:$0x4] =	stream.linear.gather @p0 [hbm4b:s18+s6], $0x30, $0x38;
	[tilespmem:$0x1C000] =	vst v63  }
0x115: {  	s6 =	simm.s32 @p0 $0xC  }
0x116: {  	_ =	swait.ge @p0 [sflag:s6], $0x1800  }
0x117: {  	[sflag:s6] =	ssyncset.done @p0 $0x0  }
0x118: {  	[sflag:s6] =	ssyncadd.s32 @p0 $0xFFFFE800;
	s6 =	simm.s32 @p0 $0x2  }
0x119: {  	_ =	swait.ge @p0 [sflag:s6], $0x30  }
0x11a: {  	[sflag:s6] =	ssyncset.done @p0 $0x0  }
0x11b: {  	[sflag:s6] =	ssyncadd.s32 @p0 $0xFFFFFFD0  }
0x11c: {  	_ =	swait.ge @p0 [sflag:s6], $0x30  }
0x11d: {  	[sflag:s6] =	ssyncset.done @p0 $0x0  }
0x11e: {  	s18 =	simm.s32 @p0 $0x2000;
	[sflag:s6] =	ssyncadd.s32 @p0 $0xFFFFFFD0;
	s6 =	simm.s32 @p0 $0x80  }
0x11f: {  	[tilespmem:s18], [sflag:$0x7] =	stream.indirect.gather @p0 [hbm4b:s1+s5], $0x80, s6, s5, $0xb8;
	[tilespmem:$0x1C000] =	vst v63  }
0x120: {  	s5 =	simm.s32 @!p0 $0xC  }
0x121: {  	_ =	swait.ge @!p0 [sflag:s5], $0x1800  }
0x122: {  	s16 =	sadd.s32 $0x1E, s16;
	[sflag:s5] =	ssyncset.done @!p0 $0x0  }
0x123: {  	[sflag:s5] =	ssyncadd.s32 @!p0 $0xFFFFE800;
	p0 =	sne.s32 s16, $0x4EC  }
.Ltmp1:
0x124: {  	_ = 	snop;
	(pc) =	sbr.rel @p0 .LBB2_4-.Ltmp1, $4  }
0x125: {  	_ =	swait.ge [sflag:s9], $0x1800  }
0x126: {  	[sflag:s9] =	ssyncset.done $0x0  }
0x127: {  	s30 =	sadd.s32 $0xF0, s30;
	[sflag:s9] =	ssyncadd.s32 $0xFFFFE800  }
0x128: {  	[spmem:s4] =	stream.indirect.scatter.add.f32 [tilespmem:s31], [sflag:$0xF], $0x80, s0, s14, $0xb8;
	[tilespmem:$0x1C000] =	vst v63  }
0x129: {  	s5 =	simm.s32 $0xD  }
0x12a: {  	_ =	swait.ge [sflag:s5], $0x1800  }
0x12b: {  	[sflag:s5] =	ssyncset.done $0x0  }
0x12c: {  	[sflag:s5] =	ssyncadd.s32 $0xFFFFE800  }
0x12d: {  	_ =	swait.ge [sflag:s10], $0x1800  }
0x12e: {  	[sflag:s10] =	ssyncset.done $0x0  }
0x12f: {  	[sflag:s10] =	ssyncadd.s32 $0xFFFFE800  }
0x130: {  	_ =	swait.ge [sflag:s11], $0x1800  }
0x131: {  	[sflag:s11] =	ssyncset.done $0x0  }
0x132: {  	[sflag:s11] =	ssyncadd.s32 $0xFFFFE800  }
0x133: {  	s18 =	stileid.u32;
	[bflag:$0x0] =	sbarrier.arrive $0xFFFF  }
0x134: {  	s5 =	sshll.u32 s18, $0x6;
	s18 =	rddreg [dreg:$0x5]  }
0x135: {  	s5 =	sor.u32 $0x1C11, s5;
	s16 =	rddreg [dreg:$0xe];
	s6 =	sshrl.u32 s18, $0x3  }
0x136: {  	[hbm:s16], [sflag:s5] =	dma.local [spmem:s6], $0x2800  }
0x137: {  	s6 =	simm.s32 $0x11  }
0x138: {  	_ =	swait.ge [sflag:s6], $0x2800  }
0x139: {  	s19 =	sld [smem:$0x7F5];
	_ =	sdelay $0x2  }
0x13a: {  	s30 =	rddreg [dreg:$0xf];
	s16 =	sadd.s32 $0x1, s19  }
0x13b: {  	p0 =	sne.s32 s16, s30  }
.Ltmp2:
0x13c: {  	_ = 	snop;
	(pc) =	sbr.rel @p0 .LBB2_1-.Ltmp2, $3  }
0x13d: {  	_ =	sdelay $0x1  }
0x13e: {  	[sflag:s6] =	ssyncset.done $0x0  }
0x13f: {  	[sflag:s6] =	ssyncadd.s32 $0xFFFFD800  }
0x140: {  	_ =	sfence.sel $0x180000  }
0x141: {  	[bflag:$0x0] =	sbarrier.arrive $0xFFFF  }
0x142: {  	_ =	strace $0x90000047  }
0x143: {  	s0 =	stileid.u32;
	[bflag:$0x2] =	sbarrier.arrive $0xFFFF  }
0x144: {  	p0 =	sne.s32 s0, $0x0;
	s0 =	rddreg [dreg:$0x4]  }
0x145: {  	s0 =	sadd.s32 @!p0 $0x100000, s0  }
0x146: {  	[sflag:s0] =	ssyncadd.tile.s32 @!p0 $0x1;
	_ =	shalt  }
.Lfunc_end2:
_tile_overlayer_lowered:
.L_overlay_start_2:
0x147: {  	(tag) =	ssettag $0x2  }
0x148: {  	s0 =	rddreg [dreg:$0x0];
	s2 =	stileid.u32  }
0x149: {  	s1 =	rddreg [dreg:$0x1];
	p0 =	sne.s32 s2, $0x0  }
0x14a: {  	s3 =	rddreg [dreg:$0x2];
	[bflag:$0x3] =	sbarrier.arrive $0xFFFF;
	s2 =	simm.s32 @!p0 $0x1C11  }
0x14b: {  	[timem:s3], [sflag:s2] =	dma.local @!p0 [hbm:s0], s1  }
0x14c: {  	s0 =	simm.s32 @!p0 $0x11  }
0x14d: {  	_ =	swait.ge @!p0 [sflag:s0], s1  }
0x14e: {  	s1 =	ssub.s32 @!p0 $0x0, s1;
	[sflag:s0] =	ssyncset.done @!p0 $0x0  }
0x14f: {  	[sflag:s0] =	ssyncadd.s32 @!p0 s1  }
0x150: {  	[bflag:$0x3] =	sbarrier.arrive $0xFFFF  }
0x151: {  	_ =	shalt  }

</sc_bundles>
